<compile_context>
chip_gen: v7x
topology: tpu7x:2x2x1
jax: 0.10.2.dev20260603
libtpu: 0.0.44.dev20260713+nightly
codegen_flags: <defaults>
</compile_context>

<pallas_src>
import functools

import jax
import jax.numpy as jnp
from jax import lax
from jax.experimental import pallas as pl
from jax.experimental.pallas import tpu as pltpu
from jax.experimental.pallas import tpu_sc as plsc

N_NODES = 10000
N_EDGES = 320000
D_IN = 128
D_HID = 128
N_CLASSES = 40

NCORES = 2
NSUB = 16
NW = NCORES * NSUB
CHUNK = 128
E_PAD = NW * 80 * CHUNK
E_ROWS = E_PAD // CHUNK
ROWS_PER_TILE = E_ROWS // NW
N_PAD = 10240
DSC = 64
DCLS = 64


def _tile_id():
  c = lax.axis_index("c")
  s = lax.axis_index("s")
  return c, s


@functools.lru_cache(maxsize=None)
def _mesh():
  return plsc.VectorSubcoreMesh(
      core_axis_name="c", subcore_axis_name="s",
      num_cores=NCORES, num_subcores=NSUB)


def _deg_body(dst_hbm, out_hbm, idx_v, ones_v, zb_v, acc_sh, sem):
  c, s = _tile_id()
  w = c * NSUB + s

  def fill_ones(i, _):
    ones_v[pl.ds(i * 16, 16)] = jnp.ones((16,), jnp.float32)
    return 0
  lax.fori_loop(0, CHUNK // 16, fill_ones, 0)

  def fill_zb(i, _):
    zb_v[pl.ds(i * 16, 16)] = jnp.zeros((16,), jnp.float32)
    return 0
  lax.fori_loop(0, (N_PAD // NSUB) // 16, fill_zb, 0)

  pltpu.sync_copy(zb_v, acc_sh.at[pl.ds(s * (N_PAD // NSUB), N_PAD // NSUB)])
  pltpu.sync_copy(dst_hbm.at[pl.ds(w * ROWS_PER_TILE, ROWS_PER_TILE)], idx_v)
  plsc.subcore_barrier()

  def body(j, _):
    pltpu.async_copy(ones_v, acc_sh.at[idx_v.at[j]], sem, add=True)
    return 0
  lax.fori_loop(0, ROWS_PER_TILE, body, 0)

  def drain(j, _):
    pltpu.make_async_copy(ones_v, acc_sh.at[idx_v.at[j]], sem).wait()
    return 0
  lax.fori_loop(0, ROWS_PER_TILE, drain, 0)
  plsc.subcore_barrier()

  @pl.when(s == 0)
  def _():
    pltpu.sync_copy(acc_sh, out_hbm.at[c])


@functools.lru_cache(maxsize=None)
def _deg_call():
  return pl.kernel(
      _deg_body,
      out_type=jax.ShapeDtypeStruct((NCORES, N_PAD), jnp.float32),
      mesh=_mesh(),
      scratch_types=[
          pltpu.VMEM((ROWS_PER_TILE, CHUNK), jnp.int32),
          pltpu.VMEM((CHUNK,), jnp.float32),
          pltpu.VMEM((N_PAD // NSUB,), jnp.float32),
          pltpu.VMEM_SHARED((N_PAD,), jnp.float32),
          pltpu.SemaphoreType.DMA,
      ],
  )


NBUF = 8
PREF = 4
DHALF = DSC // 2
ROWS_PER_TILE2 = E_ROWS // NSUB


def _scatter_body(zin_hbm, src_hbm, dst_hbm, glo_hbm, ghi_hbm,
                  outlo_hbm, outhi_hbm,
                  idxs_v, idxd_v, r0, r1, r2, r3, r4, r5, r6, r7,
                  acc_sh, g_sh, semg, sems):
  rows = (r0, r1, r2, r3, r4, r5, r6, r7)
  c, s = _tile_id()

  @pl.when(s == 0)
  def _():
    pltpu.sync_copy(zin_hbm, acc_sh)

  @pl.when((s == 1) & (c == 0))
  def _():
    pltpu.sync_copy(glo_hbm, g_sh)

  @pl.when((s == 1) & (c == 1))
  def _():
    pltpu.sync_copy(ghi_hbm, g_sh)

  pltpu.sync_copy(src_hbm.at[pl.ds(s * ROWS_PER_TILE2, ROWS_PER_TILE2)], idxs_v)
  pltpu.sync_copy(dst_hbm.at[pl.ds(s * ROWS_PER_TILE2, ROWS_PER_TILE2)], idxd_v)
  plsc.subcore_barrier()

  for b in range(PREF):
    pltpu.async_copy(g_sh.at[idxs_v.at[b]], rows[b], semg.at[b])

  def body(k, _):
    for b in range(NBUF):
      j = k * NBUF + b

      @pl.when(j >= PREF)
      def _():
        jo = j - PREF
        pltpu.make_async_copy(
            rows[(b - PREF) % NBUF], acc_sh.at[idxd_v.at[jo]],
            sems.at[(b - PREF) % NBUF]).wait()

      @pl.when(j + PREF < ROWS_PER_TILE2)
      def _():
        jn = j + PREF
        pltpu.async_copy(g_sh.at[idxs_v.at[jn]], rows[(b + PREF) % NBUF],
                         semg.at[(b + PREF) % NBUF])

      pltpu.make_async_copy(g_sh.at[idxs_v.at[j]], rows[b], semg.at[b]).wait()
      pltpu.async_copy(rows[b], acc_sh.at[idxd_v.at[j]], sems.at[b], add=True)
    return 0

  lax.fori_loop(0, ROWS_PER_TILE2 // NBUF, body, 0)
  for b in range(PREF):
    j = ROWS_PER_TILE2 - PREF + b
    pltpu.make_async_copy(rows[j % NBUF], acc_sh.at[idxd_v.at[j]],
                          sems.at[j % NBUF]).wait()
  plsc.subcore_barrier()

  @pl.when((s == 0) & (c == 0))
  def _():
    pltpu.sync_copy(acc_sh, outlo_hbm)

  @pl.when((s == 0) & (c == 1))
  def _():
    pltpu.sync_copy(acc_sh, outhi_hbm)


@functools.lru_cache(maxsize=None)
def _scatter_call(dw):
  return pl.kernel(
      _scatter_body,
      out_type=[jax.ShapeDtypeStruct((N_PAD, dw), jnp.float32),
                jax.ShapeDtypeStruct((N_PAD, dw), jnp.float32)],
      mesh=_mesh(),
      scratch_types=(
          [pltpu.VMEM((ROWS_PER_TILE2, CHUNK), jnp.int32),
           pltpu.VMEM((ROWS_PER_TILE2, CHUNK), jnp.int32)]
          + [pltpu.VMEM((CHUNK, dw), jnp.float32) for _ in range(NBUF)]
          + [pltpu.VMEM_SHARED((N_PAD, dw), jnp.float32),
             pltpu.VMEM_SHARED((N_NODES, dw), jnp.float32),
             pltpu.SemaphoreType.DMA((NBUF,)),
             pltpu.SemaphoreType.DMA((NBUF,))]
      ),
      compiler_params=pltpu.CompilerParams(use_tc_tiling_on_sc=False),
  )


_BLK = 2000
_GRID = N_NODES // _BLK


def _dinv(deg_ref):
  return lax.rsqrt(deg_ref[0] + deg_ref[1] + 1.0)


def _tc1_body(deg_ref, x_ref, w1_ref, g10_ref, g11_ref, g12_ref, g13_ref):
  dinv = _dinv(deg_ref)
  h = jnp.dot(x_ref[...], w1_ref[...], preferred_element_type=jnp.float32)
  g1 = h * dinv
  g10_ref[...] = g1[:, 0 * DHALF:1 * DHALF]
  g11_ref[...] = g1[:, 1 * DHALF:2 * DHALF]
  g12_ref[...] = g1[:, 2 * DHALF:3 * DHALF]
  g13_ref[...] = g1[:, 3 * DHALF:4 * DHALF]


def _tc2_body(deg_ref, a0_ref, a1_ref, a2_ref, a3_ref,
              g10_ref, g11_ref, g12_ref, g13_ref, w2_ref, b1_ref,
              g20_ref, g21_ref):
  dinv = _dinv(deg_ref)
  agg = jnp.concatenate(
      [a0_ref[...] + g10_ref[...], a1_ref[...] + g11_ref[...],
       a2_ref[...] + g12_ref[...], a3_ref[...] + g13_ref[...]], axis=1)
  h = jnp.maximum(agg * dinv + b1_ref[...], 0.0)
  g2 = jnp.dot(h, w2_ref[...], preferred_element_type=jnp.float32) * dinv
  g20_ref[...] = g2[:, :DHALF]
  g21_ref[...] = g2[:, DHALF:]


def _tc3_body(deg_ref, a0_ref, a1_ref, g20_ref, g21_ref, b2_ref, out_ref):
  dinv = _dinv(deg_ref)
  t = jnp.concatenate(
      [a0_ref[...] + g20_ref[...], a1_ref[...] + g21_ref[...]], axis=1)
  t = t * dinv + b2_ref[...]
  col = lax.broadcasted_iota(jnp.int32, (_BLK, DCLS), 1)
  valid = col < N_CLASSES
  tm = jnp.where(valid, t, -1e30)
  m = jnp.max(tm, axis=1, keepdims=True)
  e = jnp.where(valid, jnp.exp(tm - m), 0.0)
  ssum = jnp.sum(e, axis=1, keepdims=True)
  out_ref[...] = ((t - m) - jnp.log(ssum))[:, :N_CLASSES]


def _row_spec(d):
  return pl.BlockSpec((_BLK, d), lambda i: (i, 0))


def _deg_spec():
  return pl.BlockSpec((NCORES, _BLK, 1), lambda i: (0, i, 0))


def _full_spec(a, b):
  return pl.BlockSpec((a, b), lambda i: (0, 0))


_tc1_call = pl.pallas_call(
    _tc1_body,
    grid=(_GRID,),
    in_specs=[_deg_spec(), _row_spec(D_IN), _full_spec(D_IN, D_HID)],
    out_specs=[_row_spec(DHALF)] * 4,
    out_shape=[jax.ShapeDtypeStruct((N_NODES, DHALF), jnp.float32)] * 4,
)

_tc2_call = pl.pallas_call(
    _tc2_body,
    grid=(_GRID,),
    in_specs=[_deg_spec()] + [_row_spec(DHALF)] * 8
             + [_full_spec(D_HID, DCLS), _full_spec(1, D_HID)],
    out_specs=[_row_spec(DHALF)] * 2,
    out_shape=[jax.ShapeDtypeStruct((N_NODES, DHALF), jnp.float32)] * 2,
)

_tc3_call = pl.pallas_call(
    _tc3_body,
    grid=(_GRID,),
    in_specs=[_deg_spec()] + [_row_spec(DHALF)] * 4 + [_full_spec(1, DCLS)],
    out_specs=_row_spec(N_CLASSES),
    out_shape=jax.ShapeDtypeStruct((N_NODES, N_CLASSES), jnp.float32),
)


@jax.jit
def kernel(x, edge_index, W1, b1, W2, b2):
  src = edge_index[0].astype(jnp.int32)
  dst = edge_index[1].astype(jnp.int32)
  pad = E_PAD - N_EDGES
  pad_dst = N_NODES + (jnp.arange(pad, dtype=jnp.int32) % (N_PAD - N_NODES))
  src2d = jnp.concatenate([src, jnp.zeros((pad,), jnp.int32)]).reshape(E_ROWS, CHUNK)
  dst2d = jnp.concatenate([dst, pad_dst]).reshape(E_ROWS, CHUNK)

  W2p = jnp.zeros((D_HID, DCLS), jnp.float32).at[:, :N_CLASSES].set(W2)
  b1r = b1.reshape(1, D_HID)
  b2r = jnp.zeros((1, DCLS), jnp.float32).at[0, :N_CLASSES].set(b2)
  zin32 = jnp.zeros((N_PAD, DHALF), jnp.float32)

  deg_part = _deg_call()(dst2d)
  deg3 = deg_part.reshape(NCORES, N_PAD, 1)

  g10, g11, g12, g13 = _tc1_call(deg3, x, W1)
  scat = _scatter_call(DHALF)
  a0, a1 = scat(zin32, src2d, dst2d, g10, g11)
  a2, a3 = scat(zin32, src2d, dst2d, g12, g13)
  g20, g21 = _tc2_call(deg3, a0, a1, a2, a3,
                       g10, g11, g12, g13, W2p, b1r)
  b0, b1_ = scat(zin32, src2d, dst2d, g20, g21)
  return _tc3_call(deg3, b0, b1_, g20, g21, b2r)

# --- scband reference (transcript-rebuilt; emitter-appended) ---
"""Pipeline reference for scband-gcn-15161234555392 (READ-ONLY COPY).

The authoritative reference and input builder live on the scoring server;
editing this copy changes nothing except your own understanding.
"""

import jax, jax.numpy as jnp
import numpy as np

N_NODES = 10000
N_EDGES = 320000
D_IN = 128
D_HID = 128
N_CLASSES = 40


def setup_inputs(seed: int = 0) -> dict:
    key = jax.random.key(seed)
    k1, k2, k3, k4, k5, k6 = jax.random.split(key, 6)
    x = jax.random.normal(k1, (N_NODES, D_IN), dtype=jnp.float32)
    edge_index = jax.random.randint(k2, (2, N_EDGES), 0, N_NODES, dtype=jnp.int64)
    # GCNConv glorot-initialized weights + zero bias
    s1 = (6.0 / (D_IN + D_HID)) ** 0.5
    W1 = jax.random.uniform(k3, (D_IN, D_HID), dtype=jnp.float32, minval=-s1, maxval=s1)
    b1 = jnp.zeros((D_HID,), dtype=jnp.float32)
    s2 = (6.0 / (D_HID + N_CLASSES)) ** 0.5
    W2 = jax.random.uniform(k4, (D_HID, N_CLASSES), dtype=jnp.float32, minval=-s2, maxval=s2)
    b2 = jnp.zeros((N_CLASSES,), dtype=jnp.float32)
    return {"x": x, "edge_index": edge_index, "W1": W1, "b1": b1, "W2": W2, "b2": b2}


def _gcn_conv(x, src, dst, W, b, num_nodes):
    # linear transform first (as in PyG GCNConv)
    x = x @ W
    # add self loops
    loop = jnp.arange(num_nodes, dtype=src.dtype)
    src = jnp.concatenate([src, loop])
    dst = jnp.concatenate([dst, loop])
    # symmetric normalization D^{-1/2} (A+I) D^{-1/2}
    deg = jnp.zeros((num_nodes,), dtype=x.dtype).at[dst].add(1.0)
    deg_inv_sqrt = jnp.where(deg > 0, deg ** -0.5, 0.0)
    norm = deg_inv_sqrt[src] * deg_inv_sqrt[dst]
    msg = x[src] * norm[:, None]
    out = jnp.zeros((num_nodes, x.shape[1]), dtype=x.dtype).at[dst].add(msg)
    return out + b


def reference(x, edge_index, W1, b1, W2, b2):
    src, dst = edge_index[0], edge_index[1]
    h = _gcn_conv(x, src, dst, W1, b1, N_NODES)
    h = jax.nn.relu(h)
    # dropout is identity in eval mode (training=False)
    h = _gcn_conv(h, src, dst, W2, b2, N_NODES)
    return jax.nn.log_softmax(h, axis=1)

if __name__ == "__main__":
    import jax
    _d = setup_inputs()
    print(jax.jit(kernel)(*tuple(_d.values())))

</pallas_src>

<mosaic_0001>
#map = affine_map<(d0, d1) -> (0, 0)>
module attributes {stable_mosaic.version = 14 : i64} {
  func.func @_scatter_body(%arg0: i32, %arg1: i32, %arg2: memref<10240x32xf32, #tpu.memory_space<hbm>>, %arg3: memref<2560x128xi32, #tpu.memory_space<hbm>>, %arg4: memref<2560x128xi32, #tpu.memory_space<hbm>>, %arg5: memref<10000x32xf32, #tpu.memory_space<hbm>>, %arg6: memref<10000x32xf32, #tpu.memory_space<hbm>>, %arg7: memref<10240x32xf32, #tpu.memory_space<hbm>>, %arg8: memref<10240x32xf32, #tpu.memory_space<hbm>>, %arg9: memref<160x128xi32, #tpu.memory_space<vmem>>, %arg10: memref<160x128xi32, #tpu.memory_space<vmem>>, %arg11: memref<128x32xf32, #tpu.memory_space<vmem>>, %arg12: memref<128x32xf32, #tpu.memory_space<vmem>>, %arg13: memref<128x32xf32, #tpu.memory_space<vmem>>, %arg14: memref<128x32xf32, #tpu.memory_space<vmem>>, %arg15: memref<128x32xf32, #tpu.memory_space<vmem>>, %arg16: memref<128x32xf32, #tpu.memory_space<vmem>>, %arg17: memref<128x32xf32, #tpu.memory_space<vmem>>, %arg18: memref<128x32xf32, #tpu.memory_space<vmem>>, %arg19: memref<10240x32xf32, #tpu.memory_space<vmem_shared>>, %arg20: memref<10000x32xf32, #tpu.memory_space<vmem_shared>>, %arg21: memref<8x!tpu.dma_semaphore, #tpu.memory_space<semaphore_mem>>, %arg22: memref<8x!tpu.dma_semaphore, #tpu.memory_space<semaphore_mem>>) attributes {dimension_semantics = [#tpu.dimension_semantics<core_parallel>, #tpu.dimension_semantics<subcore_parallel>], iteration_bounds = array<i64: 2, 16>, scalar_prefetch = 0 : i64, scratch_operands = 14 : i64, tpu.core_type = #tpu.core_type<sc_vector_subcore>, window_params = [{transform_indices = #map}, {transform_indices = #map}, {transform_indices = #map}, {transform_indices = #map}, {transform_indices = #map}, {transform_indices = #map}, {transform_indices = #map}]} {
    %eq3A = arith.constant 0 : i32
    %eq3A_0 = arith.cmpi eq, %arg1, %eq3A : i32
    %convert_element_type3A = arith.extui %eq3A_0 : i1 to i32
    %cond3A = arith.constant 0 : i32
    %cond3A_1 = arith.cmpi ne, %convert_element_type3A, %cond3A : i32
    scf.if %cond3A_1 {
      "tpu.region"() ({
        %run_scoped3A = tpu.sem_alloc : memref<!tpu.dma_semaphore, #tpu.memory_space<semaphore_mem>>
        tpu.enqueue_dma source(%arg2 : memref<10240x32xf32, #tpu.memory_space<hbm>>) target(%arg19 : memref<10240x32xf32, #tpu.memory_space<vmem_shared>>) target_semaphore(%run_scoped3A : memref<!tpu.dma_semaphore, #tpu.memory_space<semaphore_mem>>)
        tpu.wait_dma2 semaphore(%run_scoped3A : memref<!tpu.dma_semaphore, #tpu.memory_space<semaphore_mem>>) src(%arg2 : memref<10240x32xf32, #tpu.memory_space<hbm>>) dst(%arg19 : memref<10240x32xf32, #tpu.memory_space<vmem_shared>>)
        tpu.yield
      }) : () -> ()
    } else {
    }
    %eq3A_2 = arith.constant 1 : i32
    %eq3A_3 = arith.cmpi eq, %arg1, %eq3A_2 : i32
    %eq3A_4 = arith.constant 0 : i32
    %eq3A_5 = arith.cmpi eq, %arg0, %eq3A_4 : i32
    %and3A = arith.andi %eq3A_3, %eq3A_5 : i1
    %convert_element_type3A_6 = arith.extui %and3A : i1 to i32
    %cond3A_7 = arith.constant 0 : i32
    %cond3A_8 = arith.cmpi ne, %convert_element_type3A_6, %cond3A_7 : i32
    scf.if %cond3A_8 {
      "tpu.region"() ({
        %run_scoped3A = tpu.sem_alloc : memref<!tpu.dma_semaphore, #tpu.memory_space<semaphore_mem>>
        tpu.enqueue_dma source(%arg5 : memref<10000x32xf32, #tpu.memory_space<hbm>>) target(%arg20 : memref<10000x32xf32, #tpu.memory_space<vmem_shared>>) target_semaphore(%run_scoped3A : memref<!tpu.dma_semaphore, #tpu.memory_space<semaphore_mem>>)
        tpu.wait_dma2 semaphore(%run_scoped3A : memref<!tpu.dma_semaphore, #tpu.memory_space<semaphore_mem>>) src(%arg5 : memref<10000x32xf32, #tpu.memory_space<hbm>>) dst(%arg20 : memref<10000x32xf32, #tpu.memory_space<vmem_shared>>)
        tpu.yield
      }) : () -> ()
    } else {
    }
    %eq3A_9 = arith.constant 1 : i32
    %eq3A_10 = arith.cmpi eq, %arg1, %eq3A_9 : i32
    %eq3A_11 = arith.constant 1 : i32
    %eq3A_12 = arith.cmpi eq, %arg0, %eq3A_11 : i32
    %and3A_13 = arith.andi %eq3A_10, %eq3A_12 : i1
    %convert_element_type3A_14 = arith.extui %and3A_13 : i1 to i32
    %cond3A_15 = arith.constant 0 : i32
    %cond3A_16 = arith.cmpi ne, %convert_element_type3A_14, %cond3A_15 : i32
    scf.if %cond3A_16 {
      "tpu.region"() ({
        %run_scoped3A = tpu.sem_alloc : memref<!tpu.dma_semaphore, #tpu.memory_space<semaphore_mem>>
        tpu.enqueue_dma source(%arg6 : memref<10000x32xf32, #tpu.memory_space<hbm>>) target(%arg20 : memref<10000x32xf32, #tpu.memory_space<vmem_shared>>) target_semaphore(%run_scoped3A : memref<!tpu.dma_semaphore, #tpu.memory_space<semaphore_mem>>)
        tpu.wait_dma2 semaphore(%run_scoped3A : memref<!tpu.dma_semaphore, #tpu.memory_space<semaphore_mem>>) src(%arg6 : memref<10000x32xf32, #tpu.memory_space<hbm>>) dst(%arg20 : memref<10000x32xf32, #tpu.memory_space<vmem_shared>>)
        tpu.yield
      }) : () -> ()
    } else {
    }
    %mul3A = arith.constant 160 : i32
    %mul3A_17 = arith.muli %arg1, %mul3A : i32
    "tpu.region"() ({
      %run_scoped3A = tpu.sem_alloc : memref<!tpu.dma_semaphore, #tpu.memory_space<semaphore_mem>>
      %dma_start3A_121 = arith.constant 0 : i32
      %dma_start3A_122 = tpu.memref_slice %arg3[%mul3A_17, %dma_start3A_121] : memref<2560x128xi32, #tpu.memory_space<hbm>> -> memref<160x128xi32, #tpu.memory_space<hbm>>
      %dma_start3A_123 = arith.constant 0 : i32
      %dma_start3A_124 = tpu.memref_slice %arg3[%mul3A_17, %dma_start3A_123] : memref<2560x128xi32, #tpu.memory_space<hbm>> -> memref<160x128xi32, #tpu.memory_space<hbm>>
      tpu.enqueue_dma source(%dma_start3A_124 : memref<160x128xi32, #tpu.memory_space<hbm>>) target(%arg9 : memref<160x128xi32, #tpu.memory_space<vmem>>) target_semaphore(%run_scoped3A : memref<!tpu.dma_semaphore, #tpu.memory_space<semaphore_mem>>)
      %dma_wait3A_125 = arith.constant 0 : i32
      %dma_wait3A_126 = tpu.memref_slice %arg3[%mul3A_17, %dma_wait3A_125] : memref<2560x128xi32, #tpu.memory_space<hbm>> -> memref<160x128xi32, #tpu.memory_space<hbm>>
      %dma_wait3A_127 = arith.constant 0 : i32
      %dma_wait3A_128 = tpu.memref_slice %arg3[%mul3A_17, %dma_wait3A_127] : memref<2560x128xi32, #tpu.memory_space<hbm>> -> memref<160x128xi32, #tpu.memory_space<hbm>>
      tpu.wait_dma2 semaphore(%run_scoped3A : memref<!tpu.dma_semaphore, #tpu.memory_space<semaphore_mem>>) src(%dma_wait3A_128 : memref<160x128xi32, #tpu.memory_space<hbm>>) dst(%arg9 : memref<160x128xi32, #tpu.memory_space<vmem>>)
      tpu.yield
    }) : () -> ()
    %mul3A_18 = arith.constant 160 : i32
    %mul3A_19 = arith.muli %arg1, %mul3A_18 : i32
    "tpu.region"() ({
      %run_scoped3A = tpu.sem_alloc : memref<!tpu.dma_semaphore, #tpu.memory_space<semaphore_mem>>
      %dma_start3A_121 = arith.constant 0 : i32
      %dma_start3A_122 = tpu.memref_slice %arg4[%mul3A_19, %dma_start3A_121] : memref<2560x128xi32, #tpu.memory_space<hbm>> -> memref<160x128xi32, #tpu.memory_space<hbm>>
      %dma_start3A_123 = arith.constant 0 : i32
      %dma_start3A_124 = tpu.memref_slice %arg4[%mul3A_19, %dma_start3A_123] : memref<2560x128xi32, #tpu.memory_space<hbm>> -> memref<160x128xi32, #tpu.memory_space<hbm>>
      tpu.enqueue_dma source(%dma_start3A_124 : memref<160x128xi32, #tpu.memory_space<hbm>>) target(%arg10 : memref<160x128xi32, #tpu.memory_space<vmem>>) target_semaphore(%run_scoped3A : memref<!tpu.dma_semaphore, #tpu.memory_space<semaphore_mem>>)
      %dma_wait3A_125 = arith.constant 0 : i32
      %dma_wait3A_126 = tpu.memref_slice %arg4[%mul3A_19, %dma_wait3A_125] : memref<2560x128xi32, #tpu.memory_space<hbm>> -> memref<160x128xi32, #tpu.memory_space<hbm>>
      %dma_wait3A_127 = arith.constant 0 : i32
      %dma_wait3A_128 = tpu.memref_slice %arg4[%mul3A_19, %dma_wait3A_127] : memref<2560x128xi32, #tpu.memory_space<hbm>> -> memref<160x128xi32, #tpu.memory_space<hbm>>
      tpu.wait_dma2 semaphore(%run_scoped3A : memref<!tpu.dma_semaphore, #tpu.memory_space<semaphore_mem>>) src(%dma_wait3A_128 : memref<160x128xi32, #tpu.memory_space<hbm>>) dst(%arg10 : memref<160x128xi32, #tpu.memory_space<vmem>>)
      tpu.yield
    }) : () -> ()
    %barrier3A = arith.constant 0 : index
    tpu.barrier barrier_id(%barrier3A)
    %dma_start3A = arith.constant 0 : i32
    %dma_start3A_20 = arith.constant 0 : i32
    %dma_start3A_21 = arith.constant 0 : i32
    %dma_start3A_22 = tpu.memref_slice %arg9[%dma_start3A, %dma_start3A_21] : memref<160x128xi32, #tpu.memory_space<vmem>> -> memref<1x128xi32, #tpu.memory_space<vmem>>
    %dma_start3A_23 = tpu.memref_squeeze %dma_start3A_22 : memref<1x128xi32, #tpu.memory_space<vmem>> -> memref<128xi32, #tpu.memory_space<vmem>>
    %dma_start3A_24 = arith.constant 0 : i32
    %dma_start3A_25 = arith.constant 0 : i32
    %dma_start3A_26 = tpu.memref_slice %arg20[%dma_start3A_24, %dma_start3A_25] : memref<10000x32xf32, #tpu.memory_space<vmem_shared>> -> memref<10000x32xf32, #tpu.memory_space<vmem_shared>>
    %dma_start3A_27 = tpu.memref_slice %arg21[%dma_start3A_20] : memref<8x!tpu.dma_semaphore, #tpu.memory_space<semaphore_mem>> -> memref<1x!tpu.dma_semaphore, #tpu.memory_space<semaphore_mem>>
    %dma_start3A_28 = tpu.memref_squeeze %dma_start3A_27 : memref<1x!tpu.dma_semaphore, #tpu.memory_space<semaphore_mem>> -> memref<!tpu.dma_semaphore, #tpu.memory_space<semaphore_mem>>
    tpu.enqueue_indirect_dma source(%dma_start3A_26 : memref<10000x32xf32, #tpu.memory_space<vmem_shared>>) target(%arg11 : memref<128x32xf32, #tpu.memory_space<vmem>>) offsets(%dma_start3A_23 : memref<128xi32, #tpu.memory_space<vmem>>) semaphore(%dma_start3A_28 : memref<!tpu.dma_semaphore, #tpu.memory_space<semaphore_mem>>)
    %dma_start3A_29 = arith.constant 1 : i32
    %dma_start3A_30 = arith.constant 1 : i32
    %dma_start3A_31 = arith.constant 0 : i32
    %dma_start3A_32 = tpu.memref_slice %arg9[%dma_start3A_29, %dma_start3A_31] : memref<160x128xi32, #tpu.memory_space<vmem>> -> memref<1x128xi32, #tpu.memory_space<vmem>>
    %dma_start3A_33 = tpu.memref_squeeze %dma_start3A_32 : memref<1x128xi32, #tpu.memory_space<vmem>> -> memref<128xi32, #tpu.memory_space<vmem>>
    %dma_start3A_34 = arith.constant 0 : i32
    %dma_start3A_35 = arith.constant 0 : i32
    %dma_start3A_36 = tpu.memref_slice %arg20[%dma_start3A_34, %dma_start3A_35] : memref<10000x32xf32, #tpu.memory_space<vmem_shared>> -> memref<10000x32xf32, #tpu.memory_space<vmem_shared>>
    %dma_start3A_37 = tpu.memref_slice %arg21[%dma_start3A_30] : memref<8x!tpu.dma_semaphore, #tpu.memory_space<semaphore_mem>> -> memref<1x!tpu.dma_semaphore, #tpu.memory_space<semaphore_mem>>
    %dma_start3A_38 = tpu.memref_squeeze %dma_start3A_37 : memref<1x!tpu.dma_semaphore, #tpu.memory_space<semaphore_mem>> -> memref<!tpu.dma_semaphore, #tpu.memory_space<semaphore_mem>>
    tpu.enqueue_indirect_dma source(%dma_start3A_36 : memref<10000x32xf32, #tpu.memory_space<vmem_shared>>) target(%arg12 : memref<128x32xf32, #tpu.memory_space<vmem>>) offsets(%dma_start3A_33 : memref<128xi32, #tpu.memory_space<vmem>>) semaphore(%dma_start3A_38 : memref<!tpu.dma_semaphore, #tpu.memory_space<semaphore_mem>>)
    %dma_start3A_39 = arith.constant 2 : i32
    %dma_start3A_40 = arith.constant 2 : i32
    %dma_start3A_41 = arith.constant 0 : i32
    %dma_start3A_42 = tpu.memref_slice %arg9[%dma_start3A_39, %dma_start3A_41] : memref<160x128xi32, #tpu.memory_space<vmem>> -> memref<1x128xi32, #tpu.memory_space<vmem>>
    %dma_start3A_43 = tpu.memref_squeeze %dma_start3A_42 : memref<1x128xi32, #tpu.memory_space<vmem>> -> memref<128xi32, #tpu.memory_space<vmem>>
    %dma_start3A_44 = arith.constant 0 : i32
    %dma_start3A_45 = arith.constant 0 : i32
    %dma_start3A_46 = tpu.memref_slice %arg20[%dma_start3A_44, %dma_start3A_45] : memref<10000x32xf32, #tpu.memory_space<vmem_shared>> -> memref<10000x32xf32, #tpu.memory_space<vmem_shared>>
    %dma_start3A_47 = tpu.memref_slice %arg21[%dma_start3A_40] : memref<8x!tpu.dma_semaphore, #tpu.memory_space<semaphore_mem>> -> memref<1x!tpu.dma_semaphore, #tpu.memory_space<semaphore_mem>>
    %dma_start3A_48 = tpu.memref_squeeze %dma_start3A_47 : memref<1x!tpu.dma_semaphore, #tpu.memory_space<semaphore_mem>> -> memref<!tpu.dma_semaphore, #tpu.memory_space<semaphore_mem>>
    tpu.enqueue_indirect_dma source(%dma_start3A_46 : memref<10000x32xf32, #tpu.memory_space<vmem_shared>>) target(%arg13 : memref<128x32xf32, #tpu.memory_space<vmem>>) offsets(%dma_start3A_43 : memref<128xi32, #tpu.memory_space<vmem>>) semaphore(%dma_start3A_48 : memref<!tpu.dma_semaphore, #tpu.memory_space<semaphore_mem>>)
    %dma_start3A_49 = arith.constant 3 : i32
    %dma_start3A_50 = arith.constant 3 : i32
    %dma_start3A_51 = arith.constant 0 : i32
    %dma_start3A_52 = tpu.memref_slice %arg9[%dma_start3A_49, %dma_start3A_51] : memref<160x128xi32, #tpu.memory_space<vmem>> -> memref<1x128xi32, #tpu.memory_space<vmem>>
    %dma_start3A_53 = tpu.memref_squeeze %dma_start3A_52 : memref<1x128xi32, #tpu.memory_space<vmem>> -> memref<128xi32, #tpu.memory_space<vmem>>
    %dma_start3A_54 = arith.constant 0 : i32
    %dma_start3A_55 = arith.constant 0 : i32
    %dma_start3A_56 = tpu.memref_slice %arg20[%dma_start3A_54, %dma_start3A_55] : memref<10000x32xf32, #tpu.memory_space<vmem_shared>> -> memref<10000x32xf32, #tpu.memory_space<vmem_shared>>
    %dma_start3A_57 = tpu.memref_slice %arg21[%dma_start3A_50] : memref<8x!tpu.dma_semaphore, #tpu.memory_space<semaphore_mem>> -> memref<1x!tpu.dma_semaphore, #tpu.memory_space<semaphore_mem>>
    %dma_start3A_58 = tpu.memref_squeeze %dma_start3A_57 : memref<1x!tpu.dma_semaphore, #tpu.memory_space<semaphore_mem>> -> memref<!tpu.dma_semaphore, #tpu.memory_space<semaphore_mem>>
    tpu.enqueue_indirect_dma source(%dma_start3A_56 : memref<10000x32xf32, #tpu.memory_space<vmem_shared>>) target(%arg14 : memref<128x32xf32, #tpu.memory_space<vmem>>) offsets(%dma_start3A_53 : memref<128xi32, #tpu.memory_space<vmem>>) semaphore(%dma_start3A_58 : memref<!tpu.dma_semaphore, #tpu.memory_space<semaphore_mem>>)
    %scan3A = arith.constant 0 : i32
    %scan3A_59 = arith.constant 0 : i32
    %scan3A_60 = arith.constant 20 : i32
    %scan3A_61 = arith.addi %scan3A_59, %scan3A_60 : i32
    %scan3A_62 = arith.constant 1 : i32
    %scan3A_63 = scf.for %scan3A_121 = %scan3A_59 to %scan3A_61 step %scan3A_62 iter_args(%scan3A_122 = %scan3A) -> (i32)  : i32 {
      %mul3A_123 = arith.constant 8 : i32
      %mul3A_124 = arith.muli %scan3A_121, %mul3A_123 : i32
      %add3A = arith.constant 0 : i32
      %add3A_125 = arith.addi %mul3A_124, %add3A : i32
      %ge3A = arith.constant 4 : i32
      %ge3A_126 = arith.cmpi sge, %add3A_125, %ge3A : i32
      %convert_element_type3A_127 = arith.extui %ge3A_126 : i1 to i32
      %cond3A_128 = arith.constant 0 : i32
      %cond3A_129 = arith.cmpi ne, %convert_element_type3A_127, %cond3A_128 : i32
      scf.if %cond3A_129 {
        %sub3A = arith.constant 4 : i32
        %sub3A_393 = arith.subi %add3A_125, %sub3A : i32
        %dma_wait3A_394 = arith.constant 4 : i32
        %dma_wait3A_395 = arith.constant 0 : i32
        %dma_wait3A_396 = tpu.memref_slice %arg10[%sub3A_393, %dma_wait3A_395] : memref<160x128xi32, #tpu.memory_space<vmem>> -> memref<1x128xi32, #tpu.memory_space<vmem>>
        %dma_wait3A_397 = tpu.memref_squeeze %dma_wait3A_396 : memref<1x128xi32, #tpu.memory_space<vmem>> -> memref<128xi32, #tpu.memory_space<vmem>>
        %dma_wait3A_398 = arith.constant 0 : i32
        %dma_wait3A_399 = arith.constant 0 : i32
        %dma_wait3A_400 = tpu.memref_slice %arg19[%dma_wait3A_398, %dma_wait3A_399] : memref<10240x32xf32, #tpu.memory_space<vmem_shared>> -> memref<10240x32xf32, #tpu.memory_space<vmem_shared>>
        %dma_wait3A_401 = tpu.memref_slice %arg22[%dma_wait3A_394] : memref<8x!tpu.dma_semaphore, #tpu.memory_space<semaphore_mem>> -> memref<1x!tpu.dma_semaphore, #tpu.memory_space<semaphore_mem>>
        %dma_wait3A_402 = tpu.memref_squeeze %dma_wait3A_401 : memref<1x!tpu.dma_semaphore, #tpu.memory_space<semaphore_mem>> -> memref<!tpu.dma_semaphore, #tpu.memory_space<semaphore_mem>>
        tpu.wait_indirect_dma semaphore(%dma_wait3A_402 : memref<!tpu.dma_semaphore, #tpu.memory_space<semaphore_mem>>) src(%arg15 : memref<128x32xf32, #tpu.memory_space<vmem>>) dst(%dma_wait3A_400 : memref<10240x32xf32, #tpu.memory_space<vmem_shared>>)
      } else {
      }
      %add3A_130 = arith.constant 4 : i32
      %add3A_131 = arith.addi %add3A_125, %add3A_130 : i32
      %lt3A = arith.constant 160 : i32
      %lt3A_132 = arith.cmpi slt, %add3A_131, %lt3A : i32
      %convert_element_type3A_133 = arith.extui %lt3A_132 : i1 to i32
      %cond3A_134 = arith.constant 0 : i32
      %cond3A_135 = arith.cmpi ne, %convert_element_type3A_133, %cond3A_134 : i32
      scf.if %cond3A_135 {
        %add3A_393 = arith.constant 4 : i32
        %add3A_394 = arith.addi %add3A_125, %add3A_393 : i32
        %dma_start3A_395 = arith.constant 4 : i32
        %dma_start3A_396 = arith.constant 0 : i32
        %dma_start3A_397 = tpu.memref_slice %arg9[%add3A_394, %dma_start3A_396] : memref<160x128xi32, #tpu.memory_space<vmem>> -> memref<1x128xi32, #tpu.memory_space<vmem>>
        %dma_start3A_398 = tpu.memref_squeeze %dma_start3A_397 : memref<1x128xi32, #tpu.memory_space<vmem>> -> memref<128xi32, #tpu.memory_space<vmem>>
        %dma_start3A_399 = arith.constant 0 : i32
        %dma_start3A_400 = arith.constant 0 : i32
        %dma_start3A_401 = tpu.memref_slice %arg20[%dma_start3A_399, %dma_start3A_400] : memref<10000x32xf32, #tpu.memory_space<vmem_shared>> -> memref<10000x32xf32, #tpu.memory_space<vmem_shared>>
        %dma_start3A_402 = tpu.memref_slice %arg21[%dma_start3A_395] : memref<8x!tpu.dma_semaphore, #tpu.memory_space<semaphore_mem>> -> memref<1x!tpu.dma_semaphore, #tpu.memory_space<semaphore_mem>>
        %dma_start3A_403 = tpu.memref_squeeze %dma_start3A_402 : memref<1x!tpu.dma_semaphore, #tpu.memory_space<semaphore_mem>> -> memref<!tpu.dma_semaphore, #tpu.memory_space<semaphore_mem>>
        tpu.enqueue_indirect_dma source(%dma_start3A_401 : memref<10000x32xf32, #tpu.memory_space<vmem_shared>>) target(%arg15 : memref<128x32xf32, #tpu.memory_space<vmem>>) offsets(%dma_start3A_398 : memref<128xi32, #tpu.memory_space<vmem>>) semaphore(%dma_start3A_403 : memref<!tpu.dma_semaphore, #tpu.memory_space<semaphore_mem>>)
      } else {
      }
      %dma_wait3A_136 = arith.constant 0 : i32
      %dma_wait3A_137 = arith.constant 0 : i32
      %dma_wait3A_138 = tpu.memref_slice %arg9[%add3A_125, %dma_wait3A_137] : memref<160x128xi32, #tpu.memory_space<vmem>> -> memref<1x128xi32, #tpu.memory_space<vmem>>
      %dma_wait3A_139 = tpu.memref_squeeze %dma_wait3A_138 : memref<1x128xi32, #tpu.memory_space<vmem>> -> memref<128xi32, #tpu.memory_space<vmem>>
      %dma_wait3A_140 = arith.constant 0 : i32
      %dma_wait3A_141 = arith.constant 0 : i32
      %dma_wait3A_142 = tpu.memref_slice %arg20[%dma_wait3A_140, %dma_wait3A_141] : memref<10000x32xf32, #tpu.memory_space<vmem_shared>> -> memref<10000x32xf32, #tpu.memory_space<vmem_shared>>
      %dma_wait3A_143 = tpu.memref_slice %arg21[%dma_wait3A_136] : memref<8x!tpu.dma_semaphore, #tpu.memory_space<semaphore_mem>> -> memref<1x!tpu.dma_semaphore, #tpu.memory_space<semaphore_mem>>
      %dma_wait3A_144 = tpu.memref_squeeze %dma_wait3A_143 : memref<1x!tpu.dma_semaphore, #tpu.memory_space<semaphore_mem>> -> memref<!tpu.dma_semaphore, #tpu.memory_space<semaphore_mem>>
      tpu.wait_indirect_dma semaphore(%dma_wait3A_144 : memref<!tpu.dma_semaphore, #tpu.memory_space<semaphore_mem>>) src(%dma_wait3A_142 : memref<10000x32xf32, #tpu.memory_space<vmem_shared>>) dst(%arg11 : memref<128x32xf32, #tpu.memory_space<vmem>>)
      %dma_start3A_145 = arith.constant 0 : i32
      %dma_start3A_146 = arith.constant 0 : i32
      %dma_start3A_147 = tpu.memref_slice %arg10[%add3A_125, %dma_start3A_146] : memref<160x128xi32, #tpu.memory_space<vmem>> -> memref<1x128xi32, #tpu.memory_space<vmem>>
      %dma_start3A_148 = tpu.memref_squeeze %dma_start3A_147 : memref<1x128xi32, #tpu.memory_space<vmem>> -> memref<128xi32, #tpu.memory_space<vmem>>
      %dma_start3A_149 = arith.constant 0 : i32
      %dma_start3A_150 = arith.constant 0 : i32
      %dma_start3A_151 = tpu.memref_slice %arg19[%dma_start3A_149, %dma_start3A_150] : memref<10240x32xf32, #tpu.memory_space<vmem_shared>> -> memref<10240x32xf32, #tpu.memory_space<vmem_shared>>
      %dma_start3A_152 = tpu.memref_slice %arg22[%dma_start3A_145] : memref<8x!tpu.dma_semaphore, #tpu.memory_space<semaphore_mem>> -> memref<1x!tpu.dma_semaphore, #tpu.memory_space<semaphore_mem>>
      %dma_start3A_153 = tpu.memref_squeeze %dma_start3A_152 : memref<1x!tpu.dma_semaphore, #tpu.memory_space<semaphore_mem>> -> memref<!tpu.dma_semaphore, #tpu.memory_space<semaphore_mem>>
      tpu.enqueue_indirect_dma source(%arg11 : memref<128x32xf32, #tpu.memory_space<vmem>>) target(%dma_start3A_151 : memref<10240x32xf32, #tpu.memory_space<vmem_shared>>) offsets(%dma_start3A_148 : memref<128xi32, #tpu.memory_space<vmem>>) semaphore(%dma_start3A_153 : memref<!tpu.dma_semaphore, #tpu.memory_space<semaphore_mem>>) {add = true}
      %mul3A_154 = arith.constant 8 : i32
      %mul3A_155 = arith.muli %scan3A_121, %mul3A_154 : i32
      %add3A_156 = arith.constant 1 : i32
      %add3A_157 = arith.addi %mul3A_155, %add3A_156 : i32
      %ge3A_158 = arith.constant 4 : i32
      %ge3A_159 = arith.cmpi sge, %add3A_157, %ge3A_158 : i32
      %convert_element_type3A_160 = arith.extui %ge3A_159 : i1 to i32
      %cond3A_161 = arith.constant 0 : i32
      %cond3A_162 = arith.cmpi ne, %convert_element_type3A_160, %cond3A_161 : i32
      scf.if %cond3A_162 {
        %sub3A = arith.constant 4 : i32
        %sub3A_393 = arith.subi %add3A_157, %sub3A : i32
        %dma_wait3A_394 = arith.constant 5 : i32
        %dma_wait3A_395 = arith.constant 0 : i32
        %dma_wait3A_396 = tpu.memref_slice %arg10[%sub3A_393, %dma_wait3A_395] : memref<160x128xi32, #tpu.memory_space<vmem>> -> memref<1x128xi32, #tpu.memory_space<vmem>>
        %dma_wait3A_397 = tpu.memref_squeeze %dma_wait3A_396 : memref<1x128xi32, #tpu.memory_space<vmem>> -> memref<128xi32, #tpu.memory_space<vmem>>
        %dma_wait3A_398 = arith.constant 0 : i32
        %dma_wait3A_399 = arith.constant 0 : i32
        %dma_wait3A_400 = tpu.memref_slice %arg19[%dma_wait3A_398, %dma_wait3A_399] : memref<10240x32xf32, #tpu.memory_space<vmem_shared>> -> memref<10240x32xf32, #tpu.memory_space<vmem_shared>>
        %dma_wait3A_401 = tpu.memref_slice %arg22[%dma_wait3A_394] : memref<8x!tpu.dma_semaphore, #tpu.memory_space<semaphore_mem>> -> memref<1x!tpu.dma_semaphore, #tpu.memory_space<semaphore_mem>>
        %dma_wait3A_402 = tpu.memref_squeeze %dma_wait3A_401 : memref<1x!tpu.dma_semaphore, #tpu.memory_space<semaphore_mem>> -> memref<!tpu.dma_semaphore, #tpu.memory_space<semaphore_mem>>
        tpu.wait_indirect_dma semaphore(%dma_wait3A_402 : memref<!tpu.dma_semaphore, #tpu.memory_space<semaphore_mem>>) src(%arg16 : memref<128x32xf32, #tpu.memory_space<vmem>>) dst(%dma_wait3A_400 : memref<10240x32xf32, #tpu.memory_space<vmem_shared>>)
      } else {
      }
      %add3A_163 = arith.constant 4 : i32
      %add3A_164 = arith.addi %add3A_157, %add3A_163 : i32
      %lt3A_165 = arith.constant 160 : i32
      %lt3A_166 = arith.cmpi slt, %add3A_164, %lt3A_165 : i32
      %convert_element_type3A_167 = arith.extui %lt3A_166 : i1 to i32
      %cond3A_168 = arith.constant 0 : i32
      %cond3A_169 = arith.cmpi ne, %convert_element_type3A_167, %cond3A_168 : i32
      scf.if %cond3A_169 {
        %add3A_393 = arith.constant 4 : i32
        %add3A_394 = arith.addi %add3A_157, %add3A_393 : i32
        %dma_start3A_395 = arith.constant 5 : i32
        %dma_start3A_396 = arith.constant 0 : i32
        %dma_start3A_397 = tpu.memref_slice %arg9[%add3A_394, %dma_start3A_396] : memref<160x128xi32, #tpu.memory_space<vmem>> -> memref<1x128xi32, #tpu.memory_space<vmem>>
        %dma_start3A_398 = tpu.memref_squeeze %dma_start3A_397 : memref<1x128xi32, #tpu.memory_space<vmem>> -> memref<128xi32, #tpu.memory_space<vmem>>
        %dma_start3A_399 = arith.constant 0 : i32
        %dma_start3A_400 = arith.constant 0 : i32
        %dma_start3A_401 = tpu.memref_slice %arg20[%dma_start3A_399, %dma_start3A_400] : memref<10000x32xf32, #tpu.memory_space<vmem_shared>> -> memref<10000x32xf32, #tpu.memory_space<vmem_shared>>
        %dma_start3A_402 = tpu.memref_slice %arg21[%dma_start3A_395] : memref<8x!tpu.dma_semaphore, #tpu.memory_space<semaphore_mem>> -> memref<1x!tpu.dma_semaphore, #tpu.memory_space<semaphore_mem>>
        %dma_start3A_403 = tpu.memref_squeeze %dma_start3A_402 : memref<1x!tpu.dma_semaphore, #tpu.memory_space<semaphore_mem>> -> memref<!tpu.dma_semaphore, #tpu.memory_space<semaphore_mem>>
        tpu.enqueue_indirect_dma source(%dma_start3A_401 : memref<10000x32xf32, #tpu.memory_space<vmem_shared>>) target(%arg16 : memref<128x32xf32, #tpu.memory_space<vmem>>) offsets(%dma_start3A_398 : memref<128xi32, #tpu.memory_space<vmem>>) semaphore(%dma_start3A_403 : memref<!tpu.dma_semaphore, #tpu.memory_space<semaphore_mem>>)
      } else {
      }
      %dma_wait3A_170 = arith.constant 1 : i32
      %dma_wait3A_171 = arith.constant 0 : i32
      %dma_wait3A_172 = tpu.memref_slice %arg9[%add3A_157, %dma_wait3A_171] : memref<160x128xi32, #tpu.memory_space<vmem>> -> memref<1x128xi32, #tpu.memory_space<vmem>>
      %dma_wait3A_173 = tpu.memref_squeeze %dma_wait3A_172 : memref<1x128xi32, #tpu.memory_space<vmem>> -> memref<128xi32, #tpu.memory_space<vmem>>
      %dma_wait3A_174 = arith.constant 0 : i32
      %dma_wait3A_175 = arith.constant 0 : i32
      %dma_wait3A_176 = tpu.memref_slice %arg20[%dma_wait3A_174, %dma_wait3A_175] : memref<10000x32xf32, #tpu.memory_space<vmem_shared>> -> memref<10000x32xf32, #tpu.memory_space<vmem_shared>>
      %dma_wait3A_177 = tpu.memref_slice %arg21[%dma_wait3A_170] : memref<8x!tpu.dma_semaphore, #tpu.memory_space<semaphore_mem>> -> memref<1x!tpu.dma_semaphore, #tpu.memory_space<semaphore_mem>>
      %dma_wait3A_178 = tpu.memref_squeeze %dma_wait3A_177 : memref<1x!tpu.dma_semaphore, #tpu.memory_space<semaphore_mem>> -> memref<!tpu.dma_semaphore, #tpu.memory_space<semaphore_mem>>
      tpu.wait_indirect_dma semaphore(%dma_wait3A_178 : memref<!tpu.dma_semaphore, #tpu.memory_space<semaphore_mem>>) src(%dma_wait3A_176 : memref<10000x32xf32, #tpu.memory_space<vmem_shared>>) dst(%arg12 : memref<128x32xf32, #tpu.memory_space<vmem>>)
      %dma_start3A_179 = arith.constant 1 : i32
      %dma_start3A_180 = arith.constant 0 : i32
      %dma_start3A_181 = tpu.memref_slice %arg10[%add3A_157, %dma_start3A_180] : memref<160x128xi32, #tpu.memory_space<vmem>> -> memref<1x128xi32, #tpu.memory_space<vmem>>
      %dma_start3A_182 = tpu.memref_squeeze %dma_start3A_181 : memref<1x128xi32, #tpu.memory_space<vmem>> -> memref<128xi32, #tpu.memory_space<vmem>>
      %dma_start3A_183 = arith.constant 0 : i32
      %dma_start3A_184 = arith.constant 0 : i32
      %dma_start3A_185 = tpu.memref_slice %arg19[%dma_start3A_183, %dma_start3A_184] : memref<10240x32xf32, #tpu.memory_space<vmem_shared>> -> memref<10240x32xf32, #tpu.memory_space<vmem_shared>>
      %dma_start3A_186 = tpu.memref_slice %arg22[%dma_start3A_179] : memref<8x!tpu.dma_semaphore, #tpu.memory_space<semaphore_mem>> -> memref<1x!tpu.dma_semaphore, #tpu.memory_space<semaphore_mem>>
      %dma_start3A_187 = tpu.memref_squeeze %dma_start3A_186 : memref<1x!tpu.dma_semaphore, #tpu.memory_space<semaphore_mem>> -> memref<!tpu.dma_semaphore, #tpu.memory_space<semaphore_mem>>
      tpu.enqueue_indirect_dma source(%arg12 : memref<128x32xf32, #tpu.memory_space<vmem>>) target(%dma_start3A_185 : memref<10240x32xf32, #tpu.memory_space<vmem_shared>>) offsets(%dma_start3A_182 : memref<128xi32, #tpu.memory_space<vmem>>) semaphore(%dma_start3A_187 : memref<!tpu.dma_semaphore, #tpu.memory_space<semaphore_mem>>) {add = true}
      %mul3A_188 = arith.constant 8 : i32
      %mul3A_189 = arith.muli %scan3A_121, %mul3A_188 : i32
      %add3A_190 = arith.constant 2 : i32
      %add3A_191 = arith.addi %mul3A_189, %add3A_190 : i32
      %ge3A_192 = arith.constant 4 : i32
      %ge3A_193 = arith.cmpi sge, %add3A_191, %ge3A_192 : i32
      %convert_element_type3A_194 = arith.extui %ge3A_193 : i1 to i32
      %cond3A_195 = arith.constant 0 : i32
      %cond3A_196 = arith.cmpi ne, %convert_element_type3A_194, %cond3A_195 : i32
      scf.if %cond3A_196 {
        %sub3A = arith.constant 4 : i32
        %sub3A_393 = arith.subi %add3A_191, %sub3A : i32
        %dma_wait3A_394 = arith.constant 6 : i32
        %dma_wait3A_395 = arith.constant 0 : i32
        %dma_wait3A_396 = tpu.memref_slice %arg10[%sub3A_393, %dma_wait3A_395] : memref<160x128xi32, #tpu.memory_space<vmem>> -> memref<1x128xi32, #tpu.memory_space<vmem>>
        %dma_wait3A_397 = tpu.memref_squeeze %dma_wait3A_396 : memref<1x128xi32, #tpu.memory_space<vmem>> -> memref<128xi32, #tpu.memory_space<vmem>>
        %dma_wait3A_398 = arith.constant 0 : i32
        %dma_wait3A_399 = arith.constant 0 : i32
        %dma_wait3A_400 = tpu.memref_slice %arg19[%dma_wait3A_398, %dma_wait3A_399] : memref<10240x32xf32, #tpu.memory_space<vmem_shared>> -> memref<10240x32xf32, #tpu.memory_space<vmem_shared>>
        %dma_wait3A_401 = tpu.memref_slice %arg22[%dma_wait3A_394] : memref<8x!tpu.dma_semaphore, #tpu.memory_space<semaphore_mem>> -> memref<1x!tpu.dma_semaphore, #tpu.memory_space<semaphore_mem>>
        %dma_wait3A_402 = tpu.memref_squeeze %dma_wait3A_401 : memref<1x!tpu.dma_semaphore, #tpu.memory_space<semaphore_mem>> -> memref<!tpu.dma_semaphore, #tpu.memory_space<semaphore_mem>>
        tpu.wait_indirect_dma semaphore(%dma_wait3A_402 : memref<!tpu.dma_semaphore, #tpu.memory_space<semaphore_mem>>) src(%arg17 : memref<128x32xf32, #tpu.memory_space<vmem>>) dst(%dma_wait3A_400 : memref<10240x32xf32, #tpu.memory_space<vmem_shared>>)
      } else {
      }
      %add3A_197 = arith.constant 4 : i32
      %add3A_198 = arith.addi %add3A_191, %add3A_197 : i32
      %lt3A_199 = arith.constant 160 : i32
      %lt3A_200 = arith.cmpi slt, %add3A_198, %lt3A_199 : i32
      %convert_element_type3A_201 = arith.extui %lt3A_200 : i1 to i32
      %cond3A_202 = arith.constant 0 : i32
      %cond3A_203 = arith.cmpi ne, %convert_element_type3A_201, %cond3A_202 : i32
      scf.if %cond3A_203 {
        %add3A_393 = arith.constant 4 : i32
        %add3A_394 = arith.addi %add3A_191, %add3A_393 : i32
        %dma_start3A_395 = arith.constant 6 : i32
        %dma_start3A_396 = arith.constant 0 : i32
        %dma_start3A_397 = tpu.memref_slice %arg9[%add3A_394, %dma_start3A_396] : memref<160x128xi32, #tpu.memory_space<vmem>> -> memref<1x128xi32, #tpu.memory_space<vmem>>
        %dma_start3A_398 = tpu.memref_squeeze %dma_start3A_397 : memref<1x128xi32, #tpu.memory_space<vmem>> -> memref<128xi32, #tpu.memory_space<vmem>>
        %dma_start3A_399 = arith.constant 0 : i32
        %dma_start3A_400 = arith.constant 0 : i32
        %dma_start3A_401 = tpu.memref_slice %arg20[%dma_start3A_399, %dma_start3A_400] : memref<10000x32xf32, #tpu.memory_space<vmem_shared>> -> memref<10000x32xf32, #tpu.memory_space<vmem_shared>>
        %dma_start3A_402 = tpu.memref_slice %arg21[%dma_start3A_395] : memref<8x!tpu.dma_semaphore, #tpu.memory_space<semaphore_mem>> -> memref<1x!tpu.dma_semaphore, #tpu.memory_space<semaphore_mem>>
        %dma_start3A_403 = tpu.memref_squeeze %dma_start3A_402 : memref<1x!tpu.dma_semaphore, #tpu.memory_space<semaphore_mem>> -> memref<!tpu.dma_semaphore, #tpu.memory_space<semaphore_mem>>
        tpu.enqueue_indirect_dma source(%dma_start3A_401 : memref<10000x32xf32, #tpu.memory_space<vmem_shared>>) target(%arg17 : memref<128x32xf32, #tpu.memory_space<vmem>>) offsets(%dma_start3A_398 : memref<128xi32, #tpu.memory_space<vmem>>) semaphore(%dma_start3A_403 : memref<!tpu.dma_semaphore, #tpu.memory_space<semaphore_mem>>)
      } else {
      }
      %dma_wait3A_204 = arith.constant 2 : i32
      %dma_wait3A_205 = arith.constant 0 : i32
      %dma_wait3A_206 = tpu.memref_slice %arg9[%add3A_191, %dma_wait3A_205] : memref<160x128xi32, #tpu.memory_space<vmem>> -> memref<1x128xi32, #tpu.memory_space<vmem>>
      %dma_wait3A_207 = tpu.memref_squeeze %dma_wait3A_206 : memref<1x128xi32, #tpu.memory_space<vmem>> -> memref<128xi32, #tpu.memory_space<vmem>>
      %dma_wait3A_208 = arith.constant 0 : i32
      %dma_wait3A_209 = arith.constant 0 : i32
      %dma_wait3A_210 = tpu.memref_slice %arg20[%dma_wait3A_208, %dma_wait3A_209] : memref<10000x32xf32, #tpu.memory_space<vmem_shared>> -> memref<10000x32xf32, #tpu.memory_space<vmem_shared>>
      %dma_wait3A_211 = tpu.memref_slice %arg21[%dma_wait3A_204] : memref<8x!tpu.dma_semaphore, #tpu.memory_space<semaphore_mem>> -> memref<1x!tpu.dma_semaphore, #tpu.memory_space<semaphore_mem>>
      %dma_wait3A_212 = tpu.memref_squeeze %dma_wait3A_211 : memref<1x!tpu.dma_semaphore, #tpu.memory_space<semaphore_mem>> -> memref<!tpu.dma_semaphore, #tpu.memory_space<semaphore_mem>>
      tpu.wait_indirect_dma semaphore(%dma_wait3A_212 : memref<!tpu.dma_semaphore, #tpu.memory_space<semaphore_mem>>) src(%dma_wait3A_210 : memref<10000x32xf32, #tpu.memory_space<vmem_shared>>) dst(%arg13 : memref<128x32xf32, #tpu.memory_space<vmem>>)
      %dma_start3A_213 = arith.constant 2 : i32
      %dma_start3A_214 = arith.constant 0 : i32
      %dma_start3A_215 = tpu.memref_slice %arg10[%add3A_191, %dma_start3A_214] : memref<160x128xi32, #tpu.memory_space<vmem>> -> memref<1x128xi32, #tpu.memory_space<vmem>>
      %dma_start3A_216 = tpu.memref_squeeze %dma_start3A_215 : memref<1x128xi32, #tpu.memory_space<vmem>> -> memref<128xi32, #tpu.memory_space<vmem>>
      %dma_start3A_217 = arith.constant 0 : i32
      %dma_start3A_218 = arith.constant 0 : i32
      %dma_start3A_219 = tpu.memref_slice %arg19[%dma_start3A_217, %dma_start3A_218] : memref<10240x32xf32, #tpu.memory_space<vmem_shared>> -> memref<10240x32xf32, #tpu.memory_space<vmem_shared>>
      %dma_start3A_220 = tpu.memref_slice %arg22[%dma_start3A_213] : memref<8x!tpu.dma_semaphore, #tpu.memory_space<semaphore_mem>> -> memref<1x!tpu.dma_semaphore, #tpu.memory_space<semaphore_mem>>
      %dma_start3A_221 = tpu.memref_squeeze %dma_start3A_220 : memref<1x!tpu.dma_semaphore, #tpu.memory_space<semaphore_mem>> -> memref<!tpu.dma_semaphore, #tpu.memory_space<semaphore_mem>>
      tpu.enqueue_indirect_dma source(%arg13 : memref<128x32xf32, #tpu.memory_space<vmem>>) target(%dma_start3A_219 : memref<10240x32xf32, #tpu.memory_space<vmem_shared>>) offsets(%dma_start3A_216 : memref<128xi32, #tpu.memory_space<vmem>>) semaphore(%dma_start3A_221 : memref<!tpu.dma_semaphore, #tpu.memory_space<semaphore_mem>>) {add = true}
      %mul3A_222 = arith.constant 8 : i32
      %mul3A_223 = arith.muli %scan3A_121, %mul3A_222 : i32
      %add3A_224 = arith.constant 3 : i32
      %add3A_225 = arith.addi %mul3A_223, %add3A_224 : i32
      %ge3A_226 = arith.constant 4 : i32
      %ge3A_227 = arith.cmpi sge, %add3A_225, %ge3A_226 : i32
      %convert_element_type3A_228 = arith.extui %ge3A_227 : i1 to i32
      %cond3A_229 = arith.constant 0 : i32
      %cond3A_230 = arith.cmpi ne, %convert_element_type3A_228, %cond3A_229 : i32
      scf.if %cond3A_230 {
        %sub3A = arith.constant 4 : i32
        %sub3A_393 = arith.subi %add3A_225, %sub3A : i32
        %dma_wait3A_394 = arith.constant 7 : i32
        %dma_wait3A_395 = arith.constant 0 : i32
        %dma_wait3A_396 = tpu.memref_slice %arg10[%sub3A_393, %dma_wait3A_395] : memref<160x128xi32, #tpu.memory_space<vmem>> -> memref<1x128xi32, #tpu.memory_space<vmem>>
        %dma_wait3A_397 = tpu.memref_squeeze %dma_wait3A_396 : memref<1x128xi32, #tpu.memory_space<vmem>> -> memref<128xi32, #tpu.memory_space<vmem>>
        %dma_wait3A_398 = arith.constant 0 : i32
        %dma_wait3A_399 = arith.constant 0 : i32
        %dma_wait3A_400 = tpu.memref_slice %arg19[%dma_wait3A_398, %dma_wait3A_399] : memref<10240x32xf32, #tpu.memory_space<vmem_shared>> -> memref<10240x32xf32, #tpu.memory_space<vmem_shared>>
        %dma_wait3A_401 = tpu.memref_slice %arg22[%dma_wait3A_394] : memref<8x!tpu.dma_semaphore, #tpu.memory_space<semaphore_mem>> -> memref<1x!tpu.dma_semaphore, #tpu.memory_space<semaphore_mem>>
        %dma_wait3A_402 = tpu.memref_squeeze %dma_wait3A_401 : memref<1x!tpu.dma_semaphore, #tpu.memory_space<semaphore_mem>> -> memref<!tpu.dma_semaphore, #tpu.memory_space<semaphore_mem>>
        tpu.wait_indirect_dma semaphore(%dma_wait3A_402 : memref<!tpu.dma_semaphore, #tpu.memory_space<semaphore_mem>>) src(%arg18 : memref<128x32xf32, #tpu.memory_space<vmem>>) dst(%dma_wait3A_400 : memref<10240x32xf32, #tpu.memory_space<vmem_shared>>)
      } else {
      }
      %add3A_231 = arith.constant 4 : i32
      %add3A_232 = arith.addi %add3A_225, %add3A_231 : i32
      %lt3A_233 = arith.constant 160 : i32
      %lt3A_234 = arith.cmpi slt, %add3A_232, %lt3A_233 : i32
      %convert_element_type3A_235 = arith.extui %lt3A_234 : i1 to i32
      %cond3A_236 = arith.constant 0 : i32
      %cond3A_237 = arith.cmpi ne, %convert_element_type3A_235, %cond3A_236 : i32
      scf.if %cond3A_237 {
        %add3A_393 = arith.constant 4 : i32
        %add3A_394 = arith.addi %add3A_225, %add3A_393 : i32
        %dma_start3A_395 = arith.constant 7 : i32
        %dma_start3A_396 = arith.constant 0 : i32
        %dma_start3A_397 = tpu.memref_slice %arg9[%add3A_394, %dma_start3A_396] : memref<160x128xi32, #tpu.memory_space<vmem>> -> memref<1x128xi32, #tpu.memory_space<vmem>>
        %dma_start3A_398 = tpu.memref_squeeze %dma_start3A_397 : memref<1x128xi32, #tpu.memory_space<vmem>> -> memref<128xi32, #tpu.memory_space<vmem>>
        %dma_start3A_399 = arith.constant 0 : i32
        %dma_start3A_400 = arith.constant 0 : i32
        %dma_start3A_401 = tpu.memref_slice %arg20[%dma_start3A_399, %dma_start3A_400] : memref<10000x32xf32, #tpu.memory_space<vmem_shared>> -> memref<10000x32xf32, #tpu.memory_space<vmem_shared>>
        %dma_start3A_402 = tpu.memref_slice %arg21[%dma_start3A_395] : memref<8x!tpu.dma_semaphore, #tpu.memory_space<semaphore_mem>> -> memref<1x!tpu.dma_semaphore, #tpu.memory_space<semaphore_mem>>
        %dma_start3A_403 = tpu.memref_squeeze %dma_start3A_402 : memref<1x!tpu.dma_semaphore, #tpu.memory_space<semaphore_mem>> -> memref<!tpu.dma_semaphore, #tpu.memory_space<semaphore_mem>>
        tpu.enqueue_indirect_dma source(%dma_start3A_401 : memref<10000x32xf32, #tpu.memory_space<vmem_shared>>) target(%arg18 : memref<128x32xf32, #tpu.memory_space<vmem>>) offsets(%dma_start3A_398 : memref<128xi32, #tpu.memory_space<vmem>>) semaphore(%dma_start3A_403 : memref<!tpu.dma_semaphore, #tpu.memory_space<semaphore_mem>>)
      } else {
      }
      %dma_wait3A_238 = arith.constant 3 : i32
      %dma_wait3A_239 = arith.constant 0 : i32
      %dma_wait3A_240 = tpu.memref_slice %arg9[%add3A_225, %dma_wait3A_239] : memref<160x128xi32, #tpu.memory_space<vmem>> -> memref<1x128xi32, #tpu.memory_space<vmem>>
      %dma_wait3A_241 = tpu.memref_squeeze %dma_wait3A_240 : memref<1x128xi32, #tpu.memory_space<vmem>> -> memref<128xi32, #tpu.memory_space<vmem>>
      %dma_wait3A_242 = arith.constant 0 : i32
      %dma_wait3A_243 = arith.constant 0 : i32
      %dma_wait3A_244 = tpu.memref_slice %arg20[%dma_wait3A_242, %dma_wait3A_243] : memref<10000x32xf32, #tpu.memory_space<vmem_shared>> -> memref<10000x32xf32, #tpu.memory_space<vmem_shared>>
      %dma_wait3A_245 = tpu.memref_slice %arg21[%dma_wait3A_238] : memref<8x!tpu.dma_semaphore, #tpu.memory_space<semaphore_mem>> -> memref<1x!tpu.dma_semaphore, #tpu.memory_space<semaphore_mem>>
      %dma_wait3A_246 = tpu.memref_squeeze %dma_wait3A_245 : memref<1x!tpu.dma_semaphore, #tpu.memory_space<semaphore_mem>> -> memref<!tpu.dma_semaphore, #tpu.memory_space<semaphore_mem>>
      tpu.wait_indirect_dma semaphore(%dma_wait3A_246 : memref<!tpu.dma_semaphore, #tpu.memory_space<semaphore_mem>>) src(%dma_wait3A_244 : memref<10000x32xf32, #tpu.memory_space<vmem_shared>>) dst(%arg14 : memref<128x32xf32, #tpu.memory_space<vmem>>)
      %dma_start3A_247 = arith.constant 3 : i32
      %dma_start3A_248 = arith.constant 0 : i32
      %dma_start3A_249 = tpu.memref_slice %arg10[%add3A_225, %dma_start3A_248] : memref<160x128xi32, #tpu.memory_space<vmem>> -> memref<1x128xi32, #tpu.memory_space<vmem>>
      %dma_start3A_250 = tpu.memref_squeeze %dma_start3A_249 : memref<1x128xi32, #tpu.memory_space<vmem>> -> memref<128xi32, #tpu.memory_space<vmem>>
      %dma_start3A_251 = arith.constant 0 : i32
      %dma_start3A_252 = arith.constant 0 : i32
      %dma_start3A_253 = tpu.memref_slice %arg19[%dma_start3A_251, %dma_start3A_252] : memref<10240x32xf32, #tpu.memory_space<vmem_shared>> -> memref<10240x32xf32, #tpu.memory_space<vmem_shared>>
      %dma_start3A_254 = tpu.memref_slice %arg22[%dma_start3A_247] : memref<8x!tpu.dma_semaphore, #tpu.memory_space<semaphore_mem>> -> memref<1x!tpu.dma_semaphore, #tpu.memory_space<semaphore_mem>>
      %dma_start3A_255 = tpu.memref_squeeze %dma_start3A_254 : memref<1x!tpu.dma_semaphore, #tpu.memory_space<semaphore_mem>> -> memref<!tpu.dma_semaphore, #tpu.memory_space<semaphore_mem>>
      tpu.enqueue_indirect_dma source(%arg14 : memref<128x32xf32, #tpu.memory_space<vmem>>) target(%dma_start3A_253 : memref<10240x32xf32, #tpu.memory_space<vmem_shared>>) offsets(%dma_start3A_250 : memref<128xi32, #tpu.memory_space<vmem>>) semaphore(%dma_start3A_255 : memref<!tpu.dma_semaphore, #tpu.memory_space<semaphore_mem>>) {add = true}
      %mul3A_256 = arith.constant 8 : i32
      %mul3A_257 = arith.muli %scan3A_121, %mul3A_256 : i32
      %add3A_258 = arith.constant 4 : i32
      %add3A_259 = arith.addi %mul3A_257, %add3A_258 : i32
      %ge3A_260 = arith.constant 4 : i32
      %ge3A_261 = arith.cmpi sge, %add3A_259, %ge3A_260 : i32
      %convert_element_type3A_262 = arith.extui %ge3A_261 : i1 to i32
      %cond3A_263 = arith.constant 0 : i32
      %cond3A_264 = arith.cmpi ne, %convert_element_type3A_262, %cond3A_263 : i32
      scf.if %cond3A_264 {
        %sub3A = arith.constant 4 : i32
        %sub3A_393 = arith.subi %add3A_259, %sub3A : i32
        %dma_wait3A_394 = arith.constant 0 : i32
        %dma_wait3A_395 = arith.constant 0 : i32
        %dma_wait3A_396 = tpu.memref_slice %arg10[%sub3A_393, %dma_wait3A_395] : memref<160x128xi32, #tpu.memory_space<vmem>> -> memref<1x128xi32, #tpu.memory_space<vmem>>
        %dma_wait3A_397 = tpu.memref_squeeze %dma_wait3A_396 : memref<1x128xi32, #tpu.memory_space<vmem>> -> memref<128xi32, #tpu.memory_space<vmem>>
        %dma_wait3A_398 = arith.constant 0 : i32
        %dma_wait3A_399 = arith.constant 0 : i32
        %dma_wait3A_400 = tpu.memref_slice %arg19[%dma_wait3A_398, %dma_wait3A_399] : memref<10240x32xf32, #tpu.memory_space<vmem_shared>> -> memref<10240x32xf32, #tpu.memory_space<vmem_shared>>
        %dma_wait3A_401 = tpu.memref_slice %arg22[%dma_wait3A_394] : memref<8x!tpu.dma_semaphore, #tpu.memory_space<semaphore_mem>> -> memref<1x!tpu.dma_semaphore, #tpu.memory_space<semaphore_mem>>
        %dma_wait3A_402 = tpu.memref_squeeze %dma_wait3A_401 : memref<1x!tpu.dma_semaphore, #tpu.memory_space<semaphore_mem>> -> memref<!tpu.dma_semaphore, #tpu.memory_space<semaphore_mem>>
        tpu.wait_indirect_dma semaphore(%dma_wait3A_402 : memref<!tpu.dma_semaphore, #tpu.memory_space<semaphore_mem>>) src(%arg11 : memref<128x32xf32, #tpu.memory_space<vmem>>) dst(%dma_wait3A_400 : memref<10240x32xf32, #tpu.memory_space<vmem_shared>>)
      } else {
      }
      %add3A_265 = arith.constant 4 : i32
      %add3A_266 = arith.addi %add3A_259, %add3A_265 : i32
      %lt3A_267 = arith.constant 160 : i32
      %lt3A_268 = arith.cmpi slt, %add3A_266, %lt3A_267 : i32
      %convert_element_type3A_269 = arith.extui %lt3A_268 : i1 to i32
      %cond3A_270 = arith.constant 0 : i32
      %cond3A_271 = arith.cmpi ne, %convert_element_type3A_269, %cond3A_270 : i32
      scf.if %cond3A_271 {
        %add3A_393 = arith.constant 4 : i32
        %add3A_394 = arith.addi %add3A_259, %add3A_393 : i32
        %dma_start3A_395 = arith.constant 0 : i32
        %dma_start3A_396 = arith.constant 0 : i32
        %dma_start3A_397 = tpu.memref_slice %arg9[%add3A_394, %dma_start3A_396] : memref<160x128xi32, #tpu.memory_space<vmem>> -> memref<1x128xi32, #tpu.memory_space<vmem>>
        %dma_start3A_398 = tpu.memref_squeeze %dma_start3A_397 : memref<1x128xi32, #tpu.memory_space<vmem>> -> memref<128xi32, #tpu.memory_space<vmem>>
        %dma_start3A_399 = arith.constant 0 : i32
        %dma_start3A_400 = arith.constant 0 : i32
        %dma_start3A_401 = tpu.memref_slice %arg20[%dma_start3A_399, %dma_start3A_400] : memref<10000x32xf32, #tpu.memory_space<vmem_shared>> -> memref<10000x32xf32, #tpu.memory_space<vmem_shared>>
        %dma_start3A_402 = tpu.memref_slice %arg21[%dma_start3A_395] : memref<8x!tpu.dma_semaphore, #tpu.memory_space<semaphore_mem>> -> memref<1x!tpu.dma_semaphore, #tpu.memory_space<semaphore_mem>>
        %dma_start3A_403 = tpu.memref_squeeze %dma_start3A_402 : memref<1x!tpu.dma_semaphore, #tpu.memory_space<semaphore_mem>> -> memref<!tpu.dma_semaphore, #tpu.memory_space<semaphore_mem>>
        tpu.enqueue_indirect_dma source(%dma_start3A_401 : memref<10000x32xf32, #tpu.memory_space<vmem_shared>>) target(%arg11 : memref<128x32xf32, #tpu.memory_space<vmem>>) offsets(%dma_start3A_398 : memref<128xi32, #tpu.memory_space<vmem>>) semaphore(%dma_start3A_403 : memref<!tpu.dma_semaphore, #tpu.memory_space<semaphore_mem>>)
      } else {
      }
      %dma_wait3A_272 = arith.constant 4 : i32
      %dma_wait3A_273 = arith.constant 0 : i32
      %dma_wait3A_274 = tpu.memref_slice %arg9[%add3A_259, %dma_wait3A_273] : memref<160x128xi32, #tpu.memory_space<vmem>> -> memref<1x128xi32, #tpu.memory_space<vmem>>
      %dma_wait3A_275 = tpu.memref_squeeze %dma_wait3A_274 : memref<1x128xi32, #tpu.memory_space<vmem>> -> memref<128xi32, #tpu.memory_space<vmem>>
      %dma_wait3A_276 = arith.constant 0 : i32
      %dma_wait3A_277 = arith.constant 0 : i32
      %dma_wait3A_278 = tpu.memref_slice %arg20[%dma_wait3A_276, %dma_wait3A_277] : memref<10000x32xf32, #tpu.memory_space<vmem_shared>> -> memref<10000x32xf32, #tpu.memory_space<vmem_shared>>
      %dma_wait3A_279 = tpu.memref_slice %arg21[%dma_wait3A_272] : memref<8x!tpu.dma_semaphore, #tpu.memory_space<semaphore_mem>> -> memref<1x!tpu.dma_semaphore, #tpu.memory_space<semaphore_mem>>
      %dma_wait3A_280 = tpu.memref_squeeze %dma_wait3A_279 : memref<1x!tpu.dma_semaphore, #tpu.memory_space<semaphore_mem>> -> memref<!tpu.dma_semaphore, #tpu.memory_space<semaphore_mem>>
      tpu.wait_indirect_dma semaphore(%dma_wait3A_280 : memref<!tpu.dma_semaphore, #tpu.memory_space<semaphore_mem>>) src(%dma_wait3A_278 : memref<10000x32xf32, #tpu.memory_space<vmem_shared>>) dst(%arg15 : memref<128x32xf32, #tpu.memory_space<vmem>>)
      %dma_start3A_281 = arith.constant 4 : i32
      %dma_start3A_282 = arith.constant 0 : i32
      %dma_start3A_283 = tpu.memref_slice %arg10[%add3A_259, %dma_start3A_282] : memref<160x128xi32, #tpu.memory_space<vmem>> -> memref<1x128xi32, #tpu.memory_space<vmem>>
      %dma_start3A_284 = tpu.memref_squeeze %dma_start3A_283 : memref<1x128xi32, #tpu.memory_space<vmem>> -> memref<128xi32, #tpu.memory_space<vmem>>
      %dma_start3A_285 = arith.constant 0 : i32
      %dma_start3A_286 = arith.constant 0 : i32
      %dma_start3A_287 = tpu.memref_slice %arg19[%dma_start3A_285, %dma_start3A_286] : memref<10240x32xf32, #tpu.memory_space<vmem_shared>> -> memref<10240x32xf32, #tpu.memory_space<vmem_shared>>
      %dma_start3A_288 = tpu.memref_slice %arg22[%dma_start3A_281] : memref<8x!tpu.dma_semaphore, #tpu.memory_space<semaphore_mem>> -> memref<1x!tpu.dma_semaphore, #tpu.memory_space<semaphore_mem>>
      %dma_start3A_289 = tpu.memref_squeeze %dma_start3A_288 : memref<1x!tpu.dma_semaphore, #tpu.memory_space<semaphore_mem>> -> memref<!tpu.dma_semaphore, #tpu.memory_space<semaphore_mem>>
      tpu.enqueue_indirect_dma source(%arg15 : memref<128x32xf32, #tpu.memory_space<vmem>>) target(%dma_start3A_287 : memref<10240x32xf32, #tpu.memory_space<vmem_shared>>) offsets(%dma_start3A_284 : memref<128xi32, #tpu.memory_space<vmem>>) semaphore(%dma_start3A_289 : memref<!tpu.dma_semaphore, #tpu.memory_space<semaphore_mem>>) {add = true}
      %mul3A_290 = arith.constant 8 : i32
      %mul3A_291 = arith.muli %scan3A_121, %mul3A_290 : i32
      %add3A_292 = arith.constant 5 : i32
      %add3A_293 = arith.addi %mul3A_291, %add3A_292 : i32
      %ge3A_294 = arith.constant 4 : i32
      %ge3A_295 = arith.cmpi sge, %add3A_293, %ge3A_294 : i32
      %convert_element_type3A_296 = arith.extui %ge3A_295 : i1 to i32
      %cond3A_297 = arith.constant 0 : i32
      %cond3A_298 = arith.cmpi ne, %convert_element_type3A_296, %cond3A_297 : i32
      scf.if %cond3A_298 {
        %sub3A = arith.constant 4 : i32
        %sub3A_393 = arith.subi %add3A_293, %sub3A : i32
        %dma_wait3A_394 = arith.constant 1 : i32
        %dma_wait3A_395 = arith.constant 0 : i32
        %dma_wait3A_396 = tpu.memref_slice %arg10[%sub3A_393, %dma_wait3A_395] : memref<160x128xi32, #tpu.memory_space<vmem>> -> memref<1x128xi32, #tpu.memory_space<vmem>>
        %dma_wait3A_397 = tpu.memref_squeeze %dma_wait3A_396 : memref<1x128xi32, #tpu.memory_space<vmem>> -> memref<128xi32, #tpu.memory_space<vmem>>
        %dma_wait3A_398 = arith.constant 0 : i32
        %dma_wait3A_399 = arith.constant 0 : i32
        %dma_wait3A_400 = tpu.memref_slice %arg19[%dma_wait3A_398, %dma_wait3A_399] : memref<10240x32xf32, #tpu.memory_space<vmem_shared>> -> memref<10240x32xf32, #tpu.memory_space<vmem_shared>>
        %dma_wait3A_401 = tpu.memref_slice %arg22[%dma_wait3A_394] : memref<8x!tpu.dma_semaphore, #tpu.memory_space<semaphore_mem>> -> memref<1x!tpu.dma_semaphore, #tpu.memory_space<semaphore_mem>>
        %dma_wait3A_402 = tpu.memref_squeeze %dma_wait3A_401 : memref<1x!tpu.dma_semaphore, #tpu.memory_space<semaphore_mem>> -> memref<!tpu.dma_semaphore, #tpu.memory_space<semaphore_mem>>
        tpu.wait_indirect_dma semaphore(%dma_wait3A_402 : memref<!tpu.dma_semaphore, #tpu.memory_space<semaphore_mem>>) src(%arg12 : memref<128x32xf32, #tpu.memory_space<vmem>>) dst(%dma_wait3A_400 : memref<10240x32xf32, #tpu.memory_space<vmem_shared>>)
      } else {
      }
      %add3A_299 = arith.constant 4 : i32
      %add3A_300 = arith.addi %add3A_293, %add3A_299 : i32
      %lt3A_301 = arith.constant 160 : i32
      %lt3A_302 = arith.cmpi slt, %add3A_300, %lt3A_301 : i32
      %convert_element_type3A_303 = arith.extui %lt3A_302 : i1 to i32
      %cond3A_304 = arith.constant 0 : i32
      %cond3A_305 = arith.cmpi ne, %convert_element_type3A_303, %cond3A_304 : i32
      scf.if %cond3A_305 {
        %add3A_393 = arith.constant 4 : i32
        %add3A_394 = arith.addi %add3A_293, %add3A_393 : i32
        %dma_start3A_395 = arith.constant 1 : i32
        %dma_start3A_396 = arith.constant 0 : i32
        %dma_start3A_397 = tpu.memref_slice %arg9[%add3A_394, %dma_start3A_396] : memref<160x128xi32, #tpu.memory_space<vmem>> -> memref<1x128xi32, #tpu.memory_space<vmem>>
        %dma_start3A_398 = tpu.memref_squeeze %dma_start3A_397 : memref<1x128xi32, #tpu.memory_space<vmem>> -> memref<128xi32, #tpu.memory_space<vmem>>
        %dma_start3A_399 = arith.constant 0 : i32
        %dma_start3A_400 = arith.constant 0 : i32
        %dma_start3A_401 = tpu.memref_slice %arg20[%dma_start3A_399, %dma_start3A_400] : memref<10000x32xf32, #tpu.memory_space<vmem_shared>> -> memref<10000x32xf32, #tpu.memory_space<vmem_shared>>
        %dma_start3A_402 = tpu.memref_slice %arg21[%dma_start3A_395] : memref<8x!tpu.dma_semaphore, #tpu.memory_space<semaphore_mem>> -> memref<1x!tpu.dma_semaphore, #tpu.memory_space<semaphore_mem>>
        %dma_start3A_403 = tpu.memref_squeeze %dma_start3A_402 : memref<1x!tpu.dma_semaphore, #tpu.memory_space<semaphore_mem>> -> memref<!tpu.dma_semaphore, #tpu.memory_space<semaphore_mem>>
        tpu.enqueue_indirect_dma source(%dma_start3A_401 : memref<10000x32xf32, #tpu.memory_space<vmem_shared>>) target(%arg12 : memref<128x32xf32, #tpu.memory_space<vmem>>) offsets(%dma_start3A_398 : memref<128xi32, #tpu.memory_space<vmem>>) semaphore(%dma_start3A_403 : memref<!tpu.dma_semaphore, #tpu.memory_space<semaphore_mem>>)
      } else {
      }
      %dma_wait3A_306 = arith.constant 5 : i32
      %dma_wait3A_307 = arith.constant 0 : i32
      %dma_wait3A_308 = tpu.memref_slice %arg9[%add3A_293, %dma_wait3A_307] : memref<160x128xi32, #tpu.memory_space<vmem>> -> memref<1x128xi32, #tpu.memory_space<vmem>>
      %dma_wait3A_309 = tpu.memref_squeeze %dma_wait3A_308 : memref<1x128xi32, #tpu.memory_space<vmem>> -> memref<128xi32, #tpu.memory_space<vmem>>
      %dma_wait3A_310 = arith.constant 0 : i32
      %dma_wait3A_311 = arith.constant 0 : i32
      %dma_wait3A_312 = tpu.memref_slice %arg20[%dma_wait3A_310, %dma_wait3A_311] : memref<10000x32xf32, #tpu.memory_space<vmem_shared>> -> memref<10000x32xf32, #tpu.memory_space<vmem_shared>>
      %dma_wait3A_313 = tpu.memref_slice %arg21[%dma_wait3A_306] : memref<8x!tpu.dma_semaphore, #tpu.memory_space<semaphore_mem>> -> memref<1x!tpu.dma_semaphore, #tpu.memory_space<semaphore_mem>>
      %dma_wait3A_314 = tpu.memref_squeeze %dma_wait3A_313 : memref<1x!tpu.dma_semaphore, #tpu.memory_space<semaphore_mem>> -> memref<!tpu.dma_semaphore, #tpu.memory_space<semaphore_mem>>
      tpu.wait_indirect_dma semaphore(%dma_wait3A_314 : memref<!tpu.dma_semaphore, #tpu.memory_space<semaphore_mem>>) src(%dma_wait3A_312 : memref<10000x32xf32, #tpu.memory_space<vmem_shared>>) dst(%arg16 : memref<128x32xf32, #tpu.memory_space<vmem>>)
      %dma_start3A_315 = arith.constant 5 : i32
      %dma_start3A_316 = arith.constant 0 : i32
      %dma_start3A_317 = tpu.memref_slice %arg10[%add3A_293, %dma_start3A_316] : memref<160x128xi32, #tpu.memory_space<vmem>> -> memref<1x128xi32, #tpu.memory_space<vmem>>
      %dma_start3A_318 = tpu.memref_squeeze %dma_start3A_317 : memref<1x128xi32, #tpu.memory_space<vmem>> -> memref<128xi32, #tpu.memory_space<vmem>>
      %dma_start3A_319 = arith.constant 0 : i32
      %dma_start3A_320 = arith.constant 0 : i32
      %dma_start3A_321 = tpu.memref_slice %arg19[%dma_start3A_319, %dma_start3A_320] : memref<10240x32xf32, #tpu.memory_space<vmem_shared>> -> memref<10240x32xf32, #tpu.memory_space<vmem_shared>>
      %dma_start3A_322 = tpu.memref_slice %arg22[%dma_start3A_315] : memref<8x!tpu.dma_semaphore, #tpu.memory_space<semaphore_mem>> -> memref<1x!tpu.dma_semaphore, #tpu.memory_space<semaphore_mem>>
      %dma_start3A_323 = tpu.memref_squeeze %dma_start3A_322 : memref<1x!tpu.dma_semaphore, #tpu.memory_space<semaphore_mem>> -> memref<!tpu.dma_semaphore, #tpu.memory_space<semaphore_mem>>
      tpu.enqueue_indirect_dma source(%arg16 : memref<128x32xf32, #tpu.memory_space<vmem>>) target(%dma_start3A_321 : memref<10240x32xf32, #tpu.memory_space<vmem_shared>>) offsets(%dma_start3A_318 : memref<128xi32, #tpu.memory_space<vmem>>) semaphore(%dma_start3A_323 : memref<!tpu.dma_semaphore, #tpu.memory_space<semaphore_mem>>) {add = true}
      %mul3A_324 = arith.constant 8 : i32
      %mul3A_325 = arith.muli %scan3A_121, %mul3A_324 : i32
      %add3A_326 = arith.constant 6 : i32
      %add3A_327 = arith.addi %mul3A_325, %add3A_326 : i32
      %ge3A_328 = arith.constant 4 : i32
      %ge3A_329 = arith.cmpi sge, %add3A_327, %ge3A_328 : i32
      %convert_element_type3A_330 = arith.extui %ge3A_329 : i1 to i32
      %cond3A_331 = arith.constant 0 : i32
      %cond3A_332 = arith.cmpi ne, %convert_element_type3A_330, %cond3A_331 : i32
      scf.if %cond3A_332 {
        %sub3A = arith.constant 4 : i32
        %sub3A_393 = arith.subi %add3A_327, %sub3A : i32
        %dma_wait3A_394 = arith.constant 2 : i32
        %dma_wait3A_395 = arith.constant 0 : i32
        %dma_wait3A_396 = tpu.memref_slice %arg10[%sub3A_393, %dma_wait3A_395] : memref<160x128xi32, #tpu.memory_space<vmem>> -> memref<1x128xi32, #tpu.memory_space<vmem>>
        %dma_wait3A_397 = tpu.memref_squeeze %dma_wait3A_396 : memref<1x128xi32, #tpu.memory_space<vmem>> -> memref<128xi32, #tpu.memory_space<vmem>>
        %dma_wait3A_398 = arith.constant 0 : i32
        %dma_wait3A_399 = arith.constant 0 : i32
        %dma_wait3A_400 = tpu.memref_slice %arg19[%dma_wait3A_398, %dma_wait3A_399] : memref<10240x32xf32, #tpu.memory_space<vmem_shared>> -> memref<10240x32xf32, #tpu.memory_space<vmem_shared>>
        %dma_wait3A_401 = tpu.memref_slice %arg22[%dma_wait3A_394] : memref<8x!tpu.dma_semaphore, #tpu.memory_space<semaphore_mem>> -> memref<1x!tpu.dma_semaphore, #tpu.memory_space<semaphore_mem>>
        %dma_wait3A_402 = tpu.memref_squeeze %dma_wait3A_401 : memref<1x!tpu.dma_semaphore, #tpu.memory_space<semaphore_mem>> -> memref<!tpu.dma_semaphore, #tpu.memory_space<semaphore_mem>>
        tpu.wait_indirect_dma semaphore(%dma_wait3A_402 : memref<!tpu.dma_semaphore, #tpu.memory_space<semaphore_mem>>) src(%arg13 : memref<128x32xf32, #tpu.memory_space<vmem>>) dst(%dma_wait3A_400 : memref<10240x32xf32, #tpu.memory_space<vmem_shared>>)
      } else {
      }
      %add3A_333 = arith.constant 4 : i32
      %add3A_334 = arith.addi %add3A_327, %add3A_333 : i32
      %lt3A_335 = arith.constant 160 : i32
      %lt3A_336 = arith.cmpi slt, %add3A_334, %lt3A_335 : i32
      %convert_element_type3A_337 = arith.extui %lt3A_336 : i1 to i32
      %cond3A_338 = arith.constant 0 : i32
      %cond3A_339 = arith.cmpi ne, %convert_element_type3A_337, %cond3A_338 : i32
      scf.if %cond3A_339 {
        %add3A_393 = arith.constant 4 : i32
        %add3A_394 = arith.addi %add3A_327, %add3A_393 : i32
        %dma_start3A_395 = arith.constant 2 : i32
        %dma_start3A_396 = arith.constant 0 : i32
        %dma_start3A_397 = tpu.memref_slice %arg9[%add3A_394, %dma_start3A_396] : memref<160x128xi32, #tpu.memory_space<vmem>> -> memref<1x128xi32, #tpu.memory_space<vmem>>
        %dma_start3A_398 = tpu.memref_squeeze %dma_start3A_397 : memref<1x128xi32, #tpu.memory_space<vmem>> -> memref<128xi32, #tpu.memory_space<vmem>>
        %dma_start3A_399 = arith.constant 0 : i32
        %dma_start3A_400 = arith.constant 0 : i32
        %dma_start3A_401 = tpu.memref_slice %arg20[%dma_start3A_399, %dma_start3A_400] : memref<10000x32xf32, #tpu.memory_space<vmem_shared>> -> memref<10000x32xf32, #tpu.memory_space<vmem_shared>>
        %dma_start3A_402 = tpu.memref_slice %arg21[%dma_start3A_395] : memref<8x!tpu.dma_semaphore, #tpu.memory_space<semaphore_mem>> -> memref<1x!tpu.dma_semaphore, #tpu.memory_space<semaphore_mem>>
        %dma_start3A_403 = tpu.memref_squeeze %dma_start3A_402 : memref<1x!tpu.dma_semaphore, #tpu.memory_space<semaphore_mem>> -> memref<!tpu.dma_semaphore, #tpu.memory_space<semaphore_mem>>
        tpu.enqueue_indirect_dma source(%dma_start3A_401 : memref<10000x32xf32, #tpu.memory_space<vmem_shared>>) target(%arg13 : memref<128x32xf32, #tpu.memory_space<vmem>>) offsets(%dma_start3A_398 : memref<128xi32, #tpu.memory_space<vmem>>) semaphore(%dma_start3A_403 : memref<!tpu.dma_semaphore, #tpu.memory_space<semaphore_mem>>)
      } else {
      }
      %dma_wait3A_340 = arith.constant 6 : i32
      %dma_wait3A_341 = arith.constant 0 : i32
      %dma_wait3A_342 = tpu.memref_slice %arg9[%add3A_327, %dma_wait3A_341] : memref<160x128xi32, #tpu.memory_space<vmem>> -> memref<1x128xi32, #tpu.memory_space<vmem>>
      %dma_wait3A_343 = tpu.memref_squeeze %dma_wait3A_342 : memref<1x128xi32, #tpu.memory_space<vmem>> -> memref<128xi32, #tpu.memory_space<vmem>>
      %dma_wait3A_344 = arith.constant 0 : i32
      %dma_wait3A_345 = arith.constant 0 : i32
      %dma_wait3A_346 = tpu.memref_slice %arg20[%dma_wait3A_344, %dma_wait3A_345] : memref<10000x32xf32, #tpu.memory_space<vmem_shared>> -> memref<10000x32xf32, #tpu.memory_space<vmem_shared>>
      %dma_wait3A_347 = tpu.memref_slice %arg21[%dma_wait3A_340] : memref<8x!tpu.dma_semaphore, #tpu.memory_space<semaphore_mem>> -> memref<1x!tpu.dma_semaphore, #tpu.memory_space<semaphore_mem>>
      %dma_wait3A_348 = tpu.memref_squeeze %dma_wait3A_347 : memref<1x!tpu.dma_semaphore, #tpu.memory_space<semaphore_mem>> -> memref<!tpu.dma_semaphore, #tpu.memory_space<semaphore_mem>>
      tpu.wait_indirect_dma semaphore(%dma_wait3A_348 : memref<!tpu.dma_semaphore, #tpu.memory_space<semaphore_mem>>) src(%dma_wait3A_346 : memref<10000x32xf32, #tpu.memory_space<vmem_shared>>) dst(%arg17 : memref<128x32xf32, #tpu.memory_space<vmem>>)
      %dma_start3A_349 = arith.constant 6 : i32
      %dma_start3A_350 = arith.constant 0 : i32
      %dma_start3A_351 = tpu.memref_slice %arg10[%add3A_327, %dma_start3A_350] : memref<160x128xi32, #tpu.memory_space<vmem>> -> memref<1x128xi32, #tpu.memory_space<vmem>>
      %dma_start3A_352 = tpu.memref_squeeze %dma_start3A_351 : memref<1x128xi32, #tpu.memory_space<vmem>> -> memref<128xi32, #tpu.memory_space<vmem>>
      %dma_start3A_353 = arith.constant 0 : i32
      %dma_start3A_354 = arith.constant 0 : i32
      %dma_start3A_355 = tpu.memref_slice %arg19[%dma_start3A_353, %dma_start3A_354] : memref<10240x32xf32, #tpu.memory_space<vmem_shared>> -> memref<10240x32xf32, #tpu.memory_space<vmem_shared>>
      %dma_start3A_356 = tpu.memref_slice %arg22[%dma_start3A_349] : memref<8x!tpu.dma_semaphore, #tpu.memory_space<semaphore_mem>> -> memref<1x!tpu.dma_semaphore, #tpu.memory_space<semaphore_mem>>
      %dma_start3A_357 = tpu.memref_squeeze %dma_start3A_356 : memref<1x!tpu.dma_semaphore, #tpu.memory_space<semaphore_mem>> -> memref<!tpu.dma_semaphore, #tpu.memory_space<semaphore_mem>>
      tpu.enqueue_indirect_dma source(%arg17 : memref<128x32xf32, #tpu.memory_space<vmem>>) target(%dma_start3A_355 : memref<10240x32xf32, #tpu.memory_space<vmem_shared>>) offsets(%dma_start3A_352 : memref<128xi32, #tpu.memory_space<vmem>>) semaphore(%dma_start3A_357 : memref<!tpu.dma_semaphore, #tpu.memory_space<semaphore_mem>>) {add = true}
      %mul3A_358 = arith.constant 8 : i32
      %mul3A_359 = arith.muli %scan3A_121, %mul3A_358 : i32
      %add3A_360 = arith.constant 7 : i32
      %add3A_361 = arith.addi %mul3A_359, %add3A_360 : i32
      %ge3A_362 = arith.constant 4 : i32
      %ge3A_363 = arith.cmpi sge, %add3A_361, %ge3A_362 : i32
      %convert_element_type3A_364 = arith.extui %ge3A_363 : i1 to i32
      %cond3A_365 = arith.constant 0 : i32
      %cond3A_366 = arith.cmpi ne, %convert_element_type3A_364, %cond3A_365 : i32
      scf.if %cond3A_366 {
        %sub3A = arith.constant 4 : i32
        %sub3A_393 = arith.subi %add3A_361, %sub3A : i32
        %dma_wait3A_394 = arith.constant 3 : i32
        %dma_wait3A_395 = arith.constant 0 : i32
        %dma_wait3A_396 = tpu.memref_slice %arg10[%sub3A_393, %dma_wait3A_395] : memref<160x128xi32, #tpu.memory_space<vmem>> -> memref<1x128xi32, #tpu.memory_space<vmem>>
        %dma_wait3A_397 = tpu.memref_squeeze %dma_wait3A_396 : memref<1x128xi32, #tpu.memory_space<vmem>> -> memref<128xi32, #tpu.memory_space<vmem>>
        %dma_wait3A_398 = arith.constant 0 : i32
        %dma_wait3A_399 = arith.constant 0 : i32
        %dma_wait3A_400 = tpu.memref_slice %arg19[%dma_wait3A_398, %dma_wait3A_399] : memref<10240x32xf32, #tpu.memory_space<vmem_shared>> -> memref<10240x32xf32, #tpu.memory_space<vmem_shared>>
        %dma_wait3A_401 = tpu.memref_slice %arg22[%dma_wait3A_394] : memref<8x!tpu.dma_semaphore, #tpu.memory_space<semaphore_mem>> -> memref<1x!tpu.dma_semaphore, #tpu.memory_space<semaphore_mem>>
        %dma_wait3A_402 = tpu.memref_squeeze %dma_wait3A_401 : memref<1x!tpu.dma_semaphore, #tpu.memory_space<semaphore_mem>> -> memref<!tpu.dma_semaphore, #tpu.memory_space<semaphore_mem>>
        tpu.wait_indirect_dma semaphore(%dma_wait3A_402 : memref<!tpu.dma_semaphore, #tpu.memory_space<semaphore_mem>>) src(%arg14 : memref<128x32xf32, #tpu.memory_space<vmem>>) dst(%dma_wait3A_400 : memref<10240x32xf32, #tpu.memory_space<vmem_shared>>)
      } else {
      }
      %add3A_367 = arith.constant 4 : i32
      %add3A_368 = arith.addi %add3A_361, %add3A_367 : i32
      %lt3A_369 = arith.constant 160 : i32
      %lt3A_370 = arith.cmpi slt, %add3A_368, %lt3A_369 : i32
      %convert_element_type3A_371 = arith.extui %lt3A_370 : i1 to i32
      %cond3A_372 = arith.constant 0 : i32
      %cond3A_373 = arith.cmpi ne, %convert_element_type3A_371, %cond3A_372 : i32
      scf.if %cond3A_373 {
        %add3A_393 = arith.constant 4 : i32
        %add3A_394 = arith.addi %add3A_361, %add3A_393 : i32
        %dma_start3A_395 = arith.constant 3 : i32
        %dma_start3A_396 = arith.constant 0 : i32
        %dma_start3A_397 = tpu.memref_slice %arg9[%add3A_394, %dma_start3A_396] : memref<160x128xi32, #tpu.memory_space<vmem>> -> memref<1x128xi32, #tpu.memory_space<vmem>>
        %dma_start3A_398 = tpu.memref_squeeze %dma_start3A_397 : memref<1x128xi32, #tpu.memory_space<vmem>> -> memref<128xi32, #tpu.memory_space<vmem>>
        %dma_start3A_399 = arith.constant 0 : i32
        %dma_start3A_400 = arith.constant 0 : i32
        %dma_start3A_401 = tpu.memref_slice %arg20[%dma_start3A_399, %dma_start3A_400] : memref<10000x32xf32, #tpu.memory_space<vmem_shared>> -> memref<10000x32xf32, #tpu.memory_space<vmem_shared>>
        %dma_start3A_402 = tpu.memref_slice %arg21[%dma_start3A_395] : memref<8x!tpu.dma_semaphore, #tpu.memory_space<semaphore_mem>> -> memref<1x!tpu.dma_semaphore, #tpu.memory_space<semaphore_mem>>
        %dma_start3A_403 = tpu.memref_squeeze %dma_start3A_402 : memref<1x!tpu.dma_semaphore, #tpu.memory_space<semaphore_mem>> -> memref<!tpu.dma_semaphore, #tpu.memory_space<semaphore_mem>>
        tpu.enqueue_indirect_dma source(%dma_start3A_401 : memref<10000x32xf32, #tpu.memory_space<vmem_shared>>) target(%arg14 : memref<128x32xf32, #tpu.memory_space<vmem>>) offsets(%dma_start3A_398 : memref<128xi32, #tpu.memory_space<vmem>>) semaphore(%dma_start3A_403 : memref<!tpu.dma_semaphore, #tpu.memory_space<semaphore_mem>>)
      } else {
      }
      %dma_wait3A_374 = arith.constant 7 : i32
      %dma_wait3A_375 = arith.constant 0 : i32
      %dma_wait3A_376 = tpu.memref_slice %arg9[%add3A_361, %dma_wait3A_375] : memref<160x128xi32, #tpu.memory_space<vmem>> -> memref<1x128xi32, #tpu.memory_space<vmem>>
      %dma_wait3A_377 = tpu.memref_squeeze %dma_wait3A_376 : memref<1x128xi32, #tpu.memory_space<vmem>> -> memref<128xi32, #tpu.memory_space<vmem>>
      %dma_wait3A_378 = arith.constant 0 : i32
      %dma_wait3A_379 = arith.constant 0 : i32
      %dma_wait3A_380 = tpu.memref_slice %arg20[%dma_wait3A_378, %dma_wait3A_379] : memref<10000x32xf32, #tpu.memory_space<vmem_shared>> -> memref<10000x32xf32, #tpu.memory_space<vmem_shared>>
      %dma_wait3A_381 = tpu.memref_slice %arg21[%dma_wait3A_374] : memref<8x!tpu.dma_semaphore, #tpu.memory_space<semaphore_mem>> -> memref<1x!tpu.dma_semaphore, #tpu.memory_space<semaphore_mem>>
      %dma_wait3A_382 = tpu.memref_squeeze %dma_wait3A_381 : memref<1x!tpu.dma_semaphore, #tpu.memory_space<semaphore_mem>> -> memref<!tpu.dma_semaphore, #tpu.memory_space<semaphore_mem>>
      tpu.wait_indirect_dma semaphore(%dma_wait3A_382 : memref<!tpu.dma_semaphore, #tpu.memory_space<semaphore_mem>>) src(%dma_wait3A_380 : memref<10000x32xf32, #tpu.memory_space<vmem_shared>>) dst(%arg18 : memref<128x32xf32, #tpu.memory_space<vmem>>)
      %dma_start3A_383 = arith.constant 7 : i32
      %dma_start3A_384 = arith.constant 0 : i32
      %dma_start3A_385 = tpu.memref_slice %arg10[%add3A_361, %dma_start3A_384] : memref<160x128xi32, #tpu.memory_space<vmem>> -> memref<1x128xi32, #tpu.memory_space<vmem>>
      %dma_start3A_386 = tpu.memref_squeeze %dma_start3A_385 : memref<1x128xi32, #tpu.memory_space<vmem>> -> memref<128xi32, #tpu.memory_space<vmem>>
      %dma_start3A_387 = arith.constant 0 : i32
      %dma_start3A_388 = arith.constant 0 : i32
      %dma_start3A_389 = tpu.memref_slice %arg19[%dma_start3A_387, %dma_start3A_388] : memref<10240x32xf32, #tpu.memory_space<vmem_shared>> -> memref<10240x32xf32, #tpu.memory_space<vmem_shared>>
      %dma_start3A_390 = tpu.memref_slice %arg22[%dma_start3A_383] : memref<8x!tpu.dma_semaphore, #tpu.memory_space<semaphore_mem>> -> memref<1x!tpu.dma_semaphore, #tpu.memory_space<semaphore_mem>>
      %dma_start3A_391 = tpu.memref_squeeze %dma_start3A_390 : memref<1x!tpu.dma_semaphore, #tpu.memory_space<semaphore_mem>> -> memref<!tpu.dma_semaphore, #tpu.memory_space<semaphore_mem>>
      tpu.enqueue_indirect_dma source(%arg18 : memref<128x32xf32, #tpu.memory_space<vmem>>) target(%dma_start3A_389 : memref<10240x32xf32, #tpu.memory_space<vmem_shared>>) offsets(%dma_start3A_386 : memref<128xi32, #tpu.memory_space<vmem>>) semaphore(%dma_start3A_391 : memref<!tpu.dma_semaphore, #tpu.memory_space<semaphore_mem>>) {add = true}
      %scan3A_392 = arith.constant 0 : i32
      scf.yield %scan3A_392 : i32
    }
    %scan3A_64 = arith.constant 20 : i32
    %dma_wait3A = arith.constant 156 : i32
    %dma_wait3A_65 = arith.constant 4 : i32
    %dma_wait3A_66 = arith.constant 0 : i32
    %dma_wait3A_67 = tpu.memref_slice %arg10[%dma_wait3A, %dma_wait3A_66] : memref<160x128xi32, #tpu.memory_space<vmem>> -> memref<1x128xi32, #tpu.memory_space<vmem>>
    %dma_wait3A_68 = tpu.memref_squeeze %dma_wait3A_67 : memref<1x128xi32, #tpu.memory_space<vmem>> -> memref<128xi32, #tpu.memory_space<vmem>>
    %dma_wait3A_69 = arith.constant 0 : i32
    %dma_wait3A_70 = arith.constant 0 : i32
    %dma_wait3A_71 = tpu.memref_slice %arg19[%dma_wait3A_69, %dma_wait3A_70] : memref<10240x32xf32, #tpu.memory_space<vmem_shared>> -> memref<10240x32xf32, #tpu.memory_space<vmem_shared>>
    %dma_wait3A_72 = tpu.memref_slice %arg22[%dma_wait3A_65] : memref<8x!tpu.dma_semaphore, #tpu.memory_space<semaphore_mem>> -> memref<1x!tpu.dma_semaphore, #tpu.memory_space<semaphore_mem>>
    %dma_wait3A_73 = tpu.memref_squeeze %dma_wait3A_72 : memref<1x!tpu.dma_semaphore, #tpu.memory_space<semaphore_mem>> -> memref<!tpu.dma_semaphore, #tpu.memory_space<semaphore_mem>>
    tpu.wait_indirect_dma semaphore(%dma_wait3A_73 : memref<!tpu.dma_semaphore, #tpu.memory_space<semaphore_mem>>) src(%arg15 : memref<128x32xf32, #tpu.memory_space<vmem>>) dst(%dma_wait3A_71 : memref<10240x32xf32, #tpu.memory_space<vmem_shared>>)
    %dma_wait3A_74 = arith.constant 157 : i32
    %dma_wait3A_75 = arith.constant 5 : i32
    %dma_wait3A_76 = arith.constant 0 : i32
    %dma_wait3A_77 = tpu.memref_slice %arg10[%dma_wait3A_74, %dma_wait3A_76] : memref<160x128xi32, #tpu.memory_space<vmem>> -> memref<1x128xi32, #tpu.memory_space<vmem>>
    %dma_wait3A_78 = tpu.memref_squeeze %dma_wait3A_77 : memref<1x128xi32, #tpu.memory_space<vmem>> -> memref<128xi32, #tpu.memory_space<vmem>>
    %dma_wait3A_79 = arith.constant 0 : i32
    %dma_wait3A_80 = arith.constant 0 : i32
    %dma_wait3A_81 = tpu.memref_slice %arg19[%dma_wait3A_79, %dma_wait3A_80] : memref<10240x32xf32, #tpu.memory_space<vmem_shared>> -> memref<10240x32xf32, #tpu.memory_space<vmem_shared>>
    %dma_wait3A_82 = tpu.memref_slice %arg22[%dma_wait3A_75] : memref<8x!tpu.dma_semaphore, #tpu.memory_space<semaphore_mem>> -> memref<1x!tpu.dma_semaphore, #tpu.memory_space<semaphore_mem>>
    %dma_wait3A_83 = tpu.memref_squeeze %dma_wait3A_82 : memref<1x!tpu.dma_semaphore, #tpu.memory_space<semaphore_mem>> -> memref<!tpu.dma_semaphore, #tpu.memory_space<semaphore_mem>>
    tpu.wait_indirect_dma semaphore(%dma_wait3A_83 : memref<!tpu.dma_semaphore, #tpu.memory_space<semaphore_mem>>) src(%arg16 : memref<128x32xf32, #tpu.memory_space<vmem>>) dst(%dma_wait3A_81 : memref<10240x32xf32, #tpu.memory_space<vmem_shared>>)
    %dma_wait3A_84 = arith.constant 158 : i32
    %dma_wait3A_85 = arith.constant 6 : i32
    %dma_wait3A_86 = arith.constant 0 : i32
    %dma_wait3A_87 = tpu.memref_slice %arg10[%dma_wait3A_84, %dma_wait3A_86] : memref<160x128xi32, #tpu.memory_space<vmem>> -> memref<1x128xi32, #tpu.memory_space<vmem>>
    %dma_wait3A_88 = tpu.memref_squeeze %dma_wait3A_87 : memref<1x128xi32, #tpu.memory_space<vmem>> -> memref<128xi32, #tpu.memory_space<vmem>>
    %dma_wait3A_89 = arith.constant 0 : i32
    %dma_wait3A_90 = arith.constant 0 : i32
    %dma_wait3A_91 = tpu.memref_slice %arg19[%dma_wait3A_89, %dma_wait3A_90] : memref<10240x32xf32, #tpu.memory_space<vmem_shared>> -> memref<10240x32xf32, #tpu.memory_space<vmem_shared>>
    %dma_wait3A_92 = tpu.memref_slice %arg22[%dma_wait3A_85] : memref<8x!tpu.dma_semaphore, #tpu.memory_space<semaphore_mem>> -> memref<1x!tpu.dma_semaphore, #tpu.memory_space<semaphore_mem>>
    %dma_wait3A_93 = tpu.memref_squeeze %dma_wait3A_92 : memref<1x!tpu.dma_semaphore, #tpu.memory_space<semaphore_mem>> -> memref<!tpu.dma_semaphore, #tpu.memory_space<semaphore_mem>>
    tpu.wait_indirect_dma semaphore(%dma_wait3A_93 : memref<!tpu.dma_semaphore, #tpu.memory_space<semaphore_mem>>) src(%arg17 : memref<128x32xf32, #tpu.memory_space<vmem>>) dst(%dma_wait3A_91 : memref<10240x32xf32, #tpu.memory_space<vmem_shared>>)
    %dma_wait3A_94 = arith.constant 159 : i32
    %dma_wait3A_95 = arith.constant 7 : i32
    %dma_wait3A_96 = arith.constant 0 : i32
    %dma_wait3A_97 = tpu.memref_slice %arg10[%dma_wait3A_94, %dma_wait3A_96] : memref<160x128xi32, #tpu.memory_space<vmem>> -> memref<1x128xi32, #tpu.memory_space<vmem>>
    %dma_wait3A_98 = tpu.memref_squeeze %dma_wait3A_97 : memref<1x128xi32, #tpu.memory_space<vmem>> -> memref<128xi32, #tpu.memory_space<vmem>>
    %dma_wait3A_99 = arith.constant 0 : i32
    %dma_wait3A_100 = arith.constant 0 : i32
    %dma_wait3A_101 = tpu.memref_slice %arg19[%dma_wait3A_99, %dma_wait3A_100] : memref<10240x32xf32, #tpu.memory_space<vmem_shared>> -> memref<10240x32xf32, #tpu.memory_space<vmem_shared>>
    %dma_wait3A_102 = tpu.memref_slice %arg22[%dma_wait3A_95] : memref<8x!tpu.dma_semaphore, #tpu.memory_space<semaphore_mem>> -> memref<1x!tpu.dma_semaphore, #tpu.memory_space<semaphore_mem>>
    %dma_wait3A_103 = tpu.memref_squeeze %dma_wait3A_102 : memref<1x!tpu.dma_semaphore, #tpu.memory_space<semaphore_mem>> -> memref<!tpu.dma_semaphore, #tpu.memory_space<semaphore_mem>>
    tpu.wait_indirect_dma semaphore(%dma_wait3A_103 : memref<!tpu.dma_semaphore, #tpu.memory_space<semaphore_mem>>) src(%arg18 : memref<128x32xf32, #tpu.memory_space<vmem>>) dst(%dma_wait3A_101 : memref<10240x32xf32, #tpu.memory_space<vmem_shared>>)
    %barrier3A_104 = arith.constant 0 : index
    tpu.barrier barrier_id(%barrier3A_104)
    %eq3A_105 = arith.constant 0 : i32
    %eq3A_106 = arith.cmpi eq, %arg1, %eq3A_105 : i32
    %eq3A_107 = arith.constant 0 : i32
    %eq3A_108 = arith.cmpi eq, %arg0, %eq3A_107 : i32
    %and3A_109 = arith.andi %eq3A_106, %eq3A_108 : i1
    %convert_element_type3A_110 = arith.extui %and3A_109 : i1 to i32
    %cond3A_111 = arith.constant 0 : i32
    %cond3A_112 = arith.cmpi ne, %convert_element_type3A_110, %cond3A_111 : i32
    scf.if %cond3A_112 {
      "tpu.region"() ({
        %run_scoped3A = tpu.sem_alloc : memref<!tpu.dma_semaphore, #tpu.memory_space<semaphore_mem>>
        tpu.enqueue_dma source(%arg19 : memref<10240x32xf32, #tpu.memory_space<vmem_shared>>) target(%arg7 : memref<10240x32xf32, #tpu.memory_space<hbm>>) target_semaphore(%run_scoped3A : memref<!tpu.dma_semaphore, #tpu.memory_space<semaphore_mem>>)
        tpu.wait_dma2 semaphore(%run_scoped3A : memref<!tpu.dma_semaphore, #tpu.memory_space<semaphore_mem>>) src(%arg19 : memref<10240x32xf32, #tpu.memory_space<vmem_shared>>) dst(%arg7 : memref<10240x32xf32, #tpu.memory_space<hbm>>)
        tpu.yield
      }) : () -> ()
    } else {
    }
    %eq3A_113 = arith.constant 0 : i32
    %eq3A_114 = arith.cmpi eq, %arg1, %eq3A_113 : i32
    %eq3A_115 = arith.constant 1 : i32
    %eq3A_116 = arith.cmpi eq, %arg0, %eq3A_115 : i32
    %and3A_117 = arith.andi %eq3A_114, %eq3A_116 : i1
    %convert_element_type3A_118 = arith.extui %and3A_117 : i1 to i32
    %cond3A_119 = arith.constant 0 : i32
    %cond3A_120 = arith.cmpi ne, %convert_element_type3A_118, %cond3A_119 : i32
    scf.if %cond3A_120 {
      "tpu.region"() ({
        %run_scoped3A = tpu.sem_alloc : memref<!tpu.dma_semaphore, #tpu.memory_space<semaphore_mem>>
        tpu.enqueue_dma source(%arg19 : memref<10240x32xf32, #tpu.memory_space<vmem_shared>>) target(%arg8 : memref<10240x32xf32, #tpu.memory_space<hbm>>) target_semaphore(%run_scoped3A : memref<!tpu.dma_semaphore, #tpu.memory_space<semaphore_mem>>)
        tpu.wait_dma2 semaphore(%run_scoped3A : memref<!tpu.dma_semaphore, #tpu.memory_space<semaphore_mem>>) src(%arg19 : memref<10240x32xf32, #tpu.memory_space<vmem_shared>>) dst(%arg8 : memref<10240x32xf32, #tpu.memory_space<hbm>>)
        tpu.yield
      }) : () -> ()
    } else {
    }
    return
  }
}

#map = affine_map<(d0, d1) -> (0, 0)>
module attributes {stable_mosaic.version = 14 : i64} {
  func.func @_deg_body(%arg0: i32, %arg1: i32, %arg2: memref<2560x128xi32, #tpu.memory_space<hbm>>, %arg3: memref<2x10240xf32, #tpu.memory_space<hbm>>, %arg4: memref<80x128xi32, #tpu.memory_space<vmem>>, %arg5: memref<128xf32, #tpu.memory_space<vmem>>, %arg6: memref<640xf32, #tpu.memory_space<vmem>>, %arg7: memref<10240xf32, #tpu.memory_space<vmem_shared>>, %arg8: memref<!tpu.dma_semaphore, #tpu.memory_space<semaphore_mem>>) attributes {dimension_semantics = [#tpu.dimension_semantics<core_parallel>, #tpu.dimension_semantics<subcore_parallel>], iteration_bounds = array<i64: 2, 16>, scalar_prefetch = 0 : i64, scratch_operands = 5 : i64, tpu.core_type = #tpu.core_type<sc_vector_subcore>, window_params = [{transform_indices = #map}, {transform_indices = #map}]} {
    %mul3A = arith.constant 16 : i32
    %mul3A_0 = arith.muli %arg0, %mul3A : i32
    %add3A = arith.addi %mul3A_0, %arg1 : i32
    %scan3A = arith.constant 0 : i32
    %scan3A_1 = arith.constant 0 : i32
    %scan3A_2 = arith.constant 8 : i32
    %scan3A_3 = arith.addi %scan3A_1, %scan3A_2 : i32
    %scan3A_4 = arith.constant 1 : i32
    %scan3A_5 = scf.for %scan3A_35 = %scan3A_1 to %scan3A_3 step %scan3A_4 iter_args(%scan3A_36 = %scan3A) -> (i32)  : i32 {
      %broadcast_in_dim3A = arith.constant 1.000000e+00 : f32
      %broadcast_in_dim3A_37 = vector.broadcast %broadcast_in_dim3A : f32 to vector<16xf32>
      %mul3A_38 = arith.constant 16 : i32
      %mul3A_39 = arith.muli %scan3A_35, %mul3A_38 : i32
      %swap3A = arith.index_cast %mul3A_39 : i32 to index
      %swap3A_40 = tpu.vector_load %arg5[%swap3A] {strides = array<i32>} : memref<128xf32, #tpu.memory_space<vmem>>, vector<16xf32>,
      %swap3A_41 = vector.shape_cast %swap3A_40 : vector<16xf32> to vector<16xf32>
      %swap3A_42 = vector.shape_cast %broadcast_in_dim3A_37 : vector<16xf32> to vector<16xf32>
      tpu.vector_store %arg5[%swap3A], %swap3A_42 {strides = array<i32>} : memref<128xf32, #tpu.memory_space<vmem>>, vector<16xf32>,
      %scan3A_43 = arith.constant 0 : i32
      scf.yield %scan3A_43 : i32
    }
    %scan3A_6 = arith.constant 8 : i32
    %scan3A_7 = arith.constant 0 : i32
    %scan3A_8 = arith.constant 0 : i32
    %scan3A_9 = arith.constant 40 : i32
    %scan3A_10 = arith.addi %scan3A_8, %scan3A_9 : i32
    %scan3A_11 = arith.constant 1 : i32
    %scan3A_12 = scf.for %scan3A_35 = %scan3A_8 to %scan3A_10 step %scan3A_11 iter_args(%scan3A_36 = %scan3A_7) -> (i32)  : i32 {
      %broadcast_in_dim3A = arith.constant 0.000000e+00 : f32
      %broadcast_in_dim3A_37 = vector.broadcast %broadcast_in_dim3A : f32 to vector<16xf32>
      %mul3A_38 = arith.constant 16 : i32
      %mul3A_39 = arith.muli %scan3A_35, %mul3A_38 : i32
      %swap3A = arith.index_cast %mul3A_39 : i32 to index
      %swap3A_40 = tpu.vector_load %arg6[%swap3A] {strides = array<i32>} : memref<640xf32, #tpu.memory_space<vmem>>, vector<16xf32>,
      %swap3A_41 = vector.shape_cast %swap3A_40 : vector<16xf32> to vector<16xf32>
      %swap3A_42 = vector.shape_cast %broadcast_in_dim3A_37 : vector<16xf32> to vector<16xf32>
      tpu.vector_store %arg6[%swap3A], %swap3A_42 {strides = array<i32>} : memref<640xf32, #tpu.memory_space<vmem>>, vector<16xf32>,
      %scan3A_43 = arith.constant 0 : i32
      scf.yield %scan3A_43 : i32
    }
    %scan3A_13 = arith.constant 40 : i32
    %mul3A_14 = arith.constant 640 : i32
    %mul3A_15 = arith.muli %arg1, %mul3A_14 : i32
    "tpu.region"() ({
      %run_scoped3A = tpu.sem_alloc : memref<!tpu.dma_semaphore, #tpu.memory_space<semaphore_mem>>
      %dma_start3A = tpu.memref_slice %arg7[%mul3A_15] : memref<10240xf32, #tpu.memory_space<vmem_shared>> -> memref<640xf32, #tpu.memory_space<vmem_shared>>
      %dma_start3A_35 = tpu.memref_slice %arg7[%mul3A_15] : memref<10240xf32, #tpu.memory_space<vmem_shared>> -> memref<640xf32, #tpu.memory_space<vmem_shared>>
      tpu.enqueue_dma source(%arg6 : memref<640xf32, #tpu.memory_space<vmem>>) target(%dma_start3A_35 : memref<640xf32, #tpu.memory_space<vmem_shared>>) target_semaphore(%run_scoped3A : memref<!tpu.dma_semaphore, #tpu.memory_space<semaphore_mem>>)
      %dma_wait3A = tpu.memref_slice %arg7[%mul3A_15] : memref<10240xf32, #tpu.memory_space<vmem_shared>> -> memref<640xf32, #tpu.memory_space<vmem_shared>>
      %dma_wait3A_36 = tpu.memref_slice %arg7[%mul3A_15] : memref<10240xf32, #tpu.memory_space<vmem_shared>> -> memref<640xf32, #tpu.memory_space<vmem_shared>>
      tpu.wait_dma2 semaphore(%run_scoped3A : memref<!tpu.dma_semaphore, #tpu.memory_space<semaphore_mem>>) src(%arg6 : memref<640xf32, #tpu.memory_space<vmem>>) dst(%dma_wait3A_36 : memref<640xf32, #tpu.memory_space<vmem_shared>>)
      tpu.yield
    }) : () -> ()
    %mul3A_16 = arith.constant 80 : i32
    %mul3A_17 = arith.muli %add3A, %mul3A_16 : i32
    "tpu.region"() ({
      %run_scoped3A = tpu.sem_alloc : memref<!tpu.dma_semaphore, #tpu.memory_space<semaphore_mem>>
      %dma_start3A = arith.constant 0 : i32
      %dma_start3A_35 = tpu.memref_slice %arg2[%mul3A_17, %dma_start3A] : memref<2560x128xi32, #tpu.memory_space<hbm>> -> memref<80x128xi32, #tpu.memory_space<hbm>>
      %dma_start3A_36 = arith.constant 0 : i32
      %dma_start3A_37 = tpu.memref_slice %arg2[%mul3A_17, %dma_start3A_36] : memref<2560x128xi32, #tpu.memory_space<hbm>> -> memref<80x128xi32, #tpu.memory_space<hbm>>
      tpu.enqueue_dma source(%dma_start3A_37 : memref<80x128xi32, #tpu.memory_space<hbm>>) target(%arg4 : memref<80x128xi32, #tpu.memory_space<vmem>>) target_semaphore(%run_scoped3A : memref<!tpu.dma_semaphore, #tpu.memory_space<semaphore_mem>>)
      %dma_wait3A = arith.constant 0 : i32
      %dma_wait3A_38 = tpu.memref_slice %arg2[%mul3A_17, %dma_wait3A] : memref<2560x128xi32, #tpu.memory_space<hbm>> -> memref<80x128xi32, #tpu.memory_space<hbm>>
      %dma_wait3A_39 = arith.constant 0 : i32
      %dma_wait3A_40 = tpu.memref_slice %arg2[%mul3A_17, %dma_wait3A_39] : memref<2560x128xi32, #tpu.memory_space<hbm>> -> memref<80x128xi32, #tpu.memory_space<hbm>>
      tpu.wait_dma2 semaphore(%run_scoped3A : memref<!tpu.dma_semaphore, #tpu.memory_space<semaphore_mem>>) src(%dma_wait3A_40 : memref<80x128xi32, #tpu.memory_space<hbm>>) dst(%arg4 : memref<80x128xi32, #tpu.memory_space<vmem>>)
      tpu.yield
    }) : () -> ()
    %barrier3A = arith.constant 0 : index
    tpu.barrier barrier_id(%barrier3A)
    %scan3A_18 = arith.constant 0 : i32
    %scan3A_19 = arith.constant 0 : i32
    %scan3A_20 = arith.constant 80 : i32
    %scan3A_21 = arith.addi %scan3A_19, %scan3A_20 : i32
    %scan3A_22 = arith.constant 1 : i32
    %scan3A_23 = scf.for %scan3A_35 = %scan3A_19 to %scan3A_21 step %scan3A_22 iter_args(%scan3A_36 = %scan3A_18) -> (i32)  : i32 {
      %dma_start3A = arith.constant 0 : i32
      %dma_start3A_37 = tpu.memref_slice %arg4[%scan3A_35, %dma_start3A] : memref<80x128xi32, #tpu.memory_space<vmem>> -> memref<1x128xi32, #tpu.memory_space<vmem>>
      %dma_start3A_38 = tpu.memref_squeeze %dma_start3A_37 : memref<1x128xi32, #tpu.memory_space<vmem>> -> memref<128xi32, #tpu.memory_space<vmem>>
      %dma_start3A_39 = arith.constant 0 : i32
      %dma_start3A_40 = tpu.memref_slice %arg7[%dma_start3A_39] : memref<10240xf32, #tpu.memory_space<vmem_shared>> -> memref<10240xf32, #tpu.memory_space<vmem_shared>>
      tpu.enqueue_indirect_dma source(%arg5 : memref<128xf32, #tpu.memory_space<vmem>>) target(%dma_start3A_40 : memref<10240xf32, #tpu.memory_space<vmem_shared>>) offsets(%dma_start3A_38 : memref<128xi32, #tpu.memory_space<vmem>>) semaphore(%arg8 : memref<!tpu.dma_semaphore, #tpu.memory_space<semaphore_mem>>) {add = true}
      %scan3A_41 = arith.constant 0 : i32
      scf.yield %scan3A_41 : i32
    }
    %scan3A_24 = arith.constant 80 : i32
    %scan3A_25 = arith.constant 0 : i32
    %scan3A_26 = arith.constant 0 : i32
    %scan3A_27 = arith.constant 80 : i32
    %scan3A_28 = arith.addi %scan3A_26, %scan3A_27 : i32
    %scan3A_29 = arith.constant 1 : i32
    %scan3A_30 = scf.for %scan3A_35 = %scan3A_26 to %scan3A_28 step %scan3A_29 iter_args(%scan3A_36 = %scan3A_25) -> (i32)  : i32 {
      %dma_wait3A = arith.constant 0 : i32
      %dma_wait3A_37 = tpu.memref_slice %arg4[%scan3A_35, %dma_wait3A] : memref<80x128xi32, #tpu.memory_space<vmem>> -> memref<1x128xi32, #tpu.memory_space<vmem>>
      %dma_wait3A_38 = tpu.memref_squeeze %dma_wait3A_37 : memref<1x128xi32, #tpu.memory_space<vmem>> -> memref<128xi32, #tpu.memory_space<vmem>>
      %dma_wait3A_39 = arith.constant 0 : i32
      %dma_wait3A_40 = tpu.memref_slice %arg7[%dma_wait3A_39] : memref<10240xf32, #tpu.memory_space<vmem_shared>> -> memref<10240xf32, #tpu.memory_space<vmem_shared>>
      tpu.wait_indirect_dma semaphore(%arg8 : memref<!tpu.dma_semaphore, #tpu.memory_space<semaphore_mem>>) src(%arg5 : memref<128xf32, #tpu.memory_space<vmem>>) dst(%dma_wait3A_40 : memref<10240xf32, #tpu.memory_space<vmem_shared>>)
      %scan3A_41 = arith.constant 0 : i32
      scf.yield %scan3A_41 : i32
    }
    %scan3A_31 = arith.constant 80 : i32
    %barrier3A_32 = arith.constant 0 : index
    tpu.barrier barrier_id(%barrier3A_32)
    %eq3A = arith.constant 0 : i32
    %eq3A_33 = arith.cmpi eq, %arg1, %eq3A : i32
    %convert_element_type3A = arith.extui %eq3A_33 : i1 to i32
    %cond3A = arith.constant 0 : i32
    %cond3A_34 = arith.cmpi ne, %convert_element_type3A, %cond3A : i32
    scf.if %cond3A_34 {
      "tpu.region"() ({
        %run_scoped3A = tpu.sem_alloc : memref<!tpu.dma_semaphore, #tpu.memory_space<semaphore_mem>>
        %dma_start3A = arith.constant 0 : i32
        %dma_start3A_35 = tpu.memref_slice %arg3[%arg0, %dma_start3A] : memref<2x10240xf32, #tpu.memory_space<hbm>> -> memref<1x10240xf32, #tpu.memory_space<hbm>>
        %dma_start3A_36 = tpu.memref_squeeze %dma_start3A_35 : memref<1x10240xf32, #tpu.memory_space<hbm>> -> memref<10240xf32, #tpu.memory_space<hbm>>
        tpu.enqueue_dma source(%arg7 : memref<10240xf32, #tpu.memory_space<vmem_shared>>) target(%dma_start3A_36 : memref<10240xf32, #tpu.memory_space<hbm>>) target_semaphore(%run_scoped3A : memref<!tpu.dma_semaphore, #tpu.memory_space<semaphore_mem>>)
        %dma_wait3A = arith.constant 0 : i32
        %dma_wait3A_37 = tpu.memref_slice %arg3[%arg0, %dma_wait3A] : memref<2x10240xf32, #tpu.memory_space<hbm>> -> memref<1x10240xf32, #tpu.memory_space<hbm>>
        %dma_wait3A_38 = tpu.memref_squeeze %dma_wait3A_37 : memref<1x10240xf32, #tpu.memory_space<hbm>> -> memref<10240xf32, #tpu.memory_space<hbm>>
        tpu.wait_dma2 semaphore(%run_scoped3A : memref<!tpu.dma_semaphore, #tpu.memory_space<semaphore_mem>>) src(%arg7 : memref<10240xf32, #tpu.memory_space<vmem_shared>>) dst(%dma_wait3A_38 : memref<10240xf32, #tpu.memory_space<hbm>>)
        tpu.yield
      }) : () -> ()
    } else {
    }
    return
  }
}

#map = affine_map<(d0, d1) -> (0, 0)>
module attributes {stable_mosaic.version = 14 : i64} {
  func.func @_scatter_body(%arg0: i32, %arg1: i32, %arg2: memref<10240x32xf32, #tpu.memory_space<hbm>>, %arg3: memref<2560x128xi32, #tpu.memory_space<hbm>>, %arg4: memref<2560x128xi32, #tpu.memory_space<hbm>>, %arg5: memref<10000x32xf32, #tpu.memory_space<hbm>>, %arg6: memref<10000x32xf32, #tpu.memory_space<hbm>>, %arg7: memref<10240x32xf32, #tpu.memory_space<hbm>>, %arg8: memref<10240x32xf32, #tpu.memory_space<hbm>>, %arg9: memref<160x128xi32, #tpu.memory_space<vmem>>, %arg10: memref<160x128xi32, #tpu.memory_space<vmem>>, %arg11: memref<128x32xf32, #tpu.memory_space<vmem>>, %arg12: memref<128x32xf32, #tpu.memory_space<vmem>>, %arg13: memref<128x32xf32, #tpu.memory_space<vmem>>, %arg14: memref<128x32xf32, #tpu.memory_space<vmem>>, %arg15: memref<128x32xf32, #tpu.memory_space<vmem>>, %arg16: memref<128x32xf32, #tpu.memory_space<vmem>>, %arg17: memref<128x32xf32, #tpu.memory_space<vmem>>, %arg18: memref<128x32xf32, #tpu.memory_space<vmem>>, %arg19: memref<10240x32xf32, #tpu.memory_space<vmem_shared>>, %arg20: memref<10000x32xf32, #tpu.memory_space<vmem_shared>>, %arg21: memref<8x!tpu.dma_semaphore, #tpu.memory_space<semaphore_mem>>, %arg22: memref<8x!tpu.dma_semaphore, #tpu.memory_space<semaphore_mem>>) attributes {dimension_semantics = [#tpu.dimension_semantics<core_parallel>, #tpu.dimension_semantics<subcore_parallel>], iteration_bounds = array<i64: 2, 16>, scalar_prefetch = 0 : i64, scratch_operands = 14 : i64, tpu.core_type = #tpu.core_type<sc_vector_subcore>, window_params = [{transform_indices = #map}, {transform_indices = #map}, {transform_indices = #map}, {transform_indices = #map}, {transform_indices = #map}, {transform_indices = #map}, {transform_indices = #map}]} {
    %eq3A = arith.constant 0 : i32
    %eq3A_0 = arith.cmpi eq, %arg1, %eq3A : i32
    %convert_element_type3A = arith.extui %eq3A_0 : i1 to i32
    %cond3A = arith.constant 0 : i32
    %cond3A_1 = arith.cmpi ne, %convert_element_type3A, %cond3A : i32
    scf.if %cond3A_1 {
      "tpu.region"() ({
        %run_scoped3A = tpu.sem_alloc : memref<!tpu.dma_semaphore, #tpu.memory_space<semaphore_mem>>
        tpu.enqueue_dma source(%arg2 : memref<10240x32xf32, #tpu.memory_space<hbm>>) target(%arg19 : memref<10240x32xf32, #tpu.memory_space<vmem_shared>>) target_semaphore(%run_scoped3A : memref<!tpu.dma_semaphore, #tpu.memory_space<semaphore_mem>>)
        tpu.wait_dma2 semaphore(%run_scoped3A : memref<!tpu.dma_semaphore, #tpu.memory_space<semaphore_mem>>) src(%arg2 : memref<10240x32xf32, #tpu.memory_space<hbm>>) dst(%arg19 : memref<10240x32xf32, #tpu.memory_space<vmem_shared>>)
        tpu.yield
      }) : () -> ()
    } else {
    }
    %eq3A_2 = arith.constant 1 : i32
    %eq3A_3 = arith.cmpi eq, %arg1, %eq3A_2 : i32
    %eq3A_4 = arith.constant 0 : i32
    %eq3A_5 = arith.cmpi eq, %arg0, %eq3A_4 : i32
    %and3A = arith.andi %eq3A_3, %eq3A_5 : i1
    %convert_element_type3A_6 = arith.extui %and3A : i1 to i32
    %cond3A_7 = arith.constant 0 : i32
    %cond3A_8 = arith.cmpi ne, %convert_element_type3A_6, %cond3A_7 : i32
    scf.if %cond3A_8 {
      "tpu.region"() ({
        %run_scoped3A = tpu.sem_alloc : memref<!tpu.dma_semaphore, #tpu.memory_space<semaphore_mem>>
        tpu.enqueue_dma source(%arg5 : memref<10000x32xf32, #tpu.memory_space<hbm>>) target(%arg20 : memref<10000x32xf32, #tpu.memory_space<vmem_shared>>) target_semaphore(%run_scoped3A : memref<!tpu.dma_semaphore, #tpu.memory_space<semaphore_mem>>)
        tpu.wait_dma2 semaphore(%run_scoped3A : memref<!tpu.dma_semaphore, #tpu.memory_space<semaphore_mem>>) src(%arg5 : memref<10000x32xf32, #tpu.memory_space<hbm>>) dst(%arg20 : memref<10000x32xf32, #tpu.memory_space<vmem_shared>>)
        tpu.yield
      }) : () -> ()
    } else {
    }
    %eq3A_9 = arith.constant 1 : i32
    %eq3A_10 = arith.cmpi eq, %arg1, %eq3A_9 : i32
    %eq3A_11 = arith.constant 1 : i32
    %eq3A_12 = arith.cmpi eq, %arg0, %eq3A_11 : i32
    %and3A_13 = arith.andi %eq3A_10, %eq3A_12 : i1
    %convert_element_type3A_14 = arith.extui %and3A_13 : i1 to i32
    %cond3A_15 = arith.constant 0 : i32
    %cond3A_16 = arith.cmpi ne, %convert_element_type3A_14, %cond3A_15 : i32
    scf.if %cond3A_16 {
      "tpu.region"() ({
        %run_scoped3A = tpu.sem_alloc : memref<!tpu.dma_semaphore, #tpu.memory_space<semaphore_mem>>
        tpu.enqueue_dma source(%arg6 : memref<10000x32xf32, #tpu.memory_space<hbm>>) target(%arg20 : memref<10000x32xf32, #tpu.memory_space<vmem_shared>>) target_semaphore(%run_scoped3A : memref<!tpu.dma_semaphore, #tpu.memory_space<semaphore_mem>>)
        tpu.wait_dma2 semaphore(%run_scoped3A : memref<!tpu.dma_semaphore, #tpu.memory_space<semaphore_mem>>) src(%arg6 : memref<10000x32xf32, #tpu.memory_space<hbm>>) dst(%arg20 : memref<10000x32xf32, #tpu.memory_space<vmem_shared>>)
        tpu.yield
      }) : () -> ()
    } else {
    }
    %mul3A = arith.constant 160 : i32
    %mul3A_17 = arith.muli %arg1, %mul3A : i32
    "tpu.region"() ({
      %run_scoped3A = tpu.sem_alloc : memref<!tpu.dma_semaphore, #tpu.memory_space<semaphore_mem>>
      %dma_start3A_121 = arith.constant 0 : i32
      %dma_start3A_122 = tpu.memref_slice %arg3[%mul3A_17, %dma_start3A_121] : memref<2560x128xi32, #tpu.memory_space<hbm>> -> memref<160x128xi32, #tpu.memory_space<hbm>>
      %dma_start3A_123 = arith.constant 0 : i32
      %dma_start3A_124 = tpu.memref_slice %arg3[%mul3A_17, %dma_start3A_123] : memref<2560x128xi32, #tpu.memory_space<hbm>> -> memref<160x128xi32, #tpu.memory_space<hbm>>
      tpu.enqueue_dma source(%dma_start3A_124 : memref<160x128xi32, #tpu.memory_space<hbm>>) target(%arg9 : memref<160x128xi32, #tpu.memory_space<vmem>>) target_semaphore(%run_scoped3A : memref<!tpu.dma_semaphore, #tpu.memory_space<semaphore_mem>>)
      %dma_wait3A_125 = arith.constant 0 : i32
      %dma_wait3A_126 = tpu.memref_slice %arg3[%mul3A_17, %dma_wait3A_125] : memref<2560x128xi32, #tpu.memory_space<hbm>> -> memref<160x128xi32, #tpu.memory_space<hbm>>
      %dma_wait3A_127 = arith.constant 0 : i32
      %dma_wait3A_128 = tpu.memref_slice %arg3[%mul3A_17, %dma_wait3A_127] : memref<2560x128xi32, #tpu.memory_space<hbm>> -> memref<160x128xi32, #tpu.memory_space<hbm>>
      tpu.wait_dma2 semaphore(%run_scoped3A : memref<!tpu.dma_semaphore, #tpu.memory_space<semaphore_mem>>) src(%dma_wait3A_128 : memref<160x128xi32, #tpu.memory_space<hbm>>) dst(%arg9 : memref<160x128xi32, #tpu.memory_space<vmem>>)
      tpu.yield
    }) : () -> ()
    %mul3A_18 = arith.constant 160 : i32
    %mul3A_19 = arith.muli %arg1, %mul3A_18 : i32
    "tpu.region"() ({
      %run_scoped3A = tpu.sem_alloc : memref<!tpu.dma_semaphore, #tpu.memory_space<semaphore_mem>>
      %dma_start3A_121 = arith.constant 0 : i32
      %dma_start3A_122 = tpu.memref_slice %arg4[%mul3A_19, %dma_start3A_121] : memref<2560x128xi32, #tpu.memory_space<hbm>> -> memref<160x128xi32, #tpu.memory_space<hbm>>
      %dma_start3A_123 = arith.constant 0 : i32
      %dma_start3A_124 = tpu.memref_slice %arg4[%mul3A_19, %dma_start3A_123] : memref<2560x128xi32, #tpu.memory_space<hbm>> -> memref<160x128xi32, #tpu.memory_space<hbm>>
      tpu.enqueue_dma source(%dma_start3A_124 : memref<160x128xi32, #tpu.memory_space<hbm>>) target(%arg10 : memref<160x128xi32, #tpu.memory_space<vmem>>) target_semaphore(%run_scoped3A : memref<!tpu.dma_semaphore, #tpu.memory_space<semaphore_mem>>)
      %dma_wait3A_125 = arith.constant 0 : i32
      %dma_wait3A_126 = tpu.memref_slice %arg4[%mul3A_19, %dma_wait3A_125] : memref<2560x128xi32, #tpu.memory_space<hbm>> -> memref<160x128xi32, #tpu.memory_space<hbm>>
      %dma_wait3A_127 = arith.constant 0 : i32
      %dma_wait3A_128 = tpu.memref_slice %arg4[%mul3A_19, %dma_wait3A_127] : memref<2560x128xi32, #tpu.memory_space<hbm>> -> memref<160x128xi32, #tpu.memory_space<hbm>>
      tpu.wait_dma2 semaphore(%run_scoped3A : memref<!tpu.dma_semaphore, #tpu.memory_space<semaphore_mem>>) src(%dma_wait3A_128 : memref<160x128xi32, #tpu.memory_space<hbm>>) dst(%arg10 : memref<160x128xi32, #tpu.memory_space<vmem>>)
      tpu.yield
    }) : () -> ()
    %barrier3A = arith.constant 0 : index
    tpu.barrier barrier_id(%barrier3A)
    %dma_start3A = arith.constant 0 : i32
    %dma_start3A_20 = arith.constant 0 : i32
    %dma_start3A_21 = arith.constant 0 : i32
    %dma_start3A_22 = tpu.memref_slice %arg9[%dma_start3A, %dma_start3A_21] : memref<160x128xi32, #tpu.memory_space<vmem>> -> memref<1x128xi32, #tpu.memory_space<vmem>>
    %dma_start3A_23 = tpu.memref_squeeze %dma_start3A_22 : memref<1x128xi32, #tpu.memory_space<vmem>> -> memref<128xi32, #tpu.memory_space<vmem>>
    %dma_start3A_24 = arith.constant 0 : i32
    %dma_start3A_25 = arith.constant 0 : i32
    %dma_start3A_26 = tpu.memref_slice %arg20[%dma_start3A_24, %dma_start3A_25] : memref<10000x32xf32, #tpu.memory_space<vmem_shared>> -> memref<10000x32xf32, #tpu.memory_space<vmem_shared>>
    %dma_start3A_27 = tpu.memref_slice %arg21[%dma_start3A_20] : memref<8x!tpu.dma_semaphore, #tpu.memory_space<semaphore_mem>> -> memref<1x!tpu.dma_semaphore, #tpu.memory_space<semaphore_mem>>
    %dma_start3A_28 = tpu.memref_squeeze %dma_start3A_27 : memref<1x!tpu.dma_semaphore, #tpu.memory_space<semaphore_mem>> -> memref<!tpu.dma_semaphore, #tpu.memory_space<semaphore_mem>>
    tpu.enqueue_indirect_dma source(%dma_start3A_26 : memref<10000x32xf32, #tpu.memory_space<vmem_shared>>) target(%arg11 : memref<128x32xf32, #tpu.memory_space<vmem>>) offsets(%dma_start3A_23 : memref<128xi32, #tpu.memory_space<vmem>>) semaphore(%dma_start3A_28 : memref<!tpu.dma_semaphore, #tpu.memory_space<semaphore_mem>>)
    %dma_start3A_29 = arith.constant 1 : i32
    %dma_start3A_30 = arith.constant 1 : i32
    %dma_start3A_31 = arith.constant 0 : i32
    %dma_start3A_32 = tpu.memref_slice %arg9[%dma_start3A_29, %dma_start3A_31] : memref<160x128xi32, #tpu.memory_space<vmem>> -> memref<1x128xi32, #tpu.memory_space<vmem>>
    %dma_start3A_33 = tpu.memref_squeeze %dma_start3A_32 : memref<1x128xi32, #tpu.memory_space<vmem>> -> memref<128xi32, #tpu.memory_space<vmem>>
    %dma_start3A_34 = arith.constant 0 : i32
    %dma_start3A_35 = arith.constant 0 : i32
    %dma_start3A_36 = tpu.memref_slice %arg20[%dma_start3A_34, %dma_start3A_35] : memref<10000x32xf32, #tpu.memory_space<vmem_shared>> -> memref<10000x32xf32, #tpu.memory_space<vmem_shared>>
    %dma_start3A_37 = tpu.memref_slice %arg21[%dma_start3A_30] : memref<8x!tpu.dma_semaphore, #tpu.memory_space<semaphore_mem>> -> memref<1x!tpu.dma_semaphore, #tpu.memory_space<semaphore_mem>>
    %dma_start3A_38 = tpu.memref_squeeze %dma_start3A_37 : memref<1x!tpu.dma_semaphore, #tpu.memory_space<semaphore_mem>> -> memref<!tpu.dma_semaphore, #tpu.memory_space<semaphore_mem>>
    tpu.enqueue_indirect_dma source(%dma_start3A_36 : memref<10000x32xf32, #tpu.memory_space<vmem_shared>>) target(%arg12 : memref<128x32xf32, #tpu.memory_space<vmem>>) offsets(%dma_start3A_33 : memref<128xi32, #tpu.memory_space<vmem>>) semaphore(%dma_start3A_38 : memref<!tpu.dma_semaphore, #tpu.memory_space<semaphore_mem>>)
    %dma_start3A_39 = arith.constant 2 : i32
    %dma_start3A_40 = arith.constant 2 : i32
    %dma_start3A_41 = arith.constant 0 : i32
    %dma_start3A_42 = tpu.memref_slice %arg9[%dma_start3A_39, %dma_start3A_41] : memref<160x128xi32, #tpu.memory_space<vmem>> -> memref<1x128xi32, #tpu.memory_space<vmem>>
    %dma_start3A_43 = tpu.memref_squeeze %dma_start3A_42 : memref<1x128xi32, #tpu.memory_space<vmem>> -> memref<128xi32, #tpu.memory_space<vmem>>
    %dma_start3A_44 = arith.constant 0 : i32
    %dma_start3A_45 = arith.constant 0 : i32
    %dma_start3A_46 = tpu.memref_slice %arg20[%dma_start3A_44, %dma_start3A_45] : memref<10000x32xf32, #tpu.memory_space<vmem_shared>> -> memref<10000x32xf32, #tpu.memory_space<vmem_shared>>
    %dma_start3A_47 = tpu.memref_slice %arg21[%dma_start3A_40] : memref<8x!tpu.dma_semaphore, #tpu.memory_space<semaphore_mem>> -> memref<1x!tpu.dma_semaphore, #tpu.memory_space<semaphore_mem>>
    %dma_start3A_48 = tpu.memref_squeeze %dma_start3A_47 : memref<1x!tpu.dma_semaphore, #tpu.memory_space<semaphore_mem>> -> memref<!tpu.dma_semaphore, #tpu.memory_space<semaphore_mem>>
    tpu.enqueue_indirect_dma source(%dma_start3A_46 : memref<10000x32xf32, #tpu.memory_space<vmem_shared>>) target(%arg13 : memref<128x32xf32, #tpu.memory_space<vmem>>) offsets(%dma_start3A_43 : memref<128xi32, #tpu.memory_space<vmem>>) semaphore(%dma_start3A_48 : memref<!tpu.dma_semaphore, #tpu.memory_space<semaphore_mem>>)
    %dma_start3A_49 = arith.constant 3 : i32
    %dma_start3A_50 = arith.constant 3 : i32
    %dma_start3A_51 = arith.constant 0 : i32
    %dma_start3A_52 = tpu.memref_slice %arg9[%dma_start3A_49, %dma_start3A_51] : memref<160x128xi32, #tpu.memory_space<vmem>> -> memref<1x128xi32, #tpu.memory_space<vmem>>
    %dma_start3A_53 = tpu.memref_squeeze %dma_start3A_52 : memref<1x128xi32, #tpu.memory_space<vmem>> -> memref<128xi32, #tpu.memory_space<vmem>>
    %dma_start3A_54 = arith.constant 0 : i32
    %dma_start3A_55 = arith.constant 0 : i32
    %dma_start3A_56 = tpu.memref_slice %arg20[%dma_start3A_54, %dma_start3A_55] : memref<10000x32xf32, #tpu.memory_space<vmem_shared>> -> memref<10000x32xf32, #tpu.memory_space<vmem_shared>>
    %dma_start3A_57 = tpu.memref_slice %arg21[%dma_start3A_50] : memref<8x!tpu.dma_semaphore, #tpu.memory_space<semaphore_mem>> -> memref<1x!tpu.dma_semaphore, #tpu.memory_space<semaphore_mem>>
    %dma_start3A_58 = tpu.memref_squeeze %dma_start3A_57 : memref<1x!tpu.dma_semaphore, #tpu.memory_space<semaphore_mem>> -> memref<!tpu.dma_semaphore, #tpu.memory_space<semaphore_mem>>
    tpu.enqueue_indirect_dma source(%dma_start3A_56 : memref<10000x32xf32, #tpu.memory_space<vmem_shared>>) target(%arg14 : memref<128x32xf32, #tpu.memory_space<vmem>>) offsets(%dma_start3A_53 : memref<128xi32, #tpu.memory_space<vmem>>) semaphore(%dma_start3A_58 : memref<!tpu.dma_semaphore, #tpu.memory_space<semaphore_mem>>)
    %scan3A = arith.constant 0 : i32
    %scan3A_59 = arith.constant 0 : i32
    %scan3A_60 = arith.constant 20 : i32
    %scan3A_61 = arith.addi %scan3A_59, %scan3A_60 : i32
    %scan3A_62 = arith.constant 1 : i32
    %scan3A_63 = scf.for %scan3A_121 = %scan3A_59 to %scan3A_61 step %scan3A_62 iter_args(%scan3A_122 = %scan3A) -> (i32)  : i32 {
      %mul3A_123 = arith.constant 8 : i32
      %mul3A_124 = arith.muli %scan3A_121, %mul3A_123 : i32
      %add3A = arith.constant 0 : i32
      %add3A_125 = arith.addi %mul3A_124, %add3A : i32
      %ge3A = arith.constant 4 : i32
      %ge3A_126 = arith.cmpi sge, %add3A_125, %ge3A : i32
      %convert_element_type3A_127 = arith.extui %ge3A_126 : i1 to i32
      %cond3A_128 = arith.constant 0 : i32
      %cond3A_129 = arith.cmpi ne, %convert_element_type3A_127, %cond3A_128 : i32
      scf.if %cond3A_129 {
        %sub3A = arith.constant 4 : i32
        %sub3A_393 = arith.subi %add3A_125, %sub3A : i32
        %dma_wait3A_394 = arith.constant 4 : i32
        %dma_wait3A_395 = arith.constant 0 : i32
        %dma_wait3A_396 = tpu.memref_slice %arg10[%sub3A_393, %dma_wait3A_395] : memref<160x128xi32, #tpu.memory_space<vmem>> -> memref<1x128xi32, #tpu.memory_space<vmem>>
        %dma_wait3A_397 = tpu.memref_squeeze %dma_wait3A_396 : memref<1x128xi32, #tpu.memory_space<vmem>> -> memref<128xi32, #tpu.memory_space<vmem>>
        %dma_wait3A_398 = arith.constant 0 : i32
        %dma_wait3A_399 = arith.constant 0 : i32
        %dma_wait3A_400 = tpu.memref_slice %arg19[%dma_wait3A_398, %dma_wait3A_399] : memref<10240x32xf32, #tpu.memory_space<vmem_shared>> -> memref<10240x32xf32, #tpu.memory_space<vmem_shared>>
        %dma_wait3A_401 = tpu.memref_slice %arg22[%dma_wait3A_394] : memref<8x!tpu.dma_semaphore, #tpu.memory_space<semaphore_mem>> -> memref<1x!tpu.dma_semaphore, #tpu.memory_space<semaphore_mem>>
        %dma_wait3A_402 = tpu.memref_squeeze %dma_wait3A_401 : memref<1x!tpu.dma_semaphore, #tpu.memory_space<semaphore_mem>> -> memref<!tpu.dma_semaphore, #tpu.memory_space<semaphore_mem>>
        tpu.wait_indirect_dma semaphore(%dma_wait3A_402 : memref<!tpu.dma_semaphore, #tpu.memory_space<semaphore_mem>>) src(%arg15 : memref<128x32xf32, #tpu.memory_space<vmem>>) dst(%dma_wait3A_400 : memref<10240x32xf32, #tpu.memory_space<vmem_shared>>)
      } else {
      }
      %add3A_130 = arith.constant 4 : i32
      %add3A_131 = arith.addi %add3A_125, %add3A_130 : i32
      %lt3A = arith.constant 160 : i32
      %lt3A_132 = arith.cmpi slt, %add3A_131, %lt3A : i32
      %convert_element_type3A_133 = arith.extui %lt3A_132 : i1 to i32
      %cond3A_134 = arith.constant 0 : i32
      %cond3A_135 = arith.cmpi ne, %convert_element_type3A_133, %cond3A_134 : i32
      scf.if %cond3A_135 {
        %add3A_393 = arith.constant 4 : i32
        %add3A_394 = arith.addi %add3A_125, %add3A_393 : i32
        %dma_start3A_395 = arith.constant 4 : i32
        %dma_start3A_396 = arith.constant 0 : i32
        %dma_start3A_397 = tpu.memref_slice %arg9[%add3A_394, %dma_start3A_396] : memref<160x128xi32, #tpu.memory_space<vmem>> -> memref<1x128xi32, #tpu.memory_space<vmem>>
        %dma_start3A_398 = tpu.memref_squeeze %dma_start3A_397 : memref<1x128xi32, #tpu.memory_space<vmem>> -> memref<128xi32, #tpu.memory_space<vmem>>
        %dma_start3A_399 = arith.constant 0 : i32
        %dma_start3A_400 = arith.constant 0 : i32
        %dma_start3A_401 = tpu.memref_slice %arg20[%dma_start3A_399, %dma_start3A_400] : memref<10000x32xf32, #tpu.memory_space<vmem_shared>> -> memref<10000x32xf32, #tpu.memory_space<vmem_shared>>
        %dma_start3A_402 = tpu.memref_slice %arg21[%dma_start3A_395] : memref<8x!tpu.dma_semaphore, #tpu.memory_space<semaphore_mem>> -> memref<1x!tpu.dma_semaphore, #tpu.memory_space<semaphore_mem>>
        %dma_start3A_403 = tpu.memref_squeeze %dma_start3A_402 : memref<1x!tpu.dma_semaphore, #tpu.memory_space<semaphore_mem>> -> memref<!tpu.dma_semaphore, #tpu.memory_space<semaphore_mem>>
        tpu.enqueue_indirect_dma source(%dma_start3A_401 : memref<10000x32xf32, #tpu.memory_space<vmem_shared>>) target(%arg15 : memref<128x32xf32, #tpu.memory_space<vmem>>) offsets(%dma_start3A_398 : memref<128xi32, #tpu.memory_space<vmem>>) semaphore(%dma_start3A_403 : memref<!tpu.dma_semaphore, #tpu.memory_space<semaphore_mem>>)
      } else {
      }
      %dma_wait3A_136 = arith.constant 0 : i32
      %dma_wait3A_137 = arith.constant 0 : i32
      %dma_wait3A_138 = tpu.memref_slice %arg9[%add3A_125, %dma_wait3A_137] : memref<160x128xi32, #tpu.memory_space<vmem>> -> memref<1x128xi32, #tpu.memory_space<vmem>>
      %dma_wait3A_139 = tpu.memref_squeeze %dma_wait3A_138 : memref<1x128xi32, #tpu.memory_space<vmem>> -> memref<128xi32, #tpu.memory_space<vmem>>
      %dma_wait3A_140 = arith.constant 0 : i32
      %dma_wait3A_141 = arith.constant 0 : i32
      %dma_wait3A_142 = tpu.memref_slice %arg20[%dma_wait3A_140, %dma_wait3A_141] : memref<10000x32xf32, #tpu.memory_space<vmem_shared>> -> memref<10000x32xf32, #tpu.memory_space<vmem_shared>>
      %dma_wait3A_143 = tpu.memref_slice %arg21[%dma_wait3A_136] : memref<8x!tpu.dma_semaphore, #tpu.memory_space<semaphore_mem>> -> memref<1x!tpu.dma_semaphore, #tpu.memory_space<semaphore_mem>>
      %dma_wait3A_144 = tpu.memref_squeeze %dma_wait3A_143 : memref<1x!tpu.dma_semaphore, #tpu.memory_space<semaphore_mem>> -> memref<!tpu.dma_semaphore, #tpu.memory_space<semaphore_mem>>
      tpu.wait_indirect_dma semaphore(%dma_wait3A_144 : memref<!tpu.dma_semaphore, #tpu.memory_space<semaphore_mem>>) src(%dma_wait3A_142 : memref<10000x32xf32, #tpu.memory_space<vmem_shared>>) dst(%arg11 : memref<128x32xf32, #tpu.memory_space<vmem>>)
      %dma_start3A_145 = arith.constant 0 : i32
      %dma_start3A_146 = arith.constant 0 : i32
      %dma_start3A_147 = tpu.memref_slice %arg10[%add3A_125, %dma_start3A_146] : memref<160x128xi32, #tpu.memory_space<vmem>> -> memref<1x128xi32, #tpu.memory_space<vmem>>
      %dma_start3A_148 = tpu.memref_squeeze %dma_start3A_147 : memref<1x128xi32, #tpu.memory_space<vmem>> -> memref<128xi32, #tpu.memory_space<vmem>>
      %dma_start3A_149 = arith.constant 0 : i32
      %dma_start3A_150 = arith.constant 0 : i32
      %dma_start3A_151 = tpu.memref_slice %arg19[%dma_start3A_149, %dma_start3A_150] : memref<10240x32xf32, #tpu.memory_space<vmem_shared>> -> memref<10240x32xf32, #tpu.memory_space<vmem_shared>>
      %dma_start3A_152 = tpu.memref_slice %arg22[%dma_start3A_145] : memref<8x!tpu.dma_semaphore, #tpu.memory_space<semaphore_mem>> -> memref<1x!tpu.dma_semaphore, #tpu.memory_space<semaphore_mem>>
      %dma_start3A_153 = tpu.memref_squeeze %dma_start3A_152 : memref<1x!tpu.dma_semaphore, #tpu.memory_space<semaphore_mem>> -> memref<!tpu.dma_semaphore, #tpu.memory_space<semaphore_mem>>
      tpu.enqueue_indirect_dma source(%arg11 : memref<128x32xf32, #tpu.memory_space<vmem>>) target(%dma_start3A_151 : memref<10240x32xf32, #tpu.memory_space<vmem_shared>>) offsets(%dma_start3A_148 : memref<128xi32, #tpu.memory_space<vmem>>) semaphore(%dma_start3A_153 : memref<!tpu.dma_semaphore, #tpu.memory_space<semaphore_mem>>) {add = true}
      %mul3A_154 = arith.constant 8 : i32
      %mul3A_155 = arith.muli %scan3A_121, %mul3A_154 : i32
      %add3A_156 = arith.constant 1 : i32
      %add3A_157 = arith.addi %mul3A_155, %add3A_156 : i32
      %ge3A_158 = arith.constant 4 : i32
      %ge3A_159 = arith.cmpi sge, %add3A_157, %ge3A_158 : i32
      %convert_element_type3A_160 = arith.extui %ge3A_159 : i1 to i32
      %cond3A_161 = arith.constant 0 : i32
      %cond3A_162 = arith.cmpi ne, %convert_element_type3A_160, %cond3A_161 : i32
      scf.if %cond3A_162 {
        %sub3A = arith.constant 4 : i32
        %sub3A_393 = arith.subi %add3A_157, %sub3A : i32
        %dma_wait3A_394 = arith.constant 5 : i32
        %dma_wait3A_395 = arith.constant 0 : i32
        %dma_wait3A_396 = tpu.memref_slice %arg10[%sub3A_393, %dma_wait3A_395] : memref<160x128xi32, #tpu.memory_space<vmem>> -> memref<1x128xi32, #tpu.memory_space<vmem>>
        %dma_wait3A_397 = tpu.memref_squeeze %dma_wait3A_396 : memref<1x128xi32, #tpu.memory_space<vmem>> -> memref<128xi32, #tpu.memory_space<vmem>>
        %dma_wait3A_398 = arith.constant 0 : i32
        %dma_wait3A_399 = arith.constant 0 : i32
        %dma_wait3A_400 = tpu.memref_slice %arg19[%dma_wait3A_398, %dma_wait3A_399] : memref<10240x32xf32, #tpu.memory_space<vmem_shared>> -> memref<10240x32xf32, #tpu.memory_space<vmem_shared>>
        %dma_wait3A_401 = tpu.memref_slice %arg22[%dma_wait3A_394] : memref<8x!tpu.dma_semaphore, #tpu.memory_space<semaphore_mem>> -> memref<1x!tpu.dma_semaphore, #tpu.memory_space<semaphore_mem>>
        %dma_wait3A_402 = tpu.memref_squeeze %dma_wait3A_401 : memref<1x!tpu.dma_semaphore, #tpu.memory_space<semaphore_mem>> -> memref<!tpu.dma_semaphore, #tpu.memory_space<semaphore_mem>>
        tpu.wait_indirect_dma semaphore(%dma_wait3A_402 : memref<!tpu.dma_semaphore, #tpu.memory_space<semaphore_mem>>) src(%arg16 : memref<128x32xf32, #tpu.memory_space<vmem>>) dst(%dma_wait3A_400 : memref<10240x32xf32, #tpu.memory_space<vmem_shared>>)
      } else {
      }
      %add3A_163 = arith.constant 4 : i32
      %add3A_164 = arith.addi %add3A_157, %add3A_163 : i32
      %lt3A_165 = arith.constant 160 : i32
      %lt3A_166 = arith.cmpi slt, %add3A_164, %lt3A_165 : i32
      %convert_element_type3A_167 = arith.extui %lt3A_166 : i1 to i32
      %cond3A_168 = arith.constant 0 : i32
      %cond3A_169 = arith.cmpi ne, %convert_element_type3A_167, %cond3A_168 : i32
      scf.if %cond3A_169 {
        %add3A_393 = arith.constant 4 : i32
        %add3A_394 = arith.addi %add3A_157, %add3A_393 : i32
        %dma_start3A_395 = arith.constant 5 : i32
        %dma_start3A_396 = arith.constant 0 : i32
        %dma_start3A_397 = tpu.memref_slice %arg9[%add3A_394, %dma_start3A_396] : memref<160x128xi32, #tpu.memory_space<vmem>> -> memref<1x128xi32, #tpu.memory_space<vmem>>
        %dma_start3A_398 = tpu.memref_squeeze %dma_start3A_397 : memref<1x128xi32, #tpu.memory_space<vmem>> -> memref<128xi32, #tpu.memory_space<vmem>>
        %dma_start3A_399 = arith.constant 0 : i32
        %dma_start3A_400 = arith.constant 0 : i32
        %dma_start3A_401 = tpu.memref_slice %arg20[%dma_start3A_399, %dma_start3A_400] : memref<10000x32xf32, #tpu.memory_space<vmem_shared>> -> memref<10000x32xf32, #tpu.memory_space<vmem_shared>>
        %dma_start3A_402 = tpu.memref_slice %arg21[%dma_start3A_395] : memref<8x!tpu.dma_semaphore, #tpu.memory_space<semaphore_mem>> -> memref<1x!tpu.dma_semaphore, #tpu.memory_space<semaphore_mem>>
        %dma_start3A_403 = tpu.memref_squeeze %dma_start3A_402 : memref<1x!tpu.dma_semaphore, #tpu.memory_space<semaphore_mem>> -> memref<!tpu.dma_semaphore, #tpu.memory_space<semaphore_mem>>
        tpu.enqueue_indirect_dma source(%dma_start3A_401 : memref<10000x32xf32, #tpu.memory_space<vmem_shared>>) target(%arg16 : memref<128x32xf32, #tpu.memory_space<vmem>>) offsets(%dma_start3A_398 : memref<128xi32, #tpu.memory_space<vmem>>) semaphore(%dma_start3A_403 : memref<!tpu.dma_semaphore, #tpu.memory_space<semaphore_mem>>)
      } else {
      }
      %dma_wait3A_170 = arith.constant 1 : i32
      %dma_wait3A_171 = arith.constant 0 : i32
      %dma_wait3A_172 = tpu.memref_slice %arg9[%add3A_157, %dma_wait3A_171] : memref<160x128xi32, #tpu.memory_space<vmem>> -> memref<1x128xi32, #tpu.memory_space<vmem>>
      %dma_wait3A_173 = tpu.memref_squeeze %dma_wait3A_172 : memref<1x128xi32, #tpu.memory_space<vmem>> -> memref<128xi32, #tpu.memory_space<vmem>>
      %dma_wait3A_174 = arith.constant 0 : i32
      %dma_wait3A_175 = arith.constant 0 : i32
      %dma_wait3A_176 = tpu.memref_slice %arg20[%dma_wait3A_174, %dma_wait3A_175] : memref<10000x32xf32, #tpu.memory_space<vmem_shared>> -> memref<10000x32xf32, #tpu.memory_space<vmem_shared>>
      %dma_wait3A_177 = tpu.memref_slice %arg21[%dma_wait3A_170] : memref<8x!tpu.dma_semaphore, #tpu.memory_space<semaphore_mem>> -> memref<1x!tpu.dma_semaphore, #tpu.memory_space<semaphore_mem>>
      %dma_wait3A_178 = tpu.memref_squeeze %dma_wait3A_177 : memref<1x!tpu.dma_semaphore, #tpu.memory_space<semaphore_mem>> -> memref<!tpu.dma_semaphore, #tpu.memory_space<semaphore_mem>>
      tpu.wait_indirect_dma semaphore(%dma_wait3A_178 : memref<!tpu.dma_semaphore, #tpu.memory_space<semaphore_mem>>) src(%dma_wait3A_176 : memref<10000x32xf32, #tpu.memory_space<vmem_shared>>) dst(%arg12 : memref<128x32xf32, #tpu.memory_space<vmem>>)
      %dma_start3A_179 = arith.constant 1 : i32
      %dma_start3A_180 = arith.constant 0 : i32
      %dma_start3A_181 = tpu.memref_slice %arg10[%add3A_157, %dma_start3A_180] : memref<160x128xi32, #tpu.memory_space<vmem>> -> memref<1x128xi32, #tpu.memory_space<vmem>>
      %dma_start3A_182 = tpu.memref_squeeze %dma_start3A_181 : memref<1x128xi32, #tpu.memory_space<vmem>> -> memref<128xi32, #tpu.memory_space<vmem>>
      %dma_start3A_183 = arith.constant 0 : i32
      %dma_start3A_184 = arith.constant 0 : i32
      %dma_start3A_185 = tpu.memref_slice %arg19[%dma_start3A_183, %dma_start3A_184] : memref<10240x32xf32, #tpu.memory_space<vmem_shared>> -> memref<10240x32xf32, #tpu.memory_space<vmem_shared>>
      %dma_start3A_186 = tpu.memref_slice %arg22[%dma_start3A_179] : memref<8x!tpu.dma_semaphore, #tpu.memory_space<semaphore_mem>> -> memref<1x!tpu.dma_semaphore, #tpu.memory_space<semaphore_mem>>
      %dma_start3A_187 = tpu.memref_squeeze %dma_start3A_186 : memref<1x!tpu.dma_semaphore, #tpu.memory_space<semaphore_mem>> -> memref<!tpu.dma_semaphore, #tpu.memory_space<semaphore_mem>>
      tpu.enqueue_indirect_dma source(%arg12 : memref<128x32xf32, #tpu.memory_space<vmem>>) target(%dma_start3A_185 : memref<10240x32xf32, #tpu.memory_space<vmem_shared>>) offsets(%dma_start3A_182 : memref<128xi32, #tpu.memory_space<vmem>>) semaphore(%dma_start3A_187 : memref<!tpu.dma_semaphore, #tpu.memory_space<semaphore_mem>>) {add = true}
      %mul3A_188 = arith.constant 8 : i32
      %mul3A_189 = arith.muli %scan3A_121, %mul3A_188 : i32
      %add3A_190 = arith.constant 2 : i32
      %add3A_191 = arith.addi %mul3A_189, %add3A_190 : i32
      %ge3A_192 = arith.constant 4 : i32
      %ge3A_193 = arith.cmpi sge, %add3A_191, %ge3A_192 : i32
      %convert_element_type3A_194 = arith.extui %ge3A_193 : i1 to i32
      %cond3A_195 = arith.constant 0 : i32
      %cond3A_196 = arith.cmpi ne, %convert_element_type3A_194, %cond3A_195 : i32
      scf.if %cond3A_196 {
        %sub3A = arith.constant 4 : i32
        %sub3A_393 = arith.subi %add3A_191, %sub3A : i32
        %dma_wait3A_394 = arith.constant 6 : i32
        %dma_wait3A_395 = arith.constant 0 : i32
        %dma_wait3A_396 = tpu.memref_slice %arg10[%sub3A_393, %dma_wait3A_395] : memref<160x128xi32, #tpu.memory_space<vmem>> -> memref<1x128xi32, #tpu.memory_space<vmem>>
        %dma_wait3A_397 = tpu.memref_squeeze %dma_wait3A_396 : memref<1x128xi32, #tpu.memory_space<vmem>> -> memref<128xi32, #tpu.memory_space<vmem>>
        %dma_wait3A_398 = arith.constant 0 : i32
        %dma_wait3A_399 = arith.constant 0 : i32
        %dma_wait3A_400 = tpu.memref_slice %arg19[%dma_wait3A_398, %dma_wait3A_399] : memref<10240x32xf32, #tpu.memory_space<vmem_shared>> -> memref<10240x32xf32, #tpu.memory_space<vmem_shared>>
        %dma_wait3A_401 = tpu.memref_slice %arg22[%dma_wait3A_394] : memref<8x!tpu.dma_semaphore, #tpu.memory_space<semaphore_mem>> -> memref<1x!tpu.dma_semaphore, #tpu.memory_space<semaphore_mem>>
        %dma_wait3A_402 = tpu.memref_squeeze %dma_wait3A_401 : memref<1x!tpu.dma_semaphore, #tpu.memory_space<semaphore_mem>> -> memref<!tpu.dma_semaphore, #tpu.memory_space<semaphore_mem>>
        tpu.wait_indirect_dma semaphore(%dma_wait3A_402 : memref<!tpu.dma_semaphore, #tpu.memory_space<semaphore_mem>>) src(%arg17 : memref<128x32xf32, #tpu.memory_space<vmem>>) dst(%dma_wait3A_400 : memref<10240x32xf32, #tpu.memory_space<vmem_shared>>)
      } else {
      }
      %add3A_197 = arith.constant 4 : i32
      %add3A_198 = arith.addi %add3A_191, %add3A_197 : i32
      %lt3A_199 = arith.constant 160 : i32
      %lt3A_200 = arith.cmpi slt, %add3A_198, %lt3A_199 : i32
      %convert_element_type3A_201 = arith.extui %lt3A_200 : i1 to i32
      %cond3A_202 = arith.constant 0 : i32
      %cond3A_203 = arith.cmpi ne, %convert_element_type3A_201, %cond3A_202 : i32
      scf.if %cond3A_203 {
        %add3A_393 = arith.constant 4 : i32
        %add3A_394 = arith.addi %add3A_191, %add3A_393 : i32
        %dma_start3A_395 = arith.constant 6 : i32
        %dma_start3A_396 = arith.constant 0 : i32
        %dma_start3A_397 = tpu.memref_slice %arg9[%add3A_394, %dma_start3A_396] : memref<160x128xi32, #tpu.memory_space<vmem>> -> memref<1x128xi32, #tpu.memory_space<vmem>>
        %dma_start3A_398 = tpu.memref_squeeze %dma_start3A_397 : memref<1x128xi32, #tpu.memory_space<vmem>> -> memref<128xi32, #tpu.memory_space<vmem>>
        %dma_start3A_399 = arith.constant 0 : i32
        %dma_start3A_400 = arith.constant 0 : i32
        %dma_start3A_401 = tpu.memref_slice %arg20[%dma_start3A_399, %dma_start3A_400] : memref<10000x32xf32, #tpu.memory_space<vmem_shared>> -> memref<10000x32xf32, #tpu.memory_space<vmem_shared>>
        %dma_start3A_402 = tpu.memref_slice %arg21[%dma_start3A_395] : memref<8x!tpu.dma_semaphore, #tpu.memory_space<semaphore_mem>> -> memref<1x!tpu.dma_semaphore, #tpu.memory_space<semaphore_mem>>
        %dma_start3A_403 = tpu.memref_squeeze %dma_start3A_402 : memref<1x!tpu.dma_semaphore, #tpu.memory_space<semaphore_mem>> -> memref<!tpu.dma_semaphore, #tpu.memory_space<semaphore_mem>>
        tpu.enqueue_indirect_dma source(%dma_start3A_401 : memref<10000x32xf32, #tpu.memory_space<vmem_shared>>) target(%arg17 : memref<128x32xf32, #tpu.memory_space<vmem>>) offsets(%dma_start3A_398 : memref<128xi32, #tpu.memory_space<vmem>>) semaphore(%dma_start3A_403 : memref<!tpu.dma_semaphore, #tpu.memory_space<semaphore_mem>>)
      } else {
      }
      %dma_wait3A_204 = arith.constant 2 : i32
      %dma_wait3A_205 = arith.constant 0 : i32
      %dma_wait3A_206 = tpu.memref_slice %arg9[%add3A_191, %dma_wait3A_205] : memref<160x128xi32, #tpu.memory_space<vmem>> -> memref<1x128xi32, #tpu.memory_space<vmem>>
      %dma_wait3A_207 = tpu.memref_squeeze %dma_wait3A_206 : memref<1x128xi32, #tpu.memory_space<vmem>> -> memref<128xi32, #tpu.memory_space<vmem>>
      %dma_wait3A_208 = arith.constant 0 : i32
      %dma_wait3A_209 = arith.constant 0 : i32
      %dma_wait3A_210 = tpu.memref_slice %arg20[%dma_wait3A_208, %dma_wait3A_209] : memref<10000x32xf32, #tpu.memory_space<vmem_shared>> -> memref<10000x32xf32, #tpu.memory_space<vmem_shared>>
      %dma_wait3A_211 = tpu.memref_slice %arg21[%dma_wait3A_204] : memref<8x!tpu.dma_semaphore, #tpu.memory_space<semaphore_mem>> -> memref<1x!tpu.dma_semaphore, #tpu.memory_space<semaphore_mem>>
      %dma_wait3A_212 = tpu.memref_squeeze %dma_wait3A_211 : memref<1x!tpu.dma_semaphore, #tpu.memory_space<semaphore_mem>> -> memref<!tpu.dma_semaphore, #tpu.memory_space<semaphore_mem>>
      tpu.wait_indirect_dma semaphore(%dma_wait3A_212 : memref<!tpu.dma_semaphore, #tpu.memory_space<semaphore_mem>>) src(%dma_wait3A_210 : memref<10000x32xf32, #tpu.memory_space<vmem_shared>>) dst(%arg13 : memref<128x32xf32, #tpu.memory_space<vmem>>)
      %dma_start3A_213 = arith.constant 2 : i32
      %dma_start3A_214 = arith.constant 0 : i32
      %dma_start3A_215 = tpu.memref_slice %arg10[%add3A_191, %dma_start3A_214] : memref<160x128xi32, #tpu.memory_space<vmem>> -> memref<1x128xi32, #tpu.memory_space<vmem>>
      %dma_start3A_216 = tpu.memref_squeeze %dma_start3A_215 : memref<1x128xi32, #tpu.memory_space<vmem>> -> memref<128xi32, #tpu.memory_space<vmem>>
      %dma_start3A_217 = arith.constant 0 : i32
      %dma_start3A_218 = arith.constant 0 : i32
      %dma_start3A_219 = tpu.memref_slice %arg19[%dma_start3A_217, %dma_start3A_218] : memref<10240x32xf32, #tpu.memory_space<vmem_shared>> -> memref<10240x32xf32, #tpu.memory_space<vmem_shared>>
      %dma_start3A_220 = tpu.memref_slice %arg22[%dma_start3A_213] : memref<8x!tpu.dma_semaphore, #tpu.memory_space<semaphore_mem>> -> memref<1x!tpu.dma_semaphore, #tpu.memory_space<semaphore_mem>>
      %dma_start3A_221 = tpu.memref_squeeze %dma_start3A_220 : memref<1x!tpu.dma_semaphore, #tpu.memory_space<semaphore_mem>> -> memref<!tpu.dma_semaphore, #tpu.memory_space<semaphore_mem>>
      tpu.enqueue_indirect_dma source(%arg13 : memref<128x32xf32, #tpu.memory_space<vmem>>) target(%dma_start3A_219 : memref<10240x32xf32, #tpu.memory_space<vmem_shared>>) offsets(%dma_start3A_216 : memref<128xi32, #tpu.memory_space<vmem>>) semaphore(%dma_start3A_221 : memref<!tpu.dma_semaphore, #tpu.memory_space<semaphore_mem>>) {add = true}
      %mul3A_222 = arith.constant 8 : i32
      %mul3A_223 = arith.muli %scan3A_121, %mul3A_222 : i32
      %add3A_224 = arith.constant 3 : i32
      %add3A_225 = arith.addi %mul3A_223, %add3A_224 : i32
      %ge3A_226 = arith.constant 4 : i32
      %ge3A_227 = arith.cmpi sge, %add3A_225, %ge3A_226 : i32
      %convert_element_type3A_228 = arith.extui %ge3A_227 : i1 to i32
      %cond3A_229 = arith.constant 0 : i32
      %cond3A_230 = arith.cmpi ne, %convert_element_type3A_228, %cond3A_229 : i32
      scf.if %cond3A_230 {
        %sub3A = arith.constant 4 : i32
        %sub3A_393 = arith.subi %add3A_225, %sub3A : i32
        %dma_wait3A_394 = arith.constant 7 : i32
        %dma_wait3A_395 = arith.constant 0 : i32
        %dma_wait3A_396 = tpu.memref_slice %arg10[%sub3A_393, %dma_wait3A_395] : memref<160x128xi32, #tpu.memory_space<vmem>> -> memref<1x128xi32, #tpu.memory_space<vmem>>
        %dma_wait3A_397 = tpu.memref_squeeze %dma_wait3A_396 : memref<1x128xi32, #tpu.memory_space<vmem>> -> memref<128xi32, #tpu.memory_space<vmem>>
        %dma_wait3A_398 = arith.constant 0 : i32
        %dma_wait3A_399 = arith.constant 0 : i32
        %dma_wait3A_400 = tpu.memref_slice %arg19[%dma_wait3A_398, %dma_wait3A_399] : memref<10240x32xf32, #tpu.memory_space<vmem_shared>> -> memref<10240x32xf32, #tpu.memory_space<vmem_shared>>
        %dma_wait3A_401 = tpu.memref_slice %arg22[%dma_wait3A_394] : memref<8x!tpu.dma_semaphore, #tpu.memory_space<semaphore_mem>> -> memref<1x!tpu.dma_semaphore, #tpu.memory_space<semaphore_mem>>
        %dma_wait3A_402 = tpu.memref_squeeze %dma_wait3A_401 : memref<1x!tpu.dma_semaphore, #tpu.memory_space<semaphore_mem>> -> memref<!tpu.dma_semaphore, #tpu.memory_space<semaphore_mem>>
        tpu.wait_indirect_dma semaphore(%dma_wait3A_402 : memref<!tpu.dma_semaphore, #tpu.memory_space<semaphore_mem>>) src(%arg18 : memref<128x32xf32, #tpu.memory_space<vmem>>) dst(%dma_wait3A_400 : memref<10240x32xf32, #tpu.memory_space<vmem_shared>>)
      } else {
      }
      %add3A_231 = arith.constant 4 : i32
      %add3A_232 = arith.addi %add3A_225, %add3A_231 : i32
      %lt3A_233 = arith.constant 160 : i32
      %lt3A_234 = arith.cmpi slt, %add3A_232, %lt3A_233 : i32
      %convert_element_type3A_235 = arith.extui %lt3A_234 : i1 to i32
      %cond3A_236 = arith.constant 0 : i32
      %cond3A_237 = arith.cmpi ne, %convert_element_type3A_235, %cond3A_236 : i32
      scf.if %cond3A_237 {
        %add3A_393 = arith.constant 4 : i32
        %add3A_394 = arith.addi %add3A_225, %add3A_393 : i32
        %dma_start3A_395 = arith.constant 7 : i32
        %dma_start3A_396 = arith.constant 0 : i32
        %dma_start3A_397 = tpu.memref_slice %arg9[%add3A_394, %dma_start3A_396] : memref<160x128xi32, #tpu.memory_space<vmem>> -> memref<1x128xi32, #tpu.memory_space<vmem>>
        %dma_start3A_398 = tpu.memref_squeeze %dma_start3A_397 : memref<1x128xi32, #tpu.memory_space<vmem>> -> memref<128xi32, #tpu.memory_space<vmem>>
        %dma_start3A_399 = arith.constant 0 : i32
        %dma_start3A_400 = arith.constant 0 : i32
        %dma_start3A_401 = tpu.memref_slice %arg20[%dma_start3A_399, %dma_start3A_400] : memref<10000x32xf32, #tpu.memory_space<vmem_shared>> -> memref<10000x32xf32, #tpu.memory_space<vmem_shared>>
        %dma_start3A_402 = tpu.memref_slice %arg21[%dma_start3A_395] : memref<8x!tpu.dma_semaphore, #tpu.memory_space<semaphore_mem>> -> memref<1x!tpu.dma_semaphore, #tpu.memory_space<semaphore_mem>>
        %dma_start3A_403 = tpu.memref_squeeze %dma_start3A_402 : memref<1x!tpu.dma_semaphore, #tpu.memory_space<semaphore_mem>> -> memref<!tpu.dma_semaphore, #tpu.memory_space<semaphore_mem>>
        tpu.enqueue_indirect_dma source(%dma_start3A_401 : memref<10000x32xf32, #tpu.memory_space<vmem_shared>>) target(%arg18 : memref<128x32xf32, #tpu.memory_space<vmem>>) offsets(%dma_start3A_398 : memref<128xi32, #tpu.memory_space<vmem>>) semaphore(%dma_start3A_403 : memref<!tpu.dma_semaphore, #tpu.memory_space<semaphore_mem>>)
      } else {
      }
      %dma_wait3A_238 = arith.constant 3 : i32
      %dma_wait3A_239 = arith.constant 0 : i32
      %dma_wait3A_240 = tpu.memref_slice %arg9[%add3A_225, %dma_wait3A_239] : memref<160x128xi32, #tpu.memory_space<vmem>> -> memref<1x128xi32, #tpu.memory_space<vmem>>
      %dma_wait3A_241 = tpu.memref_squeeze %dma_wait3A_240 : memref<1x128xi32, #tpu.memory_space<vmem>> -> memref<128xi32, #tpu.memory_space<vmem>>
      %dma_wait3A_242 = arith.constant 0 : i32
      %dma_wait3A_243 = arith.constant 0 : i32
      %dma_wait3A_244 = tpu.memref_slice %arg20[%dma_wait3A_242, %dma_wait3A_243] : memref<10000x32xf32, #tpu.memory_space<vmem_shared>> -> memref<10000x32xf32, #tpu.memory_space<vmem_shared>>
      %dma_wait3A_245 = tpu.memref_slice %arg21[%dma_wait3A_238] : memref<8x!tpu.dma_semaphore, #tpu.memory_space<semaphore_mem>> -> memref<1x!tpu.dma_semaphore, #tpu.memory_space<semaphore_mem>>
      %dma_wait3A_246 = tpu.memref_squeeze %dma_wait3A_245 : memref<1x!tpu.dma_semaphore, #tpu.memory_space<semaphore_mem>> -> memref<!tpu.dma_semaphore, #tpu.memory_space<semaphore_mem>>
      tpu.wait_indirect_dma semaphore(%dma_wait3A_246 : memref<!tpu.dma_semaphore, #tpu.memory_space<semaphore_mem>>) src(%dma_wait3A_244 : memref<10000x32xf32, #tpu.memory_space<vmem_shared>>) dst(%arg14 : memref<128x32xf32, #tpu.memory_space<vmem>>)
      %dma_start3A_247 = arith.constant 3 : i32
      %dma_start3A_248 = arith.constant 0 : i32
      %dma_start3A_249 = tpu.memref_slice %arg10[%add3A_225, %dma_start3A_248] : memref<160x128xi32, #tpu.memory_space<vmem>> -> memref<1x128xi32, #tpu.memory_space<vmem>>
      %dma_start3A_250 = tpu.memref_squeeze %dma_start3A_249 : memref<1x128xi32, #tpu.memory_space<vmem>> -> memref<128xi32, #tpu.memory_space<vmem>>
      %dma_start3A_251 = arith.constant 0 : i32
      %dma_start3A_252 = arith.constant 0 : i32
      %dma_start3A_253 = tpu.memref_slice %arg19[%dma_start3A_251, %dma_start3A_252] : memref<10240x32xf32, #tpu.memory_space<vmem_shared>> -> memref<10240x32xf32, #tpu.memory_space<vmem_shared>>
      %dma_start3A_254 = tpu.memref_slice %arg22[%dma_start3A_247] : memref<8x!tpu.dma_semaphore, #tpu.memory_space<semaphore_mem>> -> memref<1x!tpu.dma_semaphore, #tpu.memory_space<semaphore_mem>>
      %dma_start3A_255 = tpu.memref_squeeze %dma_start3A_254 : memref<1x!tpu.dma_semaphore, #tpu.memory_space<semaphore_mem>> -> memref<!tpu.dma_semaphore, #tpu.memory_space<semaphore_mem>>
      tpu.enqueue_indirect_dma source(%arg14 : memref<128x32xf32, #tpu.memory_space<vmem>>) target(%dma_start3A_253 : memref<10240x32xf32, #tpu.memory_space<vmem_shared>>) offsets(%dma_start3A_250 : memref<128xi32, #tpu.memory_space<vmem>>) semaphore(%dma_start3A_255 : memref<!tpu.dma_semaphore, #tpu.memory_space<semaphore_mem>>) {add = true}
      %mul3A_256 = arith.constant 8 : i32
      %mul3A_257 = arith.muli %scan3A_121, %mul3A_256 : i32
      %add3A_258 = arith.constant 4 : i32
      %add3A_259 = arith.addi %mul3A_257, %add3A_258 : i32
      %ge3A_260 = arith.constant 4 : i32
      %ge3A_261 = arith.cmpi sge, %add3A_259, %ge3A_260 : i32
      %convert_element_type3A_262 = arith.extui %ge3A_261 : i1 to i32
      %cond3A_263 = arith.constant 0 : i32
      %cond3A_264 = arith.cmpi ne, %convert_element_type3A_262, %cond3A_263 : i32
      scf.if %cond3A_264 {
        %sub3A = arith.constant 4 : i32
        %sub3A_393 = arith.subi %add3A_259, %sub3A : i32
        %dma_wait3A_394 = arith.constant 0 : i32
        %dma_wait3A_395 = arith.constant 0 : i32
        %dma_wait3A_396 = tpu.memref_slice %arg10[%sub3A_393, %dma_wait3A_395] : memref<160x128xi32, #tpu.memory_space<vmem>> -> memref<1x128xi32, #tpu.memory_space<vmem>>
        %dma_wait3A_397 = tpu.memref_squeeze %dma_wait3A_396 : memref<1x128xi32, #tpu.memory_space<vmem>> -> memref<128xi32, #tpu.memory_space<vmem>>
        %dma_wait3A_398 = arith.constant 0 : i32
        %dma_wait3A_399 = arith.constant 0 : i32
        %dma_wait3A_400 = tpu.memref_slice %arg19[%dma_wait3A_398, %dma_wait3A_399] : memref<10240x32xf32, #tpu.memory_space<vmem_shared>> -> memref<10240x32xf32, #tpu.memory_space<vmem_shared>>
        %dma_wait3A_401 = tpu.memref_slice %arg22[%dma_wait3A_394] : memref<8x!tpu.dma_semaphore, #tpu.memory_space<semaphore_mem>> -> memref<1x!tpu.dma_semaphore, #tpu.memory_space<semaphore_mem>>
        %dma_wait3A_402 = tpu.memref_squeeze %dma_wait3A_401 : memref<1x!tpu.dma_semaphore, #tpu.memory_space<semaphore_mem>> -> memref<!tpu.dma_semaphore, #tpu.memory_space<semaphore_mem>>
        tpu.wait_indirect_dma semaphore(%dma_wait3A_402 : memref<!tpu.dma_semaphore, #tpu.memory_space<semaphore_mem>>) src(%arg11 : memref<128x32xf32, #tpu.memory_space<vmem>>) dst(%dma_wait3A_400 : memref<10240x32xf32, #tpu.memory_space<vmem_shared>>)
      } else {
      }
      %add3A_265 = arith.constant 4 : i32
      %add3A_266 = arith.addi %add3A_259, %add3A_265 : i32
      %lt3A_267 = arith.constant 160 : i32
      %lt3A_268 = arith.cmpi slt, %add3A_266, %lt3A_267 : i32
      %convert_element_type3A_269 = arith.extui %lt3A_268 : i1 to i32
      %cond3A_270 = arith.constant 0 : i32
      %cond3A_271 = arith.cmpi ne, %convert_element_type3A_269, %cond3A_270 : i32
      scf.if %cond3A_271 {
        %add3A_393 = arith.constant 4 : i32
        %add3A_394 = arith.addi %add3A_259, %add3A_393 : i32
        %dma_start3A_395 = arith.constant 0 : i32
        %dma_start3A_396 = arith.constant 0 : i32
        %dma_start3A_397 = tpu.memref_slice %arg9[%add3A_394, %dma_start3A_396] : memref<160x128xi32, #tpu.memory_space<vmem>> -> memref<1x128xi32, #tpu.memory_space<vmem>>
        %dma_start3A_398 = tpu.memref_squeeze %dma_start3A_397 : memref<1x128xi32, #tpu.memory_space<vmem>> -> memref<128xi32, #tpu.memory_space<vmem>>
        %dma_start3A_399 = arith.constant 0 : i32
        %dma_start3A_400 = arith.constant 0 : i32
        %dma_start3A_401 = tpu.memref_slice %arg20[%dma_start3A_399, %dma_start3A_400] : memref<10000x32xf32, #tpu.memory_space<vmem_shared>> -> memref<10000x32xf32, #tpu.memory_space<vmem_shared>>
        %dma_start3A_402 = tpu.memref_slice %arg21[%dma_start3A_395] : memref<8x!tpu.dma_semaphore, #tpu.memory_space<semaphore_mem>> -> memref<1x!tpu.dma_semaphore, #tpu.memory_space<semaphore_mem>>
        %dma_start3A_403 = tpu.memref_squeeze %dma_start3A_402 : memref<1x!tpu.dma_semaphore, #tpu.memory_space<semaphore_mem>> -> memref<!tpu.dma_semaphore, #tpu.memory_space<semaphore_mem>>
        tpu.enqueue_indirect_dma source(%dma_start3A_401 : memref<10000x32xf32, #tpu.memory_space<vmem_shared>>) target(%arg11 : memref<128x32xf32, #tpu.memory_space<vmem>>) offsets(%dma_start3A_398 : memref<128xi32, #tpu.memory_space<vmem>>) semaphore(%dma_start3A_403 : memref<!tpu.dma_semaphore, #tpu.memory_space<semaphore_mem>>)
      } else {
      }
      %dma_wait3A_272 = arith.constant 4 : i32
      %dma_wait3A_273 = arith.constant 0 : i32
      %dma_wait3A_274 = tpu.memref_slice %arg9[%add3A_259, %dma_wait3A_273] : memref<160x128xi32, #tpu.memory_space<vmem>> -> memref<1x128xi32, #tpu.memory_space<vmem>>
      %dma_wait3A_275 = tpu.memref_squeeze %dma_wait3A_274 : memref<1x128xi32, #tpu.memory_space<vmem>> -> memref<128xi32, #tpu.memory_space<vmem>>
      %dma_wait3A_276 = arith.constant 0 : i32
      %dma_wait3A_277 = arith.constant 0 : i32
      %dma_wait3A_278 = tpu.memref_slice %arg20[%dma_wait3A_276, %dma_wait3A_277] : memref<10000x32xf32, #tpu.memory_space<vmem_shared>> -> memref<10000x32xf32, #tpu.memory_space<vmem_shared>>
      %dma_wait3A_279 = tpu.memref_slice %arg21[%dma_wait3A_272] : memref<8x!tpu.dma_semaphore, #tpu.memory_space<semaphore_mem>> -> memref<1x!tpu.dma_semaphore, #tpu.memory_space<semaphore_mem>>
      %dma_wait3A_280 = tpu.memref_squeeze %dma_wait3A_279 : memref<1x!tpu.dma_semaphore, #tpu.memory_space<semaphore_mem>> -> memref<!tpu.dma_semaphore, #tpu.memory_space<semaphore_mem>>
      tpu.wait_indirect_dma semaphore(%dma_wait3A_280 : memref<!tpu.dma_semaphore, #tpu.memory_space<semaphore_mem>>) src(%dma_wait3A_278 : memref<10000x32xf32, #tpu.memory_space<vmem_shared>>) dst(%arg15 : memref<128x32xf32, #tpu.memory_space<vmem>>)
      %dma_start3A_281 = arith.constant 4 : i32
      %dma_start3A_282 = arith.constant 0 : i32
      %dma_start3A_283 = tpu.memref_slice %arg10[%add3A_259, %dma_start3A_282] : memref<160x128xi32, #tpu.memory_space<vmem>> -> memref<1x128xi32, #tpu.memory_space<vmem>>
      %dma_start3A_284 = tpu.memref_squeeze %dma_start3A_283 : memref<1x128xi32, #tpu.memory_space<vmem>> -> memref<128xi32, #tpu.memory_space<vmem>>
      %dma_start3A_285 = arith.constant 0 : i32
      %dma_start3A_286 = arith.constant 0 : i32
      %dma_start3A_287 = tpu.memref_slice %arg19[%dma_start3A_285, %dma_start3A_286] : memref<10240x32xf32, #tpu.memory_space<vmem_shared>> -> memref<10240x32xf32, #tpu.memory_space<vmem_shared>>
      %dma_start3A_288 = tpu.memref_slice %arg22[%dma_start3A_281] : memref<8x!tpu.dma_semaphore, #tpu.memory_space<semaphore_mem>> -> memref<1x!tpu.dma_semaphore, #tpu.memory_space<semaphore_mem>>
      %dma_start3A_289 = tpu.memref_squeeze %dma_start3A_288 : memref<1x!tpu.dma_semaphore, #tpu.memory_space<semaphore_mem>> -> memref<!tpu.dma_semaphore, #tpu.memory_space<semaphore_mem>>
      tpu.enqueue_indirect_dma source(%arg15 : memref<128x32xf32, #tpu.memory_space<vmem>>) target(%dma_start3A_287 : memref<10240x32xf32, #tpu.memory_space<vmem_shared>>) offsets(%dma_start3A_284 : memref<128xi32, #tpu.memory_space<vmem>>) semaphore(%dma_start3A_289 : memref<!tpu.dma_semaphore, #tpu.memory_space<semaphore_mem>>) {add = true}
      %mul3A_290 = arith.constant 8 : i32
      %mul3A_291 = arith.muli %scan3A_121, %mul3A_290 : i32
      %add3A_292 = arith.constant 5 : i32
      %add3A_293 = arith.addi %mul3A_291, %add3A_292 : i32
      %ge3A_294 = arith.constant 4 : i32
      %ge3A_295 = arith.cmpi sge, %add3A_293, %ge3A_294 : i32
      %convert_element_type3A_296 = arith.extui %ge3A_295 : i1 to i32
      %cond3A_297 = arith.constant 0 : i32
      %cond3A_298 = arith.cmpi ne, %convert_element_type3A_296, %cond3A_297 : i32
      scf.if %cond3A_298 {
        %sub3A = arith.constant 4 : i32
        %sub3A_393 = arith.subi %add3A_293, %sub3A : i32
        %dma_wait3A_394 = arith.constant 1 : i32
        %dma_wait3A_395 = arith.constant 0 : i32
        %dma_wait3A_396 = tpu.memref_slice %arg10[%sub3A_393, %dma_wait3A_395] : memref<160x128xi32, #tpu.memory_space<vmem>> -> memref<1x128xi32, #tpu.memory_space<vmem>>
        %dma_wait3A_397 = tpu.memref_squeeze %dma_wait3A_396 : memref<1x128xi32, #tpu.memory_space<vmem>> -> memref<128xi32, #tpu.memory_space<vmem>>
        %dma_wait3A_398 = arith.constant 0 : i32
        %dma_wait3A_399 = arith.constant 0 : i32
        %dma_wait3A_400 = tpu.memref_slice %arg19[%dma_wait3A_398, %dma_wait3A_399] : memref<10240x32xf32, #tpu.memory_space<vmem_shared>> -> memref<10240x32xf32, #tpu.memory_space<vmem_shared>>
        %dma_wait3A_401 = tpu.memref_slice %arg22[%dma_wait3A_394] : memref<8x!tpu.dma_semaphore, #tpu.memory_space<semaphore_mem>> -> memref<1x!tpu.dma_semaphore, #tpu.memory_space<semaphore_mem>>
        %dma_wait3A_402 = tpu.memref_squeeze %dma_wait3A_401 : memref<1x!tpu.dma_semaphore, #tpu.memory_space<semaphore_mem>> -> memref<!tpu.dma_semaphore, #tpu.memory_space<semaphore_mem>>
        tpu.wait_indirect_dma semaphore(%dma_wait3A_402 : memref<!tpu.dma_semaphore, #tpu.memory_space<semaphore_mem>>) src(%arg12 : memref<128x32xf32, #tpu.memory_space<vmem>>) dst(%dma_wait3A_400 : memref<10240x32xf32, #tpu.memory_space<vmem_shared>>)
      } else {
      }
      %add3A_299 = arith.constant 4 : i32
      %add3A_300 = arith.addi %add3A_293, %add3A_299 : i32
      %lt3A_301 = arith.constant 160 : i32
      %lt3A_302 = arith.cmpi slt, %add3A_300, %lt3A_301 : i32
      %convert_element_type3A_303 = arith.extui %lt3A_302 : i1 to i32
      %cond3A_304 = arith.constant 0 : i32
      %cond3A_305 = arith.cmpi ne, %convert_element_type3A_303, %cond3A_304 : i32
      scf.if %cond3A_305 {
        %add3A_393 = arith.constant 4 : i32
        %add3A_394 = arith.addi %add3A_293, %add3A_393 : i32
        %dma_start3A_395 = arith.constant 1 : i32
        %dma_start3A_396 = arith.constant 0 : i32
        %dma_start3A_397 = tpu.memref_slice %arg9[%add3A_394, %dma_start3A_396] : memref<160x128xi32, #tpu.memory_space<vmem>> -> memref<1x128xi32, #tpu.memory_space<vmem>>
        %dma_start3A_398 = tpu.memref_squeeze %dma_start3A_397 : memref<1x128xi32, #tpu.memory_space<vmem>> -> memref<128xi32, #tpu.memory_space<vmem>>
        %dma_start3A_399 = arith.constant 0 : i32
        %dma_start3A_400 = arith.constant 0 : i32
        %dma_start3A_401 = tpu.memref_slice %arg20[%dma_start3A_399, %dma_start3A_400] : memref<10000x32xf32, #tpu.memory_space<vmem_shared>> -> memref<10000x32xf32, #tpu.memory_space<vmem_shared>>
        %dma_start3A_402 = tpu.memref_slice %arg21[%dma_start3A_395] : memref<8x!tpu.dma_semaphore, #tpu.memory_space<semaphore_mem>> -> memref<1x!tpu.dma_semaphore, #tpu.memory_space<semaphore_mem>>
        %dma_start3A_403 = tpu.memref_squeeze %dma_start3A_402 : memref<1x!tpu.dma_semaphore, #tpu.memory_space<semaphore_mem>> -> memref<!tpu.dma_semaphore, #tpu.memory_space<semaphore_mem>>
        tpu.enqueue_indirect_dma source(%dma_start3A_401 : memref<10000x32xf32, #tpu.memory_space<vmem_shared>>) target(%arg12 : memref<128x32xf32, #tpu.memory_space<vmem>>) offsets(%dma_start3A_398 : memref<128xi32, #tpu.memory_space<vmem>>) semaphore(%dma_start3A_403 : memref<!tpu.dma_semaphore, #tpu.memory_space<semaphore_mem>>)
      } else {
      }
      %dma_wait3A_306 = arith.constant 5 : i32
      %dma_wait3A_307 = arith.constant 0 : i32
      %dma_wait3A_308 = tpu.memref_slice %arg9[%add3A_293, %dma_wait3A_307] : memref<160x128xi32, #tpu.memory_space<vmem>> -> memref<1x128xi32, #tpu.memory_space<vmem>>
      %dma_wait3A_309 = tpu.memref_squeeze %dma_wait3A_308 : memref<1x128xi32, #tpu.memory_space<vmem>> -> memref<128xi32, #tpu.memory_space<vmem>>
      %dma_wait3A_310 = arith.constant 0 : i32
      %dma_wait3A_311 = arith.constant 0 : i32
      %dma_wait3A_312 = tpu.memref_slice %arg20[%dma_wait3A_310, %dma_wait3A_311] : memref<10000x32xf32, #tpu.memory_space<vmem_shared>> -> memref<10000x32xf32, #tpu.memory_space<vmem_shared>>
      %dma_wait3A_313 = tpu.memref_slice %arg21[%dma_wait3A_306] : memref<8x!tpu.dma_semaphore, #tpu.memory_space<semaphore_mem>> -> memref<1x!tpu.dma_semaphore, #tpu.memory_space<semaphore_mem>>
      %dma_wait3A_314 = tpu.memref_squeeze %dma_wait3A_313 : memref<1x!tpu.dma_semaphore, #tpu.memory_space<semaphore_mem>> -> memref<!tpu.dma_semaphore, #tpu.memory_space<semaphore_mem>>
      tpu.wait_indirect_dma semaphore(%dma_wait3A_314 : memref<!tpu.dma_semaphore, #tpu.memory_space<semaphore_mem>>) src(%dma_wait3A_312 : memref<10000x32xf32, #tpu.memory_space<vmem_shared>>) dst(%arg16 : memref<128x32xf32, #tpu.memory_space<vmem>>)
      %dma_start3A_315 = arith.constant 5 : i32
      %dma_start3A_316 = arith.constant 0 : i32
      %dma_start3A_317 = tpu.memref_slice %arg10[%add3A_293, %dma_start3A_316] : memref<160x128xi32, #tpu.memory_space<vmem>> -> memref<1x128xi32, #tpu.memory_space<vmem>>
      %dma_start3A_318 = tpu.memref_squeeze %dma_start3A_317 : memref<1x128xi32, #tpu.memory_space<vmem>> -> memref<128xi32, #tpu.memory_space<vmem>>
      %dma_start3A_319 = arith.constant 0 : i32
      %dma_start3A_320 = arith.constant 0 : i32
      %dma_start3A_321 = tpu.memref_slice %arg19[%dma_start3A_319, %dma_start3A_320] : memref<10240x32xf32, #tpu.memory_space<vmem_shared>> -> memref<10240x32xf32, #tpu.memory_space<vmem_shared>>
      %dma_start3A_322 = tpu.memref_slice %arg22[%dma_start3A_315] : memref<8x!tpu.dma_semaphore, #tpu.memory_space<semaphore_mem>> -> memref<1x!tpu.dma_semaphore, #tpu.memory_space<semaphore_mem>>
      %dma_start3A_323 = tpu.memref_squeeze %dma_start3A_322 : memref<1x!tpu.dma_semaphore, #tpu.memory_space<semaphore_mem>> -> memref<!tpu.dma_semaphore, #tpu.memory_space<semaphore_mem>>
      tpu.enqueue_indirect_dma source(%arg16 : memref<128x32xf32, #tpu.memory_space<vmem>>) target(%dma_start3A_321 : memref<10240x32xf32, #tpu.memory_space<vmem_shared>>) offsets(%dma_start3A_318 : memref<128xi32, #tpu.memory_space<vmem>>) semaphore(%dma_start3A_323 : memref<!tpu.dma_semaphore, #tpu.memory_space<semaphore_mem>>) {add = true}
      %mul3A_324 = arith.constant 8 : i32
      %mul3A_325 = arith.muli %scan3A_121, %mul3A_324 : i32
      %add3A_326 = arith.constant 6 : i32
      %add3A_327 = arith.addi %mul3A_325, %add3A_326 : i32
      %ge3A_328 = arith.constant 4 : i32
      %ge3A_329 = arith.cmpi sge, %add3A_327, %ge3A_328 : i32
      %convert_element_type3A_330 = arith.extui %ge3A_329 : i1 to i32
      %cond3A_331 = arith.constant 0 : i32
      %cond3A_332 = arith.cmpi ne, %convert_element_type3A_330, %cond3A_331 : i32
      scf.if %cond3A_332 {
        %sub3A = arith.constant 4 : i32
        %sub3A_393 = arith.subi %add3A_327, %sub3A : i32
        %dma_wait3A_394 = arith.constant 2 : i32
        %dma_wait3A_395 = arith.constant 0 : i32
        %dma_wait3A_396 = tpu.memref_slice %arg10[%sub3A_393, %dma_wait3A_395] : memref<160x128xi32, #tpu.memory_space<vmem>> -> memref<1x128xi32, #tpu.memory_space<vmem>>
        %dma_wait3A_397 = tpu.memref_squeeze %dma_wait3A_396 : memref<1x128xi32, #tpu.memory_space<vmem>> -> memref<128xi32, #tpu.memory_space<vmem>>
        %dma_wait3A_398 = arith.constant 0 : i32
        %dma_wait3A_399 = arith.constant 0 : i32
        %dma_wait3A_400 = tpu.memref_slice %arg19[%dma_wait3A_398, %dma_wait3A_399] : memref<10240x32xf32, #tpu.memory_space<vmem_shared>> -> memref<10240x32xf32, #tpu.memory_space<vmem_shared>>
        %dma_wait3A_401 = tpu.memref_slice %arg22[%dma_wait3A_394] : memref<8x!tpu.dma_semaphore, #tpu.memory_space<semaphore_mem>> -> memref<1x!tpu.dma_semaphore, #tpu.memory_space<semaphore_mem>>
        %dma_wait3A_402 = tpu.memref_squeeze %dma_wait3A_401 : memref<1x!tpu.dma_semaphore, #tpu.memory_space<semaphore_mem>> -> memref<!tpu.dma_semaphore, #tpu.memory_space<semaphore_mem>>
        tpu.wait_indirect_dma semaphore(%dma_wait3A_402 : memref<!tpu.dma_semaphore, #tpu.memory_space<semaphore_mem>>) src(%arg13 : memref<128x32xf32, #tpu.memory_space<vmem>>) dst(%dma_wait3A_400 : memref<10240x32xf32, #tpu.memory_space<vmem_shared>>)
      } else {
      }
      %add3A_333 = arith.constant 4 : i32
      %add3A_334 = arith.addi %add3A_327, %add3A_333 : i32
      %lt3A_335 = arith.constant 160 : i32
      %lt3A_336 = arith.cmpi slt, %add3A_334, %lt3A_335 : i32
      %convert_element_type3A_337 = arith.extui %lt3A_336 : i1 to i32
      %cond3A_338 = arith.constant 0 : i32
      %cond3A_339 = arith.cmpi ne, %convert_element_type3A_337, %cond3A_338 : i32
      scf.if %cond3A_339 {
        %add3A_393 = arith.constant 4 : i32
        %add3A_394 = arith.addi %add3A_327, %add3A_393 : i32
        %dma_start3A_395 = arith.constant 2 : i32
        %dma_start3A_396 = arith.constant 0 : i32
        %dma_start3A_397 = tpu.memref_slice %arg9[%add3A_394, %dma_start3A_396] : memref<160x128xi32, #tpu.memory_space<vmem>> -> memref<1x128xi32, #tpu.memory_space<vmem>>
        %dma_start3A_398 = tpu.memref_squeeze %dma_start3A_397 : memref<1x128xi32, #tpu.memory_space<vmem>> -> memref<128xi32, #tpu.memory_space<vmem>>
        %dma_start3A_399 = arith.constant 0 : i32
        %dma_start3A_400 = arith.constant 0 : i32
        %dma_start3A_401 = tpu.memref_slice %arg20[%dma_start3A_399, %dma_start3A_400] : memref<10000x32xf32, #tpu.memory_space<vmem_shared>> -> memref<10000x32xf32, #tpu.memory_space<vmem_shared>>
        %dma_start3A_402 = tpu.memref_slice %arg21[%dma_start3A_395] : memref<8x!tpu.dma_semaphore, #tpu.memory_space<semaphore_mem>> -> memref<1x!tpu.dma_semaphore, #tpu.memory_space<semaphore_mem>>
        %dma_start3A_403 = tpu.memref_squeeze %dma_start3A_402 : memref<1x!tpu.dma_semaphore, #tpu.memory_space<semaphore_mem>> -> memref<!tpu.dma_semaphore, #tpu.memory_space<semaphore_mem>>
        tpu.enqueue_indirect_dma source(%dma_start3A_401 : memref<10000x32xf32, #tpu.memory_space<vmem_shared>>) target(%arg13 : memref<128x32xf32, #tpu.memory_space<vmem>>) offsets(%dma_start3A_398 : memref<128xi32, #tpu.memory_space<vmem>>) semaphore(%dma_start3A_403 : memref<!tpu.dma_semaphore, #tpu.memory_space<semaphore_mem>>)
      } else {
      }
      %dma_wait3A_340 = arith.constant 6 : i32
      %dma_wait3A_341 = arith.constant 0 : i32
      %dma_wait3A_342 = tpu.memref_slice %arg9[%add3A_327, %dma_wait3A_341] : memref<160x128xi32, #tpu.memory_space<vmem>> -> memref<1x128xi32, #tpu.memory_space<vmem>>
      %dma_wait3A_343 = tpu.memref_squeeze %dma_wait3A_342 : memref<1x128xi32, #tpu.memory_space<vmem>> -> memref<128xi32, #tpu.memory_space<vmem>>
      %dma_wait3A_344 = arith.constant 0 : i32
      %dma_wait3A_345 = arith.constant 0 : i32
      %dma_wait3A_346 = tpu.memref_slice %arg20[%dma_wait3A_344, %dma_wait3A_345] : memref<10000x32xf32, #tpu.memory_space<vmem_shared>> -> memref<10000x32xf32, #tpu.memory_space<vmem_shared>>
      %dma_wait3A_347 = tpu.memref_slice %arg21[%dma_wait3A_340] : memref<8x!tpu.dma_semaphore, #tpu.memory_space<semaphore_mem>> -> memref<1x!tpu.dma_semaphore, #tpu.memory_space<semaphore_mem>>
      %dma_wait3A_348 = tpu.memref_squeeze %dma_wait3A_347 : memref<1x!tpu.dma_semaphore, #tpu.memory_space<semaphore_mem>> -> memref<!tpu.dma_semaphore, #tpu.memory_space<semaphore_mem>>
      tpu.wait_indirect_dma semaphore(%dma_wait3A_348 : memref<!tpu.dma_semaphore, #tpu.memory_space<semaphore_mem>>) src(%dma_wait3A_346 : memref<10000x32xf32, #tpu.memory_space<vmem_shared>>) dst(%arg17 : memref<128x32xf32, #tpu.memory_space<vmem>>)
      %dma_start3A_349 = arith.constant 6 : i32
      %dma_start3A_350 = arith.constant 0 : i32
      %dma_start3A_351 = tpu.memref_slice %arg10[%add3A_327, %dma_start3A_350] : memref<160x128xi32, #tpu.memory_space<vmem>> -> memref<1x128xi32, #tpu.memory_space<vmem>>
      %dma_start3A_352 = tpu.memref_squeeze %dma_start3A_351 : memref<1x128xi32, #tpu.memory_space<vmem>> -> memref<128xi32, #tpu.memory_space<vmem>>
      %dma_start3A_353 = arith.constant 0 : i32
      %dma_start3A_354 = arith.constant 0 : i32
      %dma_start3A_355 = tpu.memref_slice %arg19[%dma_start3A_353, %dma_start3A_354] : memref<10240x32xf32, #tpu.memory_space<vmem_shared>> -> memref<10240x32xf32, #tpu.memory_space<vmem_shared>>
      %dma_start3A_356 = tpu.memref_slice %arg22[%dma_start3A_349] : memref<8x!tpu.dma_semaphore, #tpu.memory_space<semaphore_mem>> -> memref<1x!tpu.dma_semaphore, #tpu.memory_space<semaphore_mem>>
      %dma_start3A_357 = tpu.memref_squeeze %dma_start3A_356 : memref<1x!tpu.dma_semaphore, #tpu.memory_space<semaphore_mem>> -> memref<!tpu.dma_semaphore, #tpu.memory_space<semaphore_mem>>
      tpu.enqueue_indirect_dma source(%arg17 : memref<128x32xf32, #tpu.memory_space<vmem>>) target(%dma_start3A_355 : memref<10240x32xf32, #tpu.memory_space<vmem_shared>>) offsets(%dma_start3A_352 : memref<128xi32, #tpu.memory_space<vmem>>) semaphore(%dma_start3A_357 : memref<!tpu.dma_semaphore, #tpu.memory_space<semaphore_mem>>) {add = true}
      %mul3A_358 = arith.constant 8 : i32
      %mul3A_359 = arith.muli %scan3A_121, %mul3A_358 : i32
      %add3A_360 = arith.constant 7 : i32
      %add3A_361 = arith.addi %mul3A_359, %add3A_360 : i32
      %ge3A_362 = arith.constant 4 : i32
      %ge3A_363 = arith.cmpi sge, %add3A_361, %ge3A_362 : i32
      %convert_element_type3A_364 = arith.extui %ge3A_363 : i1 to i32
      %cond3A_365 = arith.constant 0 : i32
      %cond3A_366 = arith.cmpi ne, %convert_element_type3A_364, %cond3A_365 : i32
      scf.if %cond3A_366 {
        %sub3A = arith.constant 4 : i32
        %sub3A_393 = arith.subi %add3A_361, %sub3A : i32
        %dma_wait3A_394 = arith.constant 3 : i32
        %dma_wait3A_395 = arith.constant 0 : i32
        %dma_wait3A_396 = tpu.memref_slice %arg10[%sub3A_393, %dma_wait3A_395] : memref<160x128xi32, #tpu.memory_space<vmem>> -> memref<1x128xi32, #tpu.memory_space<vmem>>
        %dma_wait3A_397 = tpu.memref_squeeze %dma_wait3A_396 : memref<1x128xi32, #tpu.memory_space<vmem>> -> memref<128xi32, #tpu.memory_space<vmem>>
        %dma_wait3A_398 = arith.constant 0 : i32
        %dma_wait3A_399 = arith.constant 0 : i32
        %dma_wait3A_400 = tpu.memref_slice %arg19[%dma_wait3A_398, %dma_wait3A_399] : memref<10240x32xf32, #tpu.memory_space<vmem_shared>> -> memref<10240x32xf32, #tpu.memory_space<vmem_shared>>
        %dma_wait3A_401 = tpu.memref_slice %arg22[%dma_wait3A_394] : memref<8x!tpu.dma_semaphore, #tpu.memory_space<semaphore_mem>> -> memref<1x!tpu.dma_semaphore, #tpu.memory_space<semaphore_mem>>
        %dma_wait3A_402 = tpu.memref_squeeze %dma_wait3A_401 : memref<1x!tpu.dma_semaphore, #tpu.memory_space<semaphore_mem>> -> memref<!tpu.dma_semaphore, #tpu.memory_space<semaphore_mem>>
        tpu.wait_indirect_dma semaphore(%dma_wait3A_402 : memref<!tpu.dma_semaphore, #tpu.memory_space<semaphore_mem>>) src(%arg14 : memref<128x32xf32, #tpu.memory_space<vmem>>) dst(%dma_wait3A_400 : memref<10240x32xf32, #tpu.memory_space<vmem_shared>>)
      } else {
      }
      %add3A_367 = arith.constant 4 : i32
      %add3A_368 = arith.addi %add3A_361, %add3A_367 : i32
      %lt3A_369 = arith.constant 160 : i32
      %lt3A_370 = arith.cmpi slt, %add3A_368, %lt3A_369 : i32
      %convert_element_type3A_371 = arith.extui %lt3A_370 : i1 to i32
      %cond3A_372 = arith.constant 0 : i32
      %cond3A_373 = arith.cmpi ne, %convert_element_type3A_371, %cond3A_372 : i32
      scf.if %cond3A_373 {
        %add3A_393 = arith.constant 4 : i32
        %add3A_394 = arith.addi %add3A_361, %add3A_393 : i32
        %dma_start3A_395 = arith.constant 3 : i32
        %dma_start3A_396 = arith.constant 0 : i32
        %dma_start3A_397 = tpu.memref_slice %arg9[%add3A_394, %dma_start3A_396] : memref<160x128xi32, #tpu.memory_space<vmem>> -> memref<1x128xi32, #tpu.memory_space<vmem>>
        %dma_start3A_398 = tpu.memref_squeeze %dma_start3A_397 : memref<1x128xi32, #tpu.memory_space<vmem>> -> memref<128xi32, #tpu.memory_space<vmem>>
        %dma_start3A_399 = arith.constant 0 : i32
        %dma_start3A_400 = arith.constant 0 : i32
        %dma_start3A_401 = tpu.memref_slice %arg20[%dma_start3A_399, %dma_start3A_400] : memref<10000x32xf32, #tpu.memory_space<vmem_shared>> -> memref<10000x32xf32, #tpu.memory_space<vmem_shared>>
        %dma_start3A_402 = tpu.memref_slice %arg21[%dma_start3A_395] : memref<8x!tpu.dma_semaphore, #tpu.memory_space<semaphore_mem>> -> memref<1x!tpu.dma_semaphore, #tpu.memory_space<semaphore_mem>>
        %dma_start3A_403 = tpu.memref_squeeze %dma_start3A_402 : memref<1x!tpu.dma_semaphore, #tpu.memory_space<semaphore_mem>> -> memref<!tpu.dma_semaphore, #tpu.memory_space<semaphore_mem>>
        tpu.enqueue_indirect_dma source(%dma_start3A_401 : memref<10000x32xf32, #tpu.memory_space<vmem_shared>>) target(%arg14 : memref<128x32xf32, #tpu.memory_space<vmem>>) offsets(%dma_start3A_398 : memref<128xi32, #tpu.memory_space<vmem>>) semaphore(%dma_start3A_403 : memref<!tpu.dma_semaphore, #tpu.memory_space<semaphore_mem>>)
      } else {
      }
      %dma_wait3A_374 = arith.constant 7 : i32
      %dma_wait3A_375 = arith.constant 0 : i32
      %dma_wait3A_376 = tpu.memref_slice %arg9[%add3A_361, %dma_wait3A_375] : memref<160x128xi32, #tpu.memory_space<vmem>> -> memref<1x128xi32, #tpu.memory_space<vmem>>
      %dma_wait3A_377 = tpu.memref_squeeze %dma_wait3A_376 : memref<1x128xi32, #tpu.memory_space<vmem>> -> memref<128xi32, #tpu.memory_space<vmem>>
      %dma_wait3A_378 = arith.constant 0 : i32
      %dma_wait3A_379 = arith.constant 0 : i32
      %dma_wait3A_380 = tpu.memref_slice %arg20[%dma_wait3A_378, %dma_wait3A_379] : memref<10000x32xf32, #tpu.memory_space<vmem_shared>> -> memref<10000x32xf32, #tpu.memory_space<vmem_shared>>
      %dma_wait3A_381 = tpu.memref_slice %arg21[%dma_wait3A_374] : memref<8x!tpu.dma_semaphore, #tpu.memory_space<semaphore_mem>> -> memref<1x!tpu.dma_semaphore, #tpu.memory_space<semaphore_mem>>
      %dma_wait3A_382 = tpu.memref_squeeze %dma_wait3A_381 : memref<1x!tpu.dma_semaphore, #tpu.memory_space<semaphore_mem>> -> memref<!tpu.dma_semaphore, #tpu.memory_space<semaphore_mem>>
      tpu.wait_indirect_dma semaphore(%dma_wait3A_382 : memref<!tpu.dma_semaphore, #tpu.memory_space<semaphore_mem>>) src(%dma_wait3A_380 : memref<10000x32xf32, #tpu.memory_space<vmem_shared>>) dst(%arg18 : memref<128x32xf32, #tpu.memory_space<vmem>>)
      %dma_start3A_383 = arith.constant 7 : i32
      %dma_start3A_384 = arith.constant 0 : i32
      %dma_start3A_385 = tpu.memref_slice %arg10[%add3A_361, %dma_start3A_384] : memref<160x128xi32, #tpu.memory_space<vmem>> -> memref<1x128xi32, #tpu.memory_space<vmem>>
      %dma_start3A_386 = tpu.memref_squeeze %dma_start3A_385 : memref<1x128xi32, #tpu.memory_space<vmem>> -> memref<128xi32, #tpu.memory_space<vmem>>
      %dma_start3A_387 = arith.constant 0 : i32
      %dma_start3A_388 = arith.constant 0 : i32
      %dma_start3A_389 = tpu.memref_slice %arg19[%dma_start3A_387, %dma_start3A_388] : memref<10240x32xf32, #tpu.memory_space<vmem_shared>> -> memref<10240x32xf32, #tpu.memory_space<vmem_shared>>
      %dma_start3A_390 = tpu.memref_slice %arg22[%dma_start3A_383] : memref<8x!tpu.dma_semaphore, #tpu.memory_space<semaphore_mem>> -> memref<1x!tpu.dma_semaphore, #tpu.memory_space<semaphore_mem>>
      %dma_start3A_391 = tpu.memref_squeeze %dma_start3A_390 : memref<1x!tpu.dma_semaphore, #tpu.memory_space<semaphore_mem>> -> memref<!tpu.dma_semaphore, #tpu.memory_space<semaphore_mem>>
      tpu.enqueue_indirect_dma source(%arg18 : memref<128x32xf32, #tpu.memory_space<vmem>>) target(%dma_start3A_389 : memref<10240x32xf32, #tpu.memory_space<vmem_shared>>) offsets(%dma_start3A_386 : memref<128xi32, #tpu.memory_space<vmem>>) semaphore(%dma_start3A_391 : memref<!tpu.dma_semaphore, #tpu.memory_space<semaphore_mem>>) {add = true}
      %scan3A_392 = arith.constant 0 : i32
      scf.yield %scan3A_392 : i32
    }
    %scan3A_64 = arith.constant 20 : i32
    %dma_wait3A = arith.constant 156 : i32
    %dma_wait3A_65 = arith.constant 4 : i32
    %dma_wait3A_66 = arith.constant 0 : i32
    %dma_wait3A_67 = tpu.memref_slice %arg10[%dma_wait3A, %dma_wait3A_66] : memref<160x128xi32, #tpu.memory_space<vmem>> -> memref<1x128xi32, #tpu.memory_space<vmem>>
    %dma_wait3A_68 = tpu.memref_squeeze %dma_wait3A_67 : memref<1x128xi32, #tpu.memory_space<vmem>> -> memref<128xi32, #tpu.memory_space<vmem>>
    %dma_wait3A_69 = arith.constant 0 : i32
    %dma_wait3A_70 = arith.constant 0 : i32
    %dma_wait3A_71 = tpu.memref_slice %arg19[%dma_wait3A_69, %dma_wait3A_70] : memref<10240x32xf32, #tpu.memory_space<vmem_shared>> -> memref<10240x32xf32, #tpu.memory_space<vmem_shared>>
    %dma_wait3A_72 = tpu.memref_slice %arg22[%dma_wait3A_65] : memref<8x!tpu.dma_semaphore, #tpu.memory_space<semaphore_mem>> -> memref<1x!tpu.dma_semaphore, #tpu.memory_space<semaphore_mem>>
    %dma_wait3A_73 = tpu.memref_squeeze %dma_wait3A_72 : memref<1x!tpu.dma_semaphore, #tpu.memory_space<semaphore_mem>> -> memref<!tpu.dma_semaphore, #tpu.memory_space<semaphore_mem>>
    tpu.wait_indirect_dma semaphore(%dma_wait3A_73 : memref<!tpu.dma_semaphore, #tpu.memory_space<semaphore_mem>>) src(%arg15 : memref<128x32xf32, #tpu.memory_space<vmem>>) dst(%dma_wait3A_71 : memref<10240x32xf32, #tpu.memory_space<vmem_shared>>)
    %dma_wait3A_74 = arith.constant 157 : i32
    %dma_wait3A_75 = arith.constant 5 : i32
    %dma_wait3A_76 = arith.constant 0 : i32
    %dma_wait3A_77 = tpu.memref_slice %arg10[%dma_wait3A_74, %dma_wait3A_76] : memref<160x128xi32, #tpu.memory_space<vmem>> -> memref<1x128xi32, #tpu.memory_space<vmem>>
    %dma_wait3A_78 = tpu.memref_squeeze %dma_wait3A_77 : memref<1x128xi32, #tpu.memory_space<vmem>> -> memref<128xi32, #tpu.memory_space<vmem>>
    %dma_wait3A_79 = arith.constant 0 : i32
    %dma_wait3A_80 = arith.constant 0 : i32
    %dma_wait3A_81 = tpu.memref_slice %arg19[%dma_wait3A_79, %dma_wait3A_80] : memref<10240x32xf32, #tpu.memory_space<vmem_shared>> -> memref<10240x32xf32, #tpu.memory_space<vmem_shared>>
    %dma_wait3A_82 = tpu.memref_slice %arg22[%dma_wait3A_75] : memref<8x!tpu.dma_semaphore, #tpu.memory_space<semaphore_mem>> -> memref<1x!tpu.dma_semaphore, #tpu.memory_space<semaphore_mem>>
    %dma_wait3A_83 = tpu.memref_squeeze %dma_wait3A_82 : memref<1x!tpu.dma_semaphore, #tpu.memory_space<semaphore_mem>> -> memref<!tpu.dma_semaphore, #tpu.memory_space<semaphore_mem>>
    tpu.wait_indirect_dma semaphore(%dma_wait3A_83 : memref<!tpu.dma_semaphore, #tpu.memory_space<semaphore_mem>>) src(%arg16 : memref<128x32xf32, #tpu.memory_space<vmem>>) dst(%dma_wait3A_81 : memref<10240x32xf32, #tpu.memory_space<vmem_shared>>)
    %dma_wait3A_84 = arith.constant 158 : i32
    %dma_wait3A_85 = arith.constant 6 : i32
    %dma_wait3A_86 = arith.constant 0 : i32
    %dma_wait3A_87 = tpu.memref_slice %arg10[%dma_wait3A_84, %dma_wait3A_86] : memref<160x128xi32, #tpu.memory_space<vmem>> -> memref<1x128xi32, #tpu.memory_space<vmem>>
    %dma_wait3A_88 = tpu.memref_squeeze %dma_wait3A_87 : memref<1x128xi32, #tpu.memory_space<vmem>> -> memref<128xi32, #tpu.memory_space<vmem>>
    %dma_wait3A_89 = arith.constant 0 : i32
    %dma_wait3A_90 = arith.constant 0 : i32
    %dma_wait3A_91 = tpu.memref_slice %arg19[%dma_wait3A_89, %dma_wait3A_90] : memref<10240x32xf32, #tpu.memory_space<vmem_shared>> -> memref<10240x32xf32, #tpu.memory_space<vmem_shared>>
    %dma_wait3A_92 = tpu.memref_slice %arg22[%dma_wait3A_85] : memref<8x!tpu.dma_semaphore, #tpu.memory_space<semaphore_mem>> -> memref<1x!tpu.dma_semaphore, #tpu.memory_space<semaphore_mem>>
    %dma_wait3A_93 = tpu.memref_squeeze %dma_wait3A_92 : memref<1x!tpu.dma_semaphore, #tpu.memory_space<semaphore_mem>> -> memref<!tpu.dma_semaphore, #tpu.memory_space<semaphore_mem>>
    tpu.wait_indirect_dma semaphore(%dma_wait3A_93 : memref<!tpu.dma_semaphore, #tpu.memory_space<semaphore_mem>>) src(%arg17 : memref<128x32xf32, #tpu.memory_space<vmem>>) dst(%dma_wait3A_91 : memref<10240x32xf32, #tpu.memory_space<vmem_shared>>)
    %dma_wait3A_94 = arith.constant 159 : i32
    %dma_wait3A_95 = arith.constant 7 : i32
    %dma_wait3A_96 = arith.constant 0 : i32
    %dma_wait3A_97 = tpu.memref_slice %arg10[%dma_wait3A_94, %dma_wait3A_96] : memref<160x128xi32, #tpu.memory_space<vmem>> -> memref<1x128xi32, #tpu.memory_space<vmem>>
    %dma_wait3A_98 = tpu.memref_squeeze %dma_wait3A_97 : memref<1x128xi32, #tpu.memory_space<vmem>> -> memref<128xi32, #tpu.memory_space<vmem>>
    %dma_wait3A_99 = arith.constant 0 : i32
    %dma_wait3A_100 = arith.constant 0 : i32
    %dma_wait3A_101 = tpu.memref_slice %arg19[%dma_wait3A_99, %dma_wait3A_100] : memref<10240x32xf32, #tpu.memory_space<vmem_shared>> -> memref<10240x32xf32, #tpu.memory_space<vmem_shared>>
    %dma_wait3A_102 = tpu.memref_slice %arg22[%dma_wait3A_95] : memref<8x!tpu.dma_semaphore, #tpu.memory_space<semaphore_mem>> -> memref<1x!tpu.dma_semaphore, #tpu.memory_space<semaphore_mem>>
    %dma_wait3A_103 = tpu.memref_squeeze %dma_wait3A_102 : memref<1x!tpu.dma_semaphore, #tpu.memory_space<semaphore_mem>> -> memref<!tpu.dma_semaphore, #tpu.memory_space<semaphore_mem>>
    tpu.wait_indirect_dma semaphore(%dma_wait3A_103 : memref<!tpu.dma_semaphore, #tpu.memory_space<semaphore_mem>>) src(%arg18 : memref<128x32xf32, #tpu.memory_space<vmem>>) dst(%dma_wait3A_101 : memref<10240x32xf32, #tpu.memory_space<vmem_shared>>)
    %barrier3A_104 = arith.constant 0 : index
    tpu.barrier barrier_id(%barrier3A_104)
    %eq3A_105 = arith.constant 0 : i32
    %eq3A_106 = arith.cmpi eq, %arg1, %eq3A_105 : i32
    %eq3A_107 = arith.constant 0 : i32
    %eq3A_108 = arith.cmpi eq, %arg0, %eq3A_107 : i32
    %and3A_109 = arith.andi %eq3A_106, %eq3A_108 : i1
    %convert_element_type3A_110 = arith.extui %and3A_109 : i1 to i32
    %cond3A_111 = arith.constant 0 : i32
    %cond3A_112 = arith.cmpi ne, %convert_element_type3A_110, %cond3A_111 : i32
    scf.if %cond3A_112 {
      "tpu.region"() ({
        %run_scoped3A = tpu.sem_alloc : memref<!tpu.dma_semaphore, #tpu.memory_space<semaphore_mem>>
        tpu.enqueue_dma source(%arg19 : memref<10240x32xf32, #tpu.memory_space<vmem_shared>>) target(%arg7 : memref<10240x32xf32, #tpu.memory_space<hbm>>) target_semaphore(%run_scoped3A : memref<!tpu.dma_semaphore, #tpu.memory_space<semaphore_mem>>)
        tpu.wait_dma2 semaphore(%run_scoped3A : memref<!tpu.dma_semaphore, #tpu.memory_space<semaphore_mem>>) src(%arg19 : memref<10240x32xf32, #tpu.memory_space<vmem_shared>>) dst(%arg7 : memref<10240x32xf32, #tpu.memory_space<hbm>>)
        tpu.yield
      }) : () -> ()
    } else {
    }
    %eq3A_113 = arith.constant 0 : i32
    %eq3A_114 = arith.cmpi eq, %arg1, %eq3A_113 : i32
    %eq3A_115 = arith.constant 1 : i32
    %eq3A_116 = arith.cmpi eq, %arg0, %eq3A_115 : i32
    %and3A_117 = arith.andi %eq3A_114, %eq3A_116 : i1
    %convert_element_type3A_118 = arith.extui %and3A_117 : i1 to i32
    %cond3A_119 = arith.constant 0 : i32
    %cond3A_120 = arith.cmpi ne, %convert_element_type3A_118, %cond3A_119 : i32
    scf.if %cond3A_120 {
      "tpu.region"() ({
        %run_scoped3A = tpu.sem_alloc : memref<!tpu.dma_semaphore, #tpu.memory_space<semaphore_mem>>
        tpu.enqueue_dma source(%arg19 : memref<10240x32xf32, #tpu.memory_space<vmem_shared>>) target(%arg8 : memref<10240x32xf32, #tpu.memory_space<hbm>>) target_semaphore(%run_scoped3A : memref<!tpu.dma_semaphore, #tpu.memory_space<semaphore_mem>>)
        tpu.wait_dma2 semaphore(%run_scoped3A : memref<!tpu.dma_semaphore, #tpu.memory_space<semaphore_mem>>) src(%arg19 : memref<10240x32xf32, #tpu.memory_space<vmem_shared>>) dst(%arg8 : memref<10240x32xf32, #tpu.memory_space<hbm>>)
        tpu.yield
      }) : () -> ()
    } else {
    }
    return
  }
}

#map = affine_map<(d0, d1) -> (0, 0)>
module attributes {stable_mosaic.version = 14 : i64} {
  func.func @_scatter_body(%arg0: i32, %arg1: i32, %arg2: memref<10240x32xf32, #tpu.memory_space<hbm>>, %arg3: memref<2560x128xi32, #tpu.memory_space<hbm>>, %arg4: memref<2560x128xi32, #tpu.memory_space<hbm>>, %arg5: memref<10000x32xf32, #tpu.memory_space<hbm>>, %arg6: memref<10000x32xf32, #tpu.memory_space<hbm>>, %arg7: memref<10240x32xf32, #tpu.memory_space<hbm>>, %arg8: memref<10240x32xf32, #tpu.memory_space<hbm>>, %arg9: memref<160x128xi32, #tpu.memory_space<vmem>>, %arg10: memref<160x128xi32, #tpu.memory_space<vmem>>, %arg11: memref<128x32xf32, #tpu.memory_space<vmem>>, %arg12: memref<128x32xf32, #tpu.memory_space<vmem>>, %arg13: memref<128x32xf32, #tpu.memory_space<vmem>>, %arg14: memref<128x32xf32, #tpu.memory_space<vmem>>, %arg15: memref<128x32xf32, #tpu.memory_space<vmem>>, %arg16: memref<128x32xf32, #tpu.memory_space<vmem>>, %arg17: memref<128x32xf32, #tpu.memory_space<vmem>>, %arg18: memref<128x32xf32, #tpu.memory_space<vmem>>, %arg19: memref<10240x32xf32, #tpu.memory_space<vmem_shared>>, %arg20: memref<10000x32xf32, #tpu.memory_space<vmem_shared>>, %arg21: memref<8x!tpu.dma_semaphore, #tpu.memory_space<semaphore_mem>>, %arg22: memref<8x!tpu.dma_semaphore, #tpu.memory_space<semaphore_mem>>) attributes {dimension_semantics = [#tpu.dimension_semantics<core_parallel>, #tpu.dimension_semantics<subcore_parallel>], iteration_bounds = array<i64: 2, 16>, scalar_prefetch = 0 : i64, scratch_operands = 14 : i64, tpu.core_type = #tpu.core_type<sc_vector_subcore>, window_params = [{transform_indices = #map}, {transform_indices = #map}, {transform_indices = #map}, {transform_indices = #map}, {transform_indices = #map}, {transform_indices = #map}, {transform_indices = #map}]} {
    %eq3A = arith.constant 0 : i32
    %eq3A_0 = arith.cmpi eq, %arg1, %eq3A : i32
    %convert_element_type3A = arith.extui %eq3A_0 : i1 to i32
    %cond3A = arith.constant 0 : i32
    %cond3A_1 = arith.cmpi ne, %convert_element_type3A, %cond3A : i32
    scf.if %cond3A_1 {
      "tpu.region"() ({
        %run_scoped3A = tpu.sem_alloc : memref<!tpu.dma_semaphore, #tpu.memory_space<semaphore_mem>>
        tpu.enqueue_dma source(%arg2 : memref<10240x32xf32, #tpu.memory_space<hbm>>) target(%arg19 : memref<10240x32xf32, #tpu.memory_space<vmem_shared>>) target_semaphore(%run_scoped3A : memref<!tpu.dma_semaphore, #tpu.memory_space<semaphore_mem>>)
        tpu.wait_dma2 semaphore(%run_scoped3A : memref<!tpu.dma_semaphore, #tpu.memory_space<semaphore_mem>>) src(%arg2 : memref<10240x32xf32, #tpu.memory_space<hbm>>) dst(%arg19 : memref<10240x32xf32, #tpu.memory_space<vmem_shared>>)
        tpu.yield
      }) : () -> ()
    } else {
    }
    %eq3A_2 = arith.constant 1 : i32
    %eq3A_3 = arith.cmpi eq, %arg1, %eq3A_2 : i32
    %eq3A_4 = arith.constant 0 : i32
    %eq3A_5 = arith.cmpi eq, %arg0, %eq3A_4 : i32
    %and3A = arith.andi %eq3A_3, %eq3A_5 : i1
    %convert_element_type3A_6 = arith.extui %and3A : i1 to i32
    %cond3A_7 = arith.constant 0 : i32
    %cond3A_8 = arith.cmpi ne, %convert_element_type3A_6, %cond3A_7 : i32
    scf.if %cond3A_8 {
      "tpu.region"() ({
        %run_scoped3A = tpu.sem_alloc : memref<!tpu.dma_semaphore, #tpu.memory_space<semaphore_mem>>
        tpu.enqueue_dma source(%arg5 : memref<10000x32xf32, #tpu.memory_space<hbm>>) target(%arg20 : memref<10000x32xf32, #tpu.memory_space<vmem_shared>>) target_semaphore(%run_scoped3A : memref<!tpu.dma_semaphore, #tpu.memory_space<semaphore_mem>>)
        tpu.wait_dma2 semaphore(%run_scoped3A : memref<!tpu.dma_semaphore, #tpu.memory_space<semaphore_mem>>) src(%arg5 : memref<10000x32xf32, #tpu.memory_space<hbm>>) dst(%arg20 : memref<10000x32xf32, #tpu.memory_space<vmem_shared>>)
        tpu.yield
      }) : () -> ()
    } else {
    }
    %eq3A_9 = arith.constant 1 : i32
    %eq3A_10 = arith.cmpi eq, %arg1, %eq3A_9 : i32
    %eq3A_11 = arith.constant 1 : i32
    %eq3A_12 = arith.cmpi eq, %arg0, %eq3A_11 : i32
    %and3A_13 = arith.andi %eq3A_10, %eq3A_12 : i1
    %convert_element_type3A_14 = arith.extui %and3A_13 : i1 to i32
    %cond3A_15 = arith.constant 0 : i32
    %cond3A_16 = arith.cmpi ne, %convert_element_type3A_14, %cond3A_15 : i32
    scf.if %cond3A_16 {
      "tpu.region"() ({
        %run_scoped3A = tpu.sem_alloc : memref<!tpu.dma_semaphore, #tpu.memory_space<semaphore_mem>>
        tpu.enqueue_dma source(%arg6 : memref<10000x32xf32, #tpu.memory_space<hbm>>) target(%arg20 : memref<10000x32xf32, #tpu.memory_space<vmem_shared>>) target_semaphore(%run_scoped3A : memref<!tpu.dma_semaphore, #tpu.memory_space<semaphore_mem>>)
        tpu.wait_dma2 semaphore(%run_scoped3A : memref<!tpu.dma_semaphore, #tpu.memory_space<semaphore_mem>>) src(%arg6 : memref<10000x32xf32, #tpu.memory_space<hbm>>) dst(%arg20 : memref<10000x32xf32, #tpu.memory_space<vmem_shared>>)
        tpu.yield
      }) : () -> ()
    } else {
    }
    %mul3A = arith.constant 160 : i32
    %mul3A_17 = arith.muli %arg1, %mul3A : i32
    "tpu.region"() ({
      %run_scoped3A = tpu.sem_alloc : memref<!tpu.dma_semaphore, #tpu.memory_space<semaphore_mem>>
      %dma_start3A_121 = arith.constant 0 : i32
      %dma_start3A_122 = tpu.memref_slice %arg3[%mul3A_17, %dma_start3A_121] : memref<2560x128xi32, #tpu.memory_space<hbm>> -> memref<160x128xi32, #tpu.memory_space<hbm>>
      %dma_start3A_123 = arith.constant 0 : i32
      %dma_start3A_124 = tpu.memref_slice %arg3[%mul3A_17, %dma_start3A_123] : memref<2560x128xi32, #tpu.memory_space<hbm>> -> memref<160x128xi32, #tpu.memory_space<hbm>>
      tpu.enqueue_dma source(%dma_start3A_124 : memref<160x128xi32, #tpu.memory_space<hbm>>) target(%arg9 : memref<160x128xi32, #tpu.memory_space<vmem>>) target_semaphore(%run_scoped3A : memref<!tpu.dma_semaphore, #tpu.memory_space<semaphore_mem>>)
      %dma_wait3A_125 = arith.constant 0 : i32
      %dma_wait3A_126 = tpu.memref_slice %arg3[%mul3A_17, %dma_wait3A_125] : memref<2560x128xi32, #tpu.memory_space<hbm>> -> memref<160x128xi32, #tpu.memory_space<hbm>>
      %dma_wait3A_127 = arith.constant 0 : i32
      %dma_wait3A_128 = tpu.memref_slice %arg3[%mul3A_17, %dma_wait3A_127] : memref<2560x128xi32, #tpu.memory_space<hbm>> -> memref<160x128xi32, #tpu.memory_space<hbm>>
      tpu.wait_dma2 semaphore(%run_scoped3A : memref<!tpu.dma_semaphore, #tpu.memory_space<semaphore_mem>>) src(%dma_wait3A_128 : memref<160x128xi32, #tpu.memory_space<hbm>>) dst(%arg9 : memref<160x128xi32, #tpu.memory_space<vmem>>)
      tpu.yield
    }) : () -> ()
    %mul3A_18 = arith.constant 160 : i32
    %mul3A_19 = arith.muli %arg1, %mul3A_18 : i32
    "tpu.region"() ({
      %run_scoped3A = tpu.sem_alloc : memref<!tpu.dma_semaphore, #tpu.memory_space<semaphore_mem>>
      %dma_start3A_121 = arith.constant 0 : i32
      %dma_start3A_122 = tpu.memref_slice %arg4[%mul3A_19, %dma_start3A_121] : memref<2560x128xi32, #tpu.memory_space<hbm>> -> memref<160x128xi32, #tpu.memory_space<hbm>>
      %dma_start3A_123 = arith.constant 0 : i32
      %dma_start3A_124 = tpu.memref_slice %arg4[%mul3A_19, %dma_start3A_123] : memref<2560x128xi32, #tpu.memory_space<hbm>> -> memref<160x128xi32, #tpu.memory_space<hbm>>
      tpu.enqueue_dma source(%dma_start3A_124 : memref<160x128xi32, #tpu.memory_space<hbm>>) target(%arg10 : memref<160x128xi32, #tpu.memory_space<vmem>>) target_semaphore(%run_scoped3A : memref<!tpu.dma_semaphore, #tpu.memory_space<semaphore_mem>>)
      %dma_wait3A_125 = arith.constant 0 : i32
      %dma_wait3A_126 = tpu.memref_slice %arg4[%mul3A_19, %dma_wait3A_125] : memref<2560x128xi32, #tpu.memory_space<hbm>> -> memref<160x128xi32, #tpu.memory_space<hbm>>
      %dma_wait3A_127 = arith.constant 0 : i32
      %dma_wait3A_128 = tpu.memref_slice %arg4[%mul3A_19, %dma_wait3A_127] : memref<2560x128xi32, #tpu.memory_space<hbm>> -> memref<160x128xi32, #tpu.memory_space<hbm>>
      tpu.wait_dma2 semaphore(%run_scoped3A : memref<!tpu.dma_semaphore, #tpu.memory_space<semaphore_mem>>) src(%dma_wait3A_128 : memref<160x128xi32, #tpu.memory_space<hbm>>) dst(%arg10 : memref<160x128xi32, #tpu.memory_space<vmem>>)
      tpu.yield
    }) : () -> ()
    %barrier3A = arith.constant 0 : index
    tpu.barrier barrier_id(%barrier3A)
    %dma_start3A = arith.constant 0 : i32
    %dma_start3A_20 = arith.constant 0 : i32
    %dma_start3A_21 = arith.constant 0 : i32
    %dma_start3A_22 = tpu.memref_slice %arg9[%dma_start3A, %dma_start3A_21] : memref<160x128xi32, #tpu.memory_space<vmem>> -> memref<1x128xi32, #tpu.memory_space<vmem>>
    %dma_start3A_23 = tpu.memref_squeeze %dma_start3A_22 : memref<1x128xi32, #tpu.memory_space<vmem>> -> memref<128xi32, #tpu.memory_space<vmem>>
    %dma_start3A_24 = arith.constant 0 : i32
    %dma_start3A_25 = arith.constant 0 : i32
    %dma_start3A_26 = tpu.memref_slice %arg20[%dma_start3A_24, %dma_start3A_25] : memref<10000x32xf32, #tpu.memory_space<vmem_shared>> -> memref<10000x32xf32, #tpu.memory_space<vmem_shared>>
    %dma_start3A_27 = tpu.memref_slice %arg21[%dma_start3A_20] : memref<8x!tpu.dma_semaphore, #tpu.memory_space<semaphore_mem>> -> memref<1x!tpu.dma_semaphore, #tpu.memory_space<semaphore_mem>>
    %dma_start3A_28 = tpu.memref_squeeze %dma_start3A_27 : memref<1x!tpu.dma_semaphore, #tpu.memory_space<semaphore_mem>> -> memref<!tpu.dma_semaphore, #tpu.memory_space<semaphore_mem>>
    tpu.enqueue_indirect_dma source(%dma_start3A_26 : memref<10000x32xf32, #tpu.memory_space<vmem_shared>>) target(%arg11 : memref<128x32xf32, #tpu.memory_space<vmem>>) offsets(%dma_start3A_23 : memref<128xi32, #tpu.memory_space<vmem>>) semaphore(%dma_start3A_28 : memref<!tpu.dma_semaphore, #tpu.memory_space<semaphore_mem>>)
    %dma_start3A_29 = arith.constant 1 : i32
    %dma_start3A_30 = arith.constant 1 : i32
    %dma_start3A_31 = arith.constant 0 : i32
    %dma_start3A_32 = tpu.memref_slice %arg9[%dma_start3A_29, %dma_start3A_31] : memref<160x128xi32, #tpu.memory_space<vmem>> -> memref<1x128xi32, #tpu.memory_space<vmem>>
    %dma_start3A_33 = tpu.memref_squeeze %dma_start3A_32 : memref<1x128xi32, #tpu.memory_space<vmem>> -> memref<128xi32, #tpu.memory_space<vmem>>
    %dma_start3A_34 = arith.constant 0 : i32
    %dma_start3A_35 = arith.constant 0 : i32
    %dma_start3A_36 = tpu.memref_slice %arg20[%dma_start3A_34, %dma_start3A_35] : memref<10000x32xf32, #tpu.memory_space<vmem_shared>> -> memref<10000x32xf32, #tpu.memory_space<vmem_shared>>
    %dma_start3A_37 = tpu.memref_slice %arg21[%dma_start3A_30] : memref<8x!tpu.dma_semaphore, #tpu.memory_space<semaphore_mem>> -> memref<1x!tpu.dma_semaphore, #tpu.memory_space<semaphore_mem>>
    %dma_start3A_38 = tpu.memref_squeeze %dma_start3A_37 : memref<1x!tpu.dma_semaphore, #tpu.memory_space<semaphore_mem>> -> memref<!tpu.dma_semaphore, #tpu.memory_space<semaphore_mem>>
    tpu.enqueue_indirect_dma source(%dma_start3A_36 : memref<10000x32xf32, #tpu.memory_space<vmem_shared>>) target(%arg12 : memref<128x32xf32, #tpu.memory_space<vmem>>) offsets(%dma_start3A_33 : memref<128xi32, #tpu.memory_space<vmem>>) semaphore(%dma_start3A_38 : memref<!tpu.dma_semaphore, #tpu.memory_space<semaphore_mem>>)
    %dma_start3A_39 = arith.constant 2 : i32
    %dma_start3A_40 = arith.constant 2 : i32
    %dma_start3A_41 = arith.constant 0 : i32
    %dma_start3A_42 = tpu.memref_slice %arg9[%dma_start3A_39, %dma_start3A_41] : memref<160x128xi32, #tpu.memory_space<vmem>> -> memref<1x128xi32, #tpu.memory_space<vmem>>
    %dma_start3A_43 = tpu.memref_squeeze %dma_start3A_42 : memref<1x128xi32, #tpu.memory_space<vmem>> -> memref<128xi32, #tpu.memory_space<vmem>>
    %dma_start3A_44 = arith.constant 0 : i32
    %dma_start3A_45 = arith.constant 0 : i32
    %dma_start3A_46 = tpu.memref_slice %arg20[%dma_start3A_44, %dma_start3A_45] : memref<10000x32xf32, #tpu.memory_space<vmem_shared>> -> memref<10000x32xf32, #tpu.memory_space<vmem_shared>>
    %dma_start3A_47 = tpu.memref_slice %arg21[%dma_start3A_40] : memref<8x!tpu.dma_semaphore, #tpu.memory_space<semaphore_mem>> -> memref<1x!tpu.dma_semaphore, #tpu.memory_space<semaphore_mem>>
    %dma_start3A_48 = tpu.memref_squeeze %dma_start3A_47 : memref<1x!tpu.dma_semaphore, #tpu.memory_space<semaphore_mem>> -> memref<!tpu.dma_semaphore, #tpu.memory_space<semaphore_mem>>
    tpu.enqueue_indirect_dma source(%dma_start3A_46 : memref<10000x32xf32, #tpu.memory_space<vmem_shared>>) target(%arg13 : memref<128x32xf32, #tpu.memory_space<vmem>>) offsets(%dma_start3A_43 : memref<128xi32, #tpu.memory_space<vmem>>) semaphore(%dma_start3A_48 : memref<!tpu.dma_semaphore, #tpu.memory_space<semaphore_mem>>)
    %dma_start3A_49 = arith.constant 3 : i32
    %dma_start3A_50 = arith.constant 3 : i32
    %dma_start3A_51 = arith.constant 0 : i32
    %dma_start3A_52 = tpu.memref_slice %arg9[%dma_start3A_49, %dma_start3A_51] : memref<160x128xi32, #tpu.memory_space<vmem>> -> memref<1x128xi32, #tpu.memory_space<vmem>>
    %dma_start3A_53 = tpu.memref_squeeze %dma_start3A_52 : memref<1x128xi32, #tpu.memory_space<vmem>> -> memref<128xi32, #tpu.memory_space<vmem>>
    %dma_start3A_54 = arith.constant 0 : i32
    %dma_start3A_55 = arith.constant 0 : i32
    %dma_start3A_56 = tpu.memref_slice %arg20[%dma_start3A_54, %dma_start3A_55] : memref<10000x32xf32, #tpu.memory_space<vmem_shared>> -> memref<10000x32xf32, #tpu.memory_space<vmem_shared>>
    %dma_start3A_57 = tpu.memref_slice %arg21[%dma_start3A_50] : memref<8x!tpu.dma_semaphore, #tpu.memory_space<semaphore_mem>> -> memref<1x!tpu.dma_semaphore, #tpu.memory_space<semaphore_mem>>
    %dma_start3A_58 = tpu.memref_squeeze %dma_start3A_57 : memref<1x!tpu.dma_semaphore, #tpu.memory_space<semaphore_mem>> -> memref<!tpu.dma_semaphore, #tpu.memory_space<semaphore_mem>>
    tpu.enqueue_indirect_dma source(%dma_start3A_56 : memref<10000x32xf32, #tpu.memory_space<vmem_shared>>) target(%arg14 : memref<128x32xf32, #tpu.memory_space<vmem>>) offsets(%dma_start3A_53 : memref<128xi32, #tpu.memory_space<vmem>>) semaphore(%dma_start3A_58 : memref<!tpu.dma_semaphore, #tpu.memory_space<semaphore_mem>>)
    %scan3A = arith.constant 0 : i32
    %scan3A_59 = arith.constant 0 : i32
    %scan3A_60 = arith.constant 20 : i32
    %scan3A_61 = arith.addi %scan3A_59, %scan3A_60 : i32
    %scan3A_62 = arith.constant 1 : i32
    %scan3A_63 = scf.for %scan3A_121 = %scan3A_59 to %scan3A_61 step %scan3A_62 iter_args(%scan3A_122 = %scan3A) -> (i32)  : i32 {
      %mul3A_123 = arith.constant 8 : i32
      %mul3A_124 = arith.muli %scan3A_121, %mul3A_123 : i32
      %add3A = arith.constant 0 : i32
      %add3A_125 = arith.addi %mul3A_124, %add3A : i32
      %ge3A = arith.constant 4 : i32
      %ge3A_126 = arith.cmpi sge, %add3A_125, %ge3A : i32
      %convert_element_type3A_127 = arith.extui %ge3A_126 : i1 to i32
      %cond3A_128 = arith.constant 0 : i32
      %cond3A_129 = arith.cmpi ne, %convert_element_type3A_127, %cond3A_128 : i32
      scf.if %cond3A_129 {
        %sub3A = arith.constant 4 : i32
        %sub3A_393 = arith.subi %add3A_125, %sub3A : i32
        %dma_wait3A_394 = arith.constant 4 : i32
        %dma_wait3A_395 = arith.constant 0 : i32
        %dma_wait3A_396 = tpu.memref_slice %arg10[%sub3A_393, %dma_wait3A_395] : memref<160x128xi32, #tpu.memory_space<vmem>> -> memref<1x128xi32, #tpu.memory_space<vmem>>
        %dma_wait3A_397 = tpu.memref_squeeze %dma_wait3A_396 : memref<1x128xi32, #tpu.memory_space<vmem>> -> memref<128xi32, #tpu.memory_space<vmem>>
        %dma_wait3A_398 = arith.constant 0 : i32
        %dma_wait3A_399 = arith.constant 0 : i32
        %dma_wait3A_400 = tpu.memref_slice %arg19[%dma_wait3A_398, %dma_wait3A_399] : memref<10240x32xf32, #tpu.memory_space<vmem_shared>> -> memref<10240x32xf32, #tpu.memory_space<vmem_shared>>
        %dma_wait3A_401 = tpu.memref_slice %arg22[%dma_wait3A_394] : memref<8x!tpu.dma_semaphore, #tpu.memory_space<semaphore_mem>> -> memref<1x!tpu.dma_semaphore, #tpu.memory_space<semaphore_mem>>
        %dma_wait3A_402 = tpu.memref_squeeze %dma_wait3A_401 : memref<1x!tpu.dma_semaphore, #tpu.memory_space<semaphore_mem>> -> memref<!tpu.dma_semaphore, #tpu.memory_space<semaphore_mem>>
        tpu.wait_indirect_dma semaphore(%dma_wait3A_402 : memref<!tpu.dma_semaphore, #tpu.memory_space<semaphore_mem>>) src(%arg15 : memref<128x32xf32, #tpu.memory_space<vmem>>) dst(%dma_wait3A_400 : memref<10240x32xf32, #tpu.memory_space<vmem_shared>>)
      } else {
      }
      %add3A_130 = arith.constant 4 : i32
      %add3A_131 = arith.addi %add3A_125, %add3A_130 : i32
      %lt3A = arith.constant 160 : i32
      %lt3A_132 = arith.cmpi slt, %add3A_131, %lt3A : i32
      %convert_element_type3A_133 = arith.extui %lt3A_132 : i1 to i32
      %cond3A_134 = arith.constant 0 : i32
      %cond3A_135 = arith.cmpi ne, %convert_element_type3A_133, %cond3A_134 : i32
      scf.if %cond3A_135 {
        %add3A_393 = arith.constant 4 : i32
        %add3A_394 = arith.addi %add3A_125, %add3A_393 : i32
        %dma_start3A_395 = arith.constant 4 : i32
        %dma_start3A_396 = arith.constant 0 : i32
        %dma_start3A_397 = tpu.memref_slice %arg9[%add3A_394, %dma_start3A_396] : memref<160x128xi32, #tpu.memory_space<vmem>> -> memref<1x128xi32, #tpu.memory_space<vmem>>
        %dma_start3A_398 = tpu.memref_squeeze %dma_start3A_397 : memref<1x128xi32, #tpu.memory_space<vmem>> -> memref<128xi32, #tpu.memory_space<vmem>>
        %dma_start3A_399 = arith.constant 0 : i32
        %dma_start3A_400 = arith.constant 0 : i32
        %dma_start3A_401 = tpu.memref_slice %arg20[%dma_start3A_399, %dma_start3A_400] : memref<10000x32xf32, #tpu.memory_space<vmem_shared>> -> memref<10000x32xf32, #tpu.memory_space<vmem_shared>>
        %dma_start3A_402 = tpu.memref_slice %arg21[%dma_start3A_395] : memref<8x!tpu.dma_semaphore, #tpu.memory_space<semaphore_mem>> -> memref<1x!tpu.dma_semaphore, #tpu.memory_space<semaphore_mem>>
        %dma_start3A_403 = tpu.memref_squeeze %dma_start3A_402 : memref<1x!tpu.dma_semaphore, #tpu.memory_space<semaphore_mem>> -> memref<!tpu.dma_semaphore, #tpu.memory_space<semaphore_mem>>
        tpu.enqueue_indirect_dma source(%dma_start3A_401 : memref<10000x32xf32, #tpu.memory_space<vmem_shared>>) target(%arg15 : memref<128x32xf32, #tpu.memory_space<vmem>>) offsets(%dma_start3A_398 : memref<128xi32, #tpu.memory_space<vmem>>) semaphore(%dma_start3A_403 : memref<!tpu.dma_semaphore, #tpu.memory_space<semaphore_mem>>)
      } else {
      }
      %dma_wait3A_136 = arith.constant 0 : i32
      %dma_wait3A_137 = arith.constant 0 : i32
      %dma_wait3A_138 = tpu.memref_slice %arg9[%add3A_125, %dma_wait3A_137] : memref<160x128xi32, #tpu.memory_space<vmem>> -> memref<1x128xi32, #tpu.memory_space<vmem>>
      %dma_wait3A_139 = tpu.memref_squeeze %dma_wait3A_138 : memref<1x128xi32, #tpu.memory_space<vmem>> -> memref<128xi32, #tpu.memory_space<vmem>>
      %dma_wait3A_140 = arith.constant 0 : i32
      %dma_wait3A_141 = arith.constant 0 : i32
      %dma_wait3A_142 = tpu.memref_slice %arg20[%dma_wait3A_140, %dma_wait3A_141] : memref<10000x32xf32, #tpu.memory_space<vmem_shared>> -> memref<10000x32xf32, #tpu.memory_space<vmem_shared>>
      %dma_wait3A_143 = tpu.memref_slice %arg21[%dma_wait3A_136] : memref<8x!tpu.dma_semaphore, #tpu.memory_space<semaphore_mem>> -> memref<1x!tpu.dma_semaphore, #tpu.memory_space<semaphore_mem>>
      %dma_wait3A_144 = tpu.memref_squeeze %dma_wait3A_143 : memref<1x!tpu.dma_semaphore, #tpu.memory_space<semaphore_mem>> -> memref<!tpu.dma_semaphore, #tpu.memory_space<semaphore_mem>>
      tpu.wait_indirect_dma semaphore(%dma_wait3A_144 : memref<!tpu.dma_semaphore, #tpu.memory_space<semaphore_mem>>) src(%dma_wait3A_142 : memref<10000x32xf32, #tpu.memory_space<vmem_shared>>) dst(%arg11 : memref<128x32xf32, #tpu.memory_space<vmem>>)
      %dma_start3A_145 = arith.constant 0 : i32
      %dma_start3A_146 = arith.constant 0 : i32
      %dma_start3A_147 = tpu.memref_slice %arg10[%add3A_125, %dma_start3A_146] : memref<160x128xi32, #tpu.memory_space<vmem>> -> memref<1x128xi32, #tpu.memory_space<vmem>>
      %dma_start3A_148 = tpu.memref_squeeze %dma_start3A_147 : memref<1x128xi32, #tpu.memory_space<vmem>> -> memref<128xi32, #tpu.memory_space<vmem>>
      %dma_start3A_149 = arith.constant 0 : i32
      %dma_start3A_150 = arith.constant 0 : i32
      %dma_start3A_151 = tpu.memref_slice %arg19[%dma_start3A_149, %dma_start3A_150] : memref<10240x32xf32, #tpu.memory_space<vmem_shared>> -> memref<10240x32xf32, #tpu.memory_space<vmem_shared>>
      %dma_start3A_152 = tpu.memref_slice %arg22[%dma_start3A_145] : memref<8x!tpu.dma_semaphore, #tpu.memory_space<semaphore_mem>> -> memref<1x!tpu.dma_semaphore, #tpu.memory_space<semaphore_mem>>
      %dma_start3A_153 = tpu.memref_squeeze %dma_start3A_152 : memref<1x!tpu.dma_semaphore, #tpu.memory_space<semaphore_mem>> -> memref<!tpu.dma_semaphore, #tpu.memory_space<semaphore_mem>>
      tpu.enqueue_indirect_dma source(%arg11 : memref<128x32xf32, #tpu.memory_space<vmem>>) target(%dma_start3A_151 : memref<10240x32xf32, #tpu.memory_space<vmem_shared>>) offsets(%dma_start3A_148 : memref<128xi32, #tpu.memory_space<vmem>>) semaphore(%dma_start3A_153 : memref<!tpu.dma_semaphore, #tpu.memory_space<semaphore_mem>>) {add = true}
      %mul3A_154 = arith.constant 8 : i32
      %mul3A_155 = arith.muli %scan3A_121, %mul3A_154 : i32
      %add3A_156 = arith.constant 1 : i32
      %add3A_157 = arith.addi %mul3A_155, %add3A_156 : i32
      %ge3A_158 = arith.constant 4 : i32
      %ge3A_159 = arith.cmpi sge, %add3A_157, %ge3A_158 : i32
      %convert_element_type3A_160 = arith.extui %ge3A_159 : i1 to i32
      %cond3A_161 = arith.constant 0 : i32
      %cond3A_162 = arith.cmpi ne, %convert_element_type3A_160, %cond3A_161 : i32
      scf.if %cond3A_162 {
        %sub3A = arith.constant 4 : i32
        %sub3A_393 = arith.subi %add3A_157, %sub3A : i32
        %dma_wait3A_394 = arith.constant 5 : i32
        %dma_wait3A_395 = arith.constant 0 : i32
        %dma_wait3A_396 = tpu.memref_slice %arg10[%sub3A_393, %dma_wait3A_395] : memref<160x128xi32, #tpu.memory_space<vmem>> -> memref<1x128xi32, #tpu.memory_space<vmem>>
        %dma_wait3A_397 = tpu.memref_squeeze %dma_wait3A_396 : memref<1x128xi32, #tpu.memory_space<vmem>> -> memref<128xi32, #tpu.memory_space<vmem>>
        %dma_wait3A_398 = arith.constant 0 : i32
        %dma_wait3A_399 = arith.constant 0 : i32
        %dma_wait3A_400 = tpu.memref_slice %arg19[%dma_wait3A_398, %dma_wait3A_399] : memref<10240x32xf32, #tpu.memory_space<vmem_shared>> -> memref<10240x32xf32, #tpu.memory_space<vmem_shared>>
        %dma_wait3A_401 = tpu.memref_slice %arg22[%dma_wait3A_394] : memref<8x!tpu.dma_semaphore, #tpu.memory_space<semaphore_mem>> -> memref<1x!tpu.dma_semaphore, #tpu.memory_space<semaphore_mem>>
        %dma_wait3A_402 = tpu.memref_squeeze %dma_wait3A_401 : memref<1x!tpu.dma_semaphore, #tpu.memory_space<semaphore_mem>> -> memref<!tpu.dma_semaphore, #tpu.memory_space<semaphore_mem>>
        tpu.wait_indirect_dma semaphore(%dma_wait3A_402 : memref<!tpu.dma_semaphore, #tpu.memory_space<semaphore_mem>>) src(%arg16 : memref<128x32xf32, #tpu.memory_space<vmem>>) dst(%dma_wait3A_400 : memref<10240x32xf32, #tpu.memory_space<vmem_shared>>)
      } else {
      }
      %add3A_163 = arith.constant 4 : i32
      %add3A_164 = arith.addi %add3A_157, %add3A_163 : i32
      %lt3A_165 = arith.constant 160 : i32
      %lt3A_166 = arith.cmpi slt, %add3A_164, %lt3A_165 : i32
      %convert_element_type3A_167 = arith.extui %lt3A_166 : i1 to i32
      %cond3A_168 = arith.constant 0 : i32
      %cond3A_169 = arith.cmpi ne, %convert_element_type3A_167, %cond3A_168 : i32
      scf.if %cond3A_169 {
        %add3A_393 = arith.constant 4 : i32
        %add3A_394 = arith.addi %add3A_157, %add3A_393 : i32
        %dma_start3A_395 = arith.constant 5 : i32
        %dma_start3A_396 = arith.constant 0 : i32
        %dma_start3A_397 = tpu.memref_slice %arg9[%add3A_394, %dma_start3A_396] : memref<160x128xi32, #tpu.memory_space<vmem>> -> memref<1x128xi32, #tpu.memory_space<vmem>>
        %dma_start3A_398 = tpu.memref_squeeze %dma_start3A_397 : memref<1x128xi32, #tpu.memory_space<vmem>> -> memref<128xi32, #tpu.memory_space<vmem>>
        %dma_start3A_399 = arith.constant 0 : i32
        %dma_start3A_400 = arith.constant 0 : i32
        %dma_start3A_401 = tpu.memref_slice %arg20[%dma_start3A_399, %dma_start3A_400] : memref<10000x32xf32, #tpu.memory_space<vmem_shared>> -> memref<10000x32xf32, #tpu.memory_space<vmem_shared>>
        %dma_start3A_402 = tpu.memref_slice %arg21[%dma_start3A_395] : memref<8x!tpu.dma_semaphore, #tpu.memory_space<semaphore_mem>> -> memref<1x!tpu.dma_semaphore, #tpu.memory_space<semaphore_mem>>
        %dma_start3A_403 = tpu.memref_squeeze %dma_start3A_402 : memref<1x!tpu.dma_semaphore, #tpu.memory_space<semaphore_mem>> -> memref<!tpu.dma_semaphore, #tpu.memory_space<semaphore_mem>>
        tpu.enqueue_indirect_dma source(%dma_start3A_401 : memref<10000x32xf32, #tpu.memory_space<vmem_shared>>) target(%arg16 : memref<128x32xf32, #tpu.memory_space<vmem>>) offsets(%dma_start3A_398 : memref<128xi32, #tpu.memory_space<vmem>>) semaphore(%dma_start3A_403 : memref<!tpu.dma_semaphore, #tpu.memory_space<semaphore_mem>>)
      } else {
      }
      %dma_wait3A_170 = arith.constant 1 : i32
      %dma_wait3A_171 = arith.constant 0 : i32
      %dma_wait3A_172 = tpu.memref_slice %arg9[%add3A_157, %dma_wait3A_171] : memref<160x128xi32, #tpu.memory_space<vmem>> -> memref<1x128xi32, #tpu.memory_space<vmem>>
      %dma_wait3A_173 = tpu.memref_squeeze %dma_wait3A_172 : memref<1x128xi32, #tpu.memory_space<vmem>> -> memref<128xi32, #tpu.memory_space<vmem>>
      %dma_wait3A_174 = arith.constant 0 : i32
      %dma_wait3A_175 = arith.constant 0 : i32
      %dma_wait3A_176 = tpu.memref_slice %arg20[%dma_wait3A_174, %dma_wait3A_175] : memref<10000x32xf32, #tpu.memory_space<vmem_shared>> -> memref<10000x32xf32, #tpu.memory_space<vmem_shared>>
      %dma_wait3A_177 = tpu.memref_slice %arg21[%dma_wait3A_170] : memref<8x!tpu.dma_semaphore, #tpu.memory_space<semaphore_mem>> -> memref<1x!tpu.dma_semaphore, #tpu.memory_space<semaphore_mem>>
      %dma_wait3A_178 = tpu.memref_squeeze %dma_wait3A_177 : memref<1x!tpu.dma_semaphore, #tpu.memory_space<semaphore_mem>> -> memref<!tpu.dma_semaphore, #tpu.memory_space<semaphore_mem>>
      tpu.wait_indirect_dma semaphore(%dma_wait3A_178 : memref<!tpu.dma_semaphore, #tpu.memory_space<semaphore_mem>>) src(%dma_wait3A_176 : memref<10000x32xf32, #tpu.memory_space<vmem_shared>>) dst(%arg12 : memref<128x32xf32, #tpu.memory_space<vmem>>)
      %dma_start3A_179 = arith.constant 1 : i32
      %dma_start3A_180 = arith.constant 0 : i32
      %dma_start3A_181 = tpu.memref_slice %arg10[%add3A_157, %dma_start3A_180] : memref<160x128xi32, #tpu.memory_space<vmem>> -> memref<1x128xi32, #tpu.memory_space<vmem>>
      %dma_start3A_182 = tpu.memref_squeeze %dma_start3A_181 : memref<1x128xi32, #tpu.memory_space<vmem>> -> memref<128xi32, #tpu.memory_space<vmem>>
      %dma_start3A_183 = arith.constant 0 : i32
      %dma_start3A_184 = arith.constant 0 : i32
      %dma_start3A_185 = tpu.memref_slice %arg19[%dma_start3A_183, %dma_start3A_184] : memref<10240x32xf32, #tpu.memory_space<vmem_shared>> -> memref<10240x32xf32, #tpu.memory_space<vmem_shared>>
      %dma_start3A_186 = tpu.memref_slice %arg22[%dma_start3A_179] : memref<8x!tpu.dma_semaphore, #tpu.memory_space<semaphore_mem>> -> memref<1x!tpu.dma_semaphore, #tpu.memory_space<semaphore_mem>>
      %dma_start3A_187 = tpu.memref_squeeze %dma_start3A_186 : memref<1x!tpu.dma_semaphore, #tpu.memory_space<semaphore_mem>> -> memref<!tpu.dma_semaphore, #tpu.memory_space<semaphore_mem>>
      tpu.enqueue_indirect_dma source(%arg12 : memref<128x32xf32, #tpu.memory_space<vmem>>) target(%dma_start3A_185 : memref<10240x32xf32, #tpu.memory_space<vmem_shared>>) offsets(%dma_start3A_182 : memref<128xi32, #tpu.memory_space<vmem>>) semaphore(%dma_start3A_187 : memref<!tpu.dma_semaphore, #tpu.memory_space<semaphore_mem>>) {add = true}
      %mul3A_188 = arith.constant 8 : i32
      %mul3A_189 = arith.muli %scan3A_121, %mul3A_188 : i32
      %add3A_190 = arith.constant 2 : i32
      %add3A_191 = arith.addi %mul3A_189, %add3A_190 : i32
      %ge3A_192 = arith.constant 4 : i32
      %ge3A_193 = arith.cmpi sge, %add3A_191, %ge3A_192 : i32
      %convert_element_type3A_194 = arith.extui %ge3A_193 : i1 to i32
      %cond3A_195 = arith.constant 0 : i32
      %cond3A_196 = arith.cmpi ne, %convert_element_type3A_194, %cond3A_195 : i32
      scf.if %cond3A_196 {
        %sub3A = arith.constant 4 : i32
        %sub3A_393 = arith.subi %add3A_191, %sub3A : i32
        %dma_wait3A_394 = arith.constant 6 : i32
        %dma_wait3A_395 = arith.constant 0 : i32
        %dma_wait3A_396 = tpu.memref_slice %arg10[%sub3A_393, %dma_wait3A_395] : memref<160x128xi32, #tpu.memory_space<vmem>> -> memref<1x128xi32, #tpu.memory_space<vmem>>
        %dma_wait3A_397 = tpu.memref_squeeze %dma_wait3A_396 : memref<1x128xi32, #tpu.memory_space<vmem>> -> memref<128xi32, #tpu.memory_space<vmem>>
        %dma_wait3A_398 = arith.constant 0 : i32
        %dma_wait3A_399 = arith.constant 0 : i32
        %dma_wait3A_400 = tpu.memref_slice %arg19[%dma_wait3A_398, %dma_wait3A_399] : memref<10240x32xf32, #tpu.memory_space<vmem_shared>> -> memref<10240x32xf32, #tpu.memory_space<vmem_shared>>
        %dma_wait3A_401 = tpu.memref_slice %arg22[%dma_wait3A_394] : memref<8x!tpu.dma_semaphore, #tpu.memory_space<semaphore_mem>> -> memref<1x!tpu.dma_semaphore, #tpu.memory_space<semaphore_mem>>
        %dma_wait3A_402 = tpu.memref_squeeze %dma_wait3A_401 : memref<1x!tpu.dma_semaphore, #tpu.memory_space<semaphore_mem>> -> memref<!tpu.dma_semaphore, #tpu.memory_space<semaphore_mem>>
        tpu.wait_indirect_dma semaphore(%dma_wait3A_402 : memref<!tpu.dma_semaphore, #tpu.memory_space<semaphore_mem>>) src(%arg17 : memref<128x32xf32, #tpu.memory_space<vmem>>) dst(%dma_wait3A_400 : memref<10240x32xf32, #tpu.memory_space<vmem_shared>>)
      } else {
      }
      %add3A_197 = arith.constant 4 : i32
      %add3A_198 = arith.addi %add3A_191, %add3A_197 : i32
      %lt3A_199 = arith.constant 160 : i32
      %lt3A_200 = arith.cmpi slt, %add3A_198, %lt3A_199 : i32
      %convert_element_type3A_201 = arith.extui %lt3A_200 : i1 to i32
      %cond3A_202 = arith.constant 0 : i32
      %cond3A_203 = arith.cmpi ne, %convert_element_type3A_201, %cond3A_202 : i32
      scf.if %cond3A_203 {
        %add3A_393 = arith.constant 4 : i32
        %add3A_394 = arith.addi %add3A_191, %add3A_393 : i32
        %dma_start3A_395 = arith.constant 6 : i32
        %dma_start3A_396 = arith.constant 0 : i32
        %dma_start3A_397 = tpu.memref_slice %arg9[%add3A_394, %dma_start3A_396] : memref<160x128xi32, #tpu.memory_space<vmem>> -> memref<1x128xi32, #tpu.memory_space<vmem>>
        %dma_start3A_398 = tpu.memref_squeeze %dma_start3A_397 : memref<1x128xi32, #tpu.memory_space<vmem>> -> memref<128xi32, #tpu.memory_space<vmem>>
        %dma_start3A_399 = arith.constant 0 : i32
        %dma_start3A_400 = arith.constant 0 : i32
        %dma_start3A_401 = tpu.memref_slice %arg20[%dma_start3A_399, %dma_start3A_400] : memref<10000x32xf32, #tpu.memory_space<vmem_shared>> -> memref<10000x32xf32, #tpu.memory_space<vmem_shared>>
        %dma_start3A_402 = tpu.memref_slice %arg21[%dma_start3A_395] : memref<8x!tpu.dma_semaphore, #tpu.memory_space<semaphore_mem>> -> memref<1x!tpu.dma_semaphore, #tpu.memory_space<semaphore_mem>>
        %dma_start3A_403 = tpu.memref_squeeze %dma_start3A_402 : memref<1x!tpu.dma_semaphore, #tpu.memory_space<semaphore_mem>> -> memref<!tpu.dma_semaphore, #tpu.memory_space<semaphore_mem>>
        tpu.enqueue_indirect_dma source(%dma_start3A_401 : memref<10000x32xf32, #tpu.memory_space<vmem_shared>>) target(%arg17 : memref<128x32xf32, #tpu.memory_space<vmem>>) offsets(%dma_start3A_398 : memref<128xi32, #tpu.memory_space<vmem>>) semaphore(%dma_start3A_403 : memref<!tpu.dma_semaphore, #tpu.memory_space<semaphore_mem>>)
      } else {
      }
      %dma_wait3A_204 = arith.constant 2 : i32
      %dma_wait3A_205 = arith.constant 0 : i32
      %dma_wait3A_206 = tpu.memref_slice %arg9[%add3A_191, %dma_wait3A_205] : memref<160x128xi32, #tpu.memory_space<vmem>> -> memref<1x128xi32, #tpu.memory_space<vmem>>
      %dma_wait3A_207 = tpu.memref_squeeze %dma_wait3A_206 : memref<1x128xi32, #tpu.memory_space<vmem>> -> memref<128xi32, #tpu.memory_space<vmem>>
      %dma_wait3A_208 = arith.constant 0 : i32
      %dma_wait3A_209 = arith.constant 0 : i32
      %dma_wait3A_210 = tpu.memref_slice %arg20[%dma_wait3A_208, %dma_wait3A_209] : memref<10000x32xf32, #tpu.memory_space<vmem_shared>> -> memref<10000x32xf32, #tpu.memory_space<vmem_shared>>
      %dma_wait3A_211 = tpu.memref_slice %arg21[%dma_wait3A_204] : memref<8x!tpu.dma_semaphore, #tpu.memory_space<semaphore_mem>> -> memref<1x!tpu.dma_semaphore, #tpu.memory_space<semaphore_mem>>
      %dma_wait3A_212 = tpu.memref_squeeze %dma_wait3A_211 : memref<1x!tpu.dma_semaphore, #tpu.memory_space<semaphore_mem>> -> memref<!tpu.dma_semaphore, #tpu.memory_space<semaphore_mem>>
      tpu.wait_indirect_dma semaphore(%dma_wait3A_212 : memref<!tpu.dma_semaphore, #tpu.memory_space<semaphore_mem>>) src(%dma_wait3A_210 : memref<10000x32xf32, #tpu.memory_space<vmem_shared>>) dst(%arg13 : memref<128x32xf32, #tpu.memory_space<vmem>>)
      %dma_start3A_213 = arith.constant 2 : i32
      %dma_start3A_214 = arith.constant 0 : i32
      %dma_start3A_215 = tpu.memref_slice %arg10[%add3A_191, %dma_start3A_214] : memref<160x128xi32, #tpu.memory_space<vmem>> -> memref<1x128xi32, #tpu.memory_space<vmem>>
      %dma_start3A_216 = tpu.memref_squeeze %dma_start3A_215 : memref<1x128xi32, #tpu.memory_space<vmem>> -> memref<128xi32, #tpu.memory_space<vmem>>
      %dma_start3A_217 = arith.constant 0 : i32
      %dma_start3A_218 = arith.constant 0 : i32
      %dma_start3A_219 = tpu.memref_slice %arg19[%dma_start3A_217, %dma_start3A_218] : memref<10240x32xf32, #tpu.memory_space<vmem_shared>> -> memref<10240x32xf32, #tpu.memory_space<vmem_shared>>
      %dma_start3A_220 = tpu.memref_slice %arg22[%dma_start3A_213] : memref<8x!tpu.dma_semaphore, #tpu.memory_space<semaphore_mem>> -> memref<1x!tpu.dma_semaphore, #tpu.memory_space<semaphore_mem>>
      %dma_start3A_221 = tpu.memref_squeeze %dma_start3A_220 : memref<1x!tpu.dma_semaphore, #tpu.memory_space<semaphore_mem>> -> memref<!tpu.dma_semaphore, #tpu.memory_space<semaphore_mem>>
      tpu.enqueue_indirect_dma source(%arg13 : memref<128x32xf32, #tpu.memory_space<vmem>>) target(%dma_start3A_219 : memref<10240x32xf32, #tpu.memory_space<vmem_shared>>) offsets(%dma_start3A_216 : memref<128xi32, #tpu.memory_space<vmem>>) semaphore(%dma_start3A_221 : memref<!tpu.dma_semaphore, #tpu.memory_space<semaphore_mem>>) {add = true}
      %mul3A_222 = arith.constant 8 : i32
      %mul3A_223 = arith.muli %scan3A_121, %mul3A_222 : i32
      %add3A_224 = arith.constant 3 : i32
      %add3A_225 = arith.addi %mul3A_223, %add3A_224 : i32
      %ge3A_226 = arith.constant 4 : i32
      %ge3A_227 = arith.cmpi sge, %add3A_225, %ge3A_226 : i32
      %convert_element_type3A_228 = arith.extui %ge3A_227 : i1 to i32
      %cond3A_229 = arith.constant 0 : i32
      %cond3A_230 = arith.cmpi ne, %convert_element_type3A_228, %cond3A_229 : i32
      scf.if %cond3A_230 {
        %sub3A = arith.constant 4 : i32
        %sub3A_393 = arith.subi %add3A_225, %sub3A : i32
        %dma_wait3A_394 = arith.constant 7 : i32
        %dma_wait3A_395 = arith.constant 0 : i32
        %dma_wait3A_396 = tpu.memref_slice %arg10[%sub3A_393, %dma_wait3A_395] : memref<160x128xi32, #tpu.memory_space<vmem>> -> memref<1x128xi32, #tpu.memory_space<vmem>>
        %dma_wait3A_397 = tpu.memref_squeeze %dma_wait3A_396 : memref<1x128xi32, #tpu.memory_space<vmem>> -> memref<128xi32, #tpu.memory_space<vmem>>
        %dma_wait3A_398 = arith.constant 0 : i32
        %dma_wait3A_399 = arith.constant 0 : i32
        %dma_wait3A_400 = tpu.memref_slice %arg19[%dma_wait3A_398, %dma_wait3A_399] : memref<10240x32xf32, #tpu.memory_space<vmem_shared>> -> memref<10240x32xf32, #tpu.memory_space<vmem_shared>>
        %dma_wait3A_401 = tpu.memref_slice %arg22[%dma_wait3A_394] : memref<8x!tpu.dma_semaphore, #tpu.memory_space<semaphore_mem>> -> memref<1x!tpu.dma_semaphore, #tpu.memory_space<semaphore_mem>>
        %dma_wait3A_402 = tpu.memref_squeeze %dma_wait3A_401 : memref<1x!tpu.dma_semaphore, #tpu.memory_space<semaphore_mem>> -> memref<!tpu.dma_semaphore, #tpu.memory_space<semaphore_mem>>
        tpu.wait_indirect_dma semaphore(%dma_wait3A_402 : memref<!tpu.dma_semaphore, #tpu.memory_space<semaphore_mem>>) src(%arg18 : memref<128x32xf32, #tpu.memory_space<vmem>>) dst(%dma_wait3A_400 : memref<10240x32xf32, #tpu.memory_space<vmem_shared>>)
      } else {
      }
      %add3A_231 = arith.constant 4 : i32
      %add3A_232 = arith.addi %add3A_225, %add3A_231 : i32
      %lt3A_233 = arith.constant 160 : i32
      %lt3A_234 = arith.cmpi slt, %add3A_232, %lt3A_233 : i32
      %convert_element_type3A_235 = arith.extui %lt3A_234 : i1 to i32
      %cond3A_236 = arith.constant 0 : i32
      %cond3A_237 = arith.cmpi ne, %convert_element_type3A_235, %cond3A_236 : i32
      scf.if %cond3A_237 {
        %add3A_393 = arith.constant 4 : i32
        %add3A_394 = arith.addi %add3A_225, %add3A_393 : i32
        %dma_start3A_395 = arith.constant 7 : i32
        %dma_start3A_396 = arith.constant 0 : i32
        %dma_start3A_397 = tpu.memref_slice %arg9[%add3A_394, %dma_start3A_396] : memref<160x128xi32, #tpu.memory_space<vmem>> -> memref<1x128xi32, #tpu.memory_space<vmem>>
        %dma_start3A_398 = tpu.memref_squeeze %dma_start3A_397 : memref<1x128xi32, #tpu.memory_space<vmem>> -> memref<128xi32, #tpu.memory_space<vmem>>
        %dma_start3A_399 = arith.constant 0 : i32
        %dma_start3A_400 = arith.constant 0 : i32
        %dma_start3A_401 = tpu.memref_slice %arg20[%dma_start3A_399, %dma_start3A_400] : memref<10000x32xf32, #tpu.memory_space<vmem_shared>> -> memref<10000x32xf32, #tpu.memory_space<vmem_shared>>
        %dma_start3A_402 = tpu.memref_slice %arg21[%dma_start3A_395] : memref<8x!tpu.dma_semaphore, #tpu.memory_space<semaphore_mem>> -> memref<1x!tpu.dma_semaphore, #tpu.memory_space<semaphore_mem>>
        %dma_start3A_403 = tpu.memref_squeeze %dma_start3A_402 : memref<1x!tpu.dma_semaphore, #tpu.memory_space<semaphore_mem>> -> memref<!tpu.dma_semaphore, #tpu.memory_space<semaphore_mem>>
        tpu.enqueue_indirect_dma source(%dma_start3A_401 : memref<10000x32xf32, #tpu.memory_space<vmem_shared>>) target(%arg18 : memref<128x32xf32, #tpu.memory_space<vmem>>) offsets(%dma_start3A_398 : memref<128xi32, #tpu.memory_space<vmem>>) semaphore(%dma_start3A_403 : memref<!tpu.dma_semaphore, #tpu.memory_space<semaphore_mem>>)
      } else {
      }
      %dma_wait3A_238 = arith.constant 3 : i32
      %dma_wait3A_239 = arith.constant 0 : i32
      %dma_wait3A_240 = tpu.memref_slice %arg9[%add3A_225, %dma_wait3A_239] : memref<160x128xi32, #tpu.memory_space<vmem>> -> memref<1x128xi32, #tpu.memory_space<vmem>>
      %dma_wait3A_241 = tpu.memref_squeeze %dma_wait3A_240 : memref<1x128xi32, #tpu.memory_space<vmem>> -> memref<128xi32, #tpu.memory_space<vmem>>
      %dma_wait3A_242 = arith.constant 0 : i32
      %dma_wait3A_243 = arith.constant 0 : i32
      %dma_wait3A_244 = tpu.memref_slice %arg20[%dma_wait3A_242, %dma_wait3A_243] : memref<10000x32xf32, #tpu.memory_space<vmem_shared>> -> memref<10000x32xf32, #tpu.memory_space<vmem_shared>>
      %dma_wait3A_245 = tpu.memref_slice %arg21[%dma_wait3A_238] : memref<8x!tpu.dma_semaphore, #tpu.memory_space<semaphore_mem>> -> memref<1x!tpu.dma_semaphore, #tpu.memory_space<semaphore_mem>>
      %dma_wait3A_246 = tpu.memref_squeeze %dma_wait3A_245 : memref<1x!tpu.dma_semaphore, #tpu.memory_space<semaphore_mem>> -> memref<!tpu.dma_semaphore, #tpu.memory_space<semaphore_mem>>
      tpu.wait_indirect_dma semaphore(%dma_wait3A_246 : memref<!tpu.dma_semaphore, #tpu.memory_space<semaphore_mem>>) src(%dma_wait3A_244 : memref<10000x32xf32, #tpu.memory_space<vmem_shared>>) dst(%arg14 : memref<128x32xf32, #tpu.memory_space<vmem>>)
      %dma_start3A_247 = arith.constant 3 : i32
      %dma_start3A_248 = arith.constant 0 : i32
      %dma_start3A_249 = tpu.memref_slice %arg10[%add3A_225, %dma_start3A_248] : memref<160x128xi32, #tpu.memory_space<vmem>> -> memref<1x128xi32, #tpu.memory_space<vmem>>
      %dma_start3A_250 = tpu.memref_squeeze %dma_start3A_249 : memref<1x128xi32, #tpu.memory_space<vmem>> -> memref<128xi32, #tpu.memory_space<vmem>>
      %dma_start3A_251 = arith.constant 0 : i32
      %dma_start3A_252 = arith.constant 0 : i32
      %dma_start3A_253 = tpu.memref_slice %arg19[%dma_start3A_251, %dma_start3A_252] : memref<10240x32xf32, #tpu.memory_space<vmem_shared>> -> memref<10240x32xf32, #tpu.memory_space<vmem_shared>>
      %dma_start3A_254 = tpu.memref_slice %arg22[%dma_start3A_247] : memref<8x!tpu.dma_semaphore, #tpu.memory_space<semaphore_mem>> -> memref<1x!tpu.dma_semaphore, #tpu.memory_space<semaphore_mem>>
      %dma_start3A_255 = tpu.memref_squeeze %dma_start3A_254 : memref<1x!tpu.dma_semaphore, #tpu.memory_space<semaphore_mem>> -> memref<!tpu.dma_semaphore, #tpu.memory_space<semaphore_mem>>
      tpu.enqueue_indirect_dma source(%arg14 : memref<128x32xf32, #tpu.memory_space<vmem>>) target(%dma_start3A_253 : memref<10240x32xf32, #tpu.memory_space<vmem_shared>>) offsets(%dma_start3A_250 : memref<128xi32, #tpu.memory_space<vmem>>) semaphore(%dma_start3A_255 : memref<!tpu.dma_semaphore, #tpu.memory_space<semaphore_mem>>) {add = true}
      %mul3A_256 = arith.constant 8 : i32
      %mul3A_257 = arith.muli %scan3A_121, %mul3A_256 : i32
      %add3A_258 = arith.constant 4 : i32
      %add3A_259 = arith.addi %mul3A_257, %add3A_258 : i32
      %ge3A_260 = arith.constant 4 : i32
      %ge3A_261 = arith.cmpi sge, %add3A_259, %ge3A_260 : i32
      %convert_element_type3A_262 = arith.extui %ge3A_261 : i1 to i32
      %cond3A_263 = arith.constant 0 : i32
      %cond3A_264 = arith.cmpi ne, %convert_element_type3A_262, %cond3A_263 : i32
      scf.if %cond3A_264 {
        %sub3A = arith.constant 4 : i32
        %sub3A_393 = arith.subi %add3A_259, %sub3A : i32
        %dma_wait3A_394 = arith.constant 0 : i32
        %dma_wait3A_395 = arith.constant 0 : i32
        %dma_wait3A_396 = tpu.memref_slice %arg10[%sub3A_393, %dma_wait3A_395] : memref<160x128xi32, #tpu.memory_space<vmem>> -> memref<1x128xi32, #tpu.memory_space<vmem>>
        %dma_wait3A_397 = tpu.memref_squeeze %dma_wait3A_396 : memref<1x128xi32, #tpu.memory_space<vmem>> -> memref<128xi32, #tpu.memory_space<vmem>>
        %dma_wait3A_398 = arith.constant 0 : i32
        %dma_wait3A_399 = arith.constant 0 : i32
        %dma_wait3A_400 = tpu.memref_slice %arg19[%dma_wait3A_398, %dma_wait3A_399] : memref<10240x32xf32, #tpu.memory_space<vmem_shared>> -> memref<10240x32xf32, #tpu.memory_space<vmem_shared>>
        %dma_wait3A_401 = tpu.memref_slice %arg22[%dma_wait3A_394] : memref<8x!tpu.dma_semaphore, #tpu.memory_space<semaphore_mem>> -> memref<1x!tpu.dma_semaphore, #tpu.memory_space<semaphore_mem>>
        %dma_wait3A_402 = tpu.memref_squeeze %dma_wait3A_401 : memref<1x!tpu.dma_semaphore, #tpu.memory_space<semaphore_mem>> -> memref<!tpu.dma_semaphore, #tpu.memory_space<semaphore_mem>>
        tpu.wait_indirect_dma semaphore(%dma_wait3A_402 : memref<!tpu.dma_semaphore, #tpu.memory_space<semaphore_mem>>) src(%arg11 : memref<128x32xf32, #tpu.memory_space<vmem>>) dst(%dma_wait3A_400 : memref<10240x32xf32, #tpu.memory_space<vmem_shared>>)
      } else {
      }
      %add3A_265 = arith.constant 4 : i32
      %add3A_266 = arith.addi %add3A_259, %add3A_265 : i32
      %lt3A_267 = arith.constant 160 : i32
      %lt3A_268 = arith.cmpi slt, %add3A_266, %lt3A_267 : i32
      %convert_element_type3A_269 = arith.extui %lt3A_268 : i1 to i32
      %cond3A_270 = arith.constant 0 : i32
      %cond3A_271 = arith.cmpi ne, %convert_element_type3A_269, %cond3A_270 : i32
      scf.if %cond3A_271 {
        %add3A_393 = arith.constant 4 : i32
        %add3A_394 = arith.addi %add3A_259, %add3A_393 : i32
        %dma_start3A_395 = arith.constant 0 : i32
        %dma_start3A_396 = arith.constant 0 : i32
        %dma_start3A_397 = tpu.memref_slice %arg9[%add3A_394, %dma_start3A_396] : memref<160x128xi32, #tpu.memory_space<vmem>> -> memref<1x128xi32, #tpu.memory_space<vmem>>
        %dma_start3A_398 = tpu.memref_squeeze %dma_start3A_397 : memref<1x128xi32, #tpu.memory_space<vmem>> -> memref<128xi32, #tpu.memory_space<vmem>>
        %dma_start3A_399 = arith.constant 0 : i32
        %dma_start3A_400 = arith.constant 0 : i32
        %dma_start3A_401 = tpu.memref_slice %arg20[%dma_start3A_399, %dma_start3A_400] : memref<10000x32xf32, #tpu.memory_space<vmem_shared>> -> memref<10000x32xf32, #tpu.memory_space<vmem_shared>>
        %dma_start3A_402 = tpu.memref_slice %arg21[%dma_start3A_395] : memref<8x!tpu.dma_semaphore, #tpu.memory_space<semaphore_mem>> -> memref<1x!tpu.dma_semaphore, #tpu.memory_space<semaphore_mem>>
        %dma_start3A_403 = tpu.memref_squeeze %dma_start3A_402 : memref<1x!tpu.dma_semaphore, #tpu.memory_space<semaphore_mem>> -> memref<!tpu.dma_semaphore, #tpu.memory_space<semaphore_mem>>
        tpu.enqueue_indirect_dma source(%dma_start3A_401 : memref<10000x32xf32, #tpu.memory_space<vmem_shared>>) target(%arg11 : memref<128x32xf32, #tpu.memory_space<vmem>>) offsets(%dma_start3A_398 : memref<128xi32, #tpu.memory_space<vmem>>) semaphore(%dma_start3A_403 : memref<!tpu.dma_semaphore, #tpu.memory_space<semaphore_mem>>)
      } else {
      }
      %dma_wait3A_272 = arith.constant 4 : i32
      %dma_wait3A_273 = arith.constant 0 : i32
      %dma_wait3A_274 = tpu.memref_slice %arg9[%add3A_259, %dma_wait3A_273] : memref<160x128xi32, #tpu.memory_space<vmem>> -> memref<1x128xi32, #tpu.memory_space<vmem>>
      %dma_wait3A_275 = tpu.memref_squeeze %dma_wait3A_274 : memref<1x128xi32, #tpu.memory_space<vmem>> -> memref<128xi32, #tpu.memory_space<vmem>>
      %dma_wait3A_276 = arith.constant 0 : i32
      %dma_wait3A_277 = arith.constant 0 : i32
      %dma_wait3A_278 = tpu.memref_slice %arg20[%dma_wait3A_276, %dma_wait3A_277] : memref<10000x32xf32, #tpu.memory_space<vmem_shared>> -> memref<10000x32xf32, #tpu.memory_space<vmem_shared>>
      %dma_wait3A_279 = tpu.memref_slice %arg21[%dma_wait3A_272] : memref<8x!tpu.dma_semaphore, #tpu.memory_space<semaphore_mem>> -> memref<1x!tpu.dma_semaphore, #tpu.memory_space<semaphore_mem>>
      %dma_wait3A_280 = tpu.memref_squeeze %dma_wait3A_279 : memref<1x!tpu.dma_semaphore, #tpu.memory_space<semaphore_mem>> -> memref<!tpu.dma_semaphore, #tpu.memory_space<semaphore_mem>>
      tpu.wait_indirect_dma semaphore(%dma_wait3A_280 : memref<!tpu.dma_semaphore, #tpu.memory_space<semaphore_mem>>) src(%dma_wait3A_278 : memref<10000x32xf32, #tpu.memory_space<vmem_shared>>) dst(%arg15 : memref<128x32xf32, #tpu.memory_space<vmem>>)
      %dma_start3A_281 = arith.constant 4 : i32
      %dma_start3A_282 = arith.constant 0 : i32
      %dma_start3A_283 = tpu.memref_slice %arg10[%add3A_259, %dma_start3A_282] : memref<160x128xi32, #tpu.memory_space<vmem>> -> memref<1x128xi32, #tpu.memory_space<vmem>>
      %dma_start3A_284 = tpu.memref_squeeze %dma_start3A_283 : memref<1x128xi32, #tpu.memory_space<vmem>> -> memref<128xi32, #tpu.memory_space<vmem>>
      %dma_start3A_285 = arith.constant 0 : i32
      %dma_start3A_286 = arith.constant 0 : i32
      %dma_start3A_287 = tpu.memref_slice %arg19[%dma_start3A_285, %dma_start3A_286] : memref<10240x32xf32, #tpu.memory_space<vmem_shared>> -> memref<10240x32xf32, #tpu.memory_space<vmem_shared>>
      %dma_start3A_288 = tpu.memref_slice %arg22[%dma_start3A_281] : memref<8x!tpu.dma_semaphore, #tpu.memory_space<semaphore_mem>> -> memref<1x!tpu.dma_semaphore, #tpu.memory_space<semaphore_mem>>
      %dma_start3A_289 = tpu.memref_squeeze %dma_start3A_288 : memref<1x!tpu.dma_semaphore, #tpu.memory_space<semaphore_mem>> -> memref<!tpu.dma_semaphore, #tpu.memory_space<semaphore_mem>>
      tpu.enqueue_indirect_dma source(%arg15 : memref<128x32xf32, #tpu.memory_space<vmem>>) target(%dma_start3A_287 : memref<10240x32xf32, #tpu.memory_space<vmem_shared>>) offsets(%dma_start3A_284 : memref<128xi32, #tpu.memory_space<vmem>>) semaphore(%dma_start3A_289 : memref<!tpu.dma_semaphore, #tpu.memory_space<semaphore_mem>>) {add = true}
      %mul3A_290 = arith.constant 8 : i32
      %mul3A_291 = arith.muli %scan3A_121, %mul3A_290 : i32
      %add3A_292 = arith.constant 5 : i32
      %add3A_293 = arith.addi %mul3A_291, %add3A_292 : i32
      %ge3A_294 = arith.constant 4 : i32
      %ge3A_295 = arith.cmpi sge, %add3A_293, %ge3A_294 : i32
      %convert_element_type3A_296 = arith.extui %ge3A_295 : i1 to i32
      %cond3A_297 = arith.constant 0 : i32
      %cond3A_298 = arith.cmpi ne, %convert_element_type3A_296, %cond3A_297 : i32
      scf.if %cond3A_298 {
        %sub3A = arith.constant 4 : i32
        %sub3A_393 = arith.subi %add3A_293, %sub3A : i32
        %dma_wait3A_394 = arith.constant 1 : i32
        %dma_wait3A_395 = arith.constant 0 : i32
        %dma_wait3A_396 = tpu.memref_slice %arg10[%sub3A_393, %dma_wait3A_395] : memref<160x128xi32, #tpu.memory_space<vmem>> -> memref<1x128xi32, #tpu.memory_space<vmem>>
        %dma_wait3A_397 = tpu.memref_squeeze %dma_wait3A_396 : memref<1x128xi32, #tpu.memory_space<vmem>> -> memref<128xi32, #tpu.memory_space<vmem>>
        %dma_wait3A_398 = arith.constant 0 : i32
        %dma_wait3A_399 = arith.constant 0 : i32
        %dma_wait3A_400 = tpu.memref_slice %arg19[%dma_wait3A_398, %dma_wait3A_399] : memref<10240x32xf32, #tpu.memory_space<vmem_shared>> -> memref<10240x32xf32, #tpu.memory_space<vmem_shared>>
        %dma_wait3A_401 = tpu.memref_slice %arg22[%dma_wait3A_394] : memref<8x!tpu.dma_semaphore, #tpu.memory_space<semaphore_mem>> -> memref<1x!tpu.dma_semaphore, #tpu.memory_space<semaphore_mem>>
        %dma_wait3A_402 = tpu.memref_squeeze %dma_wait3A_401 : memref<1x!tpu.dma_semaphore, #tpu.memory_space<semaphore_mem>> -> memref<!tpu.dma_semaphore, #tpu.memory_space<semaphore_mem>>
        tpu.wait_indirect_dma semaphore(%dma_wait3A_402 : memref<!tpu.dma_semaphore, #tpu.memory_space<semaphore_mem>>) src(%arg12 : memref<128x32xf32, #tpu.memory_space<vmem>>) dst(%dma_wait3A_400 : memref<10240x32xf32, #tpu.memory_space<vmem_shared>>)
      } else {
      }
      %add3A_299 = arith.constant 4 : i32
      %add3A_300 = arith.addi %add3A_293, %add3A_299 : i32
      %lt3A_301 = arith.constant 160 : i32
      %lt3A_302 = arith.cmpi slt, %add3A_300, %lt3A_301 : i32
      %convert_element_type3A_303 = arith.extui %lt3A_302 : i1 to i32
      %cond3A_304 = arith.constant 0 : i32
      %cond3A_305 = arith.cmpi ne, %convert_element_type3A_303, %cond3A_304 : i32
      scf.if %cond3A_305 {
        %add3A_393 = arith.constant 4 : i32
        %add3A_394 = arith.addi %add3A_293, %add3A_393 : i32
        %dma_start3A_395 = arith.constant 1 : i32
        %dma_start3A_396 = arith.constant 0 : i32
        %dma_start3A_397 = tpu.memref_slice %arg9[%add3A_394, %dma_start3A_396] : memref<160x128xi32, #tpu.memory_space<vmem>> -> memref<1x128xi32, #tpu.memory_space<vmem>>
        %dma_start3A_398 = tpu.memref_squeeze %dma_start3A_397 : memref<1x128xi32, #tpu.memory_space<vmem>> -> memref<128xi32, #tpu.memory_space<vmem>>
        %dma_start3A_399 = arith.constant 0 : i32
        %dma_start3A_400 = arith.constant 0 : i32
        %dma_start3A_401 = tpu.memref_slice %arg20[%dma_start3A_399, %dma_start3A_400] : memref<10000x32xf32, #tpu.memory_space<vmem_shared>> -> memref<10000x32xf32, #tpu.memory_space<vmem_shared>>
        %dma_start3A_402 = tpu.memref_slice %arg21[%dma_start3A_395] : memref<8x!tpu.dma_semaphore, #tpu.memory_space<semaphore_mem>> -> memref<1x!tpu.dma_semaphore, #tpu.memory_space<semaphore_mem>>
        %dma_start3A_403 = tpu.memref_squeeze %dma_start3A_402 : memref<1x!tpu.dma_semaphore, #tpu.memory_space<semaphore_mem>> -> memref<!tpu.dma_semaphore, #tpu.memory_space<semaphore_mem>>
        tpu.enqueue_indirect_dma source(%dma_start3A_401 : memref<10000x32xf32, #tpu.memory_space<vmem_shared>>) target(%arg12 : memref<128x32xf32, #tpu.memory_space<vmem>>) offsets(%dma_start3A_398 : memref<128xi32, #tpu.memory_space<vmem>>) semaphore(%dma_start3A_403 : memref<!tpu.dma_semaphore, #tpu.memory_space<semaphore_mem>>)
      } else {
      }
      %dma_wait3A_306 = arith.constant 5 : i32
      %dma_wait3A_307 = arith.constant 0 : i32
      %dma_wait3A_308 = tpu.memref_slice %arg9[%add3A_293, %dma_wait3A_307] : memref<160x128xi32, #tpu.memory_space<vmem>> -> memref<1x128xi32, #tpu.memory_space<vmem>>
      %dma_wait3A_309 = tpu.memref_squeeze %dma_wait3A_308 : memref<1x128xi32, #tpu.memory_space<vmem>> -> memref<128xi32, #tpu.memory_space<vmem>>
      %dma_wait3A_310 = arith.constant 0 : i32
      %dma_wait3A_311 = arith.constant 0 : i32
      %dma_wait3A_312 = tpu.memref_slice %arg20[%dma_wait3A_310, %dma_wait3A_311] : memref<10000x32xf32, #tpu.memory_space<vmem_shared>> -> memref<10000x32xf32, #tpu.memory_space<vmem_shared>>
      %dma_wait3A_313 = tpu.memref_slice %arg21[%dma_wait3A_306] : memref<8x!tpu.dma_semaphore, #tpu.memory_space<semaphore_mem>> -> memref<1x!tpu.dma_semaphore, #tpu.memory_space<semaphore_mem>>
      %dma_wait3A_314 = tpu.memref_squeeze %dma_wait3A_313 : memref<1x!tpu.dma_semaphore, #tpu.memory_space<semaphore_mem>> -> memref<!tpu.dma_semaphore, #tpu.memory_space<semaphore_mem>>
      tpu.wait_indirect_dma semaphore(%dma_wait3A_314 : memref<!tpu.dma_semaphore, #tpu.memory_space<semaphore_mem>>) src(%dma_wait3A_312 : memref<10000x32xf32, #tpu.memory_space<vmem_shared>>) dst(%arg16 : memref<128x32xf32, #tpu.memory_space<vmem>>)
      %dma_start3A_315 = arith.constant 5 : i32
      %dma_start3A_316 = arith.constant 0 : i32
      %dma_start3A_317 = tpu.memref_slice %arg10[%add3A_293, %dma_start3A_316] : memref<160x128xi32, #tpu.memory_space<vmem>> -> memref<1x128xi32, #tpu.memory_space<vmem>>
      %dma_start3A_318 = tpu.memref_squeeze %dma_start3A_317 : memref<1x128xi32, #tpu.memory_space<vmem>> -> memref<128xi32, #tpu.memory_space<vmem>>
      %dma_start3A_319 = arith.constant 0 : i32
      %dma_start3A_320 = arith.constant 0 : i32
      %dma_start3A_321 = tpu.memref_slice %arg19[%dma_start3A_319, %dma_start3A_320] : memref<10240x32xf32, #tpu.memory_space<vmem_shared>> -> memref<10240x32xf32, #tpu.memory_space<vmem_shared>>
      %dma_start3A_322 = tpu.memref_slice %arg22[%dma_start3A_315] : memref<8x!tpu.dma_semaphore, #tpu.memory_space<semaphore_mem>> -> memref<1x!tpu.dma_semaphore, #tpu.memory_space<semaphore_mem>>
      %dma_start3A_323 = tpu.memref_squeeze %dma_start3A_322 : memref<1x!tpu.dma_semaphore, #tpu.memory_space<semaphore_mem>> -> memref<!tpu.dma_semaphore, #tpu.memory_space<semaphore_mem>>
      tpu.enqueue_indirect_dma source(%arg16 : memref<128x32xf32, #tpu.memory_space<vmem>>) target(%dma_start3A_321 : memref<10240x32xf32, #tpu.memory_space<vmem_shared>>) offsets(%dma_start3A_318 : memref<128xi32, #tpu.memory_space<vmem>>) semaphore(%dma_start3A_323 : memref<!tpu.dma_semaphore, #tpu.memory_space<semaphore_mem>>) {add = true}
      %mul3A_324 = arith.constant 8 : i32
      %mul3A_325 = arith.muli %scan3A_121, %mul3A_324 : i32
      %add3A_326 = arith.constant 6 : i32
      %add3A_327 = arith.addi %mul3A_325, %add3A_326 : i32
      %ge3A_328 = arith.constant 4 : i32
      %ge3A_329 = arith.cmpi sge, %add3A_327, %ge3A_328 : i32
      %convert_element_type3A_330 = arith.extui %ge3A_329 : i1 to i32
      %cond3A_331 = arith.constant 0 : i32
      %cond3A_332 = arith.cmpi ne, %convert_element_type3A_330, %cond3A_331 : i32
      scf.if %cond3A_332 {
        %sub3A = arith.constant 4 : i32
        %sub3A_393 = arith.subi %add3A_327, %sub3A : i32
        %dma_wait3A_394 = arith.constant 2 : i32
        %dma_wait3A_395 = arith.constant 0 : i32
        %dma_wait3A_396 = tpu.memref_slice %arg10[%sub3A_393, %dma_wait3A_395] : memref<160x128xi32, #tpu.memory_space<vmem>> -> memref<1x128xi32, #tpu.memory_space<vmem>>
        %dma_wait3A_397 = tpu.memref_squeeze %dma_wait3A_396 : memref<1x128xi32, #tpu.memory_space<vmem>> -> memref<128xi32, #tpu.memory_space<vmem>>
        %dma_wait3A_398 = arith.constant 0 : i32
        %dma_wait3A_399 = arith.constant 0 : i32
        %dma_wait3A_400 = tpu.memref_slice %arg19[%dma_wait3A_398, %dma_wait3A_399] : memref<10240x32xf32, #tpu.memory_space<vmem_shared>> -> memref<10240x32xf32, #tpu.memory_space<vmem_shared>>
        %dma_wait3A_401 = tpu.memref_slice %arg22[%dma_wait3A_394] : memref<8x!tpu.dma_semaphore, #tpu.memory_space<semaphore_mem>> -> memref<1x!tpu.dma_semaphore, #tpu.memory_space<semaphore_mem>>
        %dma_wait3A_402 = tpu.memref_squeeze %dma_wait3A_401 : memref<1x!tpu.dma_semaphore, #tpu.memory_space<semaphore_mem>> -> memref<!tpu.dma_semaphore, #tpu.memory_space<semaphore_mem>>
        tpu.wait_indirect_dma semaphore(%dma_wait3A_402 : memref<!tpu.dma_semaphore, #tpu.memory_space<semaphore_mem>>) src(%arg13 : memref<128x32xf32, #tpu.memory_space<vmem>>) dst(%dma_wait3A_400 : memref<10240x32xf32, #tpu.memory_space<vmem_shared>>)
      } else {
      }
      %add3A_333 = arith.constant 4 : i32
      %add3A_334 = arith.addi %add3A_327, %add3A_333 : i32
      %lt3A_335 = arith.constant 160 : i32
      %lt3A_336 = arith.cmpi slt, %add3A_334, %lt3A_335 : i32
      %convert_element_type3A_337 = arith.extui %lt3A_336 : i1 to i32
      %cond3A_338 = arith.constant 0 : i32
      %cond3A_339 = arith.cmpi ne, %convert_element_type3A_337, %cond3A_338 : i32
      scf.if %cond3A_339 {
        %add3A_393 = arith.constant 4 : i32
        %add3A_394 = arith.addi %add3A_327, %add3A_393 : i32
        %dma_start3A_395 = arith.constant 2 : i32
        %dma_start3A_396 = arith.constant 0 : i32
        %dma_start3A_397 = tpu.memref_slice %arg9[%add3A_394, %dma_start3A_396] : memref<160x128xi32, #tpu.memory_space<vmem>> -> memref<1x128xi32, #tpu.memory_space<vmem>>
        %dma_start3A_398 = tpu.memref_squeeze %dma_start3A_397 : memref<1x128xi32, #tpu.memory_space<vmem>> -> memref<128xi32, #tpu.memory_space<vmem>>
        %dma_start3A_399 = arith.constant 0 : i32
        %dma_start3A_400 = arith.constant 0 : i32
        %dma_start3A_401 = tpu.memref_slice %arg20[%dma_start3A_399, %dma_start3A_400] : memref<10000x32xf32, #tpu.memory_space<vmem_shared>> -> memref<10000x32xf32, #tpu.memory_space<vmem_shared>>
        %dma_start3A_402 = tpu.memref_slice %arg21[%dma_start3A_395] : memref<8x!tpu.dma_semaphore, #tpu.memory_space<semaphore_mem>> -> memref<1x!tpu.dma_semaphore, #tpu.memory_space<semaphore_mem>>
        %dma_start3A_403 = tpu.memref_squeeze %dma_start3A_402 : memref<1x!tpu.dma_semaphore, #tpu.memory_space<semaphore_mem>> -> memref<!tpu.dma_semaphore, #tpu.memory_space<semaphore_mem>>
        tpu.enqueue_indirect_dma source(%dma_start3A_401 : memref<10000x32xf32, #tpu.memory_space<vmem_shared>>) target(%arg13 : memref<128x32xf32, #tpu.memory_space<vmem>>) offsets(%dma_start3A_398 : memref<128xi32, #tpu.memory_space<vmem>>) semaphore(%dma_start3A_403 : memref<!tpu.dma_semaphore, #tpu.memory_space<semaphore_mem>>)
      } else {
      }
      %dma_wait3A_340 = arith.constant 6 : i32
      %dma_wait3A_341 = arith.constant 0 : i32
      %dma_wait3A_342 = tpu.memref_slice %arg9[%add3A_327, %dma_wait3A_341] : memref<160x128xi32, #tpu.memory_space<vmem>> -> memref<1x128xi32, #tpu.memory_space<vmem>>
      %dma_wait3A_343 = tpu.memref_squeeze %dma_wait3A_342 : memref<1x128xi32, #tpu.memory_space<vmem>> -> memref<128xi32, #tpu.memory_space<vmem>>
      %dma_wait3A_344 = arith.constant 0 : i32
      %dma_wait3A_345 = arith.constant 0 : i32
      %dma_wait3A_346 = tpu.memref_slice %arg20[%dma_wait3A_344, %dma_wait3A_345] : memref<10000x32xf32, #tpu.memory_space<vmem_shared>> -> memref<10000x32xf32, #tpu.memory_space<vmem_shared>>
      %dma_wait3A_347 = tpu.memref_slice %arg21[%dma_wait3A_340] : memref<8x!tpu.dma_semaphore, #tpu.memory_space<semaphore_mem>> -> memref<1x!tpu.dma_semaphore, #tpu.memory_space<semaphore_mem>>
      %dma_wait3A_348 = tpu.memref_squeeze %dma_wait3A_347 : memref<1x!tpu.dma_semaphore, #tpu.memory_space<semaphore_mem>> -> memref<!tpu.dma_semaphore, #tpu.memory_space<semaphore_mem>>
      tpu.wait_indirect_dma semaphore(%dma_wait3A_348 : memref<!tpu.dma_semaphore, #tpu.memory_space<semaphore_mem>>) src(%dma_wait3A_346 : memref<10000x32xf32, #tpu.memory_space<vmem_shared>>) dst(%arg17 : memref<128x32xf32, #tpu.memory_space<vmem>>)
      %dma_start3A_349 = arith.constant 6 : i32
      %dma_start3A_350 = arith.constant 0 : i32
      %dma_start3A_351 = tpu.memref_slice %arg10[%add3A_327, %dma_start3A_350] : memref<160x128xi32, #tpu.memory_space<vmem>> -> memref<1x128xi32, #tpu.memory_space<vmem>>
      %dma_start3A_352 = tpu.memref_squeeze %dma_start3A_351 : memref<1x128xi32, #tpu.memory_space<vmem>> -> memref<128xi32, #tpu.memory_space<vmem>>
      %dma_start3A_353 = arith.constant 0 : i32
      %dma_start3A_354 = arith.constant 0 : i32
      %dma_start3A_355 = tpu.memref_slice %arg19[%dma_start3A_353, %dma_start3A_354] : memref<10240x32xf32, #tpu.memory_space<vmem_shared>> -> memref<10240x32xf32, #tpu.memory_space<vmem_shared>>
      %dma_start3A_356 = tpu.memref_slice %arg22[%dma_start3A_349] : memref<8x!tpu.dma_semaphore, #tpu.memory_space<semaphore_mem>> -> memref<1x!tpu.dma_semaphore, #tpu.memory_space<semaphore_mem>>
      %dma_start3A_357 = tpu.memref_squeeze %dma_start3A_356 : memref<1x!tpu.dma_semaphore, #tpu.memory_space<semaphore_mem>> -> memref<!tpu.dma_semaphore, #tpu.memory_space<semaphore_mem>>
      tpu.enqueue_indirect_dma source(%arg17 : memref<128x32xf32, #tpu.memory_space<vmem>>) target(%dma_start3A_355 : memref<10240x32xf32, #tpu.memory_space<vmem_shared>>) offsets(%dma_start3A_352 : memref<128xi32, #tpu.memory_space<vmem>>) semaphore(%dma_start3A_357 : memref<!tpu.dma_semaphore, #tpu.memory_space<semaphore_mem>>) {add = true}
      %mul3A_358 = arith.constant 8 : i32
      %mul3A_359 = arith.muli %scan3A_121, %mul3A_358 : i32
      %add3A_360 = arith.constant 7 : i32
      %add3A_361 = arith.addi %mul3A_359, %add3A_360 : i32
      %ge3A_362 = arith.constant 4 : i32
      %ge3A_363 = arith.cmpi sge, %add3A_361, %ge3A_362 : i32
      %convert_element_type3A_364 = arith.extui %ge3A_363 : i1 to i32
      %cond3A_365 = arith.constant 0 : i32
      %cond3A_366 = arith.cmpi ne, %convert_element_type3A_364, %cond3A_365 : i32
      scf.if %cond3A_366 {
        %sub3A = arith.constant 4 : i32
        %sub3A_393 = arith.subi %add3A_361, %sub3A : i32
        %dma_wait3A_394 = arith.constant 3 : i32
        %dma_wait3A_395 = arith.constant 0 : i32
        %dma_wait3A_396 = tpu.memref_slice %arg10[%sub3A_393, %dma_wait3A_395] : memref<160x128xi32, #tpu.memory_space<vmem>> -> memref<1x128xi32, #tpu.memory_space<vmem>>
        %dma_wait3A_397 = tpu.memref_squeeze %dma_wait3A_396 : memref<1x128xi32, #tpu.memory_space<vmem>> -> memref<128xi32, #tpu.memory_space<vmem>>
        %dma_wait3A_398 = arith.constant 0 : i32
        %dma_wait3A_399 = arith.constant 0 : i32
        %dma_wait3A_400 = tpu.memref_slice %arg19[%dma_wait3A_398, %dma_wait3A_399] : memref<10240x32xf32, #tpu.memory_space<vmem_shared>> -> memref<10240x32xf32, #tpu.memory_space<vmem_shared>>
        %dma_wait3A_401 = tpu.memref_slice %arg22[%dma_wait3A_394] : memref<8x!tpu.dma_semaphore, #tpu.memory_space<semaphore_mem>> -> memref<1x!tpu.dma_semaphore, #tpu.memory_space<semaphore_mem>>
        %dma_wait3A_402 = tpu.memref_squeeze %dma_wait3A_401 : memref<1x!tpu.dma_semaphore, #tpu.memory_space<semaphore_mem>> -> memref<!tpu.dma_semaphore, #tpu.memory_space<semaphore_mem>>
        tpu.wait_indirect_dma semaphore(%dma_wait3A_402 : memref<!tpu.dma_semaphore, #tpu.memory_space<semaphore_mem>>) src(%arg14 : memref<128x32xf32, #tpu.memory_space<vmem>>) dst(%dma_wait3A_400 : memref<10240x32xf32, #tpu.memory_space<vmem_shared>>)
      } else {
      }
      %add3A_367 = arith.constant 4 : i32
      %add3A_368 = arith.addi %add3A_361, %add3A_367 : i32
      %lt3A_369 = arith.constant 160 : i32
      %lt3A_370 = arith.cmpi slt, %add3A_368, %lt3A_369 : i32
      %convert_element_type3A_371 = arith.extui %lt3A_370 : i1 to i32
      %cond3A_372 = arith.constant 0 : i32
      %cond3A_373 = arith.cmpi ne, %convert_element_type3A_371, %cond3A_372 : i32
      scf.if %cond3A_373 {
        %add3A_393 = arith.constant 4 : i32
        %add3A_394 = arith.addi %add3A_361, %add3A_393 : i32
        %dma_start3A_395 = arith.constant 3 : i32
        %dma_start3A_396 = arith.constant 0 : i32
        %dma_start3A_397 = tpu.memref_slice %arg9[%add3A_394, %dma_start3A_396] : memref<160x128xi32, #tpu.memory_space<vmem>> -> memref<1x128xi32, #tpu.memory_space<vmem>>
        %dma_start3A_398 = tpu.memref_squeeze %dma_start3A_397 : memref<1x128xi32, #tpu.memory_space<vmem>> -> memref<128xi32, #tpu.memory_space<vmem>>
        %dma_start3A_399 = arith.constant 0 : i32
        %dma_start3A_400 = arith.constant 0 : i32
        %dma_start3A_401 = tpu.memref_slice %arg20[%dma_start3A_399, %dma_start3A_400] : memref<10000x32xf32, #tpu.memory_space<vmem_shared>> -> memref<10000x32xf32, #tpu.memory_space<vmem_shared>>
        %dma_start3A_402 = tpu.memref_slice %arg21[%dma_start3A_395] : memref<8x!tpu.dma_semaphore, #tpu.memory_space<semaphore_mem>> -> memref<1x!tpu.dma_semaphore, #tpu.memory_space<semaphore_mem>>
        %dma_start3A_403 = tpu.memref_squeeze %dma_start3A_402 : memref<1x!tpu.dma_semaphore, #tpu.memory_space<semaphore_mem>> -> memref<!tpu.dma_semaphore, #tpu.memory_space<semaphore_mem>>
        tpu.enqueue_indirect_dma source(%dma_start3A_401 : memref<10000x32xf32, #tpu.memory_space<vmem_shared>>) target(%arg14 : memref<128x32xf32, #tpu.memory_space<vmem>>) offsets(%dma_start3A_398 : memref<128xi32, #tpu.memory_space<vmem>>) semaphore(%dma_start3A_403 : memref<!tpu.dma_semaphore, #tpu.memory_space<semaphore_mem>>)
      } else {
      }
      %dma_wait3A_374 = arith.constant 7 : i32
      %dma_wait3A_375 = arith.constant 0 : i32
      %dma_wait3A_376 = tpu.memref_slice %arg9[%add3A_361, %dma_wait3A_375] : memref<160x128xi32, #tpu.memory_space<vmem>> -> memref<1x128xi32, #tpu.memory_space<vmem>>
      %dma_wait3A_377 = tpu.memref_squeeze %dma_wait3A_376 : memref<1x128xi32, #tpu.memory_space<vmem>> -> memref<128xi32, #tpu.memory_space<vmem>>
      %dma_wait3A_378 = arith.constant 0 : i32
      %dma_wait3A_379 = arith.constant 0 : i32
      %dma_wait3A_380 = tpu.memref_slice %arg20[%dma_wait3A_378, %dma_wait3A_379] : memref<10000x32xf32, #tpu.memory_space<vmem_shared>> -> memref<10000x32xf32, #tpu.memory_space<vmem_shared>>
      %dma_wait3A_381 = tpu.memref_slice %arg21[%dma_wait3A_374] : memref<8x!tpu.dma_semaphore, #tpu.memory_space<semaphore_mem>> -> memref<1x!tpu.dma_semaphore, #tpu.memory_space<semaphore_mem>>
      %dma_wait3A_382 = tpu.memref_squeeze %dma_wait3A_381 : memref<1x!tpu.dma_semaphore, #tpu.memory_space<semaphore_mem>> -> memref<!tpu.dma_semaphore, #tpu.memory_space<semaphore_mem>>
      tpu.wait_indirect_dma semaphore(%dma_wait3A_382 : memref<!tpu.dma_semaphore, #tpu.memory_space<semaphore_mem>>) src(%dma_wait3A_380 : memref<10000x32xf32, #tpu.memory_space<vmem_shared>>) dst(%arg18 : memref<128x32xf32, #tpu.memory_space<vmem>>)
      %dma_start3A_383 = arith.constant 7 : i32
      %dma_start3A_384 = arith.constant 0 : i32
      %dma_start3A_385 = tpu.memref_slice %arg10[%add3A_361, %dma_start3A_384] : memref<160x128xi32, #tpu.memory_space<vmem>> -> memref<1x128xi32, #tpu.memory_space<vmem>>
      %dma_start3A_386 = tpu.memref_squeeze %dma_start3A_385 : memref<1x128xi32, #tpu.memory_space<vmem>> -> memref<128xi32, #tpu.memory_space<vmem>>
      %dma_start3A_387 = arith.constant 0 : i32
      %dma_start3A_388 = arith.constant 0 : i32
      %dma_start3A_389 = tpu.memref_slice %arg19[%dma_start3A_387, %dma_start3A_388] : memref<10240x32xf32, #tpu.memory_space<vmem_shared>> -> memref<10240x32xf32, #tpu.memory_space<vmem_shared>>
      %dma_start3A_390 = tpu.memref_slice %arg22[%dma_start3A_383] : memref<8x!tpu.dma_semaphore, #tpu.memory_space<semaphore_mem>> -> memref<1x!tpu.dma_semaphore, #tpu.memory_space<semaphore_mem>>
      %dma_start3A_391 = tpu.memref_squeeze %dma_start3A_390 : memref<1x!tpu.dma_semaphore, #tpu.memory_space<semaphore_mem>> -> memref<!tpu.dma_semaphore, #tpu.memory_space<semaphore_mem>>
      tpu.enqueue_indirect_dma source(%arg18 : memref<128x32xf32, #tpu.memory_space<vmem>>) target(%dma_start3A_389 : memref<10240x32xf32, #tpu.memory_space<vmem_shared>>) offsets(%dma_start3A_386 : memref<128xi32, #tpu.memory_space<vmem>>) semaphore(%dma_start3A_391 : memref<!tpu.dma_semaphore, #tpu.memory_space<semaphore_mem>>) {add = true}
      %scan3A_392 = arith.constant 0 : i32
      scf.yield %scan3A_392 : i32
    }
    %scan3A_64 = arith.constant 20 : i32
    %dma_wait3A = arith.constant 156 : i32
    %dma_wait3A_65 = arith.constant 4 : i32
    %dma_wait3A_66 = arith.constant 0 : i32
    %dma_wait3A_67 = tpu.memref_slice %arg10[%dma_wait3A, %dma_wait3A_66] : memref<160x128xi32, #tpu.memory_space<vmem>> -> memref<1x128xi32, #tpu.memory_space<vmem>>
    %dma_wait3A_68 = tpu.memref_squeeze %dma_wait3A_67 : memref<1x128xi32, #tpu.memory_space<vmem>> -> memref<128xi32, #tpu.memory_space<vmem>>
    %dma_wait3A_69 = arith.constant 0 : i32
    %dma_wait3A_70 = arith.constant 0 : i32
    %dma_wait3A_71 = tpu.memref_slice %arg19[%dma_wait3A_69, %dma_wait3A_70] : memref<10240x32xf32, #tpu.memory_space<vmem_shared>> -> memref<10240x32xf32, #tpu.memory_space<vmem_shared>>
    %dma_wait3A_72 = tpu.memref_slice %arg22[%dma_wait3A_65] : memref<8x!tpu.dma_semaphore, #tpu.memory_space<semaphore_mem>> -> memref<1x!tpu.dma_semaphore, #tpu.memory_space<semaphore_mem>>
    %dma_wait3A_73 = tpu.memref_squeeze %dma_wait3A_72 : memref<1x!tpu.dma_semaphore, #tpu.memory_space<semaphore_mem>> -> memref<!tpu.dma_semaphore, #tpu.memory_space<semaphore_mem>>
    tpu.wait_indirect_dma semaphore(%dma_wait3A_73 : memref<!tpu.dma_semaphore, #tpu.memory_space<semaphore_mem>>) src(%arg15 : memref<128x32xf32, #tpu.memory_space<vmem>>) dst(%dma_wait3A_71 : memref<10240x32xf32, #tpu.memory_space<vmem_shared>>)
    %dma_wait3A_74 = arith.constant 157 : i32
    %dma_wait3A_75 = arith.constant 5 : i32
    %dma_wait3A_76 = arith.constant 0 : i32
    %dma_wait3A_77 = tpu.memref_slice %arg10[%dma_wait3A_74, %dma_wait3A_76] : memref<160x128xi32, #tpu.memory_space<vmem>> -> memref<1x128xi32, #tpu.memory_space<vmem>>
    %dma_wait3A_78 = tpu.memref_squeeze %dma_wait3A_77 : memref<1x128xi32, #tpu.memory_space<vmem>> -> memref<128xi32, #tpu.memory_space<vmem>>
    %dma_wait3A_79 = arith.constant 0 : i32
    %dma_wait3A_80 = arith.constant 0 : i32
    %dma_wait3A_81 = tpu.memref_slice %arg19[%dma_wait3A_79, %dma_wait3A_80] : memref<10240x32xf32, #tpu.memory_space<vmem_shared>> -> memref<10240x32xf32, #tpu.memory_space<vmem_shared>>
    %dma_wait3A_82 = tpu.memref_slice %arg22[%dma_wait3A_75] : memref<8x!tpu.dma_semaphore, #tpu.memory_space<semaphore_mem>> -> memref<1x!tpu.dma_semaphore, #tpu.memory_space<semaphore_mem>>
    %dma_wait3A_83 = tpu.memref_squeeze %dma_wait3A_82 : memref<1x!tpu.dma_semaphore, #tpu.memory_space<semaphore_mem>> -> memref<!tpu.dma_semaphore, #tpu.memory_space<semaphore_mem>>
    tpu.wait_indirect_dma semaphore(%dma_wait3A_83 : memref<!tpu.dma_semaphore, #tpu.memory_space<semaphore_mem>>) src(%arg16 : memref<128x32xf32, #tpu.memory_space<vmem>>) dst(%dma_wait3A_81 : memref<10240x32xf32, #tpu.memory_space<vmem_shared>>)
    %dma_wait3A_84 = arith.constant 158 : i32
    %dma_wait3A_85 = arith.constant 6 : i32
    %dma_wait3A_86 = arith.constant 0 : i32
    %dma_wait3A_87 = tpu.memref_slice %arg10[%dma_wait3A_84, %dma_wait3A_86] : memref<160x128xi32, #tpu.memory_space<vmem>> -> memref<1x128xi32, #tpu.memory_space<vmem>>
    %dma_wait3A_88 = tpu.memref_squeeze %dma_wait3A_87 : memref<1x128xi32, #tpu.memory_space<vmem>> -> memref<128xi32, #tpu.memory_space<vmem>>
    %dma_wait3A_89 = arith.constant 0 : i32
    %dma_wait3A_90 = arith.constant 0 : i32
    %dma_wait3A_91 = tpu.memref_slice %arg19[%dma_wait3A_89, %dma_wait3A_90] : memref<10240x32xf32, #tpu.memory_space<vmem_shared>> -> memref<10240x32xf32, #tpu.memory_space<vmem_shared>>
    %dma_wait3A_92 = tpu.memref_slice %arg22[%dma_wait3A_85] : memref<8x!tpu.dma_semaphore, #tpu.memory_space<semaphore_mem>> -> memref<1x!tpu.dma_semaphore, #tpu.memory_space<semaphore_mem>>
    %dma_wait3A_93 = tpu.memref_squeeze %dma_wait3A_92 : memref<1x!tpu.dma_semaphore, #tpu.memory_space<semaphore_mem>> -> memref<!tpu.dma_semaphore, #tpu.memory_space<semaphore_mem>>
    tpu.wait_indirect_dma semaphore(%dma_wait3A_93 : memref<!tpu.dma_semaphore, #tpu.memory_space<semaphore_mem>>) src(%arg17 : memref<128x32xf32, #tpu.memory_space<vmem>>) dst(%dma_wait3A_91 : memref<10240x32xf32, #tpu.memory_space<vmem_shared>>)
    %dma_wait3A_94 = arith.constant 159 : i32
    %dma_wait3A_95 = arith.constant 7 : i32
    %dma_wait3A_96 = arith.constant 0 : i32
    %dma_wait3A_97 = tpu.memref_slice %arg10[%dma_wait3A_94, %dma_wait3A_96] : memref<160x128xi32, #tpu.memory_space<vmem>> -> memref<1x128xi32, #tpu.memory_space<vmem>>
    %dma_wait3A_98 = tpu.memref_squeeze %dma_wait3A_97 : memref<1x128xi32, #tpu.memory_space<vmem>> -> memref<128xi32, #tpu.memory_space<vmem>>
    %dma_wait3A_99 = arith.constant 0 : i32
    %dma_wait3A_100 = arith.constant 0 : i32
    %dma_wait3A_101 = tpu.memref_slice %arg19[%dma_wait3A_99, %dma_wait3A_100] : memref<10240x32xf32, #tpu.memory_space<vmem_shared>> -> memref<10240x32xf32, #tpu.memory_space<vmem_shared>>
    %dma_wait3A_102 = tpu.memref_slice %arg22[%dma_wait3A_95] : memref<8x!tpu.dma_semaphore, #tpu.memory_space<semaphore_mem>> -> memref<1x!tpu.dma_semaphore, #tpu.memory_space<semaphore_mem>>
    %dma_wait3A_103 = tpu.memref_squeeze %dma_wait3A_102 : memref<1x!tpu.dma_semaphore, #tpu.memory_space<semaphore_mem>> -> memref<!tpu.dma_semaphore, #tpu.memory_space<semaphore_mem>>
    tpu.wait_indirect_dma semaphore(%dma_wait3A_103 : memref<!tpu.dma_semaphore, #tpu.memory_space<semaphore_mem>>) src(%arg18 : memref<128x32xf32, #tpu.memory_space<vmem>>) dst(%dma_wait3A_101 : memref<10240x32xf32, #tpu.memory_space<vmem_shared>>)
    %barrier3A_104 = arith.constant 0 : index
    tpu.barrier barrier_id(%barrier3A_104)
    %eq3A_105 = arith.constant 0 : i32
    %eq3A_106 = arith.cmpi eq, %arg1, %eq3A_105 : i32
    %eq3A_107 = arith.constant 0 : i32
    %eq3A_108 = arith.cmpi eq, %arg0, %eq3A_107 : i32
    %and3A_109 = arith.andi %eq3A_106, %eq3A_108 : i1
    %convert_element_type3A_110 = arith.extui %and3A_109 : i1 to i32
    %cond3A_111 = arith.constant 0 : i32
    %cond3A_112 = arith.cmpi ne, %convert_element_type3A_110, %cond3A_111 : i32
    scf.if %cond3A_112 {
      "tpu.region"() ({
        %run_scoped3A = tpu.sem_alloc : memref<!tpu.dma_semaphore, #tpu.memory_space<semaphore_mem>>
        tpu.enqueue_dma source(%arg19 : memref<10240x32xf32, #tpu.memory_space<vmem_shared>>) target(%arg7 : memref<10240x32xf32, #tpu.memory_space<hbm>>) target_semaphore(%run_scoped3A : memref<!tpu.dma_semaphore, #tpu.memory_space<semaphore_mem>>)
        tpu.wait_dma2 semaphore(%run_scoped3A : memref<!tpu.dma_semaphore, #tpu.memory_space<semaphore_mem>>) src(%arg19 : memref<10240x32xf32, #tpu.memory_space<vmem_shared>>) dst(%arg7 : memref<10240x32xf32, #tpu.memory_space<hbm>>)
        tpu.yield
      }) : () -> ()
    } else {
    }
    %eq3A_113 = arith.constant 0 : i32
    %eq3A_114 = arith.cmpi eq, %arg1, %eq3A_113 : i32
    %eq3A_115 = arith.constant 1 : i32
    %eq3A_116 = arith.cmpi eq, %arg0, %eq3A_115 : i32
    %and3A_117 = arith.andi %eq3A_114, %eq3A_116 : i1
    %convert_element_type3A_118 = arith.extui %and3A_117 : i1 to i32
    %cond3A_119 = arith.constant 0 : i32
    %cond3A_120 = arith.cmpi ne, %convert_element_type3A_118, %cond3A_119 : i32
    scf.if %cond3A_120 {
      "tpu.region"() ({
        %run_scoped3A = tpu.sem_alloc : memref<!tpu.dma_semaphore, #tpu.memory_space<semaphore_mem>>
        tpu.enqueue_dma source(%arg19 : memref<10240x32xf32, #tpu.memory_space<vmem_shared>>) target(%arg8 : memref<10240x32xf32, #tpu.memory_space<hbm>>) target_semaphore(%run_scoped3A : memref<!tpu.dma_semaphore, #tpu.memory_space<semaphore_mem>>)
        tpu.wait_dma2 semaphore(%run_scoped3A : memref<!tpu.dma_semaphore, #tpu.memory_space<semaphore_mem>>) src(%arg19 : memref<10240x32xf32, #tpu.memory_space<vmem_shared>>) dst(%arg8 : memref<10240x32xf32, #tpu.memory_space<hbm>>)
        tpu.yield
      }) : () -> ()
    } else {
    }
    return
  }
}

module attributes {stable_mosaic.version = 14 : i64} {
  func.func @_tc1_body(%arg0: i32, %arg1: memref<2x2000x1xf32, #tpu.memory_space<vmem>>, %arg2: memref<2000x128xf32, #tpu.memory_space<vmem>>, %arg3: memref<128x128xf32, #tpu.memory_space<vmem>>, %arg4: memref<2000x32xf32, #tpu.memory_space<vmem>>, %arg5: memref<2000x32xf32, #tpu.memory_space<vmem>>, %arg6: memref<2000x32xf32, #tpu.memory_space<vmem>>, %arg7: memref<2000x32xf32, #tpu.memory_space<vmem>>) attributes {dimension_semantics = [#tpu.dimension_semantics<arbitrary>], iteration_bounds = array<i64: 5>, scalar_prefetch = 0 : i64, scratch_operands = 0 : i64, tpu.core_type = #tpu.core_type<tc>, window_params = [{transform_indices = @transform_0, window_bounds = array<i64: 2, 2000, 1>}, {transform_indices = @transform_1, window_bounds = array<i64: 2000, 128>}, {pipeline_mode = #tpu.pipeline_mode<synchronous>, transform_indices = @transform_2, window_bounds = array<i64: 128, 128>}, {transform_indices = @transform_3, window_bounds = array<i64: 2000, 32>}, {transform_indices = @transform_4, window_bounds = array<i64: 2000, 32>}, {transform_indices = @transform_5, window_bounds = array<i64: 2000, 32>}, {transform_indices = @transform_6, window_bounds = array<i64: 2000, 32>}]} {
    %get3A = arith.constant 0 : index
    %get3A_0 = arith.constant 0 : index
    %get3A_1 = arith.constant 0 : index
    %get3A_2 = vector.load %arg1[%get3A, %get3A_0, %get3A_1] : memref<2x2000x1xf32, #tpu.memory_space<vmem>>, vector<1x2000x1xf32>
    %get3A_3 = vector.shape_cast %get3A_2 : vector<1x2000x1xf32> to vector<2000x1xf32>
    %get3A_4 = arith.constant 1 : index
    %get3A_5 = arith.constant 0 : index
    %get3A_6 = arith.constant 0 : index
    %get3A_7 = vector.load %arg1[%get3A_4, %get3A_5, %get3A_6] : memref<2x2000x1xf32, #tpu.memory_space<vmem>>, vector<1x2000x1xf32>
    %get3A_8 = vector.shape_cast %get3A_7 : vector<1x2000x1xf32> to vector<2000x1xf32>
    %add3A = arith.addf %get3A_3, %get3A_8 : vector<2000x1xf32>
    %add3A_9 = arith.constant 1.000000e+00 : f32
    %add3A_10 = vector.broadcast %add3A_9 : f32 to vector<2000x1xf32>
    %add3A_11 = arith.addf %add3A, %add3A_10 : vector<2000x1xf32>
    %rsqrt3A = math.rsqrt %add3A_11 : vector<2000x1xf32>
    %get3A_12 = arith.constant 0 : index
    %get3A_13 = arith.constant 0 : index
    %get3A_14 = vector.load %arg2[%get3A_12, %get3A_13] : memref<2000x128xf32, #tpu.memory_space<vmem>>, vector<2000x128xf32>
    %get3A_15 = arith.constant 0 : index
    %get3A_16 = arith.constant 0 : index
    %get3A_17 = vector.load %arg3[%get3A_15, %get3A_16] : memref<128x128xf32, #tpu.memory_space<vmem>>, vector<128x128xf32>
    %dot_general3A = arith.constant dense<0.000000e+00> : vector<2000x128xf32>
    %dot_general3A_18 = tpu.matmul %get3A_14, %get3A_17, %dot_general3A {dimension_numbers = #tpu.dot_dimension_numbers<[1], [0], [0], [1], [0, 0, 1, 1], [], []>, transpose_lhs_hint = false} : vector<2000x128xf32>, vector<128x128xf32>, vector<2000x128xf32> -> vector<2000x128xf32>
    %mul3A = vector.broadcast %rsqrt3A : vector<2000x1xf32> to vector<2000x128xf32>
    %mul3A_19 = arith.mulf %dot_general3A_18, %mul3A : vector<2000x128xf32>
    %slice3A = vector.extract_strided_slice %mul3A_19 {offsets = [0, 0], sizes = [2000, 32], strides = [1, 1]} : vector<2000x128xf32> to vector<2000x32xf32>
    %swap3A = arith.constant 0 : index
    %swap3A_20 = arith.constant 0 : index
    %swap3A_21 = vector.load %arg4[%swap3A, %swap3A_20] : memref<2000x32xf32, #tpu.memory_space<vmem>>, vector<2000x32xf32>
    tpu.vector_store %arg4[%swap3A, %swap3A_20], %slice3A {strides = array<i32>} : memref<2000x32xf32, #tpu.memory_space<vmem>>, vector<2000x32xf32>,
    %slice3A_22 = vector.extract_strided_slice %mul3A_19 {offsets = [0, 32], sizes = [2000, 32], strides = [1, 1]} : vector<2000x128xf32> to vector<2000x32xf32>
    %swap3A_23 = arith.constant 0 : index
    %swap3A_24 = arith.constant 0 : index
    %swap3A_25 = vector.load %arg5[%swap3A_23, %swap3A_24] : memref<2000x32xf32, #tpu.memory_space<vmem>>, vector<2000x32xf32>
    tpu.vector_store %arg5[%swap3A_23, %swap3A_24], %slice3A_22 {strides = array<i32>} : memref<2000x32xf32, #tpu.memory_space<vmem>>, vector<2000x32xf32>,
    %slice3A_26 = vector.extract_strided_slice %mul3A_19 {offsets = [0, 64], sizes = [2000, 32], strides = [1, 1]} : vector<2000x128xf32> to vector<2000x32xf32>
    %swap3A_27 = arith.constant 0 : index
    %swap3A_28 = arith.constant 0 : index
    %swap3A_29 = vector.load %arg6[%swap3A_27, %swap3A_28] : memref<2000x32xf32, #tpu.memory_space<vmem>>, vector<2000x32xf32>
    tpu.vector_store %arg6[%swap3A_27, %swap3A_28], %slice3A_26 {strides = array<i32>} : memref<2000x32xf32, #tpu.memory_space<vmem>>, vector<2000x32xf32>,
    %slice3A_30 = vector.extract_strided_slice %mul3A_19 {offsets = [0, 96], sizes = [2000, 32], strides = [1, 1]} : vector<2000x128xf32> to vector<2000x32xf32>
    %swap3A_31 = arith.constant 0 : index
    %swap3A_32 = arith.constant 0 : index
    %swap3A_33 = vector.load %arg7[%swap3A_31, %swap3A_32] : memref<2000x32xf32, #tpu.memory_space<vmem>>, vector<2000x32xf32>
    tpu.vector_store %arg7[%swap3A_31, %swap3A_32], %slice3A_30 {strides = array<i32>} : memref<2000x32xf32, #tpu.memory_space<vmem>>, vector<2000x32xf32>,
    return
  }
  func.func @transform_0(%arg0: i32) -> (i32, i32, i32) {
    %c0_i32 = arith.constant 0 : i32
    %c0_i32_0 = arith.constant 0 : i32
    %c0_i32_1 = arith.constant 0 : i32
    return %c0_i32, %arg0, %c0_i32_0 : i32, i32, i32
  }
  func.func @transform_1(%arg0: i32) -> (i32, i32) {
    %c0_i32 = arith.constant 0 : i32
    %c0_i32_0 = arith.constant 0 : i32
    return %arg0, %c0_i32 : i32, i32
  }
  func.func @transform_2(%arg0: i32) -> (i32, i32) {
    %c0_i32 = arith.constant 0 : i32
    %c0_i32_0 = arith.constant 0 : i32
    %c0_i32_1 = arith.constant 0 : i32
    return %c0_i32, %c0_i32_0 : i32, i32
  }
  func.func @transform_3(%arg0: i32) -> (i32, i32) {
    %c0_i32 = arith.constant 0 : i32
    %c0_i32_0 = arith.constant 0 : i32
    return %arg0, %c0_i32 : i32, i32
  }
  func.func @transform_4(%arg0: i32) -> (i32, i32) {
    %c0_i32 = arith.constant 0 : i32
    %c0_i32_0 = arith.constant 0 : i32
    return %arg0, %c0_i32 : i32, i32
  }
  func.func @transform_5(%arg0: i32) -> (i32, i32) {
    %c0_i32 = arith.constant 0 : i32
    %c0_i32_0 = arith.constant 0 : i32
    return %arg0, %c0_i32 : i32, i32
  }
  func.func @transform_6(%arg0: i32) -> (i32, i32) {
    %c0_i32 = arith.constant 0 : i32
    %c0_i32_0 = arith.constant 0 : i32
    return %arg0, %c0_i32 : i32, i32
  }
}

module attributes {stable_mosaic.version = 14 : i64} {
  func.func @_tc2_body(%arg0: i32, %arg1: memref<2x2000x1xf32, #tpu.memory_space<vmem>>, %arg2: memref<2000x32xf32, #tpu.memory_space<vmem>>, %arg3: memref<2000x32xf32, #tpu.memory_space<vmem>>, %arg4: memref<2000x32xf32, #tpu.memory_space<vmem>>, %arg5: memref<2000x32xf32, #tpu.memory_space<vmem>>, %arg6: memref<2000x32xf32, #tpu.memory_space<vmem>>, %arg7: memref<2000x32xf32, #tpu.memory_space<vmem>>, %arg8: memref<2000x32xf32, #tpu.memory_space<vmem>>, %arg9: memref<2000x32xf32, #tpu.memory_space<vmem>>, %arg10: memref<128x64xf32, #tpu.memory_space<vmem>>, %arg11: memref<1x128xf32, #tpu.memory_space<vmem>>, %arg12: memref<2000x32xf32, #tpu.memory_space<vmem>>, %arg13: memref<2000x32xf32, #tpu.memory_space<vmem>>) attributes {dimension_semantics = [#tpu.dimension_semantics<arbitrary>], iteration_bounds = array<i64: 5>, scalar_prefetch = 0 : i64, scratch_operands = 0 : i64, tpu.core_type = #tpu.core_type<tc>, window_params = [{transform_indices = @transform_0, window_bounds = array<i64: 2, 2000, 1>}, {transform_indices = @transform_1, window_bounds = array<i64: 2000, 32>}, {transform_indices = @transform_2, window_bounds = array<i64: 2000, 32>}, {transform_indices = @transform_3, window_bounds = array<i64: 2000, 32>}, {transform_indices = @transform_4, window_bounds = array<i64: 2000, 32>}, {transform_indices = @transform_5, window_bounds = array<i64: 2000, 32>}, {transform_indices = @transform_6, window_bounds = array<i64: 2000, 32>}, {transform_indices = @transform_7, window_bounds = array<i64: 2000, 32>}, {transform_indices = @transform_8, window_bounds = array<i64: 2000, 32>}, {pipeline_mode = #tpu.pipeline_mode<synchronous>, transform_indices = @transform_9, window_bounds = array<i64: 128, 64>}, {pipeline_mode = #tpu.pipeline_mode<synchronous>, transform_indices = @transform_10, window_bounds = array<i64: 1, 128>}, {transform_indices = @transform_11, window_bounds = array<i64: 2000, 32>}, {transform_indices = @transform_12, window_bounds = array<i64: 2000, 32>}]} {
    %get3A = arith.constant 0 : index
    %get3A_0 = arith.constant 0 : index
    %get3A_1 = arith.constant 0 : index
    %get3A_2 = vector.load %arg1[%get3A, %get3A_0, %get3A_1] : memref<2x2000x1xf32, #tpu.memory_space<vmem>>, vector<1x2000x1xf32>
    %get3A_3 = vector.shape_cast %get3A_2 : vector<1x2000x1xf32> to vector<2000x1xf32>
    %get3A_4 = arith.constant 1 : index
    %get3A_5 = arith.constant 0 : index
    %get3A_6 = arith.constant 0 : index
    %get3A_7 = vector.load %arg1[%get3A_4, %get3A_5, %get3A_6] : memref<2x2000x1xf32, #tpu.memory_space<vmem>>, vector<1x2000x1xf32>
    %get3A_8 = vector.shape_cast %get3A_7 : vector<1x2000x1xf32> to vector<2000x1xf32>
    %add3A = arith.addf %get3A_3, %get3A_8 : vector<2000x1xf32>
    %add3A_9 = arith.constant 1.000000e+00 : f32
    %add3A_10 = vector.broadcast %add3A_9 : f32 to vector<2000x1xf32>
    %add3A_11 = arith.addf %add3A, %add3A_10 : vector<2000x1xf32>
    %rsqrt3A = math.rsqrt %add3A_11 : vector<2000x1xf32>
    %get3A_12 = arith.constant 0 : index
    %get3A_13 = arith.constant 0 : index
    %get3A_14 = vector.load %arg2[%get3A_12, %get3A_13] : memref<2000x32xf32, #tpu.memory_space<vmem>>, vector<2000x32xf32>
    %get3A_15 = arith.constant 0 : index
    %get3A_16 = arith.constant 0 : index
    %get3A_17 = vector.load %arg6[%get3A_15, %get3A_16] : memref<2000x32xf32, #tpu.memory_space<vmem>>, vector<2000x32xf32>
    %add3A_18 = arith.addf %get3A_14, %get3A_17 : vector<2000x32xf32>
    %get3A_19 = arith.constant 0 : index
    %get3A_20 = arith.constant 0 : index
    %get3A_21 = vector.load %arg3[%get3A_19, %get3A_20] : memref<2000x32xf32, #tpu.memory_space<vmem>>, vector<2000x32xf32>
    %get3A_22 = arith.constant 0 : index
    %get3A_23 = arith.constant 0 : index
    %get3A_24 = vector.load %arg7[%get3A_22, %get3A_23] : memref<2000x32xf32, #tpu.memory_space<vmem>>, vector<2000x32xf32>
    %add3A_25 = arith.addf %get3A_21, %get3A_24 : vector<2000x32xf32>
    %get3A_26 = arith.constant 0 : index
    %get3A_27 = arith.constant 0 : index
    %get3A_28 = vector.load %arg4[%get3A_26, %get3A_27] : memref<2000x32xf32, #tpu.memory_space<vmem>>, vector<2000x32xf32>
    %get3A_29 = arith.constant 0 : index
    %get3A_30 = arith.constant 0 : index
    %get3A_31 = vector.load %arg8[%get3A_29, %get3A_30] : memref<2000x32xf32, #tpu.memory_space<vmem>>, vector<2000x32xf32>
    %add3A_32 = arith.addf %get3A_28, %get3A_31 : vector<2000x32xf32>
    %get3A_33 = arith.constant 0 : index
    %get3A_34 = arith.constant 0 : index
    %get3A_35 = vector.load %arg5[%get3A_33, %get3A_34] : memref<2000x32xf32, #tpu.memory_space<vmem>>, vector<2000x32xf32>
    %get3A_36 = arith.constant 0 : index
    %get3A_37 = arith.constant 0 : index
    %get3A_38 = vector.load %arg9[%get3A_36, %get3A_37] : memref<2000x32xf32, #tpu.memory_space<vmem>>, vector<2000x32xf32>
    %add3A_39 = arith.addf %get3A_35, %get3A_38 : vector<2000x32xf32>
    %concatenate3A = tpu.concatenate %add3A_18, %add3A_25, %add3A_32, %add3A_39 in 1 : vector<2000x32xf32>, vector<2000x32xf32>, vector<2000x32xf32>, vector<2000x32xf32> -> vector<2000x128xf32>
    %mul3A = vector.broadcast %rsqrt3A : vector<2000x1xf32> to vector<2000x128xf32>
    %mul3A_40 = arith.mulf %concatenate3A, %mul3A : vector<2000x128xf32>
    %get3A_41 = arith.constant 0 : index
    %get3A_42 = arith.constant 0 : index
    %get3A_43 = vector.load %arg11[%get3A_41, %get3A_42] : memref<1x128xf32, #tpu.memory_space<vmem>>, vector<1x128xf32>
    %add3A_44 = vector.broadcast %get3A_43 : vector<1x128xf32> to vector<2000x128xf32>
    %add3A_45 = arith.addf %mul3A_40, %add3A_44 : vector<2000x128xf32>
    %max3A = arith.constant 0.000000e+00 : f32
    %max3A_46 = vector.broadcast %max3A : f32 to vector<2000x128xf32>
    %max3A_47 = arith.maximumf %add3A_45, %max3A_46 : vector<2000x128xf32>
    %get3A_48 = arith.constant 0 : index
    %get3A_49 = arith.constant 0 : index
    %get3A_50 = vector.load %arg10[%get3A_48, %get3A_49] : memref<128x64xf32, #tpu.memory_space<vmem>>, vector<128x64xf32>
    %dot_general3A = arith.constant dense<0.000000e+00> : vector<2000x64xf32>
    %dot_general3A_51 = tpu.matmul %max3A_47, %get3A_50, %dot_general3A {dimension_numbers = #tpu.dot_dimension_numbers<[1], [0], [0], [1], [0, 0, 1, 1], [], []>, transpose_lhs_hint = false} : vector<2000x128xf32>, vector<128x64xf32>, vector<2000x64xf32> -> vector<2000x64xf32>
    %mul3A_52 = vector.broadcast %rsqrt3A : vector<2000x1xf32> to vector<2000x64xf32>
    %mul3A_53 = arith.mulf %dot_general3A_51, %mul3A_52 : vector<2000x64xf32>
    %slice3A = vector.extract_strided_slice %mul3A_53 {offsets = [0, 0], sizes = [2000, 32], strides = [1, 1]} : vector<2000x64xf32> to vector<2000x32xf32>
    %swap3A = arith.constant 0 : index
    %swap3A_54 = arith.constant 0 : index
    %swap3A_55 = vector.load %arg12[%swap3A, %swap3A_54] : memref<2000x32xf32, #tpu.memory_space<vmem>>, vector<2000x32xf32>
    tpu.vector_store %arg12[%swap3A, %swap3A_54], %slice3A {strides = array<i32>} : memref<2000x32xf32, #tpu.memory_space<vmem>>, vector<2000x32xf32>,
    %slice3A_56 = vector.extract_strided_slice %mul3A_53 {offsets = [0, 32], sizes = [2000, 32], strides = [1, 1]} : vector<2000x64xf32> to vector<2000x32xf32>
    %swap3A_57 = arith.constant 0 : index
    %swap3A_58 = arith.constant 0 : index
    %swap3A_59 = vector.load %arg13[%swap3A_57, %swap3A_58] : memref<2000x32xf32, #tpu.memory_space<vmem>>, vector<2000x32xf32>
    tpu.vector_store %arg13[%swap3A_57, %swap3A_58], %slice3A_56 {strides = array<i32>} : memref<2000x32xf32, #tpu.memory_space<vmem>>, vector<2000x32xf32>,
    return
  }
  func.func @transform_0(%arg0: i32) -> (i32, i32, i32) {
    %c0_i32 = arith.constant 0 : i32
    %c0_i32_0 = arith.constant 0 : i32
    %c0_i32_1 = arith.constant 0 : i32
    return %c0_i32, %arg0, %c0_i32_0 : i32, i32, i32
  }
  func.func @transform_1(%arg0: i32) -> (i32, i32) {
    %c0_i32 = arith.constant 0 : i32
    %c0_i32_0 = arith.constant 0 : i32
    return %arg0, %c0_i32 : i32, i32
  }
  func.func @transform_2(%arg0: i32) -> (i32, i32) {
    %c0_i32 = arith.constant 0 : i32
    %c0_i32_0 = arith.constant 0 : i32
    return %arg0, %c0_i32 : i32, i32
  }
  func.func @transform_3(%arg0: i32) -> (i32, i32) {
    %c0_i32 = arith.constant 0 : i32
    %c0_i32_0 = arith.constant 0 : i32
    return %arg0, %c0_i32 : i32, i32
  }
  func.func @transform_4(%arg0: i32) -> (i32, i32) {
    %c0_i32 = arith.constant 0 : i32
    %c0_i32_0 = arith.constant 0 : i32
    return %arg0, %c0_i32 : i32, i32
  }
  func.func @transform_5(%arg0: i32) -> (i32, i32) {
    %c0_i32 = arith.constant 0 : i32
    %c0_i32_0 = arith.constant 0 : i32
    return %arg0, %c0_i32 : i32, i32
  }
  func.func @transform_6(%arg0: i32) -> (i32, i32) {
    %c0_i32 = arith.constant 0 : i32
    %c0_i32_0 = arith.constant 0 : i32
    return %arg0, %c0_i32 : i32, i32
  }
  func.func @transform_7(%arg0: i32) -> (i32, i32) {
    %c0_i32 = arith.constant 0 : i32
    %c0_i32_0 = arith.constant 0 : i32
    return %arg0, %c0_i32 : i32, i32
  }
  func.func @transform_8(%arg0: i32) -> (i32, i32) {
    %c0_i32 = arith.constant 0 : i32
    %c0_i32_0 = arith.constant 0 : i32
    return %arg0, %c0_i32 : i32, i32
  }
  func.func @transform_9(%arg0: i32) -> (i32, i32) {
    %c0_i32 = arith.constant 0 : i32
    %c0_i32_0 = arith.constant 0 : i32
    %c0_i32_1 = arith.constant 0 : i32
    return %c0_i32, %c0_i32_0 : i32, i32
  }
  func.func @transform_10(%arg0: i32) -> (i32, i32) {
    %c0_i32 = arith.constant 0 : i32
    %c0_i32_0 = arith.constant 0 : i32
    %c0_i32_1 = arith.constant 0 : i32
    return %c0_i32, %c0_i32_0 : i32, i32
  }
  func.func @transform_11(%arg0: i32) -> (i32, i32) {
    %c0_i32 = arith.constant 0 : i32
    %c0_i32_0 = arith.constant 0 : i32
    return %arg0, %c0_i32 : i32, i32
  }
  func.func @transform_12(%arg0: i32) -> (i32, i32) {
    %c0_i32 = arith.constant 0 : i32
    %c0_i32_0 = arith.constant 0 : i32
    return %arg0, %c0_i32 : i32, i32
  }
}

module attributes {stable_mosaic.version = 14 : i64} {
  func.func @_tc3_body(%arg0: i32, %arg1: memref<2x2000x1xf32, #tpu.memory_space<vmem>>, %arg2: memref<2000x32xf32, #tpu.memory_space<vmem>>, %arg3: memref<2000x32xf32, #tpu.memory_space<vmem>>, %arg4: memref<2000x32xf32, #tpu.memory_space<vmem>>, %arg5: memref<2000x32xf32, #tpu.memory_space<vmem>>, %arg6: memref<1x64xf32, #tpu.memory_space<vmem>>, %arg7: memref<2000x40xf32, #tpu.memory_space<vmem>>) attributes {dimension_semantics = [#tpu.dimension_semantics<arbitrary>], iteration_bounds = array<i64: 5>, scalar_prefetch = 0 : i64, scratch_operands = 0 : i64, tpu.core_type = #tpu.core_type<tc>, window_params = [{transform_indices = @transform_0, window_bounds = array<i64: 2, 2000, 1>}, {transform_indices = @transform_1, window_bounds = array<i64: 2000, 32>}, {transform_indices = @transform_2, window_bounds = array<i64: 2000, 32>}, {transform_indices = @transform_3, window_bounds = array<i64: 2000, 32>}, {transform_indices = @transform_4, window_bounds = array<i64: 2000, 32>}, {pipeline_mode = #tpu.pipeline_mode<synchronous>, transform_indices = @transform_5, window_bounds = array<i64: 1, 64>}, {transform_indices = @transform_6, window_bounds = array<i64: 2000, 40>}]} {
    %get3A = arith.constant 0 : index
    %get3A_0 = arith.constant 0 : index
    %get3A_1 = arith.constant 0 : index
    %get3A_2 = vector.load %arg1[%get3A, %get3A_0, %get3A_1] : memref<2x2000x1xf32, #tpu.memory_space<vmem>>, vector<1x2000x1xf32>
    %get3A_3 = vector.shape_cast %get3A_2 : vector<1x2000x1xf32> to vector<2000x1xf32>
    %get3A_4 = arith.constant 1 : index
    %get3A_5 = arith.constant 0 : index
    %get3A_6 = arith.constant 0 : index
    %get3A_7 = vector.load %arg1[%get3A_4, %get3A_5, %get3A_6] : memref<2x2000x1xf32, #tpu.memory_space<vmem>>, vector<1x2000x1xf32>
    %get3A_8 = vector.shape_cast %get3A_7 : vector<1x2000x1xf32> to vector<2000x1xf32>
    %add3A = arith.addf %get3A_3, %get3A_8 : vector<2000x1xf32>
    %add3A_9 = arith.constant 1.000000e+00 : f32
    %add3A_10 = vector.broadcast %add3A_9 : f32 to vector<2000x1xf32>
    %add3A_11 = arith.addf %add3A, %add3A_10 : vector<2000x1xf32>
    %rsqrt3A = math.rsqrt %add3A_11 : vector<2000x1xf32>
    %get3A_12 = arith.constant 0 : index
    %get3A_13 = arith.constant 0 : index
    %get3A_14 = vector.load %arg2[%get3A_12, %get3A_13] : memref<2000x32xf32, #tpu.memory_space<vmem>>, vector<2000x32xf32>
    %get3A_15 = arith.constant 0 : index
    %get3A_16 = arith.constant 0 : index
    %get3A_17 = vector.load %arg4[%get3A_15, %get3A_16] : memref<2000x32xf32, #tpu.memory_space<vmem>>, vector<2000x32xf32>
    %add3A_18 = arith.addf %get3A_14, %get3A_17 : vector<2000x32xf32>
    %get3A_19 = arith.constant 0 : index
    %get3A_20 = arith.constant 0 : index
    %get3A_21 = vector.load %arg3[%get3A_19, %get3A_20] : memref<2000x32xf32, #tpu.memory_space<vmem>>, vector<2000x32xf32>
    %get3A_22 = arith.constant 0 : index
    %get3A_23 = arith.constant 0 : index
    %get3A_24 = vector.load %arg5[%get3A_22, %get3A_23] : memref<2000x32xf32, #tpu.memory_space<vmem>>, vector<2000x32xf32>
    %add3A_25 = arith.addf %get3A_21, %get3A_24 : vector<2000x32xf32>
    %concatenate3A = tpu.concatenate %add3A_18, %add3A_25 in 1 : vector<2000x32xf32>, vector<2000x32xf32> -> vector<2000x64xf32>
    %mul3A = vector.broadcast %rsqrt3A : vector<2000x1xf32> to vector<2000x64xf32>
    %mul3A_26 = arith.mulf %concatenate3A, %mul3A : vector<2000x64xf32>
    %get3A_27 = arith.constant 0 : index
    %get3A_28 = arith.constant 0 : index
    %get3A_29 = vector.load %arg6[%get3A_27, %get3A_28] : memref<1x64xf32, #tpu.memory_space<vmem>>, vector<1x64xf32>
    %add3A_30 = vector.broadcast %get3A_29 : vector<1x64xf32> to vector<2000x64xf32>
    %add3A_31 = arith.addf %mul3A_26, %add3A_30 : vector<2000x64xf32>
    %iota3A = tpu.iota {dimensions = array<i32: 1>} : vector<2000x64xi32>
    %lt3A = arith.constant 40 : i32
    %lt3A_32 = vector.broadcast %lt3A : i32 to vector<2000x64xi32>
    %lt3A_33 = arith.cmpi slt, %iota3A, %lt3A_32 : vector<2000x64xi32>
    %jit3A = arith.constant -1.000000e+30 : f32
    %broadcast_in_dim3A = vector.broadcast %jit3A : f32 to vector<2000x64xf32>
    %select_n3A = arith.select %lt3A_33, %add3A_31, %broadcast_in_dim3A : vector<2000x64xi1>, vector<2000x64xf32>
    %reduce_max3A = arith.constant dense<0xFF800000> : vector<2000xf32>
    %reduce_max3A_34 = vector.multi_reduction <maximumf>, %select_n3A, %reduce_max3A [1] : vector<2000x64xf32> to vector<2000xf32>
    %broadcast_in_dim3A_35 = vector.shape_cast %reduce_max3A_34 : vector<2000xf32> to vector<2000x1xf32>
    %sub3A = vector.broadcast %broadcast_in_dim3A_35 : vector<2000x1xf32> to vector<2000x64xf32>
    %sub3A_36 = arith.subf %select_n3A, %sub3A : vector<2000x64xf32>
    %exp3A = math.exp %sub3A_36 : vector<2000x64xf32>
    %jit3A_37 = arith.constant 0.000000e+00 : f32
    %broadcast_in_dim3A_38 = vector.broadcast %jit3A_37 : f32 to vector<2000x64xf32>
    %select_n3A_39 = arith.select %lt3A_33, %exp3A, %broadcast_in_dim3A_38 : vector<2000x64xi1>, vector<2000x64xf32>
    %reduce_sum3A = arith.constant dense<0.000000e+00> : vector<2000xf32>
    %reduce_sum3A_40 = vector.multi_reduction <add>, %select_n3A_39, %reduce_sum3A [1] : vector<2000x64xf32> to vector<2000xf32>
    %broadcast_in_dim3A_41 = vector.shape_cast %reduce_sum3A_40 : vector<2000xf32> to vector<2000x1xf32>
    %sub3A_42 = vector.broadcast %broadcast_in_dim3A_35 : vector<2000x1xf32> to vector<2000x64xf32>
    %sub3A_43 = arith.subf %add3A_31, %sub3A_42 : vector<2000x64xf32>
    %log3A = math.log %broadcast_in_dim3A_41 : vector<2000x1xf32>
    %sub3A_44 = vector.broadcast %log3A : vector<2000x1xf32> to vector<2000x64xf32>
    %sub3A_45 = arith.subf %sub3A_43, %sub3A_44 : vector<2000x64xf32>
    %slice3A = vector.extract_strided_slice %sub3A_45 {offsets = [0, 0], sizes = [2000, 40], strides = [1, 1]} : vector<2000x64xf32> to vector<2000x40xf32>
    %swap3A = arith.constant 0 : index
    %swap3A_46 = arith.constant 0 : index
    %swap3A_47 = vector.load %arg7[%swap3A, %swap3A_46] : memref<2000x40xf32, #tpu.memory_space<vmem>>, vector<2000x40xf32>
    tpu.vector_store %arg7[%swap3A, %swap3A_46], %slice3A {strides = array<i32>} : memref<2000x40xf32, #tpu.memory_space<vmem>>, vector<2000x40xf32>,
    return
  }
  func.func @transform_0(%arg0: i32) -> (i32, i32, i32) {
    %c0_i32 = arith.constant 0 : i32
    %c0_i32_0 = arith.constant 0 : i32
    %c0_i32_1 = arith.constant 0 : i32
    return %c0_i32, %arg0, %c0_i32_0 : i32, i32, i32
  }
  func.func @transform_1(%arg0: i32) -> (i32, i32) {
    %c0_i32 = arith.constant 0 : i32
    %c0_i32_0 = arith.constant 0 : i32
    return %arg0, %c0_i32 : i32, i32
  }
  func.func @transform_2(%arg0: i32) -> (i32, i32) {
    %c0_i32 = arith.constant 0 : i32
    %c0_i32_0 = arith.constant 0 : i32
    return %arg0, %c0_i32 : i32, i32
  }
  func.func @transform_3(%arg0: i32) -> (i32, i32) {
    %c0_i32 = arith.constant 0 : i32
    %c0_i32_0 = arith.constant 0 : i32
    return %arg0, %c0_i32 : i32, i32
  }
  func.func @transform_4(%arg0: i32) -> (i32, i32) {
    %c0_i32 = arith.constant 0 : i32
    %c0_i32_0 = arith.constant 0 : i32
    return %arg0, %c0_i32 : i32, i32
  }
  func.func @transform_5(%arg0: i32) -> (i32, i32) {
    %c0_i32 = arith.constant 0 : i32
    %c0_i32_0 = arith.constant 0 : i32
    %c0_i32_1 = arith.constant 0 : i32
    return %c0_i32, %c0_i32_0 : i32, i32
  }
  func.func @transform_6(%arg0: i32) -> (i32, i32) {
    %c0_i32 = arith.constant 0 : i32
    %c0_i32_0 = arith.constant 0 : i32
    return %arg0, %c0_i32 : i32, i32
  }
}

</mosaic_0001>

<sc_bundles>
// kernel: kernel.12.cloned.1.call-start
scs
__scs_entry_jumppad:
0x0: {  	(pc) =	sbr.rel $0x88, $3  }
0x1: {  	(tag) =	ssettag $0x0;
	lr =	simm.s32 $0x1  }
0x2: {  	[smem:$0x3F9B] =	sst lr;
	_ =	strace $0xD0000000  }
0x3: {  	_ = 	snop  }
0x4: {  	_ = 	snop  }
0x5: {  	_ = 	snop  }
0x6: {  	_ = 	snop  }
0x7: {  	_ = 	snop  }
__scs_overlays_trampoline_lowered:
0x8: {  	[smem:$0x3FAA] =	sst s0  }
0x9: {  	[smem:$0x3FAB] =	sst s1  }
0xa: {  	[smem:$0x3FAC] =	sst s2  }
0xb: {  	[smem:$0x3FAD] =	sst s3  }
0xc: {  	[smem:$0x3FAE] =	sst s4  }
0xd: {  	[smem:$0x3FAF] =	sst s5  }
0xe: {  	[smem:$0x3FB0] =	sst s6  }
0xf: {  	[smem:$0x3FB1] =	sst s7  }
0x10: {  	[smem:$0x3FB2] =	sst s8  }
0x11: {  	[smem:$0x3FB3] =	sst s9;
	s0 =	simm.s32 @!p0 $0x0  }
0x12: {  	s1 =	sld [smem:$0x3F99];
	s0 =	simm.s32 @p0 $0x1  }
0x13: {  	[smem:$0x3FB4] =	sst s0;
	s0 =	simm.s32 @!p1 $0x0  }
0x14: {  	s2 =	sld [smem:$0x3F98];
	s0 =	simm.s32 @p1 $0x1  }
0x15: {  	[smem:$0x3FB5] =	sst s0;
	s0 =	simm.s32 @!p2 $0x0  }
0x16: {  	s3 =	sld [smem:$0x3FDB];
	s0 =	simm.s32 @p2 $0x1  }
0x17: {  	s4 =	simm.s32 $0x1BF5;
	[smem:$0x3FB7] =	sst s0  }
0x18: {  	s0 =	sld [smem:$0x3F9A];
	_ =	swait.ge [sflag:s4], $0x0  }
0x19: {  	s7 =	sld [smem:$0x3F9B]  }
0x1a: {  	s8 =	sadd.s32 $0xFFFFE003, lr  }
0x1b: {  	s9 =	sadd.s32 $0xFFFFFEF7, lr;
	s5 =	simm.s32 $0xFFFFFFFF;
	p2 =	slt.u32 s8, $0xFFFFF086  }
0x1c: {  	p1 =	slt.u32 s9, $0xF7A;
	s5 =	simm.s32 @!p2 $0x0  }
0x1d: {  	s5 =	simm.s32 @p1 $0x1;
	p0 =	seq.s32 s7, s2  }
0x1e: {  	s7 =	smul.u32 @!p0 $0xF7A, s2;
	p2 =	seq.s32 @!p0 s5, $0x0  }
0x1f: {  	s9 =	smul.u32 $0xF7A, s1;
	s8 =	simm.s32 @!p0 $0x1BF5;
	p2 =	por !p2, p0  }
0x20: {  	[sflag:s8] =	ssyncset.s32 @!p0 $0xFFFFF086;
	s6 =	sadd.s32 @!p0 s3, s7;
	s7 =	simm.s32 @!p0 $0x108  }
0x21: {  	s3 =	sadd.s32 s3, s9;
	s6 =	sadd.s32 @!p0 $0x88, s6;
	s7 =	simm.s32 @p2 $0x1082  }
0x22: {  	[simem:s7], [sflag:s8] =	dma.local @!p0 [hbm:s6], $0xF7A  }
0x23: {  	s9 =	sor.u32 $0xD0000000, s2;
	s6 =	simm.s32 $0x108;
	_ =	swait.ge @!p0 [sflag:s8], $0x0  }
0x24: {  	s3 =	sadd.s32 $0x88, s3;
	s6 =	simm.s32 @!p1 $0x1082;
	[sflag:s4] =	ssyncset.s32 $0xFFFFF086  }
0x25: {  	[simem:s6], [sflag:s4] =	dma.local [hbm:s3], $0xF7A  }
0x26: {  	[smem:$0x3F9B] =	sst s1;
	(tag) =	ssettag s2;
	_ =	strace s9  }
0x27: {  	s1 =	sld [smem:$0x3FAB]  }
0x28: {  	s2 =	sld [smem:$0x3FAC]  }
0x29: {  	s4 =	sld [smem:$0x3FAE]  }
0x2a: {  	p0 =	seq.s32 s5, $0x0;
	s5 =	sld [smem:$0x3FAF]  }
0x2b: {  	s6 =	sld [smem:$0x3FB0]  }
0x2c: {  	s7 =	sld [smem:$0x3FB1]  }
0x2d: {  	s3 =	simm.s32 $0x108;
	s8 =	sld [smem:$0x3FB2]  }
0x2e: {  	s3 =	simm.s32 @!p0 $0x1082;
	s9 =	sld [smem:$0x3FB3]  }
0x2f: {  	lr =	sadd.s32 s0, s3;
	s0 =	sld [smem:$0x3FAA]  }
0x30: {  	s3 =	sld [smem:$0x3FAD]  }
0x31: {  	[smem:$0x3FB6] =	sst s10  }
0x32: {  	s10 =	sld [smem:$0x3FB4];
	_ =	sdelay $0x3  }
0x33: {  	p0 =	seq.s32 s10, $0x1;
	s10 =	sld [smem:$0x3FB6];
	_ =	sdelay $0x3  }
0x34: {  	[smem:$0x3FB6] =	sst s10  }
0x35: {  	s10 =	sld [smem:$0x3FB5];
	_ =	sdelay $0x3  }
0x36: {  	p1 =	seq.s32 s10, $0x1;
	s10 =	sld [smem:$0x3FB6];
	_ =	sdelay $0x3  }
0x37: {  	[smem:$0x3FB6] =	sst s10  }
0x38: {  	s10 =	sld [smem:$0x3FB7]  }
0x39: {  	_ = 	snop;
	(pc) =	sbr.ind lr, $3  }
0x3a: {  	_ = 	snop  }
0x3b: {  	_ = 	snop  }
0x3c: {  	p2 =	seq.s32 s10, $0x1;
	s10 =	sld [smem:$0x3FB6]  }
0x3d: {  	_ =	shalt  }
0x3e: {  	_ =	shalt  }
0x3f: {  	_ =	shalt  }
0x40: {  	_ =	shalt  }
0x41: {  	_ =	shalt  }
0x42: {  	_ =	shalt  }
0x43: {  	_ =	shalt  }
0x44: {  	_ =	shalt  }
0x45: {  	_ =	shalt  }
0x46: {  	_ =	shalt  }
0x47: {  	_ =	shalt  }
0x48: {  	_ =	shalt  }
0x49: {  	_ =	shalt  }
0x4a: {  	_ =	shalt  }
0x4b: {  	_ =	shalt  }
0x4c: {  	_ =	shalt  }
0x4d: {  	_ =	shalt  }
0x4e: {  	_ =	shalt  }
0x4f: {  	_ =	shalt  }
0x50: {  	_ =	shalt  }
0x51: {  	_ =	shalt  }
0x52: {  	_ =	shalt  }
0x53: {  	_ =	shalt  }
0x54: {  	_ =	shalt  }
0x55: {  	_ =	shalt  }
0x56: {  	_ =	shalt  }
0x57: {  	_ =	shalt  }
0x58: {  	_ =	shalt  }
0x59: {  	_ =	shalt  }
0x5a: {  	_ =	shalt  }
0x5b: {  	_ =	shalt  }
0x5c: {  	_ =	shalt  }
0x5d: {  	_ =	shalt  }
0x5e: {  	_ =	shalt  }
0x5f: {  	_ =	shalt  }
0x60: {  	_ =	shalt  }
0x61: {  	_ =	shalt  }
0x62: {  	_ =	shalt  }
0x63: {  	_ =	shalt  }
0x64: {  	_ =	shalt  }
0x65: {  	_ =	shalt  }
0x66: {  	_ =	shalt  }
0x67: {  	_ =	shalt  }
0x68: {  	_ =	shalt  }
0x69: {  	_ =	shalt  }
0x6a: {  	_ =	shalt  }
0x6b: {  	_ =	shalt  }
0x6c: {  	_ =	shalt  }
0x6d: {  	_ =	shalt  }
0x6e: {  	_ =	shalt  }
0x6f: {  	_ =	shalt  }
0x70: {  	_ =	shalt  }
0x71: {  	_ =	shalt  }
0x72: {  	_ =	shalt  }
0x73: {  	_ =	shalt  }
0x74: {  	_ =	shalt  }
0x75: {  	_ =	shalt  }
0x76: {  	_ =	shalt  }
0x77: {  	_ =	shalt  }
0x78: {  	_ =	shalt  }
0x79: {  	_ =	shalt  }
0x7a: {  	_ =	shalt  }
0x7b: {  	_ =	shalt  }
0x7c: {  	_ =	shalt  }
0x7d: {  	_ =	shalt  }
0x7e: {  	_ =	shalt  }
0x7f: {  	_ =	shalt  }
0x80: {  	_ =	shalt  }
0x81: {  	_ =	shalt  }
0x82: {  	_ =	shalt  }
0x83: {  	_ =	shalt  }
0x84: {  	_ =	shalt  }
0x85: {  	_ =	shalt  }
0x86: {  	_ =	shalt  }
0x87: {  	_ =	shalt  }
.Lfunc_end0:
.L_simem_size_0:
called_computation.1_lowered:
.L_overlay_start_0:
0x88: {  	s2 =	sld [smem:$0x3FD9]  }
0x89: {  	s3 =	sld [smem:$0x3FFE];
	_ =	sdelay $0x1  }
0x8a: {  	s1 =	srdreg.scid  }
0x8b: {  	s0 =	sand.u32 $0x1, s1  }
0x8c: {  	s17 =	sshll.u32 s0, $0xA;
	s2 =	sadd.s32 s3, s2  }
0x8d: {  	s2 =	sadd.s32 s2, s17  }
0x8e: {  	[smem:$0x3FC2] =	sst s2  }
0x8f: {  	_ = 	snop  }
0x90: {  	s2 =	sld [smem:$0x3FD0];
	(tm) =	ssettm $0x1  }
0x91: {  	s18 =	sld [smem:$0x3FFB];
	_ =	sdelay $0x3  }
0x92: {  	_ =	strace s18  }
0x93: {  	s3 =	sld [smem:$0x3FFC];
	_ =	sdelay $0x3  }
0x94: {  	_ =	strace s3  }
0x95: {  	s3 =	sld [smem:$0x3FFD];
	_ =	sdelay $0x3  }
0x96: {  	_ =	strace s3  }
0x97: {  	_ =	strace $0x8FFFFFFF  }
0x98: {  	s19 =	sld [smem:$0x3FDB];
	_ =	sdelay $0x1  }
0x99: {  	s4 =	simm.s32 $_scs_section_size  }
0x9a: {  	s5 =	simm.s32 $_size__tile_overlayer_lowered;
	s6 =	simm.s32 $_tile_overlayer_lowered  }
0x9b: {  	s22 =	simm.s32 $0x1BFF;
	s21 =	sshll.u32 s6, $0x1;
	s3 =	sadd.s32 s4, s19  }
0x9c: {  	s7 =	simm.s32 $0x0;
	s20 =	sshll.u32 s5, $0x1;
	s5 =	sadd.s32 s21, s3  }
0x9d: {  	[timem:s7], [sflag:s22] =	dma.local [hbm:s5], s20  }
0x9e: {  	_ =	swait.ge [sflag:s22], s20  }
0x9f: {  	s4 =	ssub.s32 $0x0, s20;
	[sflag:s22] =	ssyncset.done $0x0  }
0xa0: {  	[sflag:s22] =	ssyncadd.s32 s4;
	_ =	sdelay $0x1  }
0xa1: {  	s23 =	simm.s32 $0x1B8B  }
0xa2: {  	_ =	swait.ge [sflag:s23], $0x1  }
0xa3: {  	[sflag:s23] =	ssyncset.done $0x0  }
0xa4: {  	s25 =	simm.s32 $0x1B8E;
	s24 =	sld [smem:$0x3FFE];
	[sflag:s23] =	ssyncadd.s32 $0xFFFFFFFF  }
0xa5: {  	s26 =	simm.s32 $execute0_lowered;
	[smem:$0x3FD2] =	sst s25  }
0xa6: {  	s5 =	sshll.u32 s26, $0x1;
	_ =	strace $0x80000049;
	[dreg:$0x1] =	wrdreg $0xFFFFFFFF  }
0xa7: {  	s28 =	simm.s32 $_size_execute0_lowered;
	s3 =	sadd.s32 s3, s5;
	[dreg:$0x0] =	wrdreg $0x0  }
0xa8: {  	s5 =	sshll.u32 s28, $0x1;
	[dreg:$0x2] =	wrdreg s3  }
0xa9: {  	[dreg:$0x3] =	wrdreg s5  }
0xaa: {  	[dreg:$0x4] =	wrdreg $0xC0  }
0xab: {  	_ =	task [dreg:s7], $0x5FFFF  }
0xac: {  	[dreg:$0x1] =	wrdreg $0xFFFFFFFF  }
0xad: {  	[dreg:$0x0] =	wrdreg $0x60  }
0xae: {  	[dreg:$0x2] =	wrdreg s2  }
0xaf: {  	[dreg:$0x3] =	wrdreg s24  }
0xb0: {  	[dreg:$0x4] =	wrdreg $0x120000  }
0xb1: {  	[dreg:$0x5] =	wrdreg $0x170000  }
0xb2: {  	[dreg:$0x6] =	wrdreg $0x9  }
0xb3: {  	_ =	task.clear_ibuf [dreg:s7], $0x7FFFF;
	_ =	strace $0x90000049  }
0xb4: {  	s29 =	simm.s32 $0x9;
	_ =	strace $0x8000004B  }
0xb5: {  	_ =	swait.ge [sflag:s29], $0x1  }
0xb6: {  	[sflag:s29] =	ssyncadd.s32 $0xFFFFFFFF  }
0xb7: {  	_ =	strace $0x9000004B  }
0xb8: {  	_ =	sfence  }
0xb9: {  	s30 =	sld [smem:$0x0];
	_ =	sdelay $0x2  }
0xba: {  	s31 =	sshll.u32 s1, $0xD;
	s1 =	sshrl.u32 s1, $0x2  }
0xbb: {  	s3 =	sand.u32 $0x4000, s31;
	s1 =	sadd.s32 s1, s30  }
0xbc: {  	s0 =	sor.u32 s3, s0;
	s1 =	sshll.u32 s1, $0x11  }
0xbd: {  	s0 =	sor.u32 s1, s0  }
0xbe: {  	s0 =	sadd.s32 $0x8F2B, s0  }
0xbf: {  	[sflag:s0] =	ssyncadd.remote.s32 $0x1  }
0xc0: {  	_ =	sfence.sel $0xFFFF  }
0xc1: {  	[dreg:$0x0] =	wrdreg $0xFFFFFFFF;
	(pc) =	sbr.abs _section_cstart, $3  }
0xc2: {  	[dreg:$0x1] =	wrdreg $0xFFFFFFFF  }
0xc3: {  	_ =	task.clear_ibuf [dreg:s7], $0x2FFFF;
	_ =	strace $0x9FFFFFFF  }
0xc4: {  	(tm) =	ssettm $0x7FFFFFFF  }
0xc5: {  	_ =	shalt  }
tec
execute0_lowered:
.L_overlay_start_1:
0x0: {  	(tag) =	ssettag $0x1  }
0x1: {  	s0 =	rddreg [dreg:$0x1]  }
0x2: {  	s2 =	rddreg [dreg:$0x2]  }
0x3: {  	s3 =	rddreg [dreg:$0x3];
	s1 =	simm.s32 $0x0  }
0x4: {  	s7 =	stileid.u32;
	s4 =	srdreg.scid;
	s25 =	simm.s32 $0xE000  }
0x5: {  	s26 =	simm.s32 $0x10000;
	s23 =	simm.s32 $0xD000;
	s24 =	simm.s32 $0x1  }
0x6: {  	s28 =	simm.s32 $0x3;
	s29 =	simm.s32 $0x11000;
	s30 =	simm.s32 $0x4  }
0x7: {  	s31 =	simm.s32 $0x9;
	[smem:$0x7FF] =	sst s1;
	s16 =	smul.u32 $0xA00, s7  }
0x8: {  	s5 =	sadd.s32 $0xDD800, s0;
	s4 =	sand.u32 $0x1, s4;
	s17 =	sadd.s32 $0xE7600, s0  }
0x9: {  	s18 =	sadd.s32 $0x122600, s0;
	_ =	strace $0x8000004A;
	[dreg:$0x7] =	wrdreg s5  }
0xa: {  	p1 =	seq.s32 s7, $0x1;
	p3 =	seq.s32 s7, $0x0;
	[dreg:$0x8] =	wrdreg s17  }
0xb: {  	[dreg:$0x9] =	wrdreg s18;
	s19 =	ssub.s32 $0x2, s4;
	p0 =	seq.s32 s4, $0x0  }
0xc: {  	s5 =	simm.s32 @!p1 $0x0;
	p2 =	seq.s32 s4, $0x1;
	s22 =	sor.u32 s4, s7  }
0xd: {  	s17 =	simm.s32 $0x80;
	s18 =	simm.s32 $0xA000;
	[dreg:$0x5] =	wrdreg s25  }
0xe: {  	[dreg:$0x6] =	wrdreg s26;
	s25 =	simm.s32 $0xF000;
	s26 =	simm.s32 $0x2  }
0xf: {  	s1 =	sadd.s32 s16, s0;
	s6 =	sshrl.u32 s19, $0x1;
	s0 =	sadd.s32 $0x118600, s0  }
0x10: {  	s5 =	simm.s32 @p1 $0x1;
	p0 =	por !p1, !p0;
	p1 =	sne.s32 s7, $0x0  }
0x11: {  	p4 =	por !p3, !p2;
	p5 =	sne.s32 s22, $0x0;
	[dreg:$0xa] =	wrdreg s0  }
0x12: {  	s16 =	simm.s32 $0x8;
	s20 =	ssub.s32 s19, s6;
	[smem:$0x7FD] =	sst s5  }
0x13: {  	p0 =	por !p0, !p0;
	s21 =	sadd.s32 $0x4200, s1;
	s1 =	sadd.s32 $0xE200, s1  }
0x14: {  	p4 =	por !p4, !p4;
	s19 =	simm.s32 $0xB000;
	[dreg:$0xb] =	wrdreg s21  }
0x15: {  	[dreg:$0xc] =	wrdreg s1;
	p3 =	por !p0, !p1;
	s0 =	smax.u32 s20, $0x1  }
0x16: {  	s6 =	simm.s32 $0x0;
	[dreg:$0xd] =	wrdreg s0;
	s0 =	sshrl.u32 @!p3 s3, $0x3  }
0x17: {  	s21 =	simm.s32 $0xC000;
	[dreg:$0xe] =	wrdreg s0;
	s0 =	sshrl.u32 @!p1 s2, $0x3  }
0x18: {  	s1 =	simm.s32 $0xB;
	[dreg:$0xf] =	wrdreg s0;
	s0 =	simm.s32 $0x6  }
.LBB2_1:
0x19: {  	[dreg:$0x10] =	wrdreg s6  }
0x1a: {  	s5 =	rddreg [dreg:$0x7]  }
0x1b: {  	s4 =	simm.s32 @!p3 $0x1C51;
	s6 =	rddreg [dreg:$0xe]  }
0x1c: {  	[spmem:s6], [sflag:s4] =	dma.local @!p3 [hbm:s5], $0x9C40  }
0x1d: {  	s4 =	sld [smem:$0x7FD];
	_ =	sdelay $0x2  }
0x1e: {  	p0 =	por @!p3 $0x1, $0x1;
	p6 =	seq.s32 s4, $0x1  }
0x1f: {  	p6 =	por @!p3 p0, p0  }
0x20: {  	p0 =	por @p1 !p6, !p2  }
0x21: {  	s4 =	simm.s32 @!p3 $0x11;
	p0 =	por @p1 !p0, !p0  }
0x22: {  	_ =	swait.ge @!p3 [sflag:s4], $0x9C40;
	p0 =	por !p0, !p1  }
0x23: {  	[sflag:s4] =	ssyncset.done @!p3 $0x0;
	s6 =	rddreg [dreg:$0x8];
	s5 =	sshll.u32 @!p0 s7, $0x6  }
0x24: {  	[sflag:s4] =	ssyncadd.s32 @!p3 $0xFFFF63C0;
	s4 =	sor.u32 @!p0 $0x1C11, s5;
	s5 =	sshrl.u32 @!p0 s3, $0x3  }
0x25: {  	[spmem:s5], [sflag:s4] =	dma.local @!p0 [hbm:s6], $0x9C40  }
0x26: {  	s4 =	simm.s32 @!p0 $0x11  }
0x27: {  	_ =	swait.ge @!p0 [sflag:s4], $0x9C40  }
0x28: {  	[sflag:s4] =	ssyncset.done @!p0 $0x0  }
0x29: {  	s6 =	rddreg [dreg:$0xf];
	[sflag:s4] =	ssyncadd.s32 @!p0 $0xFFFF63C0  }
0x2a: {  	s4 =	simm.s32 @!p1 $0x1C11;
	s5 =	rddreg [dreg:$0x0]  }
0x2b: {  	[spmem:s6], [sflag:s4] =	dma.local @!p1 [hbm:s5], $0xA000  }
0x2c: {  	s4 =	simm.s32 @!p1 $0x11  }
0x2d: {  	_ =	swait.ge @!p1 [sflag:s4], $0xA000  }
0x2e: {  	s13 =	simm.s32 $0x0;
	[sflag:s4] =	ssyncset.done @!p1 $0x0  }
0x2f: {  	s15 =	simm.s32 $0x11;
	s14 =	rddreg [dreg:$0xb];
	[sflag:s4] =	ssyncadd.s32 @!p1 $0xFFFF6000  }
0x30: {  	[tilespmem:s13], [sflag:$0x11] =	stream.linear.gather [hbm4b:s14+s13], $0x5000, $0x38;
	[tilespmem:$0x1BE20] =	vst v63  }
0x31: {  	_ =	swait.ge [sflag:s15], $0x5000  }
0x32: {  	[sflag:s15] =	ssyncset.done $0x0  }
0x33: {  	s22 =	simm.s32 $0x5000;
	s20 =	rddreg [dreg:$0xc];
	[sflag:s15] =	ssyncadd.s32 $0xFFFFB000  }
0x34: {  	[tilespmem:s22], [sflag:$0x11] =	stream.linear.gather [hbm4b:s20+s13], $0x5000, $0x38;
	[tilespmem:$0x1BE20] =	vst v63  }
0x35: {  	_ =	swait.ge [sflag:s15], $0x5000  }
0x36: {  	[sflag:s15] =	ssyncset.done $0x0  }
0x37: {  	[sflag:s15] =	ssyncadd.s32 $0xFFFFB000  }
0x38: {  	[bflag:$0x0] =	sbarrier.arrive $0xFFFF  }
0x39: {  	[tilespmem:s18], [sflag:$0x1] =	stream.indirect.gather [spmem:s3], $0x20, s13, s17, $0xb8;
	[tilespmem:$0x1BE20] =	vst v63  }
0x3a: {  	_ = 	snop  }
0x3b: {  	[tilespmem:s19], [sflag:$0x2] =	stream.indirect.gather [spmem:s3], $0x20, s17, s17, $0xb8;
	[tilespmem:$0x1BE20] =	vst v63  }
0x3c: {  	p0 =	por $0x1, $0x1;
	s5 =	simm.s32 $0x100  }
0x3d: {  	[tilespmem:s21], [sflag:$0x3] =	stream.indirect.gather [spmem:s3], $0x20, s5, s17, $0xb8;
	[tilespmem:$0x1BE20] =	vst v63  }
0x3e: {  	s6 =	simm.s32 $0x180;
	s4 =	simm.s32 @!p0 $0xD  }
0x3f: {  	[tilespmem:s23], [sflag:$0x4] =	stream.indirect.gather [spmem:s3], $0x20, s6, s17, $0xb8;
	[tilespmem:$0x1BE20] =	vst v63  }
0x40: {  	_ =	swait.ge @!p0 [sflag:s4], $0x1000  }
0x41: {  	[sflag:s4] =	ssyncset.done @!p0 $0x0  }
0x42: {  	s8 =	simm.s32 $0x200;
	s7 =	rddreg [dreg:$0x5];
	[sflag:s4] =	ssyncadd.s32 @!p0 $0xFFFFF000  }
0x43: {  	[tilespmem:s7], [sflag:$0x5] =	stream.indirect.gather [spmem:s3], $0x20, s8, s17, $0xb8;
	[tilespmem:$0x1BE20] =	vst v63  }
0x44: {  	_ =	swait.ge [sflag:s24], $0x1000  }
0x45: {  	[sflag:s24] =	ssyncset.done $0x0  }
0x46: {  	s9 =	simm.s32 $0x5000;
	s5 =	simm.s32 @!p0 $0xE;
	[sflag:s24] =	ssyncadd.s32 $0xFFFFF000  }
0x47: {  	[spmem:s2] =	stream.indirect.scatter.add.f32 [tilespmem:s18], [sflag:$0x9], $0x20, s9, s17, $0xb8;
	[tilespmem:$0x1BE20] =	vst v63  }
0x48: {  	_ =	swait.ge @!p0 [sflag:s5], $0x1000  }
0x49: {  	[sflag:s5] =	ssyncset.done @!p0 $0x0  }
0x4a: {  	s10 =	simm.s32 $0x280;
	[sflag:s5] =	ssyncadd.s32 @!p0 $0xFFFFF000  }
0x4b: {  	[tilespmem:s25], [sflag:$0x6] =	stream.indirect.gather [spmem:s3], $0x20, s10, s17, $0xb8;
	[tilespmem:$0x1BE20] =	vst v63  }
0x4c: {  	_ =	swait.ge [sflag:s26], $0x1000  }
0x4d: {  	[sflag:s26] =	ssyncset.done $0x0  }
0x4e: {  	s11 =	simm.s32 $0x5080;
	s5 =	simm.s32 @!p0 $0xF;
	[sflag:s26] =	ssyncadd.s32 $0xFFFFF000  }
0x4f: {  	[spmem:s2] =	stream.indirect.scatter.add.f32 [tilespmem:s19], [sflag:$0xA], $0x20, s11, s17, $0xb8;
	[tilespmem:$0x1BE20] =	vst v63  }
0x50: {  	_ =	swait.ge @!p0 [sflag:s5], $0x1000  }
0x51: {  	[sflag:s5] =	ssyncset.done @!p0 $0x0  }
0x52: {  	s13 =	simm.s32 $0x300;
	s12 =	rddreg [dreg:$0x6];
	[sflag:s5] =	ssyncadd.s32 @!p0 $0xFFFFF000  }
0x53: {  	[tilespmem:s12], [sflag:$0x7] =	stream.indirect.gather [spmem:s3], $0x20, s13, s17, $0xb8;
	[tilespmem:$0x1BE20] =	vst v63  }
0x54: {  	_ =	swait.ge [sflag:s28], $0x1000  }
0x55: {  	[sflag:s28] =	ssyncset.done $0x0  }
0x56: {  	s14 =	simm.s32 $0x5100;
	s5 =	simm.s32 @!p0 $0x10;
	[sflag:s28] =	ssyncadd.s32 $0xFFFFF000  }
0x57: {  	[spmem:s2] =	stream.indirect.scatter.add.f32 [tilespmem:s21], [sflag:$0xB], $0x20, s14, s17, $0xb8;
	[tilespmem:$0x1BE20] =	vst v63  }
0x58: {  	_ =	swait.ge @!p0 [sflag:s5], $0x1000  }
0x59: {  	[sflag:s5] =	ssyncset.done @!p0 $0x0  }
0x5a: {  	s15 =	simm.s32 $0x380;
	[sflag:s5] =	ssyncadd.s32 @!p0 $0xFFFFF000  }
0x5b: {  	[tilespmem:s29], [sflag:$0x8] =	stream.indirect.gather [spmem:s3], $0x20, s15, s17, $0xb8;
	[tilespmem:$0x1BE20] =	vst v63  }
0x5c: {  	_ =	swait.ge [sflag:s30], $0x1000  }
0x5d: {  	[sflag:s30] =	ssyncset.done $0x0  }
0x5e: {  	s20 =	simm.s32 $0x5180;
	[sflag:s30] =	ssyncadd.s32 $0xFFFFF000  }
0x5f: {  	[spmem:s2] =	stream.indirect.scatter.add.f32 [tilespmem:s23], [sflag:$0xC], $0x20, s20, s17, $0xb8;
	[tilespmem:$0x1BE20] =	vst v63  }
0x60: {  	_ =	swait.ge [sflag:s31], $0x1000  }
0x61: {  	p0 =	por $0x0, $0x0;
	[sflag:s31] =	ssyncset.done $0x0  }
0x62: {  	s4 =	simm.s32 @p0 $0x5;
	[sflag:s31] =	ssyncadd.s32 $0xFFFFF000  }
0x63: {  	_ =	swait.ge @p0 [sflag:s4], $0x1000  }
0x64: {  	s5 =	simm.s32 @p0 $0x5200;
	s9 =	simm.s32 @p0 $0xA;
	[sflag:s4] =	ssyncset.done @p0 $0x0  }
0x65: {  	s10 =	simm.s32 @p0 $0xE000;
	[sflag:s4] =	ssyncadd.s32 @p0 $0xFFFFF000;
	s4 =	simm.s32 @p0 $0x80  }
0x66: {  	[spmem:s2] =	stream.indirect.scatter.add.f32 @p0 [tilespmem:s10], [sflag:$0xD], $0x20, s5, s4, $0xb8;
	[tilespmem:$0x1BE20] =	vst v63  }
0x67: {  	_ =	swait.ge @p0 [sflag:s9], $0x1000  }
0x68: {  	s5 =	simm.s32 @!p0 $0x400;
	[sflag:s9] =	ssyncset.done @p0 $0x0  }
0x69: {  	s10 =	simm.s32 @!p0 $0xA000;
	[sflag:s9] =	ssyncadd.s32 @p0 $0xFFFFF000;
	s9 =	simm.s32 @!p0 $0x80  }
0x6a: {  	[tilespmem:s10], [sflag:$0x1] =	stream.indirect.gather @!p0 [spmem:s3], $0x20, s5, s9, $0xb8;
	[tilespmem:$0x1BE20] =	vst v63  }
0x6b: {  	s5 =	simm.s32 @!p0 $0x5  }
0x6c: {  	_ =	swait.ge @!p0 [sflag:s5], $0x1000  }
0x6d: {  	[sflag:s5] =	ssyncset.done @!p0 $0x0  }
0x6e: {  	s10 =	simm.s32 @!p0 $0x5200;
	[sflag:s5] =	ssyncadd.s32 @!p0 $0xFFFFF000;
	s5 =	simm.s32 @!p0 $0xE000  }
0x6f: {  	[spmem:s2] =	stream.indirect.scatter.add.f32 @!p0 [tilespmem:s5], [sflag:$0xD], $0x20, s10, s9, $0xb8;
	[tilespmem:$0x1BE20] =	vst v63  }
0x70: {  	s5 =	simm.s32 @!p0 $0xA  }
0x71: {  	_ =	swait.ge @!p0 [sflag:s5], $0x1000  }
0x72: {  	[sflag:s5] =	ssyncset.done @!p0 $0x0  }
0x73: {  	s10 =	simm.s32 @!p0 $0x480;
	[sflag:s5] =	ssyncadd.s32 @!p0 $0xFFFFF000;
	s5 =	simm.s32 @!p0 $0xB000  }
0x74: {  	[tilespmem:s5], [sflag:$0x2] =	stream.indirect.gather @!p0 [spmem:s3], $0x20, s10, s9, $0xb8;
	[tilespmem:$0x1BE20] =	vst v63  }
0x75: {  	_ =	swait.ge [sflag:s0], $0x1000  }
0x76: {  	[sflag:s0] =	ssyncset.done $0x0  }
0x77: {  	s22 =	simm.s32 $0x5280;
	[sflag:s0] =	ssyncadd.s32 $0xFFFFF000  }
0x78: {  	[spmem:s2] =	stream.indirect.scatter.add.f32 [tilespmem:s25], [sflag:$0xE], $0x20, s22, s17, $0xb8;
	[tilespmem:$0x1BE20] =	vst v63  }
0x79: {  	_ =	swait.ge [sflag:s1], $0x1000  }
0x7a: {  	[sflag:s1] =	ssyncset.done $0x0  }
0x7b: {  	s5 =	simm.s32 @p0 $0x7;
	[sflag:s1] =	ssyncadd.s32 $0xFFFFF000  }
0x7c: {  	_ =	swait.ge @p0 [sflag:s5], $0x1000  }
0x7d: {  	[sflag:s5] =	ssyncset.done @p0 $0x0  }
0x7e: {  	s10 =	simm.s32 @p0 $0x5300;
	[sflag:s5] =	ssyncadd.s32 @p0 $0xFFFFF000;
	s5 =	simm.s32 @p0 $0x10000  }
0x7f: {  	[spmem:s2] =	stream.indirect.scatter.add.f32 @p0 [tilespmem:s5], [sflag:$0xF], $0x20, s10, s4, $0xb8;
	[tilespmem:$0x1BE20] =	vst v63  }
0x80: {  	s4 =	simm.s32 @p0 $0xC  }
0x81: {  	_ =	swait.ge @p0 [sflag:s4], $0x1000  }
0x82: {  	[sflag:s4] =	ssyncset.done @p0 $0x0  }
0x83: {  	s5 =	simm.s32 @!p0 $0x500;
	[sflag:s4] =	ssyncadd.s32 @p0 $0xFFFFF000;
	s4 =	simm.s32 @!p0 $0xC000  }
0x84: {  	[tilespmem:s4], [sflag:$0x3] =	stream.indirect.gather @!p0 [spmem:s3], $0x20, s5, s9, $0xb8;
	[tilespmem:$0x1BE20] =	vst v63  }
0x85: {  	s4 =	simm.s32 @!p0 $0x7  }
0x86: {  	_ =	swait.ge @!p0 [sflag:s4], $0x1000  }
0x87: {  	[sflag:s4] =	ssyncset.done @!p0 $0x0  }
0x88: {  	s5 =	simm.s32 @!p0 $0x5300;
	[sflag:s4] =	ssyncadd.s32 @!p0 $0xFFFFF000;
	s4 =	simm.s32 @!p0 $0x10000  }
0x89: {  	[spmem:s2] =	stream.indirect.scatter.add.f32 @!p0 [tilespmem:s4], [sflag:$0xF], $0x20, s5, s9, $0xb8;
	[tilespmem:$0x1BE20] =	vst v63  }
0x8a: {  	s4 =	simm.s32 @!p0 $0xC  }
0x8b: {  	_ =	swait.ge @!p0 [sflag:s4], $0x1000  }
0x8c: {  	[sflag:s4] =	ssyncset.done @!p0 $0x0  }
0x8d: {  	s5 =	simm.s32 @!p0 $0x580;
	[sflag:s4] =	ssyncadd.s32 @!p0 $0xFFFFF000;
	s4 =	simm.s32 @!p0 $0xD000  }
0x8e: {  	[tilespmem:s4], [sflag:$0x4] =	stream.indirect.gather @!p0 [spmem:s3], $0x20, s5, s9, $0xb8;
	[tilespmem:$0x1BE20] =	vst v63  }
0x8f: {  	s10 =	simm.s32 $0x2000;
	s9 =	simm.s32 $0x1000;
	_ =	swait.ge [sflag:s16], $0x1000  }
0x90: {  	p0 =	por $0x0, $0x0;
	s4 =	simm.s32 $0x5380;
	[sflag:s16] =	ssyncset.done $0x0  }
.LBB2_2:
0x91: {  	s5 =	simm.s32 @!p0 $0xD;
	[sflag:s16] =	ssyncadd.s32 $0xFFFFF000  }
0x92: {  	[spmem:s2] =	stream.indirect.scatter.add.f32 [tilespmem:s29], [sflag:$0x10], $0x20, s4, s17, $0xb8;
	[tilespmem:$0x1BE20] =	vst v63  }
0x93: {  	_ =	swait.ge @!p0 [sflag:s5], $0x1000  }
0x94: {  	s11 =	sshra.s32 s9, $0x2;
	[sflag:s5] =	ssyncset.done @!p0 $0x0  }
0x95: {  	s20 =	sadd.s32 $0x200, s11;
	s15 =	rddreg [dreg:$0x5];
	[sflag:s5] =	ssyncadd.s32 @!p0 $0xFFFFF000  }
0x96: {  	[tilespmem:s15], [sflag:$0x5] =	stream.indirect.gather [spmem:s3], $0x20, s20, s17, $0xb8;
	[tilespmem:$0x1BE20] =	vst v63  }
0x97: {  	_ =	swait.ge [sflag:s24], $0x1000  }
0x98: {  	[sflag:s24] =	ssyncset.done $0x0  }
0x99: {  	s22 =	sadd.s32 $0x5000, s11;
	s5 =	simm.s32 @!p0 $0xE;
	[sflag:s24] =	ssyncadd.s32 $0xFFFFF000  }
0x9a: {  	[spmem:s2] =	stream.indirect.scatter.add.f32 [tilespmem:s18], [sflag:$0x9], $0x20, s22, s17, $0xb8;
	[tilespmem:$0x1BE20] =	vst v63  }
0x9b: {  	_ =	swait.ge @!p0 [sflag:s5], $0x1000  }
0x9c: {  	[sflag:s5] =	ssyncset.done @!p0 $0x0  }
0x9d: {  	s6 =	sadd.s32 $0x280, s11;
	[sflag:s5] =	ssyncadd.s32 @!p0 $0xFFFFF000  }
0x9e: {  	[tilespmem:s25], [sflag:$0x6] =	stream.indirect.gather [spmem:s3], $0x20, s6, s17, $0xb8;
	[tilespmem:$0x1BE20] =	vst v63  }
0x9f: {  	_ =	swait.ge [sflag:s26], $0x1000  }
0xa0: {  	[sflag:s26] =	ssyncset.done $0x0  }
0xa1: {  	s7 =	sadd.s32 $0x5080, s11;
	s5 =	simm.s32 @!p0 $0xF;
	[sflag:s26] =	ssyncadd.s32 $0xFFFFF000  }
0xa2: {  	[spmem:s2] =	stream.indirect.scatter.add.f32 [tilespmem:s19], [sflag:$0xA], $0x20, s7, s17, $0xb8;
	[tilespmem:$0x1BE20] =	vst v63  }
0xa3: {  	_ =	swait.ge @!p0 [sflag:s5], $0x1000  }
0xa4: {  	[sflag:s5] =	ssyncset.done @!p0 $0x0  }
0xa5: {  	s13 =	sadd.s32 $0x300, s11;
	s8 =	rddreg [dreg:$0x6];
	[sflag:s5] =	ssyncadd.s32 @!p0 $0xFFFFF000  }
0xa6: {  	[tilespmem:s8], [sflag:$0x7] =	stream.indirect.gather [spmem:s3], $0x20, s13, s17, $0xb8;
	[tilespmem:$0x1BE20] =	vst v63  }
0xa7: {  	_ =	swait.ge [sflag:s28], $0x1000  }
0xa8: {  	[sflag:s28] =	ssyncset.done $0x0  }
0xa9: {  	s14 =	sadd.s32 $0x5100, s11;
	s5 =	simm.s32 @!p0 $0x10;
	[sflag:s28] =	ssyncadd.s32 $0xFFFFF000  }
0xaa: {  	[spmem:s2] =	stream.indirect.scatter.add.f32 [tilespmem:s21], [sflag:$0xB], $0x20, s14, s17, $0xb8;
	[tilespmem:$0x1BE20] =	vst v63  }
0xab: {  	_ =	swait.ge @!p0 [sflag:s5], $0x1000  }
0xac: {  	[sflag:s5] =	ssyncset.done @!p0 $0x0  }
0xad: {  	s15 =	sadd.s32 $0x380, s11;
	[sflag:s5] =	ssyncadd.s32 @!p0 $0xFFFFF000  }
0xae: {  	[tilespmem:s29], [sflag:$0x8] =	stream.indirect.gather [spmem:s3], $0x20, s15, s17, $0xb8;
	[tilespmem:$0x1BE20] =	vst v63  }
0xaf: {  	_ =	swait.ge [sflag:s30], $0x1000  }
0xb0: {  	[sflag:s30] =	ssyncset.done $0x0  }
0xb1: {  	s20 =	sadd.s32 $0x5180, s11;
	[sflag:s30] =	ssyncadd.s32 $0xFFFFF000  }
0xb2: {  	[spmem:s2] =	stream.indirect.scatter.add.f32 [tilespmem:s23], [sflag:$0xC], $0x20, s20, s17, $0xb8;
	[tilespmem:$0x1BE20] =	vst v63  }
0xb3: {  	_ =	swait.ge [sflag:s31], $0x1000  }
0xb4: {  	s12 =	smov.u32 s10;
	p0 =	seq.s32 s9, $0x13000;
	[sflag:s31] =	ssyncset.done $0x0  }
0xb5: {  	s4 =	simm.s32 @p0 $0x5;
	s13 =	sshra.s32 @p0 s9, $0x2;
	[sflag:s31] =	ssyncadd.s32 $0xFFFFF000  }
0xb6: {  	s9 =	sshra.s32 @!p0 s9, $0x2;
	s5 =	simm.s32 @p0 $0x80;
	_ =	swait.ge @p0 [sflag:s4], $0x1000  }
0xb7: {  	s15 =	simm.s32 @!p0 $0x5;
	s14 =	sadd.s32 @p0 $0x5200, s13;
	[sflag:s4] =	ssyncset.done @p0 $0x0  }
0xb8: {  	s20 =	simm.s32 @p0 $0xA;
	[sflag:s4] =	ssyncadd.s32 @p0 $0xFFFFF000;
	s4 =	simm.s32 @p0 $0xE000  }
0xb9: {  	[spmem:s2] =	stream.indirect.scatter.add.f32 @p0 [tilespmem:s4], [sflag:$0xD], $0x20, s14, s5, $0xb8;
	[tilespmem:$0x1BE20] =	vst v63  }
0xba: {  	s22 =	sadd.s32 @!p0 $0x400, s9;
	s6 =	sadd.s32 @!p0 $0x5200, s9;
	_ =	swait.ge @p0 [sflag:s20], $0x1000  }
0xbb: {  	s7 =	sadd.s32 @!p0 $0x480, s9;
	s8 =	sadd.s32 @p0 $0x5300, s13;
	[sflag:s20] =	ssyncset.done @p0 $0x0  }
0xbc: {  	s13 =	simm.s32 @!p0 $0x80;
	s4 =	simm.s32 @!p0 $0xA000;
	[sflag:s20] =	ssyncadd.s32 @p0 $0xFFFFF000  }
0xbd: {  	[tilespmem:s4], [sflag:$0x1] =	stream.indirect.gather @!p0 [spmem:s3], $0x20, s22, s13, $0xb8;
	[tilespmem:$0x1BE20] =	vst v63  }
0xbe: {  	s14 =	sadd.s32 @!p0 $0x580, s9;
	s20 =	sadd.s32 @!p0 $0x500, s9;
	_ =	swait.ge @!p0 [sflag:s15], $0x1000  }
0xbf: {  	s4 =	sadd.s32 @!p0 $0x5300, s9;
	s9 =	smov.u32 s12;
	[sflag:s15] =	ssyncset.done @!p0 $0x0  }
0xc0: {  	s12 =	simm.s32 @!p0 $0xE000;
	[sflag:s15] =	ssyncadd.s32 @!p0 $0xFFFFF000;
	s15 =	simm.s32 @!p0 $0xA  }
0xc1: {  	[spmem:s2] =	stream.indirect.scatter.add.f32 @!p0 [tilespmem:s12], [sflag:$0xD], $0x20, s6, s13, $0xb8;
	[tilespmem:$0x1BE20] =	vst v63  }
0xc2: {  	_ =	swait.ge @!p0 [sflag:s15], $0x1000  }
0xc3: {  	[sflag:s15] =	ssyncset.done @!p0 $0x0  }
0xc4: {  	s6 =	simm.s32 @!p0 $0xB000;
	[sflag:s15] =	ssyncadd.s32 @!p0 $0xFFFFF000  }
0xc5: {  	[tilespmem:s6], [sflag:$0x2] =	stream.indirect.gather @!p0 [spmem:s3], $0x20, s7, s13, $0xb8;
	[tilespmem:$0x1BE20] =	vst v63  }
0xc6: {  	_ =	swait.ge [sflag:s0], $0x1000  }
0xc7: {  	[sflag:s0] =	ssyncset.done $0x0  }
0xc8: {  	s22 =	sadd.s32 $0x5280, s11;
	[sflag:s0] =	ssyncadd.s32 $0xFFFFF000  }
0xc9: {  	[spmem:s2] =	stream.indirect.scatter.add.f32 [tilespmem:s25], [sflag:$0xE], $0x20, s22, s17, $0xb8;
	[tilespmem:$0x1BE20] =	vst v63  }
0xca: {  	_ =	swait.ge [sflag:s1], $0x1000  }
0xcb: {  	[sflag:s1] =	ssyncset.done $0x0  }
0xcc: {  	s6 =	simm.s32 @p0 $0x7;
	[sflag:s1] =	ssyncadd.s32 $0xFFFFF000  }
0xcd: {  	_ =	swait.ge @p0 [sflag:s6], $0x1000  }
0xce: {  	[sflag:s6] =	ssyncset.done @p0 $0x0  }
0xcf: {  	s7 =	simm.s32 @p0 $0xC;
	[sflag:s6] =	ssyncadd.s32 @p0 $0xFFFFF000;
	s6 =	simm.s32 @p0 $0x10000  }
0xd0: {  	[spmem:s2] =	stream.indirect.scatter.add.f32 @p0 [tilespmem:s6], [sflag:$0xF], $0x20, s8, s5, $0xb8;
	[tilespmem:$0x1BE20] =	vst v63  }
0xd1: {  	_ =	swait.ge @p0 [sflag:s7], $0x1000  }
0xd2: {  	[sflag:s7] =	ssyncset.done @p0 $0x0  }
0xd3: {  	s5 =	simm.s32 @!p0 $0xC000;
	s6 =	simm.s32 @!p0 $0x7;
	[sflag:s7] =	ssyncadd.s32 @p0 $0xFFFFF000  }
0xd4: {  	[tilespmem:s5], [sflag:$0x3] =	stream.indirect.gather @!p0 [spmem:s3], $0x20, s20, s13, $0xb8;
	[tilespmem:$0x1BE20] =	vst v63  }
0xd5: {  	_ =	swait.ge @!p0 [sflag:s6], $0x1000  }
0xd6: {  	s10 =	sadd.s32 $0x1000, s10;
	[sflag:s6] =	ssyncset.done @!p0 $0x0  }
0xd7: {  	s5 =	simm.s32 @!p0 $0x10000;
	[sflag:s6] =	ssyncadd.s32 @!p0 $0xFFFFF000;
	s6 =	simm.s32 @!p0 $0xC  }
0xd8: {  	[spmem:s2] =	stream.indirect.scatter.add.f32 @!p0 [tilespmem:s5], [sflag:$0xF], $0x20, s4, s13, $0xb8;
	[tilespmem:$0x1BE20] =	vst v63  }
0xd9: {  	p6 =	sne.s32 s10, $0x14000;
	_ =	swait.ge @!p0 [sflag:s6], $0x1000  }
.Ltmp0:
0xda: {  	[sflag:s6] =	ssyncset.done @!p0 $0x0;
	(pc) =	sbr.rel @p6 .LBB2_2-.Ltmp0, $4  }
0xdb: {  	s4 =	simm.s32 @!p0 $0xD000;
	[sflag:s6] =	ssyncadd.s32 @!p0 $0xFFFFF000  }
0xdc: {  	[tilespmem:s4], [sflag:$0x4] =	stream.indirect.gather @!p0 [spmem:s3], $0x20, s14, s13, $0xb8;
	[tilespmem:$0x1BE20] =	vst v63  }
0xdd: {  	_ =	swait.ge [sflag:s16], $0x1000  }
0xde: {  	p0 =	seq.s32 s9, $0x0;
	s4 =	sadd.s32 $0x5380, s11;
	[sflag:s16] =	ssyncset.done $0x0  }
0xdf: {  	s5 =	simm.s32 @!p0 $0xD;
	[sflag:s16] =	ssyncadd.s32 $0xFFFFF000  }
0xe0: {  	[spmem:s2] =	stream.indirect.scatter.add.f32 [tilespmem:s29], [sflag:$0x10], $0x20, s4, s17, $0xb8;
	[tilespmem:$0x1BE20] =	vst v63  }
0xe1: {  	_ =	swait.ge @!p0 [sflag:s5], $0x1000  }
0xe2: {  	s10 =	sshra.s32 s9, $0x2;
	[sflag:s5] =	ssyncset.done @!p0 $0x0  }
0xe3: {  	s12 =	sadd.s32 $0x200, s10;
	s11 =	rddreg [dreg:$0x5];
	[sflag:s5] =	ssyncadd.s32 @!p0 $0xFFFFF000  }
0xe4: {  	[tilespmem:s11], [sflag:$0x5] =	stream.indirect.gather [spmem:s3], $0x20, s12, s17, $0xb8;
	[tilespmem:$0x1BE20] =	vst v63  }
0xe5: {  	_ =	swait.ge [sflag:s24], $0x1000  }
0xe6: {  	[sflag:s24] =	ssyncset.done $0x0  }
0xe7: {  	s13 =	sadd.s32 $0x5000, s10;
	s5 =	simm.s32 @!p0 $0xE;
	[sflag:s24] =	ssyncadd.s32 $0xFFFFF000  }
0xe8: {  	[spmem:s2] =	stream.indirect.scatter.add.f32 [tilespmem:s18], [sflag:$0x9], $0x20, s13, s17, $0xb8;
	[tilespmem:$0x1BE20] =	vst v63  }
0xe9: {  	_ =	swait.ge @!p0 [sflag:s5], $0x1000  }
0xea: {  	[sflag:s5] =	ssyncset.done @!p0 $0x0  }
0xeb: {  	s14 =	sadd.s32 $0x280, s10;
	[sflag:s5] =	ssyncadd.s32 @!p0 $0xFFFFF000  }
0xec: {  	[tilespmem:s25], [sflag:$0x6] =	stream.indirect.gather [spmem:s3], $0x20, s14, s17, $0xb8;
	[tilespmem:$0x1BE20] =	vst v63  }
0xed: {  	_ =	swait.ge [sflag:s26], $0x1000  }
0xee: {  	[sflag:s26] =	ssyncset.done $0x0  }
0xef: {  	s15 =	sadd.s32 $0x5080, s10;
	s5 =	simm.s32 @!p0 $0xF;
	[sflag:s26] =	ssyncadd.s32 $0xFFFFF000  }
0xf0: {  	[spmem:s2] =	stream.indirect.scatter.add.f32 [tilespmem:s19], [sflag:$0xA], $0x20, s15, s17, $0xb8;
	[tilespmem:$0x1BE20] =	vst v63  }
0xf1: {  	_ =	swait.ge @!p0 [sflag:s5], $0x1000  }
0xf2: {  	[sflag:s5] =	ssyncset.done @!p0 $0x0  }
0xf3: {  	s22 =	sadd.s32 $0x300, s10;
	s20 =	rddreg [dreg:$0x6];
	[sflag:s5] =	ssyncadd.s32 @!p0 $0xFFFFF000  }
0xf4: {  	[tilespmem:s20], [sflag:$0x7] =	stream.indirect.gather [spmem:s3], $0x20, s22, s17, $0xb8;
	[tilespmem:$0x1BE20] =	vst v63  }
0xf5: {  	_ =	swait.ge [sflag:s28], $0x1000  }
0xf6: {  	[sflag:s28] =	ssyncset.done $0x0  }
0xf7: {  	s6 =	sadd.s32 $0x5100, s10;
	s5 =	simm.s32 @!p0 $0x10;
	[sflag:s28] =	ssyncadd.s32 $0xFFFFF000  }
0xf8: {  	[spmem:s2] =	stream.indirect.scatter.add.f32 [tilespmem:s21], [sflag:$0xB], $0x20, s6, s17, $0xb8;
	[tilespmem:$0x1BE20] =	vst v63  }
0xf9: {  	_ =	swait.ge @!p0 [sflag:s5], $0x1000  }
0xfa: {  	[sflag:s5] =	ssyncset.done @!p0 $0x0  }
0xfb: {  	s7 =	sadd.s32 $0x380, s10;
	[sflag:s5] =	ssyncadd.s32 @!p0 $0xFFFFF000  }
0xfc: {  	[tilespmem:s29], [sflag:$0x8] =	stream.indirect.gather [spmem:s3], $0x20, s7, s17, $0xb8;
	[tilespmem:$0x1BE20] =	vst v63  }
0xfd: {  	_ =	swait.ge [sflag:s30], $0x1000  }
0xfe: {  	[sflag:s30] =	ssyncset.done $0x0  }
0xff: {  	s8 =	sadd.s32 $0x5180, s10;
	[sflag:s30] =	ssyncadd.s32 $0xFFFFF000  }
0x100: {  	[spmem:s2] =	stream.indirect.scatter.add.f32 [tilespmem:s23], [sflag:$0xC], $0x20, s8, s17, $0xb8;
	[tilespmem:$0x1BE20] =	vst v63  }
0x101: {  	_ =	swait.ge [sflag:s31], $0x1000  }
0x102: {  	p0 =	seq.s32 s9, $0x13000;
	[sflag:s31] =	ssyncset.done $0x0  }
0x103: {  	s4 =	simm.s32 @p0 $0x5;
	[sflag:s31] =	ssyncadd.s32 $0xFFFFF000  }
0x104: {  	s5 =	sshra.s32 @p0 s9, $0x2;
	_ =	swait.ge @p0 [sflag:s4], $0x1000  }
0x105: {  	s7 =	simm.s32 @p0 $0xA;
	s6 =	sadd.s32 @p0 $0x5200, s5;
	[sflag:s4] =	ssyncset.done @p0 $0x0  }
0x106: {  	s8 =	simm.s32 @p0 $0xE000;
	[sflag:s4] =	ssyncadd.s32 @p0 $0xFFFFF000;
	s4 =	simm.s32 @p0 $0x80  }
0x107: {  	[spmem:s2] =	stream.indirect.scatter.add.f32 @p0 [tilespmem:s8], [sflag:$0xD], $0x20, s6, s4, $0xb8;
	[tilespmem:$0x1BE20] =	vst v63  }
0x108: {  	_ =	swait.ge @p0 [sflag:s7], $0x1000  }
0x109: {  	s6 =	sshra.s32 @!p0 s9, $0x2;
	s9 =	simm.s32 @!p0 $0xA000;
	[sflag:s7] =	ssyncset.done @p0 $0x0  }
0x10a: {  	s8 =	sadd.s32 @!p0 $0x400, s6;
	[sflag:s7] =	ssyncadd.s32 @p0 $0xFFFFF000;
	s7 =	simm.s32 @!p0 $0x80  }
0x10b: {  	[tilespmem:s9], [sflag:$0x1] =	stream.indirect.gather @!p0 [spmem:s3], $0x20, s8, s7, $0xb8;
	[tilespmem:$0x1BE20] =	vst v63  }
0x10c: {  	s8 =	simm.s32 @!p0 $0x5  }
0x10d: {  	_ =	swait.ge @!p0 [sflag:s8], $0x1000  }
0x10e: {  	[sflag:s8] =	ssyncset.done @!p0 $0x0  }
0x10f: {  	s9 =	sadd.s32 @!p0 $0x5200, s6;
	[sflag:s8] =	ssyncadd.s32 @!p0 $0xFFFFF000;
	s8 =	simm.s32 @!p0 $0xE000  }
0x110: {  	[spmem:s2] =	stream.indirect.scatter.add.f32 @!p0 [tilespmem:s8], [sflag:$0xD], $0x20, s9, s7, $0xb8;
	[tilespmem:$0x1BE20] =	vst v63  }
0x111: {  	s8 =	simm.s32 @!p0 $0xA  }
0x112: {  	_ =	swait.ge @!p0 [sflag:s8], $0x1000  }
0x113: {  	[sflag:s8] =	ssyncset.done @!p0 $0x0  }
0x114: {  	s9 =	sadd.s32 @!p0 $0x480, s6;
	[sflag:s8] =	ssyncadd.s32 @!p0 $0xFFFFF000;
	s8 =	simm.s32 @!p0 $0xB000  }
0x115: {  	[tilespmem:s8], [sflag:$0x2] =	stream.indirect.gather @!p0 [spmem:s3], $0x20, s9, s7, $0xb8;
	[tilespmem:$0x1BE20] =	vst v63  }
0x116: {  	_ =	swait.ge [sflag:s0], $0x1000  }
0x117: {  	[sflag:s0] =	ssyncset.done $0x0  }
0x118: {  	s9 =	sadd.s32 $0x5280, s10;
	[sflag:s0] =	ssyncadd.s32 $0xFFFFF000  }
0x119: {  	[spmem:s2] =	stream.indirect.scatter.add.f32 [tilespmem:s25], [sflag:$0xE], $0x20, s9, s17, $0xb8;
	[tilespmem:$0x1BE20] =	vst v63  }
0x11a: {  	_ =	swait.ge [sflag:s1], $0x1000  }
0x11b: {  	[sflag:s1] =	ssyncset.done $0x0  }
0x11c: {  	s8 =	simm.s32 @p0 $0x7;
	[sflag:s1] =	ssyncadd.s32 $0xFFFFF000  }
0x11d: {  	_ =	swait.ge @p0 [sflag:s8], $0x1000  }
0x11e: {  	[sflag:s8] =	ssyncset.done @p0 $0x0  }
0x11f: {  	s5 =	sadd.s32 @p0 $0x5300, s5;
	[sflag:s8] =	ssyncadd.s32 @p0 $0xFFFFF000;
	s8 =	simm.s32 @p0 $0x10000  }
0x120: {  	[spmem:s2] =	stream.indirect.scatter.add.f32 @p0 [tilespmem:s8], [sflag:$0xF], $0x20, s5, s4, $0xb8;
	[tilespmem:$0x1BE20] =	vst v63  }
0x121: {  	s4 =	simm.s32 @p0 $0xC  }
0x122: {  	_ =	swait.ge @p0 [sflag:s4], $0x1000  }
0x123: {  	[sflag:s4] =	ssyncset.done @p0 $0x0  }
0x124: {  	s5 =	sadd.s32 @!p0 $0x500, s6;
	[sflag:s4] =	ssyncadd.s32 @p0 $0xFFFFF000;
	s4 =	simm.s32 @!p0 $0xC000  }
0x125: {  	[tilespmem:s4], [sflag:$0x3] =	stream.indirect.gather @!p0 [spmem:s3], $0x20, s5, s7, $0xb8;
	[tilespmem:$0x1BE20] =	vst v63  }
0x126: {  	s4 =	simm.s32 @!p0 $0x7  }
0x127: {  	_ =	swait.ge @!p0 [sflag:s4], $0x1000  }
0x128: {  	[sflag:s4] =	ssyncset.done @!p0 $0x0  }
0x129: {  	s5 =	sadd.s32 @!p0 $0x5300, s6;
	[sflag:s4] =	ssyncadd.s32 @!p0 $0xFFFFF000;
	s4 =	simm.s32 @!p0 $0x10000  }
0x12a: {  	[spmem:s2] =	stream.indirect.scatter.add.f32 @!p0 [tilespmem:s4], [sflag:$0xF], $0x20, s5, s7, $0xb8;
	[tilespmem:$0x1BE20] =	vst v63  }
0x12b: {  	s4 =	simm.s32 @!p0 $0xC  }
0x12c: {  	_ =	swait.ge @!p0 [sflag:s4], $0x1000  }
0x12d: {  	[sflag:s4] =	ssyncset.done @!p0 $0x0  }
0x12e: {  	s5 =	sadd.s32 @!p0 $0x580, s6;
	[sflag:s4] =	ssyncadd.s32 @!p0 $0xFFFFF000;
	s4 =	simm.s32 @!p0 $0xD000  }
0x12f: {  	[tilespmem:s4], [sflag:$0x4] =	stream.indirect.gather @!p0 [spmem:s3], $0x20, s5, s7, $0xb8;
	[tilespmem:$0x1BE20] =	vst v63  }
0x130: {  	_ =	swait.ge [sflag:s16], $0x1000  }
0x131: {  	[sflag:s16] =	ssyncset.done $0x0  }
0x132: {  	s11 =	sadd.s32 $0x5380, s10;
	s12 =	simm.s32 $0xD;
	[sflag:s16] =	ssyncadd.s32 $0xFFFFF000  }
0x133: {  	[spmem:s2] =	stream.indirect.scatter.add.f32 [tilespmem:s29], [sflag:$0x10], $0x20, s11, s17, $0xb8;
	[tilespmem:$0x1BE20] =	vst v63  }
0x134: {  	_ =	swait.ge [sflag:s12], $0x1000  }
0x135: {  	[sflag:s12] =	ssyncset.done $0x0  }
0x136: {  	s13 =	simm.s32 $0xE;
	[sflag:s12] =	ssyncadd.s32 $0xFFFFF000  }
0x137: {  	_ =	swait.ge [sflag:s13], $0x1000  }
0x138: {  	[sflag:s13] =	ssyncset.done $0x0  }
0x139: {  	s14 =	simm.s32 $0xF;
	[sflag:s13] =	ssyncadd.s32 $0xFFFFF000  }
0x13a: {  	_ =	swait.ge [sflag:s14], $0x1000  }
0x13b: {  	[sflag:s14] =	ssyncset.done $0x0  }
0x13c: {  	s15 =	simm.s32 $0x10;
	[sflag:s14] =	ssyncadd.s32 $0xFFFFF000  }
0x13d: {  	_ =	swait.ge [sflag:s15], $0x1000  }
0x13e: {  	[sflag:s15] =	ssyncset.done $0x0  }
0x13f: {  	s7 =	stileid.u32;
	[sflag:s15] =	ssyncadd.s32 $0xFFFFF000  }
0x140: {  	s4 =	sshll.u32 @!p5 s7, $0x6;
	[bflag:$0x0] =	sbarrier.arrive $0xFFFF  }
0x141: {  	s5 =	sshrl.u32 @!p5 s2, $0x3;
	s4 =	sor.u32 @!p5 $0x1C11, s4;
	s6 =	rddreg [dreg:$0x9]  }
0x142: {  	[hbm:s6], [sflag:s4] =	dma.local @!p5 [spmem:s5], $0xA000  }
0x143: {  	s4 =	simm.s32 @!p5 $0x11  }
0x144: {  	_ =	swait.ge @!p5 [sflag:s4], $0xA000  }
0x145: {  	s5 =	simm.s32 @p4 $0x1C11;
	[sflag:s4] =	ssyncset.done @!p5 $0x0  }
0x146: {  	s6 =	rddreg [dreg:$0xa];
	[sflag:s4] =	ssyncadd.s32 @!p5 $0xFFFF6000;
	s4 =	sshrl.u32 @p4 s2, $0x3  }
0x147: {  	[hbm:s6], [sflag:s5] =	dma.local @p4 [spmem:s4], $0xA000  }
0x148: {  	s4 =	simm.s32 @p4 $0x11  }
0x149: {  	_ =	swait.ge @p4 [sflag:s4], $0xA000  }
0x14a: {  	s20 =	rddreg [dreg:$0x10]  }
0x14b: {  	s22 =	rddreg [dreg:$0xd];
	s6 =	sadd.s32 $0x1, s20  }
0x14c: {  	p0 =	sne.s32 s6, s22  }
.Ltmp1:
0x14d: {  	_ = 	snop;
	(pc) =	sbr.rel @p0 .LBB2_1-.Ltmp1, $3  }
0x14e: {  	_ =	sdelay $0x1  }
0x14f: {  	[sflag:s4] =	ssyncset.done @p4 $0x0  }
0x150: {  	[sflag:s4] =	ssyncadd.s32 @p4 $0xFFFF6000  }
0x151: {  	_ =	sfence.sel $0x180000  }
0x152: {  	[bflag:$0x0] =	sbarrier.arrive $0xFFFF  }
0x153: {  	_ =	strace $0x9000004A  }
0x154: {  	[bflag:$0x2] =	sbarrier.arrive $0xFFFF  }
0x155: {  	s0 =	rddreg [dreg:$0x4]  }
0x156: {  	s0 =	sadd.s32 @!p1 $0x100000, s0  }
0x157: {  	[sflag:s0] =	ssyncadd.tile.s32 @!p1 $0x1;
	_ =	shalt  }
.Lfunc_end2:
_tile_overlayer_lowered:
.L_overlay_start_2:
0x158: {  	(tag) =	ssettag $0x2  }
0x159: {  	s0 =	rddreg [dreg:$0x0];
	s2 =	stileid.u32  }
0x15a: {  	s1 =	rddreg [dreg:$0x1];
	p0 =	sne.s32 s2, $0x0  }
0x15b: {  	s3 =	rddreg [dreg:$0x2];
	[bflag:$0x3] =	sbarrier.arrive $0xFFFF;
	s2 =	simm.s32 @!p0 $0x1C11  }
0x15c: {  	[timem:s3], [sflag:s2] =	dma.local @!p0 [hbm:s0], s1  }
0x15d: {  	s0 =	simm.s32 @!p0 $0x11  }
0x15e: {  	_ =	swait.ge @!p0 [sflag:s0], s1  }
0x15f: {  	s1 =	ssub.s32 @!p0 $0x0, s1;
	[sflag:s0] =	ssyncset.done @!p0 $0x0  }
0x160: {  	[sflag:s0] =	ssyncadd.s32 @!p0 s1  }
0x161: {  	[bflag:$0x3] =	sbarrier.arrive $0xFFFF  }
0x162: {  	_ =	shalt  }

// kernel: kernel.15.cloned.1.call-start
scs
__scs_entry_jumppad:
0x0: {  	(pc) =	sbr.rel $0x88, $3  }
0x1: {  	(tag) =	ssettag $0x0;
	lr =	simm.s32 $0x1  }
0x2: {  	[smem:$0x3F9B] =	sst lr;
	_ =	strace $0xD0000000  }
0x3: {  	_ = 	snop  }
0x4: {  	_ = 	snop  }
0x5: {  	_ = 	snop  }
0x6: {  	_ = 	snop  }
0x7: {  	_ = 	snop  }
__scs_overlays_trampoline_lowered:
0x8: {  	[smem:$0x3FAA] =	sst s0  }
0x9: {  	[smem:$0x3FAB] =	sst s1  }
0xa: {  	[smem:$0x3FAC] =	sst s2  }
0xb: {  	[smem:$0x3FAD] =	sst s3  }
0xc: {  	[smem:$0x3FAE] =	sst s4  }
0xd: {  	[smem:$0x3FAF] =	sst s5  }
0xe: {  	[smem:$0x3FB0] =	sst s6  }
0xf: {  	[smem:$0x3FB1] =	sst s7  }
0x10: {  	[smem:$0x3FB2] =	sst s8  }
0x11: {  	[smem:$0x3FB3] =	sst s9;
	s0 =	simm.s32 @!p0 $0x0  }
0x12: {  	s1 =	sld [smem:$0x3F99];
	s0 =	simm.s32 @p0 $0x1  }
0x13: {  	[smem:$0x3FB4] =	sst s0;
	s0 =	simm.s32 @!p1 $0x0  }
0x14: {  	s2 =	sld [smem:$0x3F98];
	s0 =	simm.s32 @p1 $0x1  }
0x15: {  	[smem:$0x3FB5] =	sst s0;
	s0 =	simm.s32 @!p2 $0x0  }
0x16: {  	s3 =	sld [smem:$0x3FDB];
	s0 =	simm.s32 @p2 $0x1  }
0x17: {  	s4 =	simm.s32 $0x1BF5;
	[smem:$0x3FB7] =	sst s0  }
0x18: {  	s0 =	sld [smem:$0x3F9A];
	_ =	swait.ge [sflag:s4], $0x0  }
0x19: {  	s7 =	sld [smem:$0x3F9B]  }
0x1a: {  	s8 =	sadd.s32 $0xFFFFE003, lr  }
0x1b: {  	s9 =	sadd.s32 $0xFFFFFEF7, lr;
	s5 =	simm.s32 $0xFFFFFFFF;
	p2 =	slt.u32 s8, $0xFFFFF086  }
0x1c: {  	p1 =	slt.u32 s9, $0xF7A;
	s5 =	simm.s32 @!p2 $0x0  }
0x1d: {  	s5 =	simm.s32 @p1 $0x1;
	p0 =	seq.s32 s7, s2  }
0x1e: {  	s7 =	smul.u32 @!p0 $0xF7A, s2;
	p2 =	seq.s32 @!p0 s5, $0x0  }
0x1f: {  	s9 =	smul.u32 $0xF7A, s1;
	s8 =	simm.s32 @!p0 $0x1BF5;
	p2 =	por !p2, p0  }
0x20: {  	[sflag:s8] =	ssyncset.s32 @!p0 $0xFFFFF086;
	s6 =	sadd.s32 @!p0 s3, s7;
	s7 =	simm.s32 @!p0 $0x108  }
0x21: {  	s3 =	sadd.s32 s3, s9;
	s6 =	sadd.s32 @!p0 $0x88, s6;
	s7 =	simm.s32 @p2 $0x1082  }
0x22: {  	[simem:s7], [sflag:s8] =	dma.local @!p0 [hbm:s6], $0xF7A  }
0x23: {  	s9 =	sor.u32 $0xD0000000, s2;
	s6 =	simm.s32 $0x108;
	_ =	swait.ge @!p0 [sflag:s8], $0x0  }
0x24: {  	s3 =	sadd.s32 $0x88, s3;
	s6 =	simm.s32 @!p1 $0x1082;
	[sflag:s4] =	ssyncset.s32 $0xFFFFF086  }
0x25: {  	[simem:s6], [sflag:s4] =	dma.local [hbm:s3], $0xF7A  }
0x26: {  	[smem:$0x3F9B] =	sst s1;
	(tag) =	ssettag s2;
	_ =	strace s9  }
0x27: {  	s1 =	sld [smem:$0x3FAB]  }
0x28: {  	s2 =	sld [smem:$0x3FAC]  }
0x29: {  	s4 =	sld [smem:$0x3FAE]  }
0x2a: {  	p0 =	seq.s32 s5, $0x0;
	s5 =	sld [smem:$0x3FAF]  }
0x2b: {  	s6 =	sld [smem:$0x3FB0]  }
0x2c: {  	s7 =	sld [smem:$0x3FB1]  }
0x2d: {  	s3 =	simm.s32 $0x108;
	s8 =	sld [smem:$0x3FB2]  }
0x2e: {  	s3 =	simm.s32 @!p0 $0x1082;
	s9 =	sld [smem:$0x3FB3]  }
0x2f: {  	lr =	sadd.s32 s0, s3;
	s0 =	sld [smem:$0x3FAA]  }
0x30: {  	s3 =	sld [smem:$0x3FAD]  }
0x31: {  	[smem:$0x3FB6] =	sst s10  }
0x32: {  	s10 =	sld [smem:$0x3FB4];
	_ =	sdelay $0x3  }
0x33: {  	p0 =	seq.s32 s10, $0x1;
	s10 =	sld [smem:$0x3FB6];
	_ =	sdelay $0x3  }
0x34: {  	[smem:$0x3FB6] =	sst s10  }
0x35: {  	s10 =	sld [smem:$0x3FB5];
	_ =	sdelay $0x3  }
0x36: {  	p1 =	seq.s32 s10, $0x1;
	s10 =	sld [smem:$0x3FB6];
	_ =	sdelay $0x3  }
0x37: {  	[smem:$0x3FB6] =	sst s10  }
0x38: {  	s10 =	sld [smem:$0x3FB7]  }
0x39: {  	_ = 	snop;
	(pc) =	sbr.ind lr, $3  }
0x3a: {  	_ = 	snop  }
0x3b: {  	_ = 	snop  }
0x3c: {  	p2 =	seq.s32 s10, $0x1;
	s10 =	sld [smem:$0x3FB6]  }
0x3d: {  	_ =	shalt  }
0x3e: {  	_ =	shalt  }
0x3f: {  	_ =	shalt  }
0x40: {  	_ =	shalt  }
0x41: {  	_ =	shalt  }
0x42: {  	_ =	shalt  }
0x43: {  	_ =	shalt  }
0x44: {  	_ =	shalt  }
0x45: {  	_ =	shalt  }
0x46: {  	_ =	shalt  }
0x47: {  	_ =	shalt  }
0x48: {  	_ =	shalt  }
0x49: {  	_ =	shalt  }
0x4a: {  	_ =	shalt  }
0x4b: {  	_ =	shalt  }
0x4c: {  	_ =	shalt  }
0x4d: {  	_ =	shalt  }
0x4e: {  	_ =	shalt  }
0x4f: {  	_ =	shalt  }
0x50: {  	_ =	shalt  }
0x51: {  	_ =	shalt  }
0x52: {  	_ =	shalt  }
0x53: {  	_ =	shalt  }
0x54: {  	_ =	shalt  }
0x55: {  	_ =	shalt  }
0x56: {  	_ =	shalt  }
0x57: {  	_ =	shalt  }
0x58: {  	_ =	shalt  }
0x59: {  	_ =	shalt  }
0x5a: {  	_ =	shalt  }
0x5b: {  	_ =	shalt  }
0x5c: {  	_ =	shalt  }
0x5d: {  	_ =	shalt  }
0x5e: {  	_ =	shalt  }
0x5f: {  	_ =	shalt  }
0x60: {  	_ =	shalt  }
0x61: {  	_ =	shalt  }
0x62: {  	_ =	shalt  }
0x63: {  	_ =	shalt  }
0x64: {  	_ =	shalt  }
0x65: {  	_ =	shalt  }
0x66: {  	_ =	shalt  }
0x67: {  	_ =	shalt  }
0x68: {  	_ =	shalt  }
0x69: {  	_ =	shalt  }
0x6a: {  	_ =	shalt  }
0x6b: {  	_ =	shalt  }
0x6c: {  	_ =	shalt  }
0x6d: {  	_ =	shalt  }
0x6e: {  	_ =	shalt  }
0x6f: {  	_ =	shalt  }
0x70: {  	_ =	shalt  }
0x71: {  	_ =	shalt  }
0x72: {  	_ =	shalt  }
0x73: {  	_ =	shalt  }
0x74: {  	_ =	shalt  }
0x75: {  	_ =	shalt  }
0x76: {  	_ =	shalt  }
0x77: {  	_ =	shalt  }
0x78: {  	_ =	shalt  }
0x79: {  	_ =	shalt  }
0x7a: {  	_ =	shalt  }
0x7b: {  	_ =	shalt  }
0x7c: {  	_ =	shalt  }
0x7d: {  	_ =	shalt  }
0x7e: {  	_ =	shalt  }
0x7f: {  	_ =	shalt  }
0x80: {  	_ =	shalt  }
0x81: {  	_ =	shalt  }
0x82: {  	_ =	shalt  }
0x83: {  	_ =	shalt  }
0x84: {  	_ =	shalt  }
0x85: {  	_ =	shalt  }
0x86: {  	_ =	shalt  }
0x87: {  	_ =	shalt  }
.Lfunc_end0:
.L_simem_size_0:
called_computation.2_lowered:
.L_overlay_start_0:
0x88: {  	s2 =	sld [smem:$0x3FD9]  }
0x89: {  	s3 =	sld [smem:$0x3FFE];
	_ =	sdelay $0x1  }
0x8a: {  	s1 =	srdreg.scid  }
0x8b: {  	s0 =	sand.u32 $0x1, s1  }
0x8c: {  	s17 =	sshll.u32 s0, $0xA;
	s2 =	sadd.s32 s3, s2  }
0x8d: {  	s2 =	sadd.s32 s2, s17  }
0x8e: {  	[smem:$0x3FC2] =	sst s2  }
0x8f: {  	_ = 	snop  }
0x90: {  	s18 =	sld [smem:$0x3FD0];
	(tm) =	ssettm $0x1  }
0x91: {  	s19 =	sld [smem:$0x3FFB];
	_ =	sdelay $0x3  }
0x92: {  	_ =	strace s19  }
0x93: {  	s2 =	sld [smem:$0x3FFC];
	_ =	sdelay $0x3  }
0x94: {  	_ =	strace s2  }
0x95: {  	s2 =	sld [smem:$0x3FFD];
	_ =	sdelay $0x3  }
0x96: {  	_ =	strace s2  }
0x97: {  	_ =	strace $0x8FFFFFFF  }
0x98: {  	s20 =	sld [smem:$0x3FDB];
	_ =	sdelay $0x1  }
0x99: {  	s4 =	simm.s32 $_scs_section_size  }
0x9a: {  	s5 =	simm.s32 $_size__tile_overlayer_lowered;
	s6 =	simm.s32 $_tile_overlayer_lowered  }
0x9b: {  	s7 =	simm.s32 $0x1BFF;
	s21 =	sshll.u32 s6, $0x1;
	s4 =	sadd.s32 s4, s20  }
0x9c: {  	s22 =	simm.s32 $0x0;
	s5 =	sshll.u32 s5, $0x1;
	s6 =	sadd.s32 s21, s4  }
0x9d: {  	[timem:s22], [sflag:s7] =	dma.local [hbm:s6], s5  }
0x9e: {  	_ =	swait.ge [sflag:s7], s5  }
0x9f: {  	s5 =	ssub.s32 $0x0, s5;
	[sflag:s7] =	ssyncset.done $0x0  }
0xa0: {  	[sflag:s7] =	ssyncadd.s32 s5;
	_ =	sdelay $0x1  }
0xa1: {  	s23 =	simm.s32 $0x1B8B  }
0xa2: {  	_ =	swait.ge [sflag:s23], $0x1  }
0xa3: {  	[sflag:s23] =	ssyncset.done $0x0  }
0xa4: {  	[sflag:s23] =	ssyncadd.s32 $0xFFFFFFFF  }
0xa5: {  	s5 =	sld [smem:$0x0]  }
0xa6: {  	s6 =	sand.u32 $0xFFFFFFFE, s1  }
0xa7: {  	p0 =	sne.s32 s1, s6  }
0xa8: {  	s6 =	sshll.u32 @p0 s6, $0xE  }
0xa9: {  	s6 =	sadd.s32 @p0 $0x11B8D, s6;
	s7 =	sshll.u32 @p0 s5, $0x11  }
0xaa: {  	s6 =	sor.u32 @p0 s7, s6  }
0xab: {  	[sflag:s6] =	ssyncadd.remote.s32 @p0 $0x1;
	_ =	sdelay $0x1  }
0xac: {  	s6 =	simm.s32 @p0 $0x1B8D  }
0xad: {  	_ =	swait.eq @p0 [sflag:s6], $0x1  }
0xae: {  	[sflag:s6] =	ssyncadd.s32 @p0 $0xFFFFFFFF  }
0xaf: {  	s7 =	sshll.u32 @!p0 s1, $0xE  }
0xb0: {  	s7 =	sor.u32 @!p0 $0x4000, s7;
	s6 =	simm.s32 @!p0 $0x1B8D  }
0xb1: {  	s5 =	sshll.u32 @!p0 s5, $0x11;
	s7 =	sadd.s32 @!p0 $0x11B8D, s7;
	_ =	swait.eq @!p0 [sflag:s6], $0x1  }
0xb2: {  	s5 =	sor.u32 @!p0 s5, s7;
	[sflag:s6] =	ssyncadd.s32 @!p0 $0xFFFFFFFF  }
0xb3: {  	s25 =	simm.s32 $0x1B8E;
	s24 =	sld [smem:$0x3FFE];
	[sflag:s5] =	ssyncadd.remote.s32 @!p0 $0x1  }
0xb4: {  	s26 =	simm.s32 $execute0_lowered;
	[smem:$0x3FD2] =	sst s25  }
0xb5: {  	s6 =	sshll.u32 s26, $0x1;
	_ =	strace $0x8000004C;
	[dreg:$0x1] =	wrdreg $0xFFFFFFFF  }
0xb6: {  	s28 =	simm.s32 $_size_execute0_lowered;
	s4 =	sadd.s32 s4, s6;
	[dreg:$0x0] =	wrdreg $0x0  }
0xb7: {  	s6 =	sshll.u32 s28, $0x1;
	[dreg:$0x2] =	wrdreg s4  }
0xb8: {  	[dreg:$0x3] =	wrdreg s6  }
0xb9: {  	[dreg:$0x4] =	wrdreg $0xC0  }
0xba: {  	_ =	task [dreg:s22], $0x5FFFF  }
0xbb: {  	[dreg:$0x1] =	wrdreg $0xFFFFFFFF  }
0xbc: {  	[dreg:$0x0] =	wrdreg $0x60  }
0xbd: {  	[dreg:$0x2] =	wrdreg s18  }
0xbe: {  	[dreg:$0x3] =	wrdreg s24  }
0xbf: {  	[dreg:$0x4] =	wrdreg $0x120000  }
0xc0: {  	[dreg:$0x5] =	wrdreg $0x170000  }
0xc1: {  	[dreg:$0x6] =	wrdreg $0xA  }
0xc2: {  	_ =	task.clear_ibuf [dreg:s22], $0x7FFFF;
	_ =	strace $0x9000004C  }
0xc3: {  	s29 =	simm.s32 $0xA;
	_ =	strace $0x8000004E  }
0xc4: {  	_ =	swait.ge [sflag:s29], $0x1  }
0xc5: {  	[sflag:s29] =	ssyncadd.s32 $0xFFFFFFFF  }
0xc6: {  	_ =	strace $0x9000004E  }
0xc7: {  	_ =	sfence  }
0xc8: {  	s30 =	sld [smem:$0x0];
	_ =	sdelay $0x2  }
0xc9: {  	s31 =	sshll.u32 s1, $0xD;
	s1 =	sshrl.u32 s1, $0x2  }
0xca: {  	s4 =	sand.u32 $0x4000, s31;
	s1 =	sadd.s32 s1, s30  }
0xcb: {  	s0 =	sor.u32 s4, s0;
	s1 =	sshll.u32 s1, $0x11  }
0xcc: {  	s0 =	sor.u32 s1, s0  }
0xcd: {  	s0 =	sadd.s32 $0x8F2B, s0  }
0xce: {  	[sflag:s0] =	ssyncadd.remote.s32 $0x1  }
0xcf: {  	_ =	sfence.sel $0xFFFF  }
0xd0: {  	[dreg:$0x0] =	wrdreg $0xFFFFFFFF;
	(pc) =	sbr.abs _section_cstart, $3  }
0xd1: {  	[dreg:$0x1] =	wrdreg $0xFFFFFFFF  }
0xd2: {  	_ =	task.clear_ibuf [dreg:s22], $0x2FFFF;
	_ =	strace $0x9FFFFFFF  }
0xd3: {  	(tm) =	ssettm $0x7FFFFFFF  }
tec
execute0_lowered:
.L_overlay_start_1:
0x0: {  	(tag) =	ssettag $0x1  }
0x1: {  	s0 =	rddreg [dreg:$0x1]  }
0x2: {  	s2 =	rddreg [dreg:$0x2]  }
0x3: {  	s3 =	rddreg [dreg:$0x3];
	s1 =	simm.s32 $0x0  }
0x4: {  	s7 =	stileid.u32;
	s4 =	srdreg.scid;
	s25 =	simm.s32 $0xE000  }
0x5: {  	s26 =	simm.s32 $0x10000;
	s23 =	simm.s32 $0xD000;
	s24 =	simm.s32 $0x1  }
0x6: {  	s28 =	simm.s32 $0x3;
	s29 =	simm.s32 $0x11000;
	s30 =	simm.s32 $0x4  }
0x7: {  	s31 =	simm.s32 $0x9;
	[smem:$0x7FF] =	sst s1;
	s16 =	smul.u32 $0xA00, s7  }
0x8: {  	s5 =	sadd.s32 $0x12C600, s0;
	s4 =	sand.u32 $0x1, s4;
	s17 =	sadd.s32 $0x136400, s0  }
0x9: {  	s18 =	sadd.s32 $0x14A200, s0;
	_ =	strace $0x8000004D;
	[dreg:$0x7] =	wrdreg s5  }
0xa: {  	p1 =	seq.s32 s7, $0x1;
	p3 =	seq.s32 s7, $0x0;
	[dreg:$0x8] =	wrdreg s17  }
0xb: {  	[dreg:$0x9] =	wrdreg s18;
	s19 =	ssub.s32 $0x2, s4;
	p0 =	seq.s32 s4, $0x0  }
0xc: {  	s5 =	simm.s32 @!p1 $0x0;
	p2 =	seq.s32 s4, $0x1;
	s22 =	sor.u32 s4, s7  }
0xd: {  	s17 =	simm.s32 $0x80;
	s18 =	simm.s32 $0xA000;
	[dreg:$0x5] =	wrdreg s25  }
0xe: {  	[dreg:$0x6] =	wrdreg s26;
	s25 =	simm.s32 $0xF000;
	s26 =	simm.s32 $0x2  }
0xf: {  	s1 =	sadd.s32 s16, s0;
	s6 =	sshrl.u32 s19, $0x1;
	s0 =	sadd.s32 $0x140200, s0  }
0x10: {  	s5 =	simm.s32 @p1 $0x1;
	p0 =	por !p1, !p0;
	p1 =	sne.s32 s7, $0x0  }
0x11: {  	p4 =	por !p3, !p2;
	p5 =	sne.s32 s22, $0x0;
	[dreg:$0xa] =	wrdreg s0  }
0x12: {  	s16 =	simm.s32 $0x8;
	s20 =	ssub.s32 s19, s6;
	[smem:$0x7FD] =	sst s5  }
0x13: {  	p0 =	por !p0, !p0;
	s21 =	sadd.s32 $0x4200, s1;
	s1 =	sadd.s32 $0xE200, s1  }
0x14: {  	p4 =	por !p4, !p4;
	s19 =	simm.s32 $0xB000;
	[dreg:$0xb] =	wrdreg s21  }
0x15: {  	[dreg:$0xc] =	wrdreg s1;
	p3 =	por !p0, !p1;
	s0 =	smax.u32 s20, $0x1  }
0x16: {  	s6 =	simm.s32 $0x0;
	[dreg:$0xd] =	wrdreg s0;
	s0 =	sshrl.u32 @!p3 s3, $0x3  }
0x17: {  	s21 =	simm.s32 $0xC000;
	[dreg:$0xe] =	wrdreg s0;
	s0 =	sshrl.u32 @!p1 s2, $0x3  }
0x18: {  	s1 =	simm.s32 $0xB;
	[dreg:$0xf] =	wrdreg s0;
	s0 =	simm.s32 $0x6  }
.LBB2_1:
0x19: {  	[dreg:$0x10] =	wrdreg s6  }
0x1a: {  	s5 =	rddreg [dreg:$0x7]  }
0x1b: {  	s4 =	simm.s32 @!p3 $0x1C51;
	s6 =	rddreg [dreg:$0xe]  }
0x1c: {  	[spmem:s6], [sflag:s4] =	dma.local @!p3 [hbm:s5], $0x9C40  }
0x1d: {  	s4 =	sld [smem:$0x7FD];
	_ =	sdelay $0x2  }
0x1e: {  	p0 =	por @!p3 $0x1, $0x1;
	p6 =	seq.s32 s4, $0x1  }
0x1f: {  	p6 =	por @!p3 p0, p0  }
0x20: {  	p0 =	por @p1 !p6, !p2  }
0x21: {  	s4 =	simm.s32 @!p3 $0x11;
	p0 =	por @p1 !p0, !p0  }
0x22: {  	_ =	swait.ge @!p3 [sflag:s4], $0x9C40;
	p0 =	por !p0, !p1  }
0x23: {  	[sflag:s4] =	ssyncset.done @!p3 $0x0;
	s6 =	rddreg [dreg:$0x8];
	s5 =	sshll.u32 @!p0 s7, $0x6  }
0x24: {  	[sflag:s4] =	ssyncadd.s32 @!p3 $0xFFFF63C0;
	s4 =	sor.u32 @!p0 $0x1C11, s5;
	s5 =	sshrl.u32 @!p0 s3, $0x3  }
0x25: {  	[spmem:s5], [sflag:s4] =	dma.local @!p0 [hbm:s6], $0x9C40  }
0x26: {  	s4 =	simm.s32 @!p0 $0x11  }
0x27: {  	_ =	swait.ge @!p0 [sflag:s4], $0x9C40  }
0x28: {  	[sflag:s4] =	ssyncset.done @!p0 $0x0  }
0x29: {  	s6 =	rddreg [dreg:$0xf];
	[sflag:s4] =	ssyncadd.s32 @!p0 $0xFFFF63C0  }
0x2a: {  	s4 =	simm.s32 @!p1 $0x1C11;
	s5 =	rddreg [dreg:$0x0]  }
0x2b: {  	[spmem:s6], [sflag:s4] =	dma.local @!p1 [hbm:s5], $0xA000  }
0x2c: {  	s4 =	simm.s32 @!p1 $0x11  }
0x2d: {  	_ =	swait.ge @!p1 [sflag:s4], $0xA000  }
0x2e: {  	s13 =	simm.s32 $0x0;
	[sflag:s4] =	ssyncset.done @!p1 $0x0  }
0x2f: {  	s15 =	simm.s32 $0x11;
	s14 =	rddreg [dreg:$0xb];
	[sflag:s4] =	ssyncadd.s32 @!p1 $0xFFFF6000  }
0x30: {  	[tilespmem:s13], [sflag:$0x11] =	stream.linear.gather [hbm4b:s14+s13], $0x5000, $0x38;
	[tilespmem:$0x1BE20] =	vst v63  }
0x31: {  	_ =	swait.ge [sflag:s15], $0x5000  }
0x32: {  	[sflag:s15] =	ssyncset.done $0x0  }
0x33: {  	s22 =	simm.s32 $0x5000;
	s20 =	rddreg [dreg:$0xc];
	[sflag:s15] =	ssyncadd.s32 $0xFFFFB000  }
0x34: {  	[tilespmem:s22], [sflag:$0x11] =	stream.linear.gather [hbm4b:s20+s13], $0x5000, $0x38;
	[tilespmem:$0x1BE20] =	vst v63  }
0x35: {  	_ =	swait.ge [sflag:s15], $0x5000  }
0x36: {  	[sflag:s15] =	ssyncset.done $0x0  }
0x37: {  	[sflag:s15] =	ssyncadd.s32 $0xFFFFB000  }
0x38: {  	[bflag:$0x0] =	sbarrier.arrive $0xFFFF  }
0x39: {  	[tilespmem:s18], [sflag:$0x1] =	stream.indirect.gather [spmem:s3], $0x20, s13, s17, $0xb8;
	[tilespmem:$0x1BE20] =	vst v63  }
0x3a: {  	_ = 	snop  }
0x3b: {  	[tilespmem:s19], [sflag:$0x2] =	stream.indirect.gather [spmem:s3], $0x20, s17, s17, $0xb8;
	[tilespmem:$0x1BE20] =	vst v63  }
0x3c: {  	p0 =	por $0x1, $0x1;
	s5 =	simm.s32 $0x100  }
0x3d: {  	[tilespmem:s21], [sflag:$0x3] =	stream.indirect.gather [spmem:s3], $0x20, s5, s17, $0xb8;
	[tilespmem:$0x1BE20] =	vst v63  }
0x3e: {  	s6 =	simm.s32 $0x180;
	s4 =	simm.s32 @!p0 $0xD  }
0x3f: {  	[tilespmem:s23], [sflag:$0x4] =	stream.indirect.gather [spmem:s3], $0x20, s6, s17, $0xb8;
	[tilespmem:$0x1BE20] =	vst v63  }
0x40: {  	_ =	swait.ge @!p0 [sflag:s4], $0x1000  }
0x41: {  	[sflag:s4] =	ssyncset.done @!p0 $0x0  }
0x42: {  	s8 =	simm.s32 $0x200;
	s7 =	rddreg [dreg:$0x5];
	[sflag:s4] =	ssyncadd.s32 @!p0 $0xFFFFF000  }
0x43: {  	[tilespmem:s7], [sflag:$0x5] =	stream.indirect.gather [spmem:s3], $0x20, s8, s17, $0xb8;
	[tilespmem:$0x1BE20] =	vst v63  }
0x44: {  	_ =	swait.ge [sflag:s24], $0x1000  }
0x45: {  	[sflag:s24] =	ssyncset.done $0x0  }
0x46: {  	s9 =	simm.s32 $0x5000;
	s5 =	simm.s32 @!p0 $0xE;
	[sflag:s24] =	ssyncadd.s32 $0xFFFFF000  }
0x47: {  	[spmem:s2] =	stream.indirect.scatter.add.f32 [tilespmem:s18], [sflag:$0x9], $0x20, s9, s17, $0xb8;
	[tilespmem:$0x1BE20] =	vst v63  }
0x48: {  	_ =	swait.ge @!p0 [sflag:s5], $0x1000  }
0x49: {  	[sflag:s5] =	ssyncset.done @!p0 $0x0  }
0x4a: {  	s10 =	simm.s32 $0x280;
	[sflag:s5] =	ssyncadd.s32 @!p0 $0xFFFFF000  }
0x4b: {  	[tilespmem:s25], [sflag:$0x6] =	stream.indirect.gather [spmem:s3], $0x20, s10, s17, $0xb8;
	[tilespmem:$0x1BE20] =	vst v63  }
0x4c: {  	_ =	swait.ge [sflag:s26], $0x1000  }
0x4d: {  	[sflag:s26] =	ssyncset.done $0x0  }
0x4e: {  	s11 =	simm.s32 $0x5080;
	s5 =	simm.s32 @!p0 $0xF;
	[sflag:s26] =	ssyncadd.s32 $0xFFFFF000  }
0x4f: {  	[spmem:s2] =	stream.indirect.scatter.add.f32 [tilespmem:s19], [sflag:$0xA], $0x20, s11, s17, $0xb8;
	[tilespmem:$0x1BE20] =	vst v63  }
0x50: {  	_ =	swait.ge @!p0 [sflag:s5], $0x1000  }
0x51: {  	[sflag:s5] =	ssyncset.done @!p0 $0x0  }
0x52: {  	s13 =	simm.s32 $0x300;
	s12 =	rddreg [dreg:$0x6];
	[sflag:s5] =	ssyncadd.s32 @!p0 $0xFFFFF000  }
0x53: {  	[tilespmem:s12], [sflag:$0x7] =	stream.indirect.gather [spmem:s3], $0x20, s13, s17, $0xb8;
	[tilespmem:$0x1BE20] =	vst v63  }
0x54: {  	_ =	swait.ge [sflag:s28], $0x1000  }
0x55: {  	[sflag:s28] =	ssyncset.done $0x0  }
0x56: {  	s14 =	simm.s32 $0x5100;
	s5 =	simm.s32 @!p0 $0x10;
	[sflag:s28] =	ssyncadd.s32 $0xFFFFF000  }
0x57: {  	[spmem:s2] =	stream.indirect.scatter.add.f32 [tilespmem:s21], [sflag:$0xB], $0x20, s14, s17, $0xb8;
	[tilespmem:$0x1BE20] =	vst v63  }
0x58: {  	_ =	swait.ge @!p0 [sflag:s5], $0x1000  }
0x59: {  	[sflag:s5] =	ssyncset.done @!p0 $0x0  }
0x5a: {  	s15 =	simm.s32 $0x380;
	[sflag:s5] =	ssyncadd.s32 @!p0 $0xFFFFF000  }
0x5b: {  	[tilespmem:s29], [sflag:$0x8] =	stream.indirect.gather [spmem:s3], $0x20, s15, s17, $0xb8;
	[tilespmem:$0x1BE20] =	vst v63  }
0x5c: {  	_ =	swait.ge [sflag:s30], $0x1000  }
0x5d: {  	[sflag:s30] =	ssyncset.done $0x0  }
0x5e: {  	s20 =	simm.s32 $0x5180;
	[sflag:s30] =	ssyncadd.s32 $0xFFFFF000  }
0x5f: {  	[spmem:s2] =	stream.indirect.scatter.add.f32 [tilespmem:s23], [sflag:$0xC], $0x20, s20, s17, $0xb8;
	[tilespmem:$0x1BE20] =	vst v63  }
0x60: {  	_ =	swait.ge [sflag:s31], $0x1000  }
0x61: {  	p0 =	por $0x0, $0x0;
	[sflag:s31] =	ssyncset.done $0x0  }
0x62: {  	s4 =	simm.s32 @p0 $0x5;
	[sflag:s31] =	ssyncadd.s32 $0xFFFFF000  }
0x63: {  	_ =	swait.ge @p0 [sflag:s4], $0x1000  }
0x64: {  	s5 =	simm.s32 @p0 $0x5200;
	s9 =	simm.s32 @p0 $0xA;
	[sflag:s4] =	ssyncset.done @p0 $0x0  }
0x65: {  	s10 =	simm.s32 @p0 $0xE000;
	[sflag:s4] =	ssyncadd.s32 @p0 $0xFFFFF000;
	s4 =	simm.s32 @p0 $0x80  }
0x66: {  	[spmem:s2] =	stream.indirect.scatter.add.f32 @p0 [tilespmem:s10], [sflag:$0xD], $0x20, s5, s4, $0xb8;
	[tilespmem:$0x1BE20] =	vst v63  }
0x67: {  	_ =	swait.ge @p0 [sflag:s9], $0x1000  }
0x68: {  	s5 =	simm.s32 @!p0 $0x400;
	[sflag:s9] =	ssyncset.done @p0 $0x0  }
0x69: {  	s10 =	simm.s32 @!p0 $0xA000;
	[sflag:s9] =	ssyncadd.s32 @p0 $0xFFFFF000;
	s9 =	simm.s32 @!p0 $0x80  }
0x6a: {  	[tilespmem:s10], [sflag:$0x1] =	stream.indirect.gather @!p0 [spmem:s3], $0x20, s5, s9, $0xb8;
	[tilespmem:$0x1BE20] =	vst v63  }
0x6b: {  	s5 =	simm.s32 @!p0 $0x5  }
0x6c: {  	_ =	swait.ge @!p0 [sflag:s5], $0x1000  }
0x6d: {  	[sflag:s5] =	ssyncset.done @!p0 $0x0  }
0x6e: {  	s10 =	simm.s32 @!p0 $0x5200;
	[sflag:s5] =	ssyncadd.s32 @!p0 $0xFFFFF000;
	s5 =	simm.s32 @!p0 $0xE000  }
0x6f: {  	[spmem:s2] =	stream.indirect.scatter.add.f32 @!p0 [tilespmem:s5], [sflag:$0xD], $0x20, s10, s9, $0xb8;
	[tilespmem:$0x1BE20] =	vst v63  }
0x70: {  	s5 =	simm.s32 @!p0 $0xA  }
0x71: {  	_ =	swait.ge @!p0 [sflag:s5], $0x1000  }
0x72: {  	[sflag:s5] =	ssyncset.done @!p0 $0x0  }
0x73: {  	s10 =	simm.s32 @!p0 $0x480;
	[sflag:s5] =	ssyncadd.s32 @!p0 $0xFFFFF000;
	s5 =	simm.s32 @!p0 $0xB000  }
0x74: {  	[tilespmem:s5], [sflag:$0x2] =	stream.indirect.gather @!p0 [spmem:s3], $0x20, s10, s9, $0xb8;
	[tilespmem:$0x1BE20] =	vst v63  }
0x75: {  	_ =	swait.ge [sflag:s0], $0x1000  }
0x76: {  	[sflag:s0] =	ssyncset.done $0x0  }
0x77: {  	s22 =	simm.s32 $0x5280;
	[sflag:s0] =	ssyncadd.s32 $0xFFFFF000  }
0x78: {  	[spmem:s2] =	stream.indirect.scatter.add.f32 [tilespmem:s25], [sflag:$0xE], $0x20, s22, s17, $0xb8;
	[tilespmem:$0x1BE20] =	vst v63  }
0x79: {  	_ =	swait.ge [sflag:s1], $0x1000  }
0x7a: {  	[sflag:s1] =	ssyncset.done $0x0  }
0x7b: {  	s5 =	simm.s32 @p0 $0x7;
	[sflag:s1] =	ssyncadd.s32 $0xFFFFF000  }
0x7c: {  	_ =	swait.ge @p0 [sflag:s5], $0x1000  }
0x7d: {  	[sflag:s5] =	ssyncset.done @p0 $0x0  }
0x7e: {  	s10 =	simm.s32 @p0 $0x5300;
	[sflag:s5] =	ssyncadd.s32 @p0 $0xFFFFF000;
	s5 =	simm.s32 @p0 $0x10000  }
0x7f: {  	[spmem:s2] =	stream.indirect.scatter.add.f32 @p0 [tilespmem:s5], [sflag:$0xF], $0x20, s10, s4, $0xb8;
	[tilespmem:$0x1BE20] =	vst v63  }
0x80: {  	s4 =	simm.s32 @p0 $0xC  }
0x81: {  	_ =	swait.ge @p0 [sflag:s4], $0x1000  }
0x82: {  	[sflag:s4] =	ssyncset.done @p0 $0x0  }
0x83: {  	s5 =	simm.s32 @!p0 $0x500;
	[sflag:s4] =	ssyncadd.s32 @p0 $0xFFFFF000;
	s4 =	simm.s32 @!p0 $0xC000  }
0x84: {  	[tilespmem:s4], [sflag:$0x3] =	stream.indirect.gather @!p0 [spmem:s3], $0x20, s5, s9, $0xb8;
	[tilespmem:$0x1BE20] =	vst v63  }
0x85: {  	s4 =	simm.s32 @!p0 $0x7  }
0x86: {  	_ =	swait.ge @!p0 [sflag:s4], $0x1000  }
0x87: {  	[sflag:s4] =	ssyncset.done @!p0 $0x0  }
0x88: {  	s5 =	simm.s32 @!p0 $0x5300;
	[sflag:s4] =	ssyncadd.s32 @!p0 $0xFFFFF000;
	s4 =	simm.s32 @!p0 $0x10000  }
0x89: {  	[spmem:s2] =	stream.indirect.scatter.add.f32 @!p0 [tilespmem:s4], [sflag:$0xF], $0x20, s5, s9, $0xb8;
	[tilespmem:$0x1BE20] =	vst v63  }
0x8a: {  	s4 =	simm.s32 @!p0 $0xC  }
0x8b: {  	_ =	swait.ge @!p0 [sflag:s4], $0x1000  }
0x8c: {  	[sflag:s4] =	ssyncset.done @!p0 $0x0  }
0x8d: {  	s5 =	simm.s32 @!p0 $0x580;
	[sflag:s4] =	ssyncadd.s32 @!p0 $0xFFFFF000;
	s4 =	simm.s32 @!p0 $0xD000  }
0x8e: {  	[tilespmem:s4], [sflag:$0x4] =	stream.indirect.gather @!p0 [spmem:s3], $0x20, s5, s9, $0xb8;
	[tilespmem:$0x1BE20] =	vst v63  }
0x8f: {  	s10 =	simm.s32 $0x2000;
	s9 =	simm.s32 $0x1000;
	_ =	swait.ge [sflag:s16], $0x1000  }
0x90: {  	p0 =	por $0x0, $0x0;
	s4 =	simm.s32 $0x5380;
	[sflag:s16] =	ssyncset.done $0x0  }
.LBB2_2:
0x91: {  	s5 =	simm.s32 @!p0 $0xD;
	[sflag:s16] =	ssyncadd.s32 $0xFFFFF000  }
0x92: {  	[spmem:s2] =	stream.indirect.scatter.add.f32 [tilespmem:s29], [sflag:$0x10], $0x20, s4, s17, $0xb8;
	[tilespmem:$0x1BE20] =	vst v63  }
0x93: {  	_ =	swait.ge @!p0 [sflag:s5], $0x1000  }
0x94: {  	s11 =	sshra.s32 s9, $0x2;
	[sflag:s5] =	ssyncset.done @!p0 $0x0  }
0x95: {  	s20 =	sadd.s32 $0x200, s11;
	s15 =	rddreg [dreg:$0x5];
	[sflag:s5] =	ssyncadd.s32 @!p0 $0xFFFFF000  }
0x96: {  	[tilespmem:s15], [sflag:$0x5] =	stream.indirect.gather [spmem:s3], $0x20, s20, s17, $0xb8;
	[tilespmem:$0x1BE20] =	vst v63  }
0x97: {  	_ =	swait.ge [sflag:s24], $0x1000  }
0x98: {  	[sflag:s24] =	ssyncset.done $0x0  }
0x99: {  	s22 =	sadd.s32 $0x5000, s11;
	s5 =	simm.s32 @!p0 $0xE;
	[sflag:s24] =	ssyncadd.s32 $0xFFFFF000  }
0x9a: {  	[spmem:s2] =	stream.indirect.scatter.add.f32 [tilespmem:s18], [sflag:$0x9], $0x20, s22, s17, $0xb8;
	[tilespmem:$0x1BE20] =	vst v63  }
0x9b: {  	_ =	swait.ge @!p0 [sflag:s5], $0x1000  }
0x9c: {  	[sflag:s5] =	ssyncset.done @!p0 $0x0  }
0x9d: {  	s6 =	sadd.s32 $0x280, s11;
	[sflag:s5] =	ssyncadd.s32 @!p0 $0xFFFFF000  }
0x9e: {  	[tilespmem:s25], [sflag:$0x6] =	stream.indirect.gather [spmem:s3], $0x20, s6, s17, $0xb8;
	[tilespmem:$0x1BE20] =	vst v63  }
0x9f: {  	_ =	swait.ge [sflag:s26], $0x1000  }
0xa0: {  	[sflag:s26] =	ssyncset.done $0x0  }
0xa1: {  	s7 =	sadd.s32 $0x5080, s11;
	s5 =	simm.s32 @!p0 $0xF;
	[sflag:s26] =	ssyncadd.s32 $0xFFFFF000  }
0xa2: {  	[spmem:s2] =	stream.indirect.scatter.add.f32 [tilespmem:s19], [sflag:$0xA], $0x20, s7, s17, $0xb8;
	[tilespmem:$0x1BE20] =	vst v63  }
0xa3: {  	_ =	swait.ge @!p0 [sflag:s5], $0x1000  }
0xa4: {  	[sflag:s5] =	ssyncset.done @!p0 $0x0  }
0xa5: {  	s13 =	sadd.s32 $0x300, s11;
	s8 =	rddreg [dreg:$0x6];
	[sflag:s5] =	ssyncadd.s32 @!p0 $0xFFFFF000  }
0xa6: {  	[tilespmem:s8], [sflag:$0x7] =	stream.indirect.gather [spmem:s3], $0x20, s13, s17, $0xb8;
	[tilespmem:$0x1BE20] =	vst v63  }
0xa7: {  	_ =	swait.ge [sflag:s28], $0x1000  }
0xa8: {  	[sflag:s28] =	ssyncset.done $0x0  }
0xa9: {  	s14 =	sadd.s32 $0x5100, s11;
	s5 =	simm.s32 @!p0 $0x10;
	[sflag:s28] =	ssyncadd.s32 $0xFFFFF000  }
0xaa: {  	[spmem:s2] =	stream.indirect.scatter.add.f32 [tilespmem:s21], [sflag:$0xB], $0x20, s14, s17, $0xb8;
	[tilespmem:$0x1BE20] =	vst v63  }
0xab: {  	_ =	swait.ge @!p0 [sflag:s5], $0x1000  }
0xac: {  	[sflag:s5] =	ssyncset.done @!p0 $0x0  }
0xad: {  	s15 =	sadd.s32 $0x380, s11;
	[sflag:s5] =	ssyncadd.s32 @!p0 $0xFFFFF000  }
0xae: {  	[tilespmem:s29], [sflag:$0x8] =	stream.indirect.gather [spmem:s3], $0x20, s15, s17, $0xb8;
	[tilespmem:$0x1BE20] =	vst v63  }
0xaf: {  	_ =	swait.ge [sflag:s30], $0x1000  }
0xb0: {  	[sflag:s30] =	ssyncset.done $0x0  }
0xb1: {  	s20 =	sadd.s32 $0x5180, s11;
	[sflag:s30] =	ssyncadd.s32 $0xFFFFF000  }
0xb2: {  	[spmem:s2] =	stream.indirect.scatter.add.f32 [tilespmem:s23], [sflag:$0xC], $0x20, s20, s17, $0xb8;
	[tilespmem:$0x1BE20] =	vst v63  }
0xb3: {  	_ =	swait.ge [sflag:s31], $0x1000  }
0xb4: {  	s12 =	smov.u32 s10;
	p0 =	seq.s32 s9, $0x13000;
	[sflag:s31] =	ssyncset.done $0x0  }
0xb5: {  	s4 =	simm.s32 @p0 $0x5;
	s13 =	sshra.s32 @p0 s9, $0x2;
	[sflag:s31] =	ssyncadd.s32 $0xFFFFF000  }
0xb6: {  	s9 =	sshra.s32 @!p0 s9, $0x2;
	s5 =	simm.s32 @p0 $0x80;
	_ =	swait.ge @p0 [sflag:s4], $0x1000  }
0xb7: {  	s15 =	simm.s32 @!p0 $0x5;
	s14 =	sadd.s32 @p0 $0x5200, s13;
	[sflag:s4] =	ssyncset.done @p0 $0x0  }
0xb8: {  	s20 =	simm.s32 @p0 $0xA;
	[sflag:s4] =	ssyncadd.s32 @p0 $0xFFFFF000;
	s4 =	simm.s32 @p0 $0xE000  }
0xb9: {  	[spmem:s2] =	stream.indirect.scatter.add.f32 @p0 [tilespmem:s4], [sflag:$0xD], $0x20, s14, s5, $0xb8;
	[tilespmem:$0x1BE20] =	vst v63  }
0xba: {  	s22 =	sadd.s32 @!p0 $0x400, s9;
	s6 =	sadd.s32 @!p0 $0x5200, s9;
	_ =	swait.ge @p0 [sflag:s20], $0x1000  }
0xbb: {  	s7 =	sadd.s32 @!p0 $0x480, s9;
	s8 =	sadd.s32 @p0 $0x5300, s13;
	[sflag:s20] =	ssyncset.done @p0 $0x0  }
0xbc: {  	s13 =	simm.s32 @!p0 $0x80;
	s4 =	simm.s32 @!p0 $0xA000;
	[sflag:s20] =	ssyncadd.s32 @p0 $0xFFFFF000  }
0xbd: {  	[tilespmem:s4], [sflag:$0x1] =	stream.indirect.gather @!p0 [spmem:s3], $0x20, s22, s13, $0xb8;
	[tilespmem:$0x1BE20] =	vst v63  }
0xbe: {  	s14 =	sadd.s32 @!p0 $0x580, s9;
	s20 =	sadd.s32 @!p0 $0x500, s9;
	_ =	swait.ge @!p0 [sflag:s15], $0x1000  }
0xbf: {  	s4 =	sadd.s32 @!p0 $0x5300, s9;
	s9 =	smov.u32 s12;
	[sflag:s15] =	ssyncset.done @!p0 $0x0  }
0xc0: {  	s12 =	simm.s32 @!p0 $0xE000;
	[sflag:s15] =	ssyncadd.s32 @!p0 $0xFFFFF000;
	s15 =	simm.s32 @!p0 $0xA  }
0xc1: {  	[spmem:s2] =	stream.indirect.scatter.add.f32 @!p0 [tilespmem:s12], [sflag:$0xD], $0x20, s6, s13, $0xb8;
	[tilespmem:$0x1BE20] =	vst v63  }
0xc2: {  	_ =	swait.ge @!p0 [sflag:s15], $0x1000  }
0xc3: {  	[sflag:s15] =	ssyncset.done @!p0 $0x0  }
0xc4: {  	s6 =	simm.s32 @!p0 $0xB000;
	[sflag:s15] =	ssyncadd.s32 @!p0 $0xFFFFF000  }
0xc5: {  	[tilespmem:s6], [sflag:$0x2] =	stream.indirect.gather @!p0 [spmem:s3], $0x20, s7, s13, $0xb8;
	[tilespmem:$0x1BE20] =	vst v63  }
0xc6: {  	_ =	swait.ge [sflag:s0], $0x1000  }
0xc7: {  	[sflag:s0] =	ssyncset.done $0x0  }
0xc8: {  	s22 =	sadd.s32 $0x5280, s11;
	[sflag:s0] =	ssyncadd.s32 $0xFFFFF000  }
0xc9: {  	[spmem:s2] =	stream.indirect.scatter.add.f32 [tilespmem:s25], [sflag:$0xE], $0x20, s22, s17, $0xb8;
	[tilespmem:$0x1BE20] =	vst v63  }
0xca: {  	_ =	swait.ge [sflag:s1], $0x1000  }
0xcb: {  	[sflag:s1] =	ssyncset.done $0x0  }
0xcc: {  	s6 =	simm.s32 @p0 $0x7;
	[sflag:s1] =	ssyncadd.s32 $0xFFFFF000  }
0xcd: {  	_ =	swait.ge @p0 [sflag:s6], $0x1000  }
0xce: {  	[sflag:s6] =	ssyncset.done @p0 $0x0  }
0xcf: {  	s7 =	simm.s32 @p0 $0xC;
	[sflag:s6] =	ssyncadd.s32 @p0 $0xFFFFF000;
	s6 =	simm.s32 @p0 $0x10000  }
0xd0: {  	[spmem:s2] =	stream.indirect.scatter.add.f32 @p0 [tilespmem:s6], [sflag:$0xF], $0x20, s8, s5, $0xb8;
	[tilespmem:$0x1BE20] =	vst v63  }
0xd1: {  	_ =	swait.ge @p0 [sflag:s7], $0x1000  }
0xd2: {  	[sflag:s7] =	ssyncset.done @p0 $0x0  }
0xd3: {  	s5 =	simm.s32 @!p0 $0xC000;
	s6 =	simm.s32 @!p0 $0x7;
	[sflag:s7] =	ssyncadd.s32 @p0 $0xFFFFF000  }
0xd4: {  	[tilespmem:s5], [sflag:$0x3] =	stream.indirect.gather @!p0 [spmem:s3], $0x20, s20, s13, $0xb8;
	[tilespmem:$0x1BE20] =	vst v63  }
0xd5: {  	_ =	swait.ge @!p0 [sflag:s6], $0x1000  }
0xd6: {  	s10 =	sadd.s32 $0x1000, s10;
	[sflag:s6] =	ssyncset.done @!p0 $0x0  }
0xd7: {  	s5 =	simm.s32 @!p0 $0x10000;
	[sflag:s6] =	ssyncadd.s32 @!p0 $0xFFFFF000;
	s6 =	simm.s32 @!p0 $0xC  }
0xd8: {  	[spmem:s2] =	stream.indirect.scatter.add.f32 @!p0 [tilespmem:s5], [sflag:$0xF], $0x20, s4, s13, $0xb8;
	[tilespmem:$0x1BE20] =	vst v63  }
0xd9: {  	p6 =	sne.s32 s10, $0x14000;
	_ =	swait.ge @!p0 [sflag:s6], $0x1000  }
.Ltmp0:
0xda: {  	[sflag:s6] =	ssyncset.done @!p0 $0x0;
	(pc) =	sbr.rel @p6 .LBB2_2-.Ltmp0, $4  }
0xdb: {  	s4 =	simm.s32 @!p0 $0xD000;
	[sflag:s6] =	ssyncadd.s32 @!p0 $0xFFFFF000  }
0xdc: {  	[tilespmem:s4], [sflag:$0x4] =	stream.indirect.gather @!p0 [spmem:s3], $0x20, s14, s13, $0xb8;
	[tilespmem:$0x1BE20] =	vst v63  }
0xdd: {  	_ =	swait.ge [sflag:s16], $0x1000  }
0xde: {  	p0 =	seq.s32 s9, $0x0;
	s4 =	sadd.s32 $0x5380, s11;
	[sflag:s16] =	ssyncset.done $0x0  }
0xdf: {  	s5 =	simm.s32 @!p0 $0xD;
	[sflag:s16] =	ssyncadd.s32 $0xFFFFF000  }
0xe0: {  	[spmem:s2] =	stream.indirect.scatter.add.f32 [tilespmem:s29], [sflag:$0x10], $0x20, s4, s17, $0xb8;
	[tilespmem:$0x1BE20] =	vst v63  }
0xe1: {  	_ =	swait.ge @!p0 [sflag:s5], $0x1000  }
0xe2: {  	s10 =	sshra.s32 s9, $0x2;
	[sflag:s5] =	ssyncset.done @!p0 $0x0  }
0xe3: {  	s12 =	sadd.s32 $0x200, s10;
	s11 =	rddreg [dreg:$0x5];
	[sflag:s5] =	ssyncadd.s32 @!p0 $0xFFFFF000  }
0xe4: {  	[tilespmem:s11], [sflag:$0x5] =	stream.indirect.gather [spmem:s3], $0x20, s12, s17, $0xb8;
	[tilespmem:$0x1BE20] =	vst v63  }
0xe5: {  	_ =	swait.ge [sflag:s24], $0x1000  }
0xe6: {  	[sflag:s24] =	ssyncset.done $0x0  }
0xe7: {  	s13 =	sadd.s32 $0x5000, s10;
	s5 =	simm.s32 @!p0 $0xE;
	[sflag:s24] =	ssyncadd.s32 $0xFFFFF000  }
0xe8: {  	[spmem:s2] =	stream.indirect.scatter.add.f32 [tilespmem:s18], [sflag:$0x9], $0x20, s13, s17, $0xb8;
	[tilespmem:$0x1BE20] =	vst v63  }
0xe9: {  	_ =	swait.ge @!p0 [sflag:s5], $0x1000  }
0xea: {  	[sflag:s5] =	ssyncset.done @!p0 $0x0  }
0xeb: {  	s14 =	sadd.s32 $0x280, s10;
	[sflag:s5] =	ssyncadd.s32 @!p0 $0xFFFFF000  }
0xec: {  	[tilespmem:s25], [sflag:$0x6] =	stream.indirect.gather [spmem:s3], $0x20, s14, s17, $0xb8;
	[tilespmem:$0x1BE20] =	vst v63  }
0xed: {  	_ =	swait.ge [sflag:s26], $0x1000  }
0xee: {  	[sflag:s26] =	ssyncset.done $0x0  }
0xef: {  	s15 =	sadd.s32 $0x5080, s10;
	s5 =	simm.s32 @!p0 $0xF;
	[sflag:s26] =	ssyncadd.s32 $0xFFFFF000  }
0xf0: {  	[spmem:s2] =	stream.indirect.scatter.add.f32 [tilespmem:s19], [sflag:$0xA], $0x20, s15, s17, $0xb8;
	[tilespmem:$0x1BE20] =	vst v63  }
0xf1: {  	_ =	swait.ge @!p0 [sflag:s5], $0x1000  }
0xf2: {  	[sflag:s5] =	ssyncset.done @!p0 $0x0  }
0xf3: {  	s22 =	sadd.s32 $0x300, s10;
	s20 =	rddreg [dreg:$0x6];
	[sflag:s5] =	ssyncadd.s32 @!p0 $0xFFFFF000  }
0xf4: {  	[tilespmem:s20], [sflag:$0x7] =	stream.indirect.gather [spmem:s3], $0x20, s22, s17, $0xb8;
	[tilespmem:$0x1BE20] =	vst v63  }
0xf5: {  	_ =	swait.ge [sflag:s28], $0x1000  }
0xf6: {  	[sflag:s28] =	ssyncset.done $0x0  }
0xf7: {  	s6 =	sadd.s32 $0x5100, s10;
	s5 =	simm.s32 @!p0 $0x10;
	[sflag:s28] =	ssyncadd.s32 $0xFFFFF000  }
0xf8: {  	[spmem:s2] =	stream.indirect.scatter.add.f32 [tilespmem:s21], [sflag:$0xB], $0x20, s6, s17, $0xb8;
	[tilespmem:$0x1BE20] =	vst v63  }
0xf9: {  	_ =	swait.ge @!p0 [sflag:s5], $0x1000  }
0xfa: {  	[sflag:s5] =	ssyncset.done @!p0 $0x0  }
0xfb: {  	s7 =	sadd.s32 $0x380, s10;
	[sflag:s5] =	ssyncadd.s32 @!p0 $0xFFFFF000  }
0xfc: {  	[tilespmem:s29], [sflag:$0x8] =	stream.indirect.gather [spmem:s3], $0x20, s7, s17, $0xb8;
	[tilespmem:$0x1BE20] =	vst v63  }
0xfd: {  	_ =	swait.ge [sflag:s30], $0x1000  }
0xfe: {  	[sflag:s30] =	ssyncset.done $0x0  }
0xff: {  	s8 =	sadd.s32 $0x5180, s10;
	[sflag:s30] =	ssyncadd.s32 $0xFFFFF000  }
0x100: {  	[spmem:s2] =	stream.indirect.scatter.add.f32 [tilespmem:s23], [sflag:$0xC], $0x20, s8, s17, $0xb8;
	[tilespmem:$0x1BE20] =	vst v63  }
0x101: {  	_ =	swait.ge [sflag:s31], $0x1000  }
0x102: {  	p0 =	seq.s32 s9, $0x13000;
	[sflag:s31] =	ssyncset.done $0x0  }
0x103: {  	s4 =	simm.s32 @p0 $0x5;
	[sflag:s31] =	ssyncadd.s32 $0xFFFFF000  }
0x104: {  	s5 =	sshra.s32 @p0 s9, $0x2;
	_ =	swait.ge @p0 [sflag:s4], $0x1000  }
0x105: {  	s7 =	simm.s32 @p0 $0xA;
	s6 =	sadd.s32 @p0 $0x5200, s5;
	[sflag:s4] =	ssyncset.done @p0 $0x0  }
0x106: {  	s8 =	simm.s32 @p0 $0xE000;
	[sflag:s4] =	ssyncadd.s32 @p0 $0xFFFFF000;
	s4 =	simm.s32 @p0 $0x80  }
0x107: {  	[spmem:s2] =	stream.indirect.scatter.add.f32 @p0 [tilespmem:s8], [sflag:$0xD], $0x20, s6, s4, $0xb8;
	[tilespmem:$0x1BE20] =	vst v63  }
0x108: {  	_ =	swait.ge @p0 [sflag:s7], $0x1000  }
0x109: {  	s6 =	sshra.s32 @!p0 s9, $0x2;
	s9 =	simm.s32 @!p0 $0xA000;
	[sflag:s7] =	ssyncset.done @p0 $0x0  }
0x10a: {  	s8 =	sadd.s32 @!p0 $0x400, s6;
	[sflag:s7] =	ssyncadd.s32 @p0 $0xFFFFF000;
	s7 =	simm.s32 @!p0 $0x80  }
0x10b: {  	[tilespmem:s9], [sflag:$0x1] =	stream.indirect.gather @!p0 [spmem:s3], $0x20, s8, s7, $0xb8;
	[tilespmem:$0x1BE20] =	vst v63  }
0x10c: {  	s8 =	simm.s32 @!p0 $0x5  }
0x10d: {  	_ =	swait.ge @!p0 [sflag:s8], $0x1000  }
0x10e: {  	[sflag:s8] =	ssyncset.done @!p0 $0x0  }
0x10f: {  	s9 =	sadd.s32 @!p0 $0x5200, s6;
	[sflag:s8] =	ssyncadd.s32 @!p0 $0xFFFFF000;
	s8 =	simm.s32 @!p0 $0xE000  }
0x110: {  	[spmem:s2] =	stream.indirect.scatter.add.f32 @!p0 [tilespmem:s8], [sflag:$0xD], $0x20, s9, s7, $0xb8;
	[tilespmem:$0x1BE20] =	vst v63  }
0x111: {  	s8 =	simm.s32 @!p0 $0xA  }
0x112: {  	_ =	swait.ge @!p0 [sflag:s8], $0x1000  }
0x113: {  	[sflag:s8] =	ssyncset.done @!p0 $0x0  }
0x114: {  	s9 =	sadd.s32 @!p0 $0x480, s6;
	[sflag:s8] =	ssyncadd.s32 @!p0 $0xFFFFF000;
	s8 =	simm.s32 @!p0 $0xB000  }
0x115: {  	[tilespmem:s8], [sflag:$0x2] =	stream.indirect.gather @!p0 [spmem:s3], $0x20, s9, s7, $0xb8;
	[tilespmem:$0x1BE20] =	vst v63  }
0x116: {  	_ =	swait.ge [sflag:s0], $0x1000  }
0x117: {  	[sflag:s0] =	ssyncset.done $0x0  }
0x118: {  	s9 =	sadd.s32 $0x5280, s10;
	[sflag:s0] =	ssyncadd.s32 $0xFFFFF000  }
0x119: {  	[spmem:s2] =	stream.indirect.scatter.add.f32 [tilespmem:s25], [sflag:$0xE], $0x20, s9, s17, $0xb8;
	[tilespmem:$0x1BE20] =	vst v63  }
0x11a: {  	_ =	swait.ge [sflag:s1], $0x1000  }
0x11b: {  	[sflag:s1] =	ssyncset.done $0x0  }
0x11c: {  	s8 =	simm.s32 @p0 $0x7;
	[sflag:s1] =	ssyncadd.s32 $0xFFFFF000  }
0x11d: {  	_ =	swait.ge @p0 [sflag:s8], $0x1000  }
0x11e: {  	[sflag:s8] =	ssyncset.done @p0 $0x0  }
0x11f: {  	s5 =	sadd.s32 @p0 $0x5300, s5;
	[sflag:s8] =	ssyncadd.s32 @p0 $0xFFFFF000;
	s8 =	simm.s32 @p0 $0x10000  }
0x120: {  	[spmem:s2] =	stream.indirect.scatter.add.f32 @p0 [tilespmem:s8], [sflag:$0xF], $0x20, s5, s4, $0xb8;
	[tilespmem:$0x1BE20] =	vst v63  }
0x121: {  	s4 =	simm.s32 @p0 $0xC  }
0x122: {  	_ =	swait.ge @p0 [sflag:s4], $0x1000  }
0x123: {  	[sflag:s4] =	ssyncset.done @p0 $0x0  }
0x124: {  	s5 =	sadd.s32 @!p0 $0x500, s6;
	[sflag:s4] =	ssyncadd.s32 @p0 $0xFFFFF000;
	s4 =	simm.s32 @!p0 $0xC000  }
0x125: {  	[tilespmem:s4], [sflag:$0x3] =	stream.indirect.gather @!p0 [spmem:s3], $0x20, s5, s7, $0xb8;
	[tilespmem:$0x1BE20] =	vst v63  }
0x126: {  	s4 =	simm.s32 @!p0 $0x7  }
0x127: {  	_ =	swait.ge @!p0 [sflag:s4], $0x1000  }
0x128: {  	[sflag:s4] =	ssyncset.done @!p0 $0x0  }
0x129: {  	s5 =	sadd.s32 @!p0 $0x5300, s6;
	[sflag:s4] =	ssyncadd.s32 @!p0 $0xFFFFF000;
	s4 =	simm.s32 @!p0 $0x10000  }
0x12a: {  	[spmem:s2] =	stream.indirect.scatter.add.f32 @!p0 [tilespmem:s4], [sflag:$0xF], $0x20, s5, s7, $0xb8;
	[tilespmem:$0x1BE20] =	vst v63  }
0x12b: {  	s4 =	simm.s32 @!p0 $0xC  }
0x12c: {  	_ =	swait.ge @!p0 [sflag:s4], $0x1000  }
0x12d: {  	[sflag:s4] =	ssyncset.done @!p0 $0x0  }
0x12e: {  	s5 =	sadd.s32 @!p0 $0x580, s6;
	[sflag:s4] =	ssyncadd.s32 @!p0 $0xFFFFF000;
	s4 =	simm.s32 @!p0 $0xD000  }
0x12f: {  	[tilespmem:s4], [sflag:$0x4] =	stream.indirect.gather @!p0 [spmem:s3], $0x20, s5, s7, $0xb8;
	[tilespmem:$0x1BE20] =	vst v63  }
0x130: {  	_ =	swait.ge [sflag:s16], $0x1000  }
0x131: {  	[sflag:s16] =	ssyncset.done $0x0  }
0x132: {  	s11 =	sadd.s32 $0x5380, s10;
	s12 =	simm.s32 $0xD;
	[sflag:s16] =	ssyncadd.s32 $0xFFFFF000  }
0x133: {  	[spmem:s2] =	stream.indirect.scatter.add.f32 [tilespmem:s29], [sflag:$0x10], $0x20, s11, s17, $0xb8;
	[tilespmem:$0x1BE20] =	vst v63  }
0x134: {  	_ =	swait.ge [sflag:s12], $0x1000  }
0x135: {  	[sflag:s12] =	ssyncset.done $0x0  }
0x136: {  	s13 =	simm.s32 $0xE;
	[sflag:s12] =	ssyncadd.s32 $0xFFFFF000  }
0x137: {  	_ =	swait.ge [sflag:s13], $0x1000  }
0x138: {  	[sflag:s13] =	ssyncset.done $0x0  }
0x139: {  	s14 =	simm.s32 $0xF;
	[sflag:s13] =	ssyncadd.s32 $0xFFFFF000  }
0x13a: {  	_ =	swait.ge [sflag:s14], $0x1000  }
0x13b: {  	[sflag:s14] =	ssyncset.done $0x0  }
0x13c: {  	s15 =	simm.s32 $0x10;
	[sflag:s14] =	ssyncadd.s32 $0xFFFFF000  }
0x13d: {  	_ =	swait.ge [sflag:s15], $0x1000  }
0x13e: {  	[sflag:s15] =	ssyncset.done $0x0  }
0x13f: {  	s7 =	stileid.u32;
	[sflag:s15] =	ssyncadd.s32 $0xFFFFF000  }
0x140: {  	s4 =	sshll.u32 @!p5 s7, $0x6;
	[bflag:$0x0] =	sbarrier.arrive $0xFFFF  }
0x141: {  	s5 =	sshrl.u32 @!p5 s2, $0x3;
	s4 =	sor.u32 @!p5 $0x1C11, s4;
	s6 =	rddreg [dreg:$0x9]  }
0x142: {  	[hbm:s6], [sflag:s4] =	dma.local @!p5 [spmem:s5], $0xA000  }
0x143: {  	s4 =	simm.s32 @!p5 $0x11  }
0x144: {  	_ =	swait.ge @!p5 [sflag:s4], $0xA000  }
0x145: {  	s5 =	simm.s32 @p4 $0x1C11;
	[sflag:s4] =	ssyncset.done @!p5 $0x0  }
0x146: {  	s6 =	rddreg [dreg:$0xa];
	[sflag:s4] =	ssyncadd.s32 @!p5 $0xFFFF6000;
	s4 =	sshrl.u32 @p4 s2, $0x3  }
0x147: {  	[hbm:s6], [sflag:s5] =	dma.local @p4 [spmem:s4], $0xA000  }
0x148: {  	s4 =	simm.s32 @p4 $0x11  }
0x149: {  	_ =	swait.ge @p4 [sflag:s4], $0xA000  }
0x14a: {  	s20 =	rddreg [dreg:$0x10]  }
0x14b: {  	s22 =	rddreg [dreg:$0xd];
	s6 =	sadd.s32 $0x1, s20  }
0x14c: {  	p0 =	sne.s32 s6, s22  }
.Ltmp1:
0x14d: {  	_ = 	snop;
	(pc) =	sbr.rel @p0 .LBB2_1-.Ltmp1, $3  }
0x14e: {  	_ =	sdelay $0x1  }
0x14f: {  	[sflag:s4] =	ssyncset.done @p4 $0x0  }
0x150: {  	[sflag:s4] =	ssyncadd.s32 @p4 $0xFFFF6000  }
0x151: {  	_ =	sfence.sel $0x180000  }
0x152: {  	[bflag:$0x0] =	sbarrier.arrive $0xFFFF  }
0x153: {  	_ =	strace $0x9000004D  }
0x154: {  	[bflag:$0x2] =	sbarrier.arrive $0xFFFF  }
0x155: {  	s0 =	rddreg [dreg:$0x4]  }
0x156: {  	s0 =	sadd.s32 @!p1 $0x100000, s0  }
0x157: {  	[sflag:s0] =	ssyncadd.tile.s32 @!p1 $0x1;
	_ =	shalt  }
.Lfunc_end2:
_tile_overlayer_lowered:
.L_overlay_start_2:
0x158: {  	(tag) =	ssettag $0x2  }
0x159: {  	s0 =	rddreg [dreg:$0x0];
	s2 =	stileid.u32  }
0x15a: {  	s1 =	rddreg [dreg:$0x1];
	p0 =	sne.s32 s2, $0x0  }
0x15b: {  	s3 =	rddreg [dreg:$0x2];
	[bflag:$0x3] =	sbarrier.arrive $0xFFFF;
	s2 =	simm.s32 @!p0 $0x1C11  }
0x15c: {  	[timem:s3], [sflag:s2] =	dma.local @!p0 [hbm:s0], s1  }
0x15d: {  	s0 =	simm.s32 @!p0 $0x11  }
0x15e: {  	_ =	swait.ge @!p0 [sflag:s0], s1  }
0x15f: {  	s1 =	ssub.s32 @!p0 $0x0, s1;
	[sflag:s0] =	ssyncset.done @!p0 $0x0  }
0x160: {  	[sflag:s0] =	ssyncadd.s32 @!p0 s1  }
0x161: {  	[bflag:$0x3] =	sbarrier.arrive $0xFFFF  }
0x162: {  	_ =	shalt  }

// kernel: kernel.18.cloned.1.call-start
scs
__scs_entry_jumppad:
0x0: {  	(pc) =	sbr.rel $0x88, $3  }
0x1: {  	(tag) =	ssettag $0x0;
	lr =	simm.s32 $0x1  }
0x2: {  	[smem:$0x3F9B] =	sst lr;
	_ =	strace $0xD0000000  }
0x3: {  	_ = 	snop  }
0x4: {  	_ = 	snop  }
0x5: {  	_ = 	snop  }
0x6: {  	_ = 	snop  }
0x7: {  	_ = 	snop  }
__scs_overlays_trampoline_lowered:
0x8: {  	[smem:$0x3FAA] =	sst s0  }
0x9: {  	[smem:$0x3FAB] =	sst s1  }
0xa: {  	[smem:$0x3FAC] =	sst s2  }
0xb: {  	[smem:$0x3FAD] =	sst s3  }
0xc: {  	[smem:$0x3FAE] =	sst s4  }
0xd: {  	[smem:$0x3FAF] =	sst s5  }
0xe: {  	[smem:$0x3FB0] =	sst s6  }
0xf: {  	[smem:$0x3FB1] =	sst s7  }
0x10: {  	[smem:$0x3FB2] =	sst s8  }
0x11: {  	[smem:$0x3FB3] =	sst s9;
	s0 =	simm.s32 @!p0 $0x0  }
0x12: {  	s1 =	sld [smem:$0x3F99];
	s0 =	simm.s32 @p0 $0x1  }
0x13: {  	[smem:$0x3FB4] =	sst s0;
	s0 =	simm.s32 @!p1 $0x0  }
0x14: {  	s2 =	sld [smem:$0x3F98];
	s0 =	simm.s32 @p1 $0x1  }
0x15: {  	[smem:$0x3FB5] =	sst s0;
	s0 =	simm.s32 @!p2 $0x0  }
0x16: {  	s3 =	sld [smem:$0x3FDB];
	s0 =	simm.s32 @p2 $0x1  }
0x17: {  	s4 =	simm.s32 $0x1BF5;
	[smem:$0x3FB7] =	sst s0  }
0x18: {  	s0 =	sld [smem:$0x3F9A];
	_ =	swait.ge [sflag:s4], $0x0  }
0x19: {  	s7 =	sld [smem:$0x3F9B]  }
0x1a: {  	s8 =	sadd.s32 $0xFFFFE003, lr  }
0x1b: {  	s9 =	sadd.s32 $0xFFFFFEF7, lr;
	s5 =	simm.s32 $0xFFFFFFFF;
	p2 =	slt.u32 s8, $0xFFFFF086  }
0x1c: {  	p1 =	slt.u32 s9, $0xF7A;
	s5 =	simm.s32 @!p2 $0x0  }
0x1d: {  	s5 =	simm.s32 @p1 $0x1;
	p0 =	seq.s32 s7, s2  }
0x1e: {  	s7 =	smul.u32 @!p0 $0xF7A, s2;
	p2 =	seq.s32 @!p0 s5, $0x0  }
0x1f: {  	s9 =	smul.u32 $0xF7A, s1;
	s8 =	simm.s32 @!p0 $0x1BF5;
	p2 =	por !p2, p0  }
0x20: {  	[sflag:s8] =	ssyncset.s32 @!p0 $0xFFFFF086;
	s6 =	sadd.s32 @!p0 s3, s7;
	s7 =	simm.s32 @!p0 $0x108  }
0x21: {  	s3 =	sadd.s32 s3, s9;
	s6 =	sadd.s32 @!p0 $0x88, s6;
	s7 =	simm.s32 @p2 $0x1082  }
0x22: {  	[simem:s7], [sflag:s8] =	dma.local @!p0 [hbm:s6], $0xF7A  }
0x23: {  	s9 =	sor.u32 $0xD0000000, s2;
	s6 =	simm.s32 $0x108;
	_ =	swait.ge @!p0 [sflag:s8], $0x0  }
0x24: {  	s3 =	sadd.s32 $0x88, s3;
	s6 =	simm.s32 @!p1 $0x1082;
	[sflag:s4] =	ssyncset.s32 $0xFFFFF086  }
0x25: {  	[simem:s6], [sflag:s4] =	dma.local [hbm:s3], $0xF7A  }
0x26: {  	[smem:$0x3F9B] =	sst s1;
	(tag) =	ssettag s2;
	_ =	strace s9  }
0x27: {  	s1 =	sld [smem:$0x3FAB]  }
0x28: {  	s2 =	sld [smem:$0x3FAC]  }
0x29: {  	s4 =	sld [smem:$0x3FAE]  }
0x2a: {  	p0 =	seq.s32 s5, $0x0;
	s5 =	sld [smem:$0x3FAF]  }
0x2b: {  	s6 =	sld [smem:$0x3FB0]  }
0x2c: {  	s7 =	sld [smem:$0x3FB1]  }
0x2d: {  	s3 =	simm.s32 $0x108;
	s8 =	sld [smem:$0x3FB2]  }
0x2e: {  	s3 =	simm.s32 @!p0 $0x1082;
	s9 =	sld [smem:$0x3FB3]  }
0x2f: {  	lr =	sadd.s32 s0, s3;
	s0 =	sld [smem:$0x3FAA]  }
0x30: {  	s3 =	sld [smem:$0x3FAD]  }
0x31: {  	[smem:$0x3FB6] =	sst s10  }
0x32: {  	s10 =	sld [smem:$0x3FB4];
	_ =	sdelay $0x3  }
0x33: {  	p0 =	seq.s32 s10, $0x1;
	s10 =	sld [smem:$0x3FB6];
	_ =	sdelay $0x3  }
0x34: {  	[smem:$0x3FB6] =	sst s10  }
0x35: {  	s10 =	sld [smem:$0x3FB5];
	_ =	sdelay $0x3  }
0x36: {  	p1 =	seq.s32 s10, $0x1;
	s10 =	sld [smem:$0x3FB6];
	_ =	sdelay $0x3  }
0x37: {  	[smem:$0x3FB6] =	sst s10  }
0x38: {  	s10 =	sld [smem:$0x3FB7]  }
0x39: {  	_ = 	snop;
	(pc) =	sbr.ind lr, $3  }
0x3a: {  	_ = 	snop  }
0x3b: {  	_ = 	snop  }
0x3c: {  	p2 =	seq.s32 s10, $0x1;
	s10 =	sld [smem:$0x3FB6]  }
0x3d: {  	_ =	shalt  }
0x3e: {  	_ =	shalt  }
0x3f: {  	_ =	shalt  }
0x40: {  	_ =	shalt  }
0x41: {  	_ =	shalt  }
0x42: {  	_ =	shalt  }
0x43: {  	_ =	shalt  }
0x44: {  	_ =	shalt  }
0x45: {  	_ =	shalt  }
0x46: {  	_ =	shalt  }
0x47: {  	_ =	shalt  }
0x48: {  	_ =	shalt  }
0x49: {  	_ =	shalt  }
0x4a: {  	_ =	shalt  }
0x4b: {  	_ =	shalt  }
0x4c: {  	_ =	shalt  }
0x4d: {  	_ =	shalt  }
0x4e: {  	_ =	shalt  }
0x4f: {  	_ =	shalt  }
0x50: {  	_ =	shalt  }
0x51: {  	_ =	shalt  }
0x52: {  	_ =	shalt  }
0x53: {  	_ =	shalt  }
0x54: {  	_ =	shalt  }
0x55: {  	_ =	shalt  }
0x56: {  	_ =	shalt  }
0x57: {  	_ =	shalt  }
0x58: {  	_ =	shalt  }
0x59: {  	_ =	shalt  }
0x5a: {  	_ =	shalt  }
0x5b: {  	_ =	shalt  }
0x5c: {  	_ =	shalt  }
0x5d: {  	_ =	shalt  }
0x5e: {  	_ =	shalt  }
0x5f: {  	_ =	shalt  }
0x60: {  	_ =	shalt  }
0x61: {  	_ =	shalt  }
0x62: {  	_ =	shalt  }
0x63: {  	_ =	shalt  }
0x64: {  	_ =	shalt  }
0x65: {  	_ =	shalt  }
0x66: {  	_ =	shalt  }
0x67: {  	_ =	shalt  }
0x68: {  	_ =	shalt  }
0x69: {  	_ =	shalt  }
0x6a: {  	_ =	shalt  }
0x6b: {  	_ =	shalt  }
0x6c: {  	_ =	shalt  }
0x6d: {  	_ =	shalt  }
0x6e: {  	_ =	shalt  }
0x6f: {  	_ =	shalt  }
0x70: {  	_ =	shalt  }
0x71: {  	_ =	shalt  }
0x72: {  	_ =	shalt  }
0x73: {  	_ =	shalt  }
0x74: {  	_ =	shalt  }
0x75: {  	_ =	shalt  }
0x76: {  	_ =	shalt  }
0x77: {  	_ =	shalt  }
0x78: {  	_ =	shalt  }
0x79: {  	_ =	shalt  }
0x7a: {  	_ =	shalt  }
0x7b: {  	_ =	shalt  }
0x7c: {  	_ =	shalt  }
0x7d: {  	_ =	shalt  }
0x7e: {  	_ =	shalt  }
0x7f: {  	_ =	shalt  }
0x80: {  	_ =	shalt  }
0x81: {  	_ =	shalt  }
0x82: {  	_ =	shalt  }
0x83: {  	_ =	shalt  }
0x84: {  	_ =	shalt  }
0x85: {  	_ =	shalt  }
0x86: {  	_ =	shalt  }
0x87: {  	_ =	shalt  }
.Lfunc_end0:
.L_simem_size_0:
called_computation.3_lowered:
.L_overlay_start_0:
0x88: {  	s2 =	sld [smem:$0x3FD9]  }
0x89: {  	s3 =	sld [smem:$0x3FFE];
	_ =	sdelay $0x1  }
0x8a: {  	s1 =	srdreg.scid  }
0x8b: {  	s0 =	sand.u32 $0x1, s1  }
0x8c: {  	s17 =	sshll.u32 s0, $0xA;
	s2 =	sadd.s32 s3, s2  }
0x8d: {  	s2 =	sadd.s32 s2, s17  }
0x8e: {  	[smem:$0x3FC2] =	sst s2  }
0x8f: {  	_ = 	snop  }
0x90: {  	s2 =	sld [smem:$0x3FD0];
	(tm) =	ssettm $0x1  }
0x91: {  	s18 =	sld [smem:$0x3FFB];
	_ =	sdelay $0x3  }
0x92: {  	_ =	strace s18  }
0x93: {  	s3 =	sld [smem:$0x3FFC];
	_ =	sdelay $0x3  }
0x94: {  	_ =	strace s3  }
0x95: {  	s3 =	sld [smem:$0x3FFD];
	_ =	sdelay $0x3  }
0x96: {  	_ =	strace s3  }
0x97: {  	_ =	strace $0x8FFFFFFF  }
0x98: {  	s19 =	sld [smem:$0x3FDB];
	_ =	sdelay $0x1  }
0x99: {  	s4 =	simm.s32 $_scs_section_size  }
0x9a: {  	s5 =	simm.s32 $_size__tile_overlayer_lowered;
	s6 =	simm.s32 $_tile_overlayer_lowered  }
0x9b: {  	s22 =	simm.s32 $0x1BFF;
	s21 =	sshll.u32 s6, $0x1;
	s3 =	sadd.s32 s4, s19  }
0x9c: {  	s7 =	simm.s32 $0x0;
	s20 =	sshll.u32 s5, $0x1;
	s5 =	sadd.s32 s21, s3  }
0x9d: {  	[timem:s7], [sflag:s22] =	dma.local [hbm:s5], s20  }
0x9e: {  	_ =	swait.ge [sflag:s22], s20  }
0x9f: {  	s4 =	ssub.s32 $0x0, s20;
	[sflag:s22] =	ssyncset.done $0x0  }
0xa0: {  	[sflag:s22] =	ssyncadd.s32 s4;
	_ =	sdelay $0x1  }
0xa1: {  	s23 =	simm.s32 $0x1B8B  }
0xa2: {  	_ =	swait.ge [sflag:s23], $0x1  }
0xa3: {  	[sflag:s23] =	ssyncset.done $0x0  }
0xa4: {  	s25 =	simm.s32 $0x1B8E;
	s24 =	sld [smem:$0x3FFE];
	[sflag:s23] =	ssyncadd.s32 $0xFFFFFFFF  }
0xa5: {  	s26 =	simm.s32 $execute0_lowered;
	[smem:$0x3FD2] =	sst s25  }
0xa6: {  	s5 =	sshll.u32 s26, $0x1;
	_ =	strace $0x8000004F;
	[dreg:$0x1] =	wrdreg $0xFFFFFFFF  }
0xa7: {  	s28 =	simm.s32 $_size_execute0_lowered;
	s3 =	sadd.s32 s3, s5;
	[dreg:$0x0] =	wrdreg $0x0  }
0xa8: {  	s5 =	sshll.u32 s28, $0x1;
	[dreg:$0x2] =	wrdreg s3  }
0xa9: {  	[dreg:$0x3] =	wrdreg s5  }
0xaa: {  	[dreg:$0x4] =	wrdreg $0xC0  }
0xab: {  	_ =	task [dreg:s7], $0x5FFFF  }
0xac: {  	[dreg:$0x1] =	wrdreg $0xFFFFFFFF  }
0xad: {  	[dreg:$0x0] =	wrdreg $0x60  }
0xae: {  	[dreg:$0x2] =	wrdreg s2  }
0xaf: {  	[dreg:$0x3] =	wrdreg s24  }
0xb0: {  	[dreg:$0x4] =	wrdreg $0x120000  }
0xb1: {  	[dreg:$0x5] =	wrdreg $0x170000  }
0xb2: {  	[dreg:$0x6] =	wrdreg $0x9  }
0xb3: {  	_ =	task.clear_ibuf [dreg:s7], $0x7FFFF;
	_ =	strace $0x9000004F  }
0xb4: {  	s29 =	simm.s32 $0x9;
	_ =	strace $0x80000051  }
0xb5: {  	_ =	swait.ge [sflag:s29], $0x1  }
0xb6: {  	[sflag:s29] =	ssyncadd.s32 $0xFFFFFFFF  }
0xb7: {  	_ =	strace $0x90000051  }
0xb8: {  	_ =	sfence  }
0xb9: {  	s30 =	sld [smem:$0x0];
	_ =	sdelay $0x2  }
0xba: {  	s31 =	sshll.u32 s1, $0xD;
	s1 =	sshrl.u32 s1, $0x2  }
0xbb: {  	s3 =	sand.u32 $0x4000, s31;
	s1 =	sadd.s32 s1, s30  }
0xbc: {  	s0 =	sor.u32 s3, s0;
	s1 =	sshll.u32 s1, $0x11  }
0xbd: {  	s0 =	sor.u32 s1, s0  }
0xbe: {  	s0 =	sadd.s32 $0x8F2B, s0  }
0xbf: {  	[sflag:s0] =	ssyncadd.remote.s32 $0x1  }
0xc0: {  	_ =	sfence.sel $0xFFFF  }
0xc1: {  	[dreg:$0x0] =	wrdreg $0xFFFFFFFF;
	(pc) =	sbr.abs _section_cstart, $3  }
0xc2: {  	[dreg:$0x1] =	wrdreg $0xFFFFFFFF  }
0xc3: {  	_ =	task.clear_ibuf [dreg:s7], $0x2FFFF;
	_ =	strace $0x9FFFFFFF  }
0xc4: {  	(tm) =	ssettm $0x7FFFFFFF  }
0xc5: {  	_ =	shalt  }
tec
execute0_lowered:
.L_overlay_start_1:
0x0: {  	(tag) =	ssettag $0x1  }
0x1: {  	s0 =	rddreg [dreg:$0x1]  }
0x2: {  	s2 =	rddreg [dreg:$0x2]  }
0x3: {  	s3 =	rddreg [dreg:$0x3];
	s1 =	simm.s32 $0x0  }
0x4: {  	s7 =	stileid.u32;
	s4 =	srdreg.scid;
	s25 =	simm.s32 $0xE000  }
0x5: {  	s26 =	simm.s32 $0x10000;
	s23 =	simm.s32 $0xD000;
	s24 =	simm.s32 $0x1  }
0x6: {  	s28 =	simm.s32 $0x3;
	s29 =	simm.s32 $0x11000;
	s30 =	simm.s32 $0x4  }
0x7: {  	s31 =	simm.s32 $0x9;
	[smem:$0x7FF] =	sst s1;
	s16 =	smul.u32 $0xA00, s7  }
0x8: {  	s5 =	sadd.s32 $0x68200, s0;
	s4 =	sand.u32 $0x1, s4;
	s17 =	sadd.s32 $0x72000, s0  }
0x9: {  	s18 =	sadd.s32 $0x85E00, s0;
	_ =	strace $0x80000050;
	[dreg:$0x7] =	wrdreg s5  }
0xa: {  	p1 =	seq.s32 s7, $0x1;
	p3 =	seq.s32 s7, $0x0;
	[dreg:$0x8] =	wrdreg s17  }
0xb: {  	[dreg:$0x9] =	wrdreg s18;
	s19 =	ssub.s32 $0x2, s4;
	p0 =	seq.s32 s4, $0x0  }
0xc: {  	s5 =	simm.s32 @!p1 $0x0;
	p2 =	seq.s32 s4, $0x1;
	s22 =	sor.u32 s4, s7  }
0xd: {  	s17 =	simm.s32 $0x80;
	s18 =	simm.s32 $0xA000;
	[dreg:$0x5] =	wrdreg s25  }
0xe: {  	[dreg:$0x6] =	wrdreg s26;
	s25 =	simm.s32 $0xF000;
	s26 =	simm.s32 $0x2  }
0xf: {  	s1 =	sadd.s32 s16, s0;
	s6 =	sshrl.u32 s19, $0x1;
	s0 =	sadd.s32 $0x7BE00, s0  }
0x10: {  	s5 =	simm.s32 @p1 $0x1;
	p0 =	por !p1, !p0;
	p1 =	sne.s32 s7, $0x0  }
0x11: {  	p4 =	por !p3, !p2;
	p5 =	sne.s32 s22, $0x0;
	[dreg:$0xa] =	wrdreg s0  }
0x12: {  	s16 =	simm.s32 $0x8;
	s20 =	ssub.s32 s19, s6;
	[smem:$0x7FD] =	sst s5  }
0x13: {  	p0 =	por !p0, !p0;
	s21 =	sadd.s32 $0x4200, s1;
	s1 =	sadd.s32 $0xE200, s1  }
0x14: {  	p4 =	por !p4, !p4;
	s19 =	simm.s32 $0xB000;
	[dreg:$0xb] =	wrdreg s21  }
0x15: {  	[dreg:$0xc] =	wrdreg s1;
	p3 =	por !p0, !p1;
	s0 =	smax.u32 s20, $0x1  }
0x16: {  	s6 =	simm.s32 $0x0;
	[dreg:$0xd] =	wrdreg s0;
	s0 =	sshrl.u32 @!p3 s3, $0x3  }
0x17: {  	s21 =	simm.s32 $0xC000;
	[dreg:$0xe] =	wrdreg s0;
	s0 =	sshrl.u32 @!p1 s2, $0x3  }
0x18: {  	s1 =	simm.s32 $0xB;
	[dreg:$0xf] =	wrdreg s0;
	s0 =	simm.s32 $0x6  }
.LBB2_1:
0x19: {  	[dreg:$0x10] =	wrdreg s6  }
0x1a: {  	s5 =	rddreg [dreg:$0x7]  }
0x1b: {  	s4 =	simm.s32 @!p3 $0x1C51;
	s6 =	rddreg [dreg:$0xe]  }
0x1c: {  	[spmem:s6], [sflag:s4] =	dma.local @!p3 [hbm:s5], $0x9C40  }
0x1d: {  	s4 =	sld [smem:$0x7FD];
	_ =	sdelay $0x2  }
0x1e: {  	p0 =	por @!p3 $0x1, $0x1;
	p6 =	seq.s32 s4, $0x1  }
0x1f: {  	p6 =	por @!p3 p0, p0  }
0x20: {  	p0 =	por @p1 !p6, !p2  }
0x21: {  	s4 =	simm.s32 @!p3 $0x11;
	p0 =	por @p1 !p0, !p0  }
0x22: {  	_ =	swait.ge @!p3 [sflag:s4], $0x9C40;
	p0 =	por !p0, !p1  }
0x23: {  	[sflag:s4] =	ssyncset.done @!p3 $0x0;
	s6 =	rddreg [dreg:$0x8];
	s5 =	sshll.u32 @!p0 s7, $0x6  }
0x24: {  	[sflag:s4] =	ssyncadd.s32 @!p3 $0xFFFF63C0;
	s4 =	sor.u32 @!p0 $0x1C11, s5;
	s5 =	sshrl.u32 @!p0 s3, $0x3  }
0x25: {  	[spmem:s5], [sflag:s4] =	dma.local @!p0 [hbm:s6], $0x9C40  }
0x26: {  	s4 =	simm.s32 @!p0 $0x11  }
0x27: {  	_ =	swait.ge @!p0 [sflag:s4], $0x9C40  }
0x28: {  	[sflag:s4] =	ssyncset.done @!p0 $0x0  }
0x29: {  	s6 =	rddreg [dreg:$0xf];
	[sflag:s4] =	ssyncadd.s32 @!p0 $0xFFFF63C0  }
0x2a: {  	s4 =	simm.s32 @!p1 $0x1C11;
	s5 =	rddreg [dreg:$0x0]  }
0x2b: {  	[spmem:s6], [sflag:s4] =	dma.local @!p1 [hbm:s5], $0xA000  }
0x2c: {  	s4 =	simm.s32 @!p1 $0x11  }
0x2d: {  	_ =	swait.ge @!p1 [sflag:s4], $0xA000  }
0x2e: {  	s13 =	simm.s32 $0x0;
	[sflag:s4] =	ssyncset.done @!p1 $0x0  }
0x2f: {  	s15 =	simm.s32 $0x11;
	s14 =	rddreg [dreg:$0xb];
	[sflag:s4] =	ssyncadd.s32 @!p1 $0xFFFF6000  }
0x30: {  	[tilespmem:s13], [sflag:$0x11] =	stream.linear.gather [hbm4b:s14+s13], $0x5000, $0x38;
	[tilespmem:$0x1BE20] =	vst v63  }
0x31: {  	_ =	swait.ge [sflag:s15], $0x5000  }
0x32: {  	[sflag:s15] =	ssyncset.done $0x0  }
0x33: {  	s22 =	simm.s32 $0x5000;
	s20 =	rddreg [dreg:$0xc];
	[sflag:s15] =	ssyncadd.s32 $0xFFFFB000  }
0x34: {  	[tilespmem:s22], [sflag:$0x11] =	stream.linear.gather [hbm4b:s20+s13], $0x5000, $0x38;
	[tilespmem:$0x1BE20] =	vst v63  }
0x35: {  	_ =	swait.ge [sflag:s15], $0x5000  }
0x36: {  	[sflag:s15] =	ssyncset.done $0x0  }
0x37: {  	[sflag:s15] =	ssyncadd.s32 $0xFFFFB000  }
0x38: {  	[bflag:$0x0] =	sbarrier.arrive $0xFFFF  }
0x39: {  	[tilespmem:s18], [sflag:$0x1] =	stream.indirect.gather [spmem:s3], $0x20, s13, s17, $0xb8;
	[tilespmem:$0x1BE20] =	vst v63  }
0x3a: {  	_ = 	snop  }
0x3b: {  	[tilespmem:s19], [sflag:$0x2] =	stream.indirect.gather [spmem:s3], $0x20, s17, s17, $0xb8;
	[tilespmem:$0x1BE20] =	vst v63  }
0x3c: {  	p0 =	por $0x1, $0x1;
	s5 =	simm.s32 $0x100  }
0x3d: {  	[tilespmem:s21], [sflag:$0x3] =	stream.indirect.gather [spmem:s3], $0x20, s5, s17, $0xb8;
	[tilespmem:$0x1BE20] =	vst v63  }
0x3e: {  	s6 =	simm.s32 $0x180;
	s4 =	simm.s32 @!p0 $0xD  }
0x3f: {  	[tilespmem:s23], [sflag:$0x4] =	stream.indirect.gather [spmem:s3], $0x20, s6, s17, $0xb8;
	[tilespmem:$0x1BE20] =	vst v63  }
0x40: {  	_ =	swait.ge @!p0 [sflag:s4], $0x1000  }
0x41: {  	[sflag:s4] =	ssyncset.done @!p0 $0x0  }
0x42: {  	s8 =	simm.s32 $0x200;
	s7 =	rddreg [dreg:$0x5];
	[sflag:s4] =	ssyncadd.s32 @!p0 $0xFFFFF000  }
0x43: {  	[tilespmem:s7], [sflag:$0x5] =	stream.indirect.gather [spmem:s3], $0x20, s8, s17, $0xb8;
	[tilespmem:$0x1BE20] =	vst v63  }
0x44: {  	_ =	swait.ge [sflag:s24], $0x1000  }
0x45: {  	[sflag:s24] =	ssyncset.done $0x0  }
0x46: {  	s9 =	simm.s32 $0x5000;
	s5 =	simm.s32 @!p0 $0xE;
	[sflag:s24] =	ssyncadd.s32 $0xFFFFF000  }
0x47: {  	[spmem:s2] =	stream.indirect.scatter.add.f32 [tilespmem:s18], [sflag:$0x9], $0x20, s9, s17, $0xb8;
	[tilespmem:$0x1BE20] =	vst v63  }
0x48: {  	_ =	swait.ge @!p0 [sflag:s5], $0x1000  }
0x49: {  	[sflag:s5] =	ssyncset.done @!p0 $0x0  }
0x4a: {  	s10 =	simm.s32 $0x280;
	[sflag:s5] =	ssyncadd.s32 @!p0 $0xFFFFF000  }
0x4b: {  	[tilespmem:s25], [sflag:$0x6] =	stream.indirect.gather [spmem:s3], $0x20, s10, s17, $0xb8;
	[tilespmem:$0x1BE20] =	vst v63  }
0x4c: {  	_ =	swait.ge [sflag:s26], $0x1000  }
0x4d: {  	[sflag:s26] =	ssyncset.done $0x0  }
0x4e: {  	s11 =	simm.s32 $0x5080;
	s5 =	simm.s32 @!p0 $0xF;
	[sflag:s26] =	ssyncadd.s32 $0xFFFFF000  }
0x4f: {  	[spmem:s2] =	stream.indirect.scatter.add.f32 [tilespmem:s19], [sflag:$0xA], $0x20, s11, s17, $0xb8;
	[tilespmem:$0x1BE20] =	vst v63  }
0x50: {  	_ =	swait.ge @!p0 [sflag:s5], $0x1000  }
0x51: {  	[sflag:s5] =	ssyncset.done @!p0 $0x0  }
0x52: {  	s13 =	simm.s32 $0x300;
	s12 =	rddreg [dreg:$0x6];
	[sflag:s5] =	ssyncadd.s32 @!p0 $0xFFFFF000  }
0x53: {  	[tilespmem:s12], [sflag:$0x7] =	stream.indirect.gather [spmem:s3], $0x20, s13, s17, $0xb8;
	[tilespmem:$0x1BE20] =	vst v63  }
0x54: {  	_ =	swait.ge [sflag:s28], $0x1000  }
0x55: {  	[sflag:s28] =	ssyncset.done $0x0  }
0x56: {  	s14 =	simm.s32 $0x5100;
	s5 =	simm.s32 @!p0 $0x10;
	[sflag:s28] =	ssyncadd.s32 $0xFFFFF000  }
0x57: {  	[spmem:s2] =	stream.indirect.scatter.add.f32 [tilespmem:s21], [sflag:$0xB], $0x20, s14, s17, $0xb8;
	[tilespmem:$0x1BE20] =	vst v63  }
0x58: {  	_ =	swait.ge @!p0 [sflag:s5], $0x1000  }
0x59: {  	[sflag:s5] =	ssyncset.done @!p0 $0x0  }
0x5a: {  	s15 =	simm.s32 $0x380;
	[sflag:s5] =	ssyncadd.s32 @!p0 $0xFFFFF000  }
0x5b: {  	[tilespmem:s29], [sflag:$0x8] =	stream.indirect.gather [spmem:s3], $0x20, s15, s17, $0xb8;
	[tilespmem:$0x1BE20] =	vst v63  }
0x5c: {  	_ =	swait.ge [sflag:s30], $0x1000  }
0x5d: {  	[sflag:s30] =	ssyncset.done $0x0  }
0x5e: {  	s20 =	simm.s32 $0x5180;
	[sflag:s30] =	ssyncadd.s32 $0xFFFFF000  }
0x5f: {  	[spmem:s2] =	stream.indirect.scatter.add.f32 [tilespmem:s23], [sflag:$0xC], $0x20, s20, s17, $0xb8;
	[tilespmem:$0x1BE20] =	vst v63  }
0x60: {  	_ =	swait.ge [sflag:s31], $0x1000  }
0x61: {  	p0 =	por $0x0, $0x0;
	[sflag:s31] =	ssyncset.done $0x0  }
0x62: {  	s4 =	simm.s32 @p0 $0x5;
	[sflag:s31] =	ssyncadd.s32 $0xFFFFF000  }
0x63: {  	_ =	swait.ge @p0 [sflag:s4], $0x1000  }
0x64: {  	s5 =	simm.s32 @p0 $0x5200;
	s9 =	simm.s32 @p0 $0xA;
	[sflag:s4] =	ssyncset.done @p0 $0x0  }
0x65: {  	s10 =	simm.s32 @p0 $0xE000;
	[sflag:s4] =	ssyncadd.s32 @p0 $0xFFFFF000;
	s4 =	simm.s32 @p0 $0x80  }
0x66: {  	[spmem:s2] =	stream.indirect.scatter.add.f32 @p0 [tilespmem:s10], [sflag:$0xD], $0x20, s5, s4, $0xb8;
	[tilespmem:$0x1BE20] =	vst v63  }
0x67: {  	_ =	swait.ge @p0 [sflag:s9], $0x1000  }
0x68: {  	s5 =	simm.s32 @!p0 $0x400;
	[sflag:s9] =	ssyncset.done @p0 $0x0  }
0x69: {  	s10 =	simm.s32 @!p0 $0xA000;
	[sflag:s9] =	ssyncadd.s32 @p0 $0xFFFFF000;
	s9 =	simm.s32 @!p0 $0x80  }
0x6a: {  	[tilespmem:s10], [sflag:$0x1] =	stream.indirect.gather @!p0 [spmem:s3], $0x20, s5, s9, $0xb8;
	[tilespmem:$0x1BE20] =	vst v63  }
0x6b: {  	s5 =	simm.s32 @!p0 $0x5  }
0x6c: {  	_ =	swait.ge @!p0 [sflag:s5], $0x1000  }
0x6d: {  	[sflag:s5] =	ssyncset.done @!p0 $0x0  }
0x6e: {  	s10 =	simm.s32 @!p0 $0x5200;
	[sflag:s5] =	ssyncadd.s32 @!p0 $0xFFFFF000;
	s5 =	simm.s32 @!p0 $0xE000  }
0x6f: {  	[spmem:s2] =	stream.indirect.scatter.add.f32 @!p0 [tilespmem:s5], [sflag:$0xD], $0x20, s10, s9, $0xb8;
	[tilespmem:$0x1BE20] =	vst v63  }
0x70: {  	s5 =	simm.s32 @!p0 $0xA  }
0x71: {  	_ =	swait.ge @!p0 [sflag:s5], $0x1000  }
0x72: {  	[sflag:s5] =	ssyncset.done @!p0 $0x0  }
0x73: {  	s10 =	simm.s32 @!p0 $0x480;
	[sflag:s5] =	ssyncadd.s32 @!p0 $0xFFFFF000;
	s5 =	simm.s32 @!p0 $0xB000  }
0x74: {  	[tilespmem:s5], [sflag:$0x2] =	stream.indirect.gather @!p0 [spmem:s3], $0x20, s10, s9, $0xb8;
	[tilespmem:$0x1BE20] =	vst v63  }
0x75: {  	_ =	swait.ge [sflag:s0], $0x1000  }
0x76: {  	[sflag:s0] =	ssyncset.done $0x0  }
0x77: {  	s22 =	simm.s32 $0x5280;
	[sflag:s0] =	ssyncadd.s32 $0xFFFFF000  }
0x78: {  	[spmem:s2] =	stream.indirect.scatter.add.f32 [tilespmem:s25], [sflag:$0xE], $0x20, s22, s17, $0xb8;
	[tilespmem:$0x1BE20] =	vst v63  }
0x79: {  	_ =	swait.ge [sflag:s1], $0x1000  }
0x7a: {  	[sflag:s1] =	ssyncset.done $0x0  }
0x7b: {  	s5 =	simm.s32 @p0 $0x7;
	[sflag:s1] =	ssyncadd.s32 $0xFFFFF000  }
0x7c: {  	_ =	swait.ge @p0 [sflag:s5], $0x1000  }
0x7d: {  	[sflag:s5] =	ssyncset.done @p0 $0x0  }
0x7e: {  	s10 =	simm.s32 @p0 $0x5300;
	[sflag:s5] =	ssyncadd.s32 @p0 $0xFFFFF000;
	s5 =	simm.s32 @p0 $0x10000  }
0x7f: {  	[spmem:s2] =	stream.indirect.scatter.add.f32 @p0 [tilespmem:s5], [sflag:$0xF], $0x20, s10, s4, $0xb8;
	[tilespmem:$0x1BE20] =	vst v63  }
0x80: {  	s4 =	simm.s32 @p0 $0xC  }
0x81: {  	_ =	swait.ge @p0 [sflag:s4], $0x1000  }
0x82: {  	[sflag:s4] =	ssyncset.done @p0 $0x0  }
0x83: {  	s5 =	simm.s32 @!p0 $0x500;
	[sflag:s4] =	ssyncadd.s32 @p0 $0xFFFFF000;
	s4 =	simm.s32 @!p0 $0xC000  }
0x84: {  	[tilespmem:s4], [sflag:$0x3] =	stream.indirect.gather @!p0 [spmem:s3], $0x20, s5, s9, $0xb8;
	[tilespmem:$0x1BE20] =	vst v63  }
0x85: {  	s4 =	simm.s32 @!p0 $0x7  }
0x86: {  	_ =	swait.ge @!p0 [sflag:s4], $0x1000  }
0x87: {  	[sflag:s4] =	ssyncset.done @!p0 $0x0  }
0x88: {  	s5 =	simm.s32 @!p0 $0x5300;
	[sflag:s4] =	ssyncadd.s32 @!p0 $0xFFFFF000;
	s4 =	simm.s32 @!p0 $0x10000  }
0x89: {  	[spmem:s2] =	stream.indirect.scatter.add.f32 @!p0 [tilespmem:s4], [sflag:$0xF], $0x20, s5, s9, $0xb8;
	[tilespmem:$0x1BE20] =	vst v63  }
0x8a: {  	s4 =	simm.s32 @!p0 $0xC  }
0x8b: {  	_ =	swait.ge @!p0 [sflag:s4], $0x1000  }
0x8c: {  	[sflag:s4] =	ssyncset.done @!p0 $0x0  }
0x8d: {  	s5 =	simm.s32 @!p0 $0x580;
	[sflag:s4] =	ssyncadd.s32 @!p0 $0xFFFFF000;
	s4 =	simm.s32 @!p0 $0xD000  }
0x8e: {  	[tilespmem:s4], [sflag:$0x4] =	stream.indirect.gather @!p0 [spmem:s3], $0x20, s5, s9, $0xb8;
	[tilespmem:$0x1BE20] =	vst v63  }
0x8f: {  	s10 =	simm.s32 $0x2000;
	s9 =	simm.s32 $0x1000;
	_ =	swait.ge [sflag:s16], $0x1000  }
0x90: {  	p0 =	por $0x0, $0x0;
	s4 =	simm.s32 $0x5380;
	[sflag:s16] =	ssyncset.done $0x0  }
.LBB2_2:
0x91: {  	s5 =	simm.s32 @!p0 $0xD;
	[sflag:s16] =	ssyncadd.s32 $0xFFFFF000  }
0x92: {  	[spmem:s2] =	stream.indirect.scatter.add.f32 [tilespmem:s29], [sflag:$0x10], $0x20, s4, s17, $0xb8;
	[tilespmem:$0x1BE20] =	vst v63  }
0x93: {  	_ =	swait.ge @!p0 [sflag:s5], $0x1000  }
0x94: {  	s11 =	sshra.s32 s9, $0x2;
	[sflag:s5] =	ssyncset.done @!p0 $0x0  }
0x95: {  	s20 =	sadd.s32 $0x200, s11;
	s15 =	rddreg [dreg:$0x5];
	[sflag:s5] =	ssyncadd.s32 @!p0 $0xFFFFF000  }
0x96: {  	[tilespmem:s15], [sflag:$0x5] =	stream.indirect.gather [spmem:s3], $0x20, s20, s17, $0xb8;
	[tilespmem:$0x1BE20] =	vst v63  }
0x97: {  	_ =	swait.ge [sflag:s24], $0x1000  }
0x98: {  	[sflag:s24] =	ssyncset.done $0x0  }
0x99: {  	s22 =	sadd.s32 $0x5000, s11;
	s5 =	simm.s32 @!p0 $0xE;
	[sflag:s24] =	ssyncadd.s32 $0xFFFFF000  }
0x9a: {  	[spmem:s2] =	stream.indirect.scatter.add.f32 [tilespmem:s18], [sflag:$0x9], $0x20, s22, s17, $0xb8;
	[tilespmem:$0x1BE20] =	vst v63  }
0x9b: {  	_ =	swait.ge @!p0 [sflag:s5], $0x1000  }
0x9c: {  	[sflag:s5] =	ssyncset.done @!p0 $0x0  }
0x9d: {  	s6 =	sadd.s32 $0x280, s11;
	[sflag:s5] =	ssyncadd.s32 @!p0 $0xFFFFF000  }
0x9e: {  	[tilespmem:s25], [sflag:$0x6] =	stream.indirect.gather [spmem:s3], $0x20, s6, s17, $0xb8;
	[tilespmem:$0x1BE20] =	vst v63  }
0x9f: {  	_ =	swait.ge [sflag:s26], $0x1000  }
0xa0: {  	[sflag:s26] =	ssyncset.done $0x0  }
0xa1: {  	s7 =	sadd.s32 $0x5080, s11;
	s5 =	simm.s32 @!p0 $0xF;
	[sflag:s26] =	ssyncadd.s32 $0xFFFFF000  }
0xa2: {  	[spmem:s2] =	stream.indirect.scatter.add.f32 [tilespmem:s19], [sflag:$0xA], $0x20, s7, s17, $0xb8;
	[tilespmem:$0x1BE20] =	vst v63  }
0xa3: {  	_ =	swait.ge @!p0 [sflag:s5], $0x1000  }
0xa4: {  	[sflag:s5] =	ssyncset.done @!p0 $0x0  }
0xa5: {  	s13 =	sadd.s32 $0x300, s11;
	s8 =	rddreg [dreg:$0x6];
	[sflag:s5] =	ssyncadd.s32 @!p0 $0xFFFFF000  }
0xa6: {  	[tilespmem:s8], [sflag:$0x7] =	stream.indirect.gather [spmem:s3], $0x20, s13, s17, $0xb8;
	[tilespmem:$0x1BE20] =	vst v63  }
0xa7: {  	_ =	swait.ge [sflag:s28], $0x1000  }
0xa8: {  	[sflag:s28] =	ssyncset.done $0x0  }
0xa9: {  	s14 =	sadd.s32 $0x5100, s11;
	s5 =	simm.s32 @!p0 $0x10;
	[sflag:s28] =	ssyncadd.s32 $0xFFFFF000  }
0xaa: {  	[spmem:s2] =	stream.indirect.scatter.add.f32 [tilespmem:s21], [sflag:$0xB], $0x20, s14, s17, $0xb8;
	[tilespmem:$0x1BE20] =	vst v63  }
0xab: {  	_ =	swait.ge @!p0 [sflag:s5], $0x1000  }
0xac: {  	[sflag:s5] =	ssyncset.done @!p0 $0x0  }
0xad: {  	s15 =	sadd.s32 $0x380, s11;
	[sflag:s5] =	ssyncadd.s32 @!p0 $0xFFFFF000  }
0xae: {  	[tilespmem:s29], [sflag:$0x8] =	stream.indirect.gather [spmem:s3], $0x20, s15, s17, $0xb8;
	[tilespmem:$0x1BE20] =	vst v63  }
0xaf: {  	_ =	swait.ge [sflag:s30], $0x1000  }
0xb0: {  	[sflag:s30] =	ssyncset.done $0x0  }
0xb1: {  	s20 =	sadd.s32 $0x5180, s11;
	[sflag:s30] =	ssyncadd.s32 $0xFFFFF000  }
0xb2: {  	[spmem:s2] =	stream.indirect.scatter.add.f32 [tilespmem:s23], [sflag:$0xC], $0x20, s20, s17, $0xb8;
	[tilespmem:$0x1BE20] =	vst v63  }
0xb3: {  	_ =	swait.ge [sflag:s31], $0x1000  }
0xb4: {  	s12 =	smov.u32 s10;
	p0 =	seq.s32 s9, $0x13000;
	[sflag:s31] =	ssyncset.done $0x0  }
0xb5: {  	s4 =	simm.s32 @p0 $0x5;
	s13 =	sshra.s32 @p0 s9, $0x2;
	[sflag:s31] =	ssyncadd.s32 $0xFFFFF000  }
0xb6: {  	s9 =	sshra.s32 @!p0 s9, $0x2;
	s5 =	simm.s32 @p0 $0x80;
	_ =	swait.ge @p0 [sflag:s4], $0x1000  }
0xb7: {  	s15 =	simm.s32 @!p0 $0x5;
	s14 =	sadd.s32 @p0 $0x5200, s13;
	[sflag:s4] =	ssyncset.done @p0 $0x0  }
0xb8: {  	s20 =	simm.s32 @p0 $0xA;
	[sflag:s4] =	ssyncadd.s32 @p0 $0xFFFFF000;
	s4 =	simm.s32 @p0 $0xE000  }
0xb9: {  	[spmem:s2] =	stream.indirect.scatter.add.f32 @p0 [tilespmem:s4], [sflag:$0xD], $0x20, s14, s5, $0xb8;
	[tilespmem:$0x1BE20] =	vst v63  }
0xba: {  	s22 =	sadd.s32 @!p0 $0x400, s9;
	s6 =	sadd.s32 @!p0 $0x5200, s9;
	_ =	swait.ge @p0 [sflag:s20], $0x1000  }
0xbb: {  	s7 =	sadd.s32 @!p0 $0x480, s9;
	s8 =	sadd.s32 @p0 $0x5300, s13;
	[sflag:s20] =	ssyncset.done @p0 $0x0  }
0xbc: {  	s13 =	simm.s32 @!p0 $0x80;
	s4 =	simm.s32 @!p0 $0xA000;
	[sflag:s20] =	ssyncadd.s32 @p0 $0xFFFFF000  }
0xbd: {  	[tilespmem:s4], [sflag:$0x1] =	stream.indirect.gather @!p0 [spmem:s3], $0x20, s22, s13, $0xb8;
	[tilespmem:$0x1BE20] =	vst v63  }
0xbe: {  	s14 =	sadd.s32 @!p0 $0x580, s9;
	s20 =	sadd.s32 @!p0 $0x500, s9;
	_ =	swait.ge @!p0 [sflag:s15], $0x1000  }
0xbf: {  	s4 =	sadd.s32 @!p0 $0x5300, s9;
	s9 =	smov.u32 s12;
	[sflag:s15] =	ssyncset.done @!p0 $0x0  }
0xc0: {  	s12 =	simm.s32 @!p0 $0xE000;
	[sflag:s15] =	ssyncadd.s32 @!p0 $0xFFFFF000;
	s15 =	simm.s32 @!p0 $0xA  }
0xc1: {  	[spmem:s2] =	stream.indirect.scatter.add.f32 @!p0 [tilespmem:s12], [sflag:$0xD], $0x20, s6, s13, $0xb8;
	[tilespmem:$0x1BE20] =	vst v63  }
0xc2: {  	_ =	swait.ge @!p0 [sflag:s15], $0x1000  }
0xc3: {  	[sflag:s15] =	ssyncset.done @!p0 $0x0  }
0xc4: {  	s6 =	simm.s32 @!p0 $0xB000;
	[sflag:s15] =	ssyncadd.s32 @!p0 $0xFFFFF000  }
0xc5: {  	[tilespmem:s6], [sflag:$0x2] =	stream.indirect.gather @!p0 [spmem:s3], $0x20, s7, s13, $0xb8;
	[tilespmem:$0x1BE20] =	vst v63  }
0xc6: {  	_ =	swait.ge [sflag:s0], $0x1000  }
0xc7: {  	[sflag:s0] =	ssyncset.done $0x0  }
0xc8: {  	s22 =	sadd.s32 $0x5280, s11;
	[sflag:s0] =	ssyncadd.s32 $0xFFFFF000  }
0xc9: {  	[spmem:s2] =	stream.indirect.scatter.add.f32 [tilespmem:s25], [sflag:$0xE], $0x20, s22, s17, $0xb8;
	[tilespmem:$0x1BE20] =	vst v63  }
0xca: {  	_ =	swait.ge [sflag:s1], $0x1000  }
0xcb: {  	[sflag:s1] =	ssyncset.done $0x0  }
0xcc: {  	s6 =	simm.s32 @p0 $0x7;
	[sflag:s1] =	ssyncadd.s32 $0xFFFFF000  }
0xcd: {  	_ =	swait.ge @p0 [sflag:s6], $0x1000  }
0xce: {  	[sflag:s6] =	ssyncset.done @p0 $0x0  }
0xcf: {  	s7 =	simm.s32 @p0 $0xC;
	[sflag:s6] =	ssyncadd.s32 @p0 $0xFFFFF000;
	s6 =	simm.s32 @p0 $0x10000  }
0xd0: {  	[spmem:s2] =	stream.indirect.scatter.add.f32 @p0 [tilespmem:s6], [sflag:$0xF], $0x20, s8, s5, $0xb8;
	[tilespmem:$0x1BE20] =	vst v63  }
0xd1: {  	_ =	swait.ge @p0 [sflag:s7], $0x1000  }
0xd2: {  	[sflag:s7] =	ssyncset.done @p0 $0x0  }
0xd3: {  	s5 =	simm.s32 @!p0 $0xC000;
	s6 =	simm.s32 @!p0 $0x7;
	[sflag:s7] =	ssyncadd.s32 @p0 $0xFFFFF000  }
0xd4: {  	[tilespmem:s5], [sflag:$0x3] =	stream.indirect.gather @!p0 [spmem:s3], $0x20, s20, s13, $0xb8;
	[tilespmem:$0x1BE20] =	vst v63  }
0xd5: {  	_ =	swait.ge @!p0 [sflag:s6], $0x1000  }
0xd6: {  	s10 =	sadd.s32 $0x1000, s10;
	[sflag:s6] =	ssyncset.done @!p0 $0x0  }
0xd7: {  	s5 =	simm.s32 @!p0 $0x10000;
	[sflag:s6] =	ssyncadd.s32 @!p0 $0xFFFFF000;
	s6 =	simm.s32 @!p0 $0xC  }
0xd8: {  	[spmem:s2] =	stream.indirect.scatter.add.f32 @!p0 [tilespmem:s5], [sflag:$0xF], $0x20, s4, s13, $0xb8;
	[tilespmem:$0x1BE20] =	vst v63  }
0xd9: {  	p6 =	sne.s32 s10, $0x14000;
	_ =	swait.ge @!p0 [sflag:s6], $0x1000  }
.Ltmp0:
0xda: {  	[sflag:s6] =	ssyncset.done @!p0 $0x0;
	(pc) =	sbr.rel @p6 .LBB2_2-.Ltmp0, $4  }
0xdb: {  	s4 =	simm.s32 @!p0 $0xD000;
	[sflag:s6] =	ssyncadd.s32 @!p0 $0xFFFFF000  }
0xdc: {  	[tilespmem:s4], [sflag:$0x4] =	stream.indirect.gather @!p0 [spmem:s3], $0x20, s14, s13, $0xb8;
	[tilespmem:$0x1BE20] =	vst v63  }
0xdd: {  	_ =	swait.ge [sflag:s16], $0x1000  }
0xde: {  	p0 =	seq.s32 s9, $0x0;
	s4 =	sadd.s32 $0x5380, s11;
	[sflag:s16] =	ssyncset.done $0x0  }
0xdf: {  	s5 =	simm.s32 @!p0 $0xD;
	[sflag:s16] =	ssyncadd.s32 $0xFFFFF000  }
0xe0: {  	[spmem:s2] =	stream.indirect.scatter.add.f32 [tilespmem:s29], [sflag:$0x10], $0x20, s4, s17, $0xb8;
	[tilespmem:$0x1BE20] =	vst v63  }
0xe1: {  	_ =	swait.ge @!p0 [sflag:s5], $0x1000  }
0xe2: {  	s10 =	sshra.s32 s9, $0x2;
	[sflag:s5] =	ssyncset.done @!p0 $0x0  }
0xe3: {  	s12 =	sadd.s32 $0x200, s10;
	s11 =	rddreg [dreg:$0x5];
	[sflag:s5] =	ssyncadd.s32 @!p0 $0xFFFFF000  }
0xe4: {  	[tilespmem:s11], [sflag:$0x5] =	stream.indirect.gather [spmem:s3], $0x20, s12, s17, $0xb8;
	[tilespmem:$0x1BE20] =	vst v63  }
0xe5: {  	_ =	swait.ge [sflag:s24], $0x1000  }
0xe6: {  	[sflag:s24] =	ssyncset.done $0x0  }
0xe7: {  	s13 =	sadd.s32 $0x5000, s10;
	s5 =	simm.s32 @!p0 $0xE;
	[sflag:s24] =	ssyncadd.s32 $0xFFFFF000  }
0xe8: {  	[spmem:s2] =	stream.indirect.scatter.add.f32 [tilespmem:s18], [sflag:$0x9], $0x20, s13, s17, $0xb8;
	[tilespmem:$0x1BE20] =	vst v63  }
0xe9: {  	_ =	swait.ge @!p0 [sflag:s5], $0x1000  }
0xea: {  	[sflag:s5] =	ssyncset.done @!p0 $0x0  }
0xeb: {  	s14 =	sadd.s32 $0x280, s10;
	[sflag:s5] =	ssyncadd.s32 @!p0 $0xFFFFF000  }
0xec: {  	[tilespmem:s25], [sflag:$0x6] =	stream.indirect.gather [spmem:s3], $0x20, s14, s17, $0xb8;
	[tilespmem:$0x1BE20] =	vst v63  }
0xed: {  	_ =	swait.ge [sflag:s26], $0x1000  }
0xee: {  	[sflag:s26] =	ssyncset.done $0x0  }
0xef: {  	s15 =	sadd.s32 $0x5080, s10;
	s5 =	simm.s32 @!p0 $0xF;
	[sflag:s26] =	ssyncadd.s32 $0xFFFFF000  }
0xf0: {  	[spmem:s2] =	stream.indirect.scatter.add.f32 [tilespmem:s19], [sflag:$0xA], $0x20, s15, s17, $0xb8;
	[tilespmem:$0x1BE20] =	vst v63  }
0xf1: {  	_ =	swait.ge @!p0 [sflag:s5], $0x1000  }
0xf2: {  	[sflag:s5] =	ssyncset.done @!p0 $0x0  }
0xf3: {  	s22 =	sadd.s32 $0x300, s10;
	s20 =	rddreg [dreg:$0x6];
	[sflag:s5] =	ssyncadd.s32 @!p0 $0xFFFFF000  }
0xf4: {  	[tilespmem:s20], [sflag:$0x7] =	stream.indirect.gather [spmem:s3], $0x20, s22, s17, $0xb8;
	[tilespmem:$0x1BE20] =	vst v63  }
0xf5: {  	_ =	swait.ge [sflag:s28], $0x1000  }
0xf6: {  	[sflag:s28] =	ssyncset.done $0x0  }
0xf7: {  	s6 =	sadd.s32 $0x5100, s10;
	s5 =	simm.s32 @!p0 $0x10;
	[sflag:s28] =	ssyncadd.s32 $0xFFFFF000  }
0xf8: {  	[spmem:s2] =	stream.indirect.scatter.add.f32 [tilespmem:s21], [sflag:$0xB], $0x20, s6, s17, $0xb8;
	[tilespmem:$0x1BE20] =	vst v63  }
0xf9: {  	_ =	swait.ge @!p0 [sflag:s5], $0x1000  }
0xfa: {  	[sflag:s5] =	ssyncset.done @!p0 $0x0  }
0xfb: {  	s7 =	sadd.s32 $0x380, s10;
	[sflag:s5] =	ssyncadd.s32 @!p0 $0xFFFFF000  }
0xfc: {  	[tilespmem:s29], [sflag:$0x8] =	stream.indirect.gather [spmem:s3], $0x20, s7, s17, $0xb8;
	[tilespmem:$0x1BE20] =	vst v63  }
0xfd: {  	_ =	swait.ge [sflag:s30], $0x1000  }
0xfe: {  	[sflag:s30] =	ssyncset.done $0x0  }
0xff: {  	s8 =	sadd.s32 $0x5180, s10;
	[sflag:s30] =	ssyncadd.s32 $0xFFFFF000  }
0x100: {  	[spmem:s2] =	stream.indirect.scatter.add.f32 [tilespmem:s23], [sflag:$0xC], $0x20, s8, s17, $0xb8;
	[tilespmem:$0x1BE20] =	vst v63  }
0x101: {  	_ =	swait.ge [sflag:s31], $0x1000  }
0x102: {  	p0 =	seq.s32 s9, $0x13000;
	[sflag:s31] =	ssyncset.done $0x0  }
0x103: {  	s4 =	simm.s32 @p0 $0x5;
	[sflag:s31] =	ssyncadd.s32 $0xFFFFF000  }
0x104: {  	s5 =	sshra.s32 @p0 s9, $0x2;
	_ =	swait.ge @p0 [sflag:s4], $0x1000  }
0x105: {  	s7 =	simm.s32 @p0 $0xA;
	s6 =	sadd.s32 @p0 $0x5200, s5;
	[sflag:s4] =	ssyncset.done @p0 $0x0  }
0x106: {  	s8 =	simm.s32 @p0 $0xE000;
	[sflag:s4] =	ssyncadd.s32 @p0 $0xFFFFF000;
	s4 =	simm.s32 @p0 $0x80  }
0x107: {  	[spmem:s2] =	stream.indirect.scatter.add.f32 @p0 [tilespmem:s8], [sflag:$0xD], $0x20, s6, s4, $0xb8;
	[tilespmem:$0x1BE20] =	vst v63  }
0x108: {  	_ =	swait.ge @p0 [sflag:s7], $0x1000  }
0x109: {  	s6 =	sshra.s32 @!p0 s9, $0x2;
	s9 =	simm.s32 @!p0 $0xA000;
	[sflag:s7] =	ssyncset.done @p0 $0x0  }
0x10a: {  	s8 =	sadd.s32 @!p0 $0x400, s6;
	[sflag:s7] =	ssyncadd.s32 @p0 $0xFFFFF000;
	s7 =	simm.s32 @!p0 $0x80  }
0x10b: {  	[tilespmem:s9], [sflag:$0x1] =	stream.indirect.gather @!p0 [spmem:s3], $0x20, s8, s7, $0xb8;
	[tilespmem:$0x1BE20] =	vst v63  }
0x10c: {  	s8 =	simm.s32 @!p0 $0x5  }
0x10d: {  	_ =	swait.ge @!p0 [sflag:s8], $0x1000  }
0x10e: {  	[sflag:s8] =	ssyncset.done @!p0 $0x0  }
0x10f: {  	s9 =	sadd.s32 @!p0 $0x5200, s6;
	[sflag:s8] =	ssyncadd.s32 @!p0 $0xFFFFF000;
	s8 =	simm.s32 @!p0 $0xE000  }
0x110: {  	[spmem:s2] =	stream.indirect.scatter.add.f32 @!p0 [tilespmem:s8], [sflag:$0xD], $0x20, s9, s7, $0xb8;
	[tilespmem:$0x1BE20] =	vst v63  }
0x111: {  	s8 =	simm.s32 @!p0 $0xA  }
0x112: {  	_ =	swait.ge @!p0 [sflag:s8], $0x1000  }
0x113: {  	[sflag:s8] =	ssyncset.done @!p0 $0x0  }
0x114: {  	s9 =	sadd.s32 @!p0 $0x480, s6;
	[sflag:s8] =	ssyncadd.s32 @!p0 $0xFFFFF000;
	s8 =	simm.s32 @!p0 $0xB000  }
0x115: {  	[tilespmem:s8], [sflag:$0x2] =	stream.indirect.gather @!p0 [spmem:s3], $0x20, s9, s7, $0xb8;
	[tilespmem:$0x1BE20] =	vst v63  }
0x116: {  	_ =	swait.ge [sflag:s0], $0x1000  }
0x117: {  	[sflag:s0] =	ssyncset.done $0x0  }
0x118: {  	s9 =	sadd.s32 $0x5280, s10;
	[sflag:s0] =	ssyncadd.s32 $0xFFFFF000  }
0x119: {  	[spmem:s2] =	stream.indirect.scatter.add.f32 [tilespmem:s25], [sflag:$0xE], $0x20, s9, s17, $0xb8;
	[tilespmem:$0x1BE20] =	vst v63  }
0x11a: {  	_ =	swait.ge [sflag:s1], $0x1000  }
0x11b: {  	[sflag:s1] =	ssyncset.done $0x0  }
0x11c: {  	s8 =	simm.s32 @p0 $0x7;
	[sflag:s1] =	ssyncadd.s32 $0xFFFFF000  }
0x11d: {  	_ =	swait.ge @p0 [sflag:s8], $0x1000  }
0x11e: {  	[sflag:s8] =	ssyncset.done @p0 $0x0  }
0x11f: {  	s5 =	sadd.s32 @p0 $0x5300, s5;
	[sflag:s8] =	ssyncadd.s32 @p0 $0xFFFFF000;
	s8 =	simm.s32 @p0 $0x10000  }
0x120: {  	[spmem:s2] =	stream.indirect.scatter.add.f32 @p0 [tilespmem:s8], [sflag:$0xF], $0x20, s5, s4, $0xb8;
	[tilespmem:$0x1BE20] =	vst v63  }
0x121: {  	s4 =	simm.s32 @p0 $0xC  }
0x122: {  	_ =	swait.ge @p0 [sflag:s4], $0x1000  }
0x123: {  	[sflag:s4] =	ssyncset.done @p0 $0x0  }
0x124: {  	s5 =	sadd.s32 @!p0 $0x500, s6;
	[sflag:s4] =	ssyncadd.s32 @p0 $0xFFFFF000;
	s4 =	simm.s32 @!p0 $0xC000  }
0x125: {  	[tilespmem:s4], [sflag:$0x3] =	stream.indirect.gather @!p0 [spmem:s3], $0x20, s5, s7, $0xb8;
	[tilespmem:$0x1BE20] =	vst v63  }
0x126: {  	s4 =	simm.s32 @!p0 $0x7  }
0x127: {  	_ =	swait.ge @!p0 [sflag:s4], $0x1000  }
0x128: {  	[sflag:s4] =	ssyncset.done @!p0 $0x0  }
0x129: {  	s5 =	sadd.s32 @!p0 $0x5300, s6;
	[sflag:s4] =	ssyncadd.s32 @!p0 $0xFFFFF000;
	s4 =	simm.s32 @!p0 $0x10000  }
0x12a: {  	[spmem:s2] =	stream.indirect.scatter.add.f32 @!p0 [tilespmem:s4], [sflag:$0xF], $0x20, s5, s7, $0xb8;
	[tilespmem:$0x1BE20] =	vst v63  }
0x12b: {  	s4 =	simm.s32 @!p0 $0xC  }
0x12c: {  	_ =	swait.ge @!p0 [sflag:s4], $0x1000  }
0x12d: {  	[sflag:s4] =	ssyncset.done @!p0 $0x0  }
0x12e: {  	s5 =	sadd.s32 @!p0 $0x580, s6;
	[sflag:s4] =	ssyncadd.s32 @!p0 $0xFFFFF000;
	s4 =	simm.s32 @!p0 $0xD000  }
0x12f: {  	[tilespmem:s4], [sflag:$0x4] =	stream.indirect.gather @!p0 [spmem:s3], $0x20, s5, s7, $0xb8;
	[tilespmem:$0x1BE20] =	vst v63  }
0x130: {  	_ =	swait.ge [sflag:s16], $0x1000  }
0x131: {  	[sflag:s16] =	ssyncset.done $0x0  }
0x132: {  	s11 =	sadd.s32 $0x5380, s10;
	s12 =	simm.s32 $0xD;
	[sflag:s16] =	ssyncadd.s32 $0xFFFFF000  }
0x133: {  	[spmem:s2] =	stream.indirect.scatter.add.f32 [tilespmem:s29], [sflag:$0x10], $0x20, s11, s17, $0xb8;
	[tilespmem:$0x1BE20] =	vst v63  }
0x134: {  	_ =	swait.ge [sflag:s12], $0x1000  }
0x135: {  	[sflag:s12] =	ssyncset.done $0x0  }
0x136: {  	s13 =	simm.s32 $0xE;
	[sflag:s12] =	ssyncadd.s32 $0xFFFFF000  }
0x137: {  	_ =	swait.ge [sflag:s13], $0x1000  }
0x138: {  	[sflag:s13] =	ssyncset.done $0x0  }
0x139: {  	s14 =	simm.s32 $0xF;
	[sflag:s13] =	ssyncadd.s32 $0xFFFFF000  }
0x13a: {  	_ =	swait.ge [sflag:s14], $0x1000  }
0x13b: {  	[sflag:s14] =	ssyncset.done $0x0  }
0x13c: {  	s15 =	simm.s32 $0x10;
	[sflag:s14] =	ssyncadd.s32 $0xFFFFF000  }
0x13d: {  	_ =	swait.ge [sflag:s15], $0x1000  }
0x13e: {  	[sflag:s15] =	ssyncset.done $0x0  }
0x13f: {  	s7 =	stileid.u32;
	[sflag:s15] =	ssyncadd.s32 $0xFFFFF000  }
0x140: {  	s4 =	sshll.u32 @!p5 s7, $0x6;
	[bflag:$0x0] =	sbarrier.arrive $0xFFFF  }
0x141: {  	s5 =	sshrl.u32 @!p5 s2, $0x3;
	s4 =	sor.u32 @!p5 $0x1C11, s4;
	s6 =	rddreg [dreg:$0x9]  }
0x142: {  	[hbm:s6], [sflag:s4] =	dma.local @!p5 [spmem:s5], $0xA000  }
0x143: {  	s4 =	simm.s32 @!p5 $0x11  }
0x144: {  	_ =	swait.ge @!p5 [sflag:s4], $0xA000  }
0x145: {  	s5 =	simm.s32 @p4 $0x1C11;
	[sflag:s4] =	ssyncset.done @!p5 $0x0  }
0x146: {  	s6 =	rddreg [dreg:$0xa];
	[sflag:s4] =	ssyncadd.s32 @!p5 $0xFFFF6000;
	s4 =	sshrl.u32 @p4 s2, $0x3  }
0x147: {  	[hbm:s6], [sflag:s5] =	dma.local @p4 [spmem:s4], $0xA000  }
0x148: {  	s4 =	simm.s32 @p4 $0x11  }
0x149: {  	_ =	swait.ge @p4 [sflag:s4], $0xA000  }
0x14a: {  	s20 =	rddreg [dreg:$0x10]  }
0x14b: {  	s22 =	rddreg [dreg:$0xd];
	s6 =	sadd.s32 $0x1, s20  }
0x14c: {  	p0 =	sne.s32 s6, s22  }
.Ltmp1:
0x14d: {  	_ = 	snop;
	(pc) =	sbr.rel @p0 .LBB2_1-.Ltmp1, $3  }
0x14e: {  	_ =	sdelay $0x1  }
0x14f: {  	[sflag:s4] =	ssyncset.done @p4 $0x0  }
0x150: {  	[sflag:s4] =	ssyncadd.s32 @p4 $0xFFFF6000  }
0x151: {  	_ =	sfence.sel $0x180000  }
0x152: {  	[bflag:$0x0] =	sbarrier.arrive $0xFFFF  }
0x153: {  	_ =	strace $0x90000050  }
0x154: {  	[bflag:$0x2] =	sbarrier.arrive $0xFFFF  }
0x155: {  	s0 =	rddreg [dreg:$0x4]  }
0x156: {  	s0 =	sadd.s32 @!p1 $0x100000, s0  }
0x157: {  	[sflag:s0] =	ssyncadd.tile.s32 @!p1 $0x1;
	_ =	shalt  }
.Lfunc_end2:
_tile_overlayer_lowered:
.L_overlay_start_2:
0x158: {  	(tag) =	ssettag $0x2  }
0x159: {  	s0 =	rddreg [dreg:$0x0];
	s2 =	stileid.u32  }
0x15a: {  	s1 =	rddreg [dreg:$0x1];
	p0 =	sne.s32 s2, $0x0  }
0x15b: {  	s3 =	rddreg [dreg:$0x2];
	[bflag:$0x3] =	sbarrier.arrive $0xFFFF;
	s2 =	simm.s32 @!p0 $0x1C11  }
0x15c: {  	[timem:s3], [sflag:s2] =	dma.local @!p0 [hbm:s0], s1  }
0x15d: {  	s0 =	simm.s32 @!p0 $0x11  }
0x15e: {  	_ =	swait.ge @!p0 [sflag:s0], s1  }
0x15f: {  	s1 =	ssub.s32 @!p0 $0x0, s1;
	[sflag:s0] =	ssyncset.done @!p0 $0x0  }
0x160: {  	[sflag:s0] =	ssyncadd.s32 @!p0 s1  }
0x161: {  	[bflag:$0x3] =	sbarrier.arrive $0xFFFF  }
0x162: {  	_ =	shalt  }

// kernel: kernel.9.cloned.1.call-start
scs
__scs_entry_jumppad:
0x0: {  	(pc) =	sbr.rel $0x88, $3  }
0x1: {  	(tag) =	ssettag $0x0;
	lr =	simm.s32 $0x1  }
0x2: {  	[smem:$0x3F9B] =	sst lr;
	_ =	strace $0xD0000000  }
0x3: {  	_ = 	snop  }
0x4: {  	_ = 	snop  }
0x5: {  	_ = 	snop  }
0x6: {  	_ = 	snop  }
0x7: {  	_ = 	snop  }
__scs_overlays_trampoline_lowered:
0x8: {  	[smem:$0x3FAA] =	sst s0  }
0x9: {  	[smem:$0x3FAB] =	sst s1  }
0xa: {  	[smem:$0x3FAC] =	sst s2  }
0xb: {  	[smem:$0x3FAD] =	sst s3  }
0xc: {  	[smem:$0x3FAE] =	sst s4  }
0xd: {  	[smem:$0x3FAF] =	sst s5  }
0xe: {  	[smem:$0x3FB0] =	sst s6  }
0xf: {  	[smem:$0x3FB1] =	sst s7  }
0x10: {  	[smem:$0x3FB2] =	sst s8  }
0x11: {  	[smem:$0x3FB3] =	sst s9;
	s0 =	simm.s32 @!p0 $0x0  }
0x12: {  	s1 =	sld [smem:$0x3F99];
	s0 =	simm.s32 @p0 $0x1  }
0x13: {  	[smem:$0x3FB4] =	sst s0;
	s0 =	simm.s32 @!p1 $0x0  }
0x14: {  	s2 =	sld [smem:$0x3F98];
	s0 =	simm.s32 @p1 $0x1  }
0x15: {  	[smem:$0x3FB5] =	sst s0;
	s0 =	simm.s32 @!p2 $0x0  }
0x16: {  	s3 =	sld [smem:$0x3FDB];
	s0 =	simm.s32 @p2 $0x1  }
0x17: {  	s4 =	simm.s32 $0x1BF5;
	[smem:$0x3FB7] =	sst s0  }
0x18: {  	s0 =	sld [smem:$0x3F9A];
	_ =	swait.ge [sflag:s4], $0x0  }
0x19: {  	s7 =	sld [smem:$0x3F9B]  }
0x1a: {  	s8 =	sadd.s32 $0xFFFFE003, lr  }
0x1b: {  	s9 =	sadd.s32 $0xFFFFFEF7, lr;
	s5 =	simm.s32 $0xFFFFFFFF;
	p2 =	slt.u32 s8, $0xFFFFF086  }
0x1c: {  	p1 =	slt.u32 s9, $0xF7A;
	s5 =	simm.s32 @!p2 $0x0  }
0x1d: {  	s5 =	simm.s32 @p1 $0x1;
	p0 =	seq.s32 s7, s2  }
0x1e: {  	s7 =	smul.u32 @!p0 $0xF7A, s2;
	p2 =	seq.s32 @!p0 s5, $0x0  }
0x1f: {  	s9 =	smul.u32 $0xF7A, s1;
	s8 =	simm.s32 @!p0 $0x1BF5;
	p2 =	por !p2, p0  }
0x20: {  	[sflag:s8] =	ssyncset.s32 @!p0 $0xFFFFF086;
	s6 =	sadd.s32 @!p0 s3, s7;
	s7 =	simm.s32 @!p0 $0x108  }
0x21: {  	s3 =	sadd.s32 s3, s9;
	s6 =	sadd.s32 @!p0 $0x88, s6;
	s7 =	simm.s32 @p2 $0x1082  }
0x22: {  	[simem:s7], [sflag:s8] =	dma.local @!p0 [hbm:s6], $0xF7A  }
0x23: {  	s9 =	sor.u32 $0xD0000000, s2;
	s6 =	simm.s32 $0x108;
	_ =	swait.ge @!p0 [sflag:s8], $0x0  }
0x24: {  	s3 =	sadd.s32 $0x88, s3;
	s6 =	simm.s32 @!p1 $0x1082;
	[sflag:s4] =	ssyncset.s32 $0xFFFFF086  }
0x25: {  	[simem:s6], [sflag:s4] =	dma.local [hbm:s3], $0xF7A  }
0x26: {  	[smem:$0x3F9B] =	sst s1;
	(tag) =	ssettag s2;
	_ =	strace s9  }
0x27: {  	s1 =	sld [smem:$0x3FAB]  }
0x28: {  	s2 =	sld [smem:$0x3FAC]  }
0x29: {  	s4 =	sld [smem:$0x3FAE]  }
0x2a: {  	p0 =	seq.s32 s5, $0x0;
	s5 =	sld [smem:$0x3FAF]  }
0x2b: {  	s6 =	sld [smem:$0x3FB0]  }
0x2c: {  	s7 =	sld [smem:$0x3FB1]  }
0x2d: {  	s3 =	simm.s32 $0x108;
	s8 =	sld [smem:$0x3FB2]  }
0x2e: {  	s3 =	simm.s32 @!p0 $0x1082;
	s9 =	sld [smem:$0x3FB3]  }
0x2f: {  	lr =	sadd.s32 s0, s3;
	s0 =	sld [smem:$0x3FAA]  }
0x30: {  	s3 =	sld [smem:$0x3FAD]  }
0x31: {  	[smem:$0x3FB6] =	sst s10  }
0x32: {  	s10 =	sld [smem:$0x3FB4];
	_ =	sdelay $0x3  }
0x33: {  	p0 =	seq.s32 s10, $0x1;
	s10 =	sld [smem:$0x3FB6];
	_ =	sdelay $0x3  }
0x34: {  	[smem:$0x3FB6] =	sst s10  }
0x35: {  	s10 =	sld [smem:$0x3FB5];
	_ =	sdelay $0x3  }
0x36: {  	p1 =	seq.s32 s10, $0x1;
	s10 =	sld [smem:$0x3FB6];
	_ =	sdelay $0x3  }
0x37: {  	[smem:$0x3FB6] =	sst s10  }
0x38: {  	s10 =	sld [smem:$0x3FB7]  }
0x39: {  	_ = 	snop;
	(pc) =	sbr.ind lr, $3  }
0x3a: {  	_ = 	snop  }
0x3b: {  	_ = 	snop  }
0x3c: {  	p2 =	seq.s32 s10, $0x1;
	s10 =	sld [smem:$0x3FB6]  }
0x3d: {  	_ =	shalt  }
0x3e: {  	_ =	shalt  }
0x3f: {  	_ =	shalt  }
0x40: {  	_ =	shalt  }
0x41: {  	_ =	shalt  }
0x42: {  	_ =	shalt  }
0x43: {  	_ =	shalt  }
0x44: {  	_ =	shalt  }
0x45: {  	_ =	shalt  }
0x46: {  	_ =	shalt  }
0x47: {  	_ =	shalt  }
0x48: {  	_ =	shalt  }
0x49: {  	_ =	shalt  }
0x4a: {  	_ =	shalt  }
0x4b: {  	_ =	shalt  }
0x4c: {  	_ =	shalt  }
0x4d: {  	_ =	shalt  }
0x4e: {  	_ =	shalt  }
0x4f: {  	_ =	shalt  }
0x50: {  	_ =	shalt  }
0x51: {  	_ =	shalt  }
0x52: {  	_ =	shalt  }
0x53: {  	_ =	shalt  }
0x54: {  	_ =	shalt  }
0x55: {  	_ =	shalt  }
0x56: {  	_ =	shalt  }
0x57: {  	_ =	shalt  }
0x58: {  	_ =	shalt  }
0x59: {  	_ =	shalt  }
0x5a: {  	_ =	shalt  }
0x5b: {  	_ =	shalt  }
0x5c: {  	_ =	shalt  }
0x5d: {  	_ =	shalt  }
0x5e: {  	_ =	shalt  }
0x5f: {  	_ =	shalt  }
0x60: {  	_ =	shalt  }
0x61: {  	_ =	shalt  }
0x62: {  	_ =	shalt  }
0x63: {  	_ =	shalt  }
0x64: {  	_ =	shalt  }
0x65: {  	_ =	shalt  }
0x66: {  	_ =	shalt  }
0x67: {  	_ =	shalt  }
0x68: {  	_ =	shalt  }
0x69: {  	_ =	shalt  }
0x6a: {  	_ =	shalt  }
0x6b: {  	_ =	shalt  }
0x6c: {  	_ =	shalt  }
0x6d: {  	_ =	shalt  }
0x6e: {  	_ =	shalt  }
0x6f: {  	_ =	shalt  }
0x70: {  	_ =	shalt  }
0x71: {  	_ =	shalt  }
0x72: {  	_ =	shalt  }
0x73: {  	_ =	shalt  }
0x74: {  	_ =	shalt  }
0x75: {  	_ =	shalt  }
0x76: {  	_ =	shalt  }
0x77: {  	_ =	shalt  }
0x78: {  	_ =	shalt  }
0x79: {  	_ =	shalt  }
0x7a: {  	_ =	shalt  }
0x7b: {  	_ =	shalt  }
0x7c: {  	_ =	shalt  }
0x7d: {  	_ =	shalt  }
0x7e: {  	_ =	shalt  }
0x7f: {  	_ =	shalt  }
0x80: {  	_ =	shalt  }
0x81: {  	_ =	shalt  }
0x82: {  	_ =	shalt  }
0x83: {  	_ =	shalt  }
0x84: {  	_ =	shalt  }
0x85: {  	_ =	shalt  }
0x86: {  	_ =	shalt  }
0x87: {  	_ =	shalt  }
.Lfunc_end0:
.L_simem_size_0:
called_computation_lowered:
.L_overlay_start_0:
0x88: {  	s2 =	sld [smem:$0x3FD9]  }
0x89: {  	s3 =	sld [smem:$0x3FFE];
	_ =	sdelay $0x1  }
0x8a: {  	s1 =	srdreg.scid  }
0x8b: {  	s0 =	sand.u32 $0x1, s1  }
0x8c: {  	s17 =	sshll.u32 s0, $0xA;
	s2 =	sadd.s32 s3, s2  }
0x8d: {  	s2 =	sadd.s32 s2, s17  }
0x8e: {  	[smem:$0x3FC2] =	sst s2  }
0x8f: {  	_ = 	snop  }
0x90: {  	s2 =	sld [smem:$0x3FD0];
	(tm) =	ssettm $0x1  }
0x91: {  	s18 =	sld [smem:$0x3FFB];
	_ =	sdelay $0x3  }
0x92: {  	_ =	strace s18  }
0x93: {  	s3 =	sld [smem:$0x3FFC];
	_ =	sdelay $0x3  }
0x94: {  	_ =	strace s3  }
0x95: {  	s3 =	sld [smem:$0x3FFD];
	_ =	sdelay $0x3  }
0x96: {  	_ =	strace s3  }
0x97: {  	_ =	strace $0x8FFFFFFF  }
0x98: {  	s19 =	sld [smem:$0x3FDB];
	_ =	sdelay $0x1  }
0x99: {  	s4 =	simm.s32 $_scs_section_size  }
0x9a: {  	s5 =	simm.s32 $_size__tile_overlayer_lowered;
	s6 =	simm.s32 $_tile_overlayer_lowered  }
0x9b: {  	s22 =	simm.s32 $0x1BFF;
	s21 =	sshll.u32 s6, $0x1;
	s3 =	sadd.s32 s4, s19  }
0x9c: {  	s7 =	simm.s32 $0x0;
	s20 =	sshll.u32 s5, $0x1;
	s5 =	sadd.s32 s21, s3  }
0x9d: {  	[timem:s7], [sflag:s22] =	dma.local [hbm:s5], s20  }
0x9e: {  	_ =	swait.ge [sflag:s22], s20  }
0x9f: {  	s4 =	ssub.s32 $0x0, s20;
	[sflag:s22] =	ssyncset.done $0x0  }
0xa0: {  	[sflag:s22] =	ssyncadd.s32 s4;
	_ =	sdelay $0x1  }
0xa1: {  	s23 =	simm.s32 $0x1B8B  }
0xa2: {  	_ =	swait.ge [sflag:s23], $0x1  }
0xa3: {  	[sflag:s23] =	ssyncset.done $0x0  }
0xa4: {  	s25 =	simm.s32 $0x1B8E;
	s24 =	sld [smem:$0x3FFE];
	[sflag:s23] =	ssyncadd.s32 $0xFFFFFFFF  }
0xa5: {  	s26 =	simm.s32 $execute0_lowered;
	[smem:$0x3FD2] =	sst s25  }
0xa6: {  	s5 =	sshll.u32 s26, $0x1;
	_ =	strace $0x80000046;
	[dreg:$0x1] =	wrdreg $0xFFFFFFFF  }
0xa7: {  	s28 =	simm.s32 $_size_execute0_lowered;
	s3 =	sadd.s32 s3, s5;
	[dreg:$0x0] =	wrdreg $0x0  }
0xa8: {  	s5 =	sshll.u32 s28, $0x1;
	[dreg:$0x2] =	wrdreg s3  }
0xa9: {  	[dreg:$0x3] =	wrdreg s5  }
0xaa: {  	[dreg:$0x4] =	wrdreg $0xC0  }
0xab: {  	_ =	task [dreg:s7], $0x5FFFF  }
0xac: {  	[dreg:$0x1] =	wrdreg $0xFFFFFFFF  }
0xad: {  	[dreg:$0x0] =	wrdreg $0x60  }
0xae: {  	[dreg:$0x2] =	wrdreg s2  }
0xaf: {  	[dreg:$0x3] =	wrdreg s24  }
0xb0: {  	[dreg:$0x4] =	wrdreg $0x2B000  }
0xb1: {  	[dreg:$0x5] =	wrdreg $0x9  }
0xb2: {  	_ =	task.clear_ibuf [dreg:s7], $0x6FFFF;
	_ =	strace $0x90000046  }
0xb3: {  	s29 =	simm.s32 $0x9;
	_ =	strace $0x80000048  }
0xb4: {  	_ =	swait.ge [sflag:s29], $0x1  }
0xb5: {  	[sflag:s29] =	ssyncadd.s32 $0xFFFFFFFF  }
0xb6: {  	_ =	strace $0x90000048  }
0xb7: {  	_ =	sfence  }
0xb8: {  	s30 =	sld [smem:$0x0];
	_ =	sdelay $0x2  }
0xb9: {  	s31 =	sshll.u32 s1, $0xD;
	s1 =	sshrl.u32 s1, $0x2  }
0xba: {  	s3 =	sand.u32 $0x4000, s31;
	s1 =	sadd.s32 s1, s30  }
0xbb: {  	s0 =	sor.u32 s3, s0;
	s1 =	sshll.u32 s1, $0x11  }
0xbc: {  	s0 =	sor.u32 s1, s0  }
0xbd: {  	s0 =	sadd.s32 $0x8F2B, s0  }
0xbe: {  	[sflag:s0] =	ssyncadd.remote.s32 $0x1  }
0xbf: {  	_ =	sfence.sel $0xFFFF  }
0xc0: {  	[dreg:$0x0] =	wrdreg $0xFFFFFFFF;
	(pc) =	sbr.abs _section_cstart, $3  }
0xc1: {  	[dreg:$0x1] =	wrdreg $0xFFFFFFFF  }
0xc2: {  	_ =	task.clear_ibuf [dreg:s7], $0x2FFFF;
	_ =	strace $0x9FFFFFFF  }
0xc3: {  	(tm) =	ssettm $0x7FFFFFFF  }
tec
execute0_lowered:
.L_overlay_start_1:
0x0: {  	(tag) =	ssettag $0x1  }
0x1: {  	s4 =	rddreg [dreg:$0x0]  }
0x2: {  	s3 =	rddreg [dreg:$0x1]  }
0x3: {  	s1 =	rddreg [dreg:$0x2];
	s5 =	srdreg.scid  }
0x4: {  	s0 =	rddreg [dreg:$0x3];
	s2 =	simm.s32 $0x0;
	s11 =	stileid.u32  }
0x5: {  	s10 =	simm.s32 $0x2800;
	s13 =	simm.s32 $0x0;
	s5 =	sand.u32 $0x1, s5  }
0x6: {  	[smem:$0x7FF] =	sst s2;
	s8 =	smul.u32 $0xA00, s11;
	p0 =	sne.s32 s11, $0x0  }
0x7: {  	s6 =	sshll.u32 s5, $0x4;
	s5 =	ssub.s32 $0x2, s5;
	_ =	strace $0x80000047  }
0x8: {  	s12 =	sshrl.u32 @!p0 s1, $0x3;
	s7 =	sor.u32 s11, s6;
	s9 =	sshrl.u32 s5, $0x1  }
0x9: {  	s6 =	sadd.s32 s6, s3;
	s31 =	sshrl.u32 s8, $0x2;
	s8 =	simm.s32 $0x2  }
0xa: {  	s11 =	simm.s32 $0x1;
	s7 =	smul.u32 $0x500, s7;
	s9 =	ssub.s32 s5, s9  }
0xb: {  	s3 =	sadd.s32 s31, s1;
	s5 =	sadd.s32 $0x3800, s6;
	s6 =	smax.u32 s9, $0x1  }
0xc: {  	v0 =	vimm.f32 $1.000000000e+00;
	v1 =	vimm.f32 $0.0e+00;
	s9 =	simm.s32 $0x80;
	s4 =	sadd.s32 s4, s7;
	s7 =	simm.s32 $0x2880  }
.LBB2_1:
0xd: {  	[tilespmem:$0x2800] =	vst v0  }
0xe: {  	[tilespmem:$0x2810] =	vst v0  }
0xf: {  	[tilespmem:$0x2820] =	vst v0  }
0x10: {  	[tilespmem:$0x2830] =	vst v0  }
0x11: {  	[tilespmem:$0x2840] =	vst v0  }
0x12: {  	[tilespmem:$0x2850] =	vst v0  }
0x13: {  	[tilespmem:$0x2860] =	vst v0  }
0x14: {  	[tilespmem:$0x2870] =	vst v0  }
0x15: {  	[tilespmem:$0x2880] =	vst v1  }
0x16: {  	[tilespmem:$0x2890] =	vst v1  }
0x17: {  	[tilespmem:$0x28A0] =	vst v1  }
0x18: {  	[tilespmem:$0x28B0] =	vst v1  }
0x19: {  	[tilespmem:$0x28C0] =	vst v1  }
0x1a: {  	[tilespmem:$0x28D0] =	vst v1  }
0x1b: {  	[tilespmem:$0x28E0] =	vst v1  }
0x1c: {  	[tilespmem:$0x28F0] =	vst v1  }
0x1d: {  	[tilespmem:$0x2900] =	vst v1  }
0x1e: {  	[tilespmem:$0x2910] =	vst v1  }
0x1f: {  	[tilespmem:$0x2920] =	vst v1  }
0x20: {  	[tilespmem:$0x2930] =	vst v1  }
0x21: {  	[tilespmem:$0x2940] =	vst v1  }
0x22: {  	[tilespmem:$0x2950] =	vst v1  }
0x23: {  	[tilespmem:$0x2960] =	vst v1  }
0x24: {  	[tilespmem:$0x2970] =	vst v1  }
0x25: {  	[tilespmem:$0x2980] =	vst v1  }
0x26: {  	[tilespmem:$0x2990] =	vst v1  }
0x27: {  	[tilespmem:$0x29A0] =	vst v1  }
0x28: {  	[tilespmem:$0x29B0] =	vst v1  }
0x29: {  	[tilespmem:$0x29C0] =	vst v1  }
0x2a: {  	[tilespmem:$0x29D0] =	vst v1  }
0x2b: {  	[tilespmem:$0x29E0] =	vst v1  }
0x2c: {  	[tilespmem:$0x29F0] =	vst v1  }
0x2d: {  	[tilespmem:$0x2A00] =	vst v1  }
0x2e: {  	[tilespmem:$0x2A10] =	vst v1  }
0x2f: {  	[tilespmem:$0x2A20] =	vst v1  }
0x30: {  	[tilespmem:$0x2A30] =	vst v1  }
0x31: {  	[tilespmem:$0x2A40] =	vst v1  }
0x32: {  	[tilespmem:$0x2A50] =	vst v1  }
0x33: {  	[tilespmem:$0x2A60] =	vst v1  }
0x34: {  	[tilespmem:$0x2A70] =	vst v1  }
0x35: {  	[tilespmem:$0x2A80] =	vst v1  }
0x36: {  	[tilespmem:$0x2A90] =	vst v1  }
0x37: {  	[tilespmem:$0x2AA0] =	vst v1  }
0x38: {  	[tilespmem:$0x2AB0] =	vst v1  }
0x39: {  	[tilespmem:$0x2AC0] =	vst v1  }
0x3a: {  	[tilespmem:$0x2AD0] =	vst v1  }
0x3b: {  	[tilespmem:$0x2AE0] =	vst v1  }
0x3c: {  	[tilespmem:$0x2AF0] =	vst v1  }
0x3d: {  	[spmem:s3] =	stream.linear.scatter [tilespmem:s7], [sflag:$0x2], $0x280, $0x38;
	[tilespmem:$0x2D80] =	vst v63  }
0x3e: {  	_ =	swait.ge [sflag:s8], $0x280  }
0x3f: {  	[sflag:s8] =	ssyncset.done $0x0  }
0x40: {  	[sflag:s8] =	ssyncadd.s32 $0xFFFFFD80  }
0x41: {  	[tilespmem:s2], [sflag:$0x2] =	stream.linear.gather [hbm4b:s4+s2], $0x2800, $0x38;
	[tilespmem:$0x2D80] =	vst v63  }
0x42: {  	_ =	swait.ge [sflag:s8], $0x2800  }
0x43: {  	[sflag:s8] =	ssyncset.done $0x0  }
0x44: {  	[sflag:s8] =	ssyncadd.s32 $0xFFFFD800  }
0x45: {  	s14 =	simm.s32 $0x0;
	[bflag:$0x0] =	sbarrier.arrive $0xFFFF  }
.LBB2_2:
0x46: {  	p1 =	sne.s32 s14, $0x9E00  }
.Ltmp0:
0x47: {  	_ = 	snop;
	(pc) =	sbr.rel @p1 .LBB2_2-.Ltmp0, $3  }
0x48: {  	_ =	sdelay $0x1  }
0x49: {  	s15 =	sshra.s32 s14, $0x2;
	s14 =	sadd.s32 $0x200, s14  }
0x4a: {  	[spmem:s1] =	stream.indirect.scatter.add.f32 [tilespmem:s10], [sflag:$0x1], $0x1, s15, s9, $0xb8;
	[tilespmem:$0x2D80] =	vst v63  }
0x4b: {  	_ =	swait.ge [sflag:s11], $0x80  }
0x4c: {  	s14 =	simm.s32 $0x4F;
	[sflag:s11] =	ssyncset.done $0x0  }
.LBB2_4:
0x4d: {  	p1 =	sne.s32 s14, $0x1;
	s14 =	sadd.s32 $0xFFFFFFFF, s14;
	[sflag:s11] =	ssyncadd.s32 $0xFFFFFF80  }
.Ltmp1:
0x4e: {  	(pc) =	sbr.rel @p1 .LBB2_4-.Ltmp1, $3  }
0x4f: {  	_ =	sdelay $0x1  }
0x50: {  	_ =	swait.ge [sflag:s11], $0x80  }
0x51: {  	[sflag:s11] =	ssyncset.done $0x0  }
0x52: {  	[sflag:s11] =	ssyncadd.s32 $0xFFFFFF80;
	s14 =	simm.s32 @!p0 $0x1  }
0x53: {  	s15 =	simm.s32 @!p0 $0x20;
	s16 =	simm.s32 @!p0 $0x10;
	s13 =	sadd.s32 $0x1, s13  }
0x54: {  	s17 =	simm.s32 @!p0 $0x1C02;
	[bflag:$0x0] =	sbarrier.arrive $0xFFFF;
	p1 =	sne.s32 s13, s6  }
0x55: {  	[hbm:s5@s15], [sflag:s17] =	dma.strided @!p0 [spmem:s12@s16], $0x500, s14, $0x10   }
.Ltmp2:
0x56: {  	_ = 	snop;
	(pc) =	sbr.rel @p1 .LBB2_1-.Ltmp2, $4  }
0x57: {  	s14 =	simm.s32 @!p0 $0x2  }
0x58: {  	_ =	swait.ge @!p0 [sflag:s14], $0x500  }
0x59: {  	[sflag:s14] =	ssyncset.done @!p0 $0x0  }
0x5a: {  	[sflag:s14] =	ssyncadd.s32 @!p0 $0xFFFFFB00  }
0x5b: {  	_ =	sfence.sel $0x180000  }
0x5c: {  	[bflag:$0x0] =	sbarrier.arrive $0xFFFF  }
0x5d: {  	_ =	strace $0x90000047  }
0x5e: {  	s0 =	sadd.s32 @!p0 $0x100000, s0;
	[bflag:$0x2] =	sbarrier.arrive $0xFFFF  }
0x5f: {  	[sflag:s0] =	ssyncadd.tile.s32 @!p0 $0x1;
	_ =	shalt  }
.Lfunc_end2:
_tile_overlayer_lowered:
.L_overlay_start_2:
0x60: {  	(tag) =	ssettag $0x2  }
0x61: {  	s0 =	rddreg [dreg:$0x0];
	s2 =	stileid.u32  }
0x62: {  	s1 =	rddreg [dreg:$0x1];
	p0 =	sne.s32 s2, $0x0  }
0x63: {  	s3 =	rddreg [dreg:$0x2];
	[bflag:$0x3] =	sbarrier.arrive $0xFFFF;
	s2 =	simm.s32 @!p0 $0x1C02  }
0x64: {  	[timem:s3], [sflag:s2] =	dma.local @!p0 [hbm:s0], s1  }
0x65: {  	s0 =	simm.s32 @!p0 $0x2  }
0x66: {  	_ =	swait.ge @!p0 [sflag:s0], s1  }
0x67: {  	s1 =	ssub.s32 @!p0 $0x0, s1;
	[sflag:s0] =	ssyncset.done @!p0 $0x0  }
0x68: {  	[sflag:s0] =	ssyncadd.s32 @!p0 s1  }
0x69: {  	[bflag:$0x3] =	sbarrier.arrive $0xFFFF  }
0x6a: {  	_ =	shalt  }

</sc_bundles>
